<compile_context>
chip_gen: v7x
topology: tpu7x:2x2x1
jax: 0.10.2.dev20260603
libtpu: 0.0.44.dev20260713+nightly
codegen_flags: <defaults>
</compile_context>

<pallas_src>
import functools

import jax
import jax.numpy as jnp
from jax import lax
from jax.experimental import pallas as pl
from jax.experimental.pallas import tpu as pltpu
from jax.experimental.pallas import tpu_sc as plsc

HIDDEN = 32
EPS = 1e-5

NC = 2
NS = 16
NW = NC * NS
L = 16

CHUNK = 512
SUB = 128
NSUB = CHUNK // SUB
GROUPS = CHUNK // L
BANDS = HIDDEN // 8
BSEG = NSUB * 8 * SUB


def _rsqrt(x):
    i = plsc.bitcast(x, jnp.int32)
    i = jnp.int32(0x5F3759DF) - (i >> 1)
    y = plsc.bitcast(i, jnp.float32)
    for _ in range(3):
        y = y * (1.5 - 0.5 * x * y * y)
    return y


def _body(ids_hbm, table_hbm, gamma_hbm, beta_hbm, out_hbm,
          idx_v, rows_v, stage_v, gamma_v, beta_v, sem0, sem1):
    wid = lax.axis_index("s") * NC + lax.axis_index("c")

    pltpu.sync_copy(gamma_hbm, gamma_v)
    pltpu.sync_copy(beta_hbm, beta_v)

    iota = lax.iota(jnp.int32, L)
    nbq = ids_hbm.shape[1] // NSUB
    ntask = ids_hbm.shape[0] * nbq // NW
    base = wid * ntask
    sems = (sem0, sem1)

    def start_gathers(i, buf):
        t_id = base + i
        s = t_id // nbq
        bq = t_id % nbq
        pltpu.sync_copy(ids_hbm.at[s, pl.ds(bq * NSUB, NSUB)], idx_v.at[buf])
        for j in range(NSUB):
            pltpu.async_copy(
                table_hbm.at[idx_v.at[buf, j]],
                rows_v.at[buf, pl.ds(j * SUB, SUB)],
                sems[buf],
            )

    def drain_gathers(buf):
        for j in range(NSUB):
            pltpu.make_async_copy(
                table_hbm.at[idx_v.at[buf, j]],
                rows_v.at[buf, pl.ds(j * SUB, SUB)],
                sems[buf],
            ).wait()

    def compute_and_flush(i, buf):
        rows = rows_v.at[buf]

        def group_body(t, c2):
            row_ids = t * L + iota
            acc = [jnp.zeros((L,), jnp.float32) for _ in range(4)]
            acc2 = [jnp.zeros((L,), jnp.float32) for _ in range(4)]
            for h in range(HIDDEN):
                x = plsc.load_gather(rows, [row_ids, jnp.full((L,), h, jnp.int32)])
                acc[h % 4] = acc[h % 4] + x
                acc2[h % 4] = acc2[h % 4] + x * x
            ssum = (acc[0] + acc[1]) + (acc[2] + acc[3])
            ssq = (acc2[0] + acc2[1]) + (acc2[2] + acc2[3])
            mean = ssum * (1.0 / HIDDEN)
            var = ssq * (1.0 / HIDDEN) - mean * mean
            r = _rsqrt(var + EPS)
            mr = mean * r
            bt = t // 8
            bo = (t % 8) * L
            for h in range(HIDDEN):
                x = plsc.load_gather(rows, [row_ids, jnp.full((L,), h, jnp.int32)])
                gh = gamma_v[pl.ds(h * L, L)]
                bh = beta_v[pl.ds(h * L, L)]
                y = (x * r - mr) * gh + bh
                hb, hh = h // 8, h % 8
                off = bt * (8 * SUB) + hh * SUB + bo
                stage_v[hb, pl.ds(off, L)] = y
            return c2

        lax.fori_loop(0, GROUPS, group_body, 0)
        t_id = base + i
        s = t_id // nbq
        bq = t_id % nbq
        for hb in range(BANDS):
            pltpu.sync_copy(
                stage_v.at[hb],
                out_hbm.at[s, hb, pl.ds(bq * BSEG, BSEG)],
            )

    start_gathers(jnp.int32(0), 0)

    def pair_body(g, carry):
        for b in range(2):
            i = g * 2 + b

            @pl.when(i + 1 < ntask)
            def _():
                start_gathers(i + 1, (b + 1) % 2)

            drain_gathers(b)
            compute_and_flush(i, b)
        return carry

    lax.fori_loop(0, ntask // 2, pair_body, 0)


def kernel(input_ids, table, gamma, beta):
    B, S = input_ids.shape
    n = B * S
    assert n % (NW * CHUNK) == 0 and B % SUB == 0

    ids = input_ids.astype(jnp.int32).T.reshape(S, B // SUB, SUB)
    gamma_rep = jnp.broadcast_to(gamma[:, None], (HIDDEN, L)).reshape(-1)
    beta_rep = jnp.broadcast_to(beta[:, None], (HIDDEN, L)).reshape(-1)

    mesh = plsc.VectorSubcoreMesh(core_axis_name="c", subcore_axis_name="s")
    run = functools.partial(
        pl.kernel,
        out_type=jax.ShapeDtypeStruct((S, BANDS, (B // SUB) * 8 * SUB), jnp.float32),
        mesh=mesh,
        compiler_params=pltpu.CompilerParams(
            needs_layout_passes=False, use_tc_tiling_on_sc=False),
        scratch_types=[
            pltpu.VMEM((2, NSUB, SUB), jnp.int32),
            pltpu.VMEM((2, CHUNK, HIDDEN), jnp.float32),
            pltpu.VMEM((BANDS, BSEG), jnp.float32),
            pltpu.VMEM((HIDDEN * L,), jnp.float32),
            pltpu.VMEM((HIDDEN * L,), jnp.float32),
            pltpu.SemaphoreType.DMA,
            pltpu.SemaphoreType.DMA,
        ],
    )(_body)
    out = run(ids, table, gamma_rep, beta_rep)
    out = out.reshape(S, BANDS, B // SUB, 8, SUB)
    return out.transpose(2, 4, 0, 1, 3).reshape(B, S, HIDDEN)

# --- scband reference (transcript-rebuilt; emitter-appended) ---
"""Pipeline reference for scband-trans-tab-word-embedding-764504178739 (READ-ONLY COPY).

The authoritative reference and input builder live on the scoring server;
editing this copy changes nothing except your own understanding.
"""

import jax, jax.numpy as jnp
import numpy as np

VOCAB = 1000000
HIDDEN = 32
EPS = 1e-05


def setup_inputs(seed: int = 0) -> dict:
    key = jax.random.key(seed)
    k1, k2 = jax.random.split(key)
    input_ids = jax.random.randint(k1, (16384, 50), 0, VOCAB, dtype=jnp.int64 if jax.config.jax_enable_x64 else jnp.int32)
    # kaiming_normal_ on [vocab, hidden]: fan_in = hidden -> std = sqrt(2 / hidden)
    table = jax.random.normal(k2, (VOCAB, HIDDEN), dtype=jnp.float32) * np.sqrt(2.0 / HIDDEN)
    # padding_idx=0 -> row 0 zeroed
    table = table.at[0].set(0.0)
    gamma = jnp.ones((HIDDEN,), dtype=jnp.float32)
    beta = jnp.zeros((HIDDEN,), dtype=jnp.float32)
    return {"input_ids": input_ids, "table": table, "gamma": gamma, "beta": beta}


def reference(input_ids, table, gamma, beta):
    # embedding lookup (gather rows)
    emb = jnp.take(table, input_ids, axis=0)  # [B, L, H]
    # LayerNorm over last dim (dropout p=0 is identity)
    mean = jnp.mean(emb, axis=-1, keepdims=True)
    var = jnp.mean(jnp.square(emb - mean), axis=-1, keepdims=True)
    normed = (emb - mean) / jnp.sqrt(var + EPS)
    return normed * gamma + beta

if __name__ == "__main__":
    import jax
    _d = setup_inputs()
    print(jax.jit(kernel)(*tuple(_d.values())))

</pallas_src>

<mosaic_0001>
#map = affine_map<(d0, d1) -> (0, 0, 0)>
#map1 = affine_map<(d0, d1) -> (0, 0)>
#map2 = affine_map<(d0, d1) -> (0)>
module attributes {stable_mosaic.version = 14 : i64} {
  func.func @_body(%arg0: i32, %arg1: i32, %arg2: memref<50x128x128xi32, #tpu.memory_space<hbm>>, %arg3: memref<1000000x32xf32, #tpu.memory_space<hbm>>, %arg4: memref<512xf32, #tpu.memory_space<hbm>>, %arg5: memref<512xf32, #tpu.memory_space<hbm>>, %arg6: memref<50x4x131072xf32, #tpu.memory_space<hbm>>, %arg7: memref<2x4x128xi32, #tpu.memory_space<vmem>>, %arg8: memref<2x512x32xf32, #tpu.memory_space<vmem>>, %arg9: memref<4x4096xf32, #tpu.memory_space<vmem>>, %arg10: memref<512xf32, #tpu.memory_space<vmem>>, %arg11: memref<512xf32, #tpu.memory_space<vmem>>, %arg12: memref<!tpu.dma_semaphore, #tpu.memory_space<semaphore_mem>>, %arg13: memref<!tpu.dma_semaphore, #tpu.memory_space<semaphore_mem>>) attributes {dimension_semantics = [#tpu.dimension_semantics<core_parallel>, #tpu.dimension_semantics<subcore_parallel>], iteration_bounds = array<i64: 2, 16>, scalar_prefetch = 0 : i64, scratch_operands = 7 : i64, tpu.core_type = #tpu.core_type<sc_vector_subcore>, window_params = [{transform_indices = #map}, {transform_indices = #map1}, {transform_indices = #map2}, {transform_indices = #map2}, {transform_indices = #map}]} {
    %mul3A = arith.constant 2 : i32
    %mul3A_0 = arith.muli %arg1, %mul3A : i32
    %add3A = arith.addi %mul3A_0, %arg0 : i32
    "tpu.region"() ({
      %run_scoped3A_93 = tpu.sem_alloc : memref<!tpu.dma_semaphore, #tpu.memory_space<semaphore_mem>>
      tpu.enqueue_dma source(%arg4 : memref<512xf32, #tpu.memory_space<hbm>>) target(%arg10 : memref<512xf32, #tpu.memory_space<vmem>>) target_semaphore(%run_scoped3A_93 : memref<!tpu.dma_semaphore, #tpu.memory_space<semaphore_mem>>)
      tpu.wait_dma2 semaphore(%run_scoped3A_93 : memref<!tpu.dma_semaphore, #tpu.memory_space<semaphore_mem>>) src(%arg4 : memref<512xf32, #tpu.memory_space<hbm>>) dst(%arg10 : memref<512xf32, #tpu.memory_space<vmem>>)
      tpu.yield
    }) : () -> ()
    "tpu.region"() ({
      %run_scoped3A_93 = tpu.sem_alloc : memref<!tpu.dma_semaphore, #tpu.memory_space<semaphore_mem>>
      tpu.enqueue_dma source(%arg5 : memref<512xf32, #tpu.memory_space<hbm>>) target(%arg11 : memref<512xf32, #tpu.memory_space<vmem>>) target_semaphore(%run_scoped3A_93 : memref<!tpu.dma_semaphore, #tpu.memory_space<semaphore_mem>>)
      tpu.wait_dma2 semaphore(%run_scoped3A_93 : memref<!tpu.dma_semaphore, #tpu.memory_space<semaphore_mem>>) src(%arg5 : memref<512xf32, #tpu.memory_space<hbm>>) dst(%arg11 : memref<512xf32, #tpu.memory_space<vmem>>)
      tpu.yield
    }) : () -> ()
    %iota3A = tpu.iota {dimensions = array<i32: 0>} : vector<16xi32>
    %mul3A_1 = arith.constant 50 : i32
    %mul3A_2 = arith.muli %add3A, %mul3A_1 : i32
    %add3A_3 = arith.constant 0 : i32
    %add3A_4 = arith.addi %mul3A_2, %add3A_3 : i32
    %jit3A = arith.constant 32 : i32
    %div3A = arith.divsi %add3A_4, %jit3A : i32
    %sign3A = arith.constant 0 : i32
    %sign3A_5 = arith.cmpi sgt, %add3A_4, %sign3A : i32
    %sign3A_6 = arith.extui %sign3A_5 : i1 to i32
    %sign3A_7 = arith.constant 0 : i32
    %sign3A_8 = arith.cmpi slt, %add3A_4, %sign3A_7 : i32
    %sign3A_9 = arith.extui %sign3A_8 : i1 to i32
    %sign3A_10 = arith.subi %sign3A_6, %sign3A_9 : i32
    %sign3A_11 = arith.constant 0 : i32
    %sign3A_12 = arith.cmpi sgt, %jit3A, %sign3A_11 : i32
    %sign3A_13 = arith.extui %sign3A_12 : i1 to i32
    %sign3A_14 = arith.constant 0 : i32
    %sign3A_15 = arith.cmpi slt, %jit3A, %sign3A_14 : i32
    %sign3A_16 = arith.extui %sign3A_15 : i1 to i32
    %sign3A_17 = arith.subi %sign3A_13, %sign3A_16 : i32
    %ne3A = arith.cmpi ne, %sign3A_10, %sign3A_17 : i32
    %rem3A = arith.remsi %add3A_4, %jit3A : i32
    %ne3A_18 = arith.constant 0 : i32
    %ne3A_19 = arith.cmpi ne, %rem3A, %ne3A_18 : i32
    %and3A = arith.andi %ne3A, %ne3A_19 : i1
    %sub3A = arith.constant 1 : i32
    %sub3A_20 = arith.subi %div3A, %sub3A : i32
    %select_n3A = arith.select %and3A, %sub3A_20, %div3A : i32
    %jit3A_21 = arith.constant 32 : i32
    %eq3A = arith.constant 0 : i32
    %eq3A_22 = arith.cmpi eq, %jit3A_21, %eq3A : i32
    %jit3A_23 = arith.constant 1 : i32
    %select_n3A_24 = arith.select %eq3A_22, %jit3A_23, %jit3A_21 : i32
    %rem3A_25 = arith.remsi %add3A_4, %select_n3A_24 : i32
    %ne3A_26 = arith.constant 0 : i32
    %ne3A_27 = arith.cmpi ne, %rem3A_25, %ne3A_26 : i32
    %lt3A = arith.constant 0 : i32
    %lt3A_28 = arith.cmpi slt, %rem3A_25, %lt3A : i32
    %lt3A_29 = arith.constant 0 : i32
    %lt3A_30 = arith.cmpi slt, %select_n3A_24, %lt3A_29 : i32
    %ne3A_31 = arith.xori %lt3A_28, %lt3A_30 : i1
    %and3A_32 = arith.andi %ne3A_31, %ne3A_27 : i1
    %add3A_33 = arith.addi %rem3A_25, %select_n3A_24 : i32
    %select_n3A_34 = arith.select %and3A_32, %add3A_33, %rem3A_25 : i32
    %mul3A_35 = arith.constant 4 : i32
    %mul3A_36 = arith.muli %select_n3A_34, %mul3A_35 : i32
    %run_scoped3A = arith.constant 0 : i32
    "tpu.region"() ({
      %run_scoped3A_93 = tpu.sem_alloc : memref<!tpu.dma_semaphore, #tpu.memory_space<semaphore_mem>>
      %dma_start3A_94 = arith.constant 0 : i32
      %dma_start3A_95 = arith.constant 0 : i32
      %dma_start3A_96 = tpu.memref_slice %arg7[%run_scoped3A, %dma_start3A_94, %dma_start3A_95] : memref<2x4x128xi32, #tpu.memory_space<vmem>> -> memref<1x4x128xi32, #tpu.memory_space<vmem>>
      %dma_start3A_97 = tpu.memref_squeeze %dma_start3A_96 : memref<1x4x128xi32, #tpu.memory_space<vmem>> -> memref<4x128xi32, #tpu.memory_space<vmem>>
      %dma_start3A_98 = arith.constant 0 : i32
      %dma_start3A_99 = tpu.memref_slice %arg2[%select_n3A, %mul3A_36, %dma_start3A_98] : memref<50x128x128xi32, #tpu.memory_space<hbm>> -> memref<1x4x128xi32, #tpu.memory_space<hbm>>
      %dma_start3A_100 = tpu.memref_squeeze %dma_start3A_99 : memref<1x4x128xi32, #tpu.memory_space<hbm>> -> memref<4x128xi32, #tpu.memory_space<hbm>>
      %dma_start3A_101 = arith.constant 0 : i32
      %dma_start3A_102 = arith.constant 0 : i32
      %dma_start3A_103 = tpu.memref_slice %arg7[%run_scoped3A, %dma_start3A_101, %dma_start3A_102] : memref<2x4x128xi32, #tpu.memory_space<vmem>> -> memref<1x4x128xi32, #tpu.memory_space<vmem>>
      %dma_start3A_104 = tpu.memref_squeeze %dma_start3A_103 : memref<1x4x128xi32, #tpu.memory_space<vmem>> -> memref<4x128xi32, #tpu.memory_space<vmem>>
      %dma_start3A_105 = arith.constant 0 : i32
      %dma_start3A_106 = tpu.memref_slice %arg2[%select_n3A, %mul3A_36, %dma_start3A_105] : memref<50x128x128xi32, #tpu.memory_space<hbm>> -> memref<1x4x128xi32, #tpu.memory_space<hbm>>
      %dma_start3A_107 = tpu.memref_squeeze %dma_start3A_106 : memref<1x4x128xi32, #tpu.memory_space<hbm>> -> memref<4x128xi32, #tpu.memory_space<hbm>>
      tpu.enqueue_dma source(%dma_start3A_107 : memref<4x128xi32, #tpu.memory_space<hbm>>) target(%dma_start3A_104 : memref<4x128xi32, #tpu.memory_space<vmem>>) target_semaphore(%run_scoped3A_93 : memref<!tpu.dma_semaphore, #tpu.memory_space<semaphore_mem>>)
      %dma_wait3A = arith.constant 0 : i32
      %dma_wait3A_108 = arith.constant 0 : i32
      %dma_wait3A_109 = tpu.memref_slice %arg7[%run_scoped3A, %dma_wait3A, %dma_wait3A_108] : memref<2x4x128xi32, #tpu.memory_space<vmem>> -> memref<1x4x128xi32, #tpu.memory_space<vmem>>
      %dma_wait3A_110 = tpu.memref_squeeze %dma_wait3A_109 : memref<1x4x128xi32, #tpu.memory_space<vmem>> -> memref<4x128xi32, #tpu.memory_space<vmem>>
      %dma_wait3A_111 = arith.constant 0 : i32
      %dma_wait3A_112 = tpu.memref_slice %arg2[%select_n3A, %mul3A_36, %dma_wait3A_111] : memref<50x128x128xi32, #tpu.memory_space<hbm>> -> memref<1x4x128xi32, #tpu.memory_space<hbm>>
      %dma_wait3A_113 = tpu.memref_squeeze %dma_wait3A_112 : memref<1x4x128xi32, #tpu.memory_space<hbm>> -> memref<4x128xi32, #tpu.memory_space<hbm>>
      %dma_wait3A_114 = arith.constant 0 : i32
      %dma_wait3A_115 = arith.constant 0 : i32
      %dma_wait3A_116 = tpu.memref_slice %arg7[%run_scoped3A, %dma_wait3A_114, %dma_wait3A_115] : memref<2x4x128xi32, #tpu.memory_space<vmem>> -> memref<1x4x128xi32, #tpu.memory_space<vmem>>
      %dma_wait3A_117 = tpu.memref_squeeze %dma_wait3A_116 : memref<1x4x128xi32, #tpu.memory_space<vmem>> -> memref<4x128xi32, #tpu.memory_space<vmem>>
      %dma_wait3A_118 = arith.constant 0 : i32
      %dma_wait3A_119 = tpu.memref_slice %arg2[%select_n3A, %mul3A_36, %dma_wait3A_118] : memref<50x128x128xi32, #tpu.memory_space<hbm>> -> memref<1x4x128xi32, #tpu.memory_space<hbm>>
      %dma_wait3A_120 = tpu.memref_squeeze %dma_wait3A_119 : memref<1x4x128xi32, #tpu.memory_space<hbm>> -> memref<4x128xi32, #tpu.memory_space<hbm>>
      tpu.wait_dma2 semaphore(%run_scoped3A_93 : memref<!tpu.dma_semaphore, #tpu.memory_space<semaphore_mem>>) src(%dma_wait3A_120 : memref<4x128xi32, #tpu.memory_space<hbm>>) dst(%dma_wait3A_117 : memref<4x128xi32, #tpu.memory_space<vmem>>)
      tpu.yield
    }) : () -> ()
    %dma_start3A = arith.constant 0 : i32
    %dma_start3A_37 = arith.constant 0 : i32
    %dma_start3A_38 = arith.constant 0 : i32
    %dma_start3A_39 = arith.constant 0 : i32
    %dma_start3A_40 = arith.constant 0 : i32
    %dma_start3A_41 = tpu.memref_slice %arg8[%dma_start3A_38, %dma_start3A_39, %dma_start3A_40] : memref<2x512x32xf32, #tpu.memory_space<vmem>> -> memref<1x128x32xf32, #tpu.memory_space<vmem>>
    %dma_start3A_42 = tpu.memref_squeeze %dma_start3A_41 : memref<1x128x32xf32, #tpu.memory_space<vmem>> -> memref<128x32xf32, #tpu.memory_space<vmem>>
    %dma_start3A_43 = arith.constant 0 : i32
    %dma_start3A_44 = tpu.memref_slice %arg7[%dma_start3A, %dma_start3A_37, %dma_start3A_43] : memref<2x4x128xi32, #tpu.memory_space<vmem>> -> memref<1x1x128xi32, #tpu.memory_space<vmem>>
    %dma_start3A_45 = tpu.memref_squeeze %dma_start3A_44 : memref<1x1x128xi32, #tpu.memory_space<vmem>> -> memref<128xi32, #tpu.memory_space<vmem>>
    %dma_start3A_46 = arith.constant 0 : i32
    %dma_start3A_47 = arith.constant 0 : i32
    %dma_start3A_48 = tpu.memref_slice %arg3[%dma_start3A_46, %dma_start3A_47] : memref<1000000x32xf32, #tpu.memory_space<hbm>> -> memref<1000000x32xf32, #tpu.memory_space<hbm>>
    tpu.enqueue_indirect_dma source(%dma_start3A_48 : memref<1000000x32xf32, #tpu.memory_space<hbm>>) target(%dma_start3A_42 : memref<128x32xf32, #tpu.memory_space<vmem>>) offsets(%dma_start3A_45 : memref<128xi32, #tpu.memory_space<vmem>>) semaphore(%arg12 : memref<!tpu.dma_semaphore, #tpu.memory_space<semaphore_mem>>)
    %dma_start3A_49 = arith.constant 0 : i32
    %dma_start3A_50 = arith.constant 1 : i32
    %dma_start3A_51 = arith.constant 0 : i32
    %dma_start3A_52 = arith.constant 128 : i32
    %dma_start3A_53 = arith.constant 0 : i32
    %dma_start3A_54 = tpu.memref_slice %arg8[%dma_start3A_51, %dma_start3A_52, %dma_start3A_53] : memref<2x512x32xf32, #tpu.memory_space<vmem>> -> memref<1x128x32xf32, #tpu.memory_space<vmem>>
    %dma_start3A_55 = tpu.memref_squeeze %dma_start3A_54 : memref<1x128x32xf32, #tpu.memory_space<vmem>> -> memref<128x32xf32, #tpu.memory_space<vmem>>
    %dma_start3A_56 = arith.constant 0 : i32
    %dma_start3A_57 = tpu.memref_slice %arg7[%dma_start3A_49, %dma_start3A_50, %dma_start3A_56] : memref<2x4x128xi32, #tpu.memory_space<vmem>> -> memref<1x1x128xi32, #tpu.memory_space<vmem>>
    %dma_start3A_58 = tpu.memref_squeeze %dma_start3A_57 : memref<1x1x128xi32, #tpu.memory_space<vmem>> -> memref<128xi32, #tpu.memory_space<vmem>>
    %dma_start3A_59 = arith.constant 0 : i32
    %dma_start3A_60 = arith.constant 0 : i32
    %dma_start3A_61 = tpu.memref_slice %arg3[%dma_start3A_59, %dma_start3A_60] : memref<1000000x32xf32, #tpu.memory_space<hbm>> -> memref<1000000x32xf32, #tpu.memory_space<hbm>>
    tpu.enqueue_indirect_dma source(%dma_start3A_61 : memref<1000000x32xf32, #tpu.memory_space<hbm>>) target(%dma_start3A_55 : memref<128x32xf32, #tpu.memory_space<vmem>>) offsets(%dma_start3A_58 : memref<128xi32, #tpu.memory_space<vmem>>) semaphore(%arg12 : memref<!tpu.dma_semaphore, #tpu.memory_space<semaphore_mem>>)
    %dma_start3A_62 = arith.constant 0 : i32
    %dma_start3A_63 = arith.constant 2 : i32
    %dma_start3A_64 = arith.constant 0 : i32
    %dma_start3A_65 = arith.constant 256 : i32
    %dma_start3A_66 = arith.constant 0 : i32
    %dma_start3A_67 = tpu.memref_slice %arg8[%dma_start3A_64, %dma_start3A_65, %dma_start3A_66] : memref<2x512x32xf32, #tpu.memory_space<vmem>> -> memref<1x128x32xf32, #tpu.memory_space<vmem>>
    %dma_start3A_68 = tpu.memref_squeeze %dma_start3A_67 : memref<1x128x32xf32, #tpu.memory_space<vmem>> -> memref<128x32xf32, #tpu.memory_space<vmem>>
    %dma_start3A_69 = arith.constant 0 : i32
    %dma_start3A_70 = tpu.memref_slice %arg7[%dma_start3A_62, %dma_start3A_63, %dma_start3A_69] : memref<2x4x128xi32, #tpu.memory_space<vmem>> -> memref<1x1x128xi32, #tpu.memory_space<vmem>>
    %dma_start3A_71 = tpu.memref_squeeze %dma_start3A_70 : memref<1x1x128xi32, #tpu.memory_space<vmem>> -> memref<128xi32, #tpu.memory_space<vmem>>
    %dma_start3A_72 = arith.constant 0 : i32
    %dma_start3A_73 = arith.constant 0 : i32
    %dma_start3A_74 = tpu.memref_slice %arg3[%dma_start3A_72, %dma_start3A_73] : memref<1000000x32xf32, #tpu.memory_space<hbm>> -> memref<1000000x32xf32, #tpu.memory_space<hbm>>
    tpu.enqueue_indirect_dma source(%dma_start3A_74 : memref<1000000x32xf32, #tpu.memory_space<hbm>>) target(%dma_start3A_68 : memref<128x32xf32, #tpu.memory_space<vmem>>) offsets(%dma_start3A_71 : memref<128xi32, #tpu.memory_space<vmem>>) semaphore(%arg12 : memref<!tpu.dma_semaphore, #tpu.memory_space<semaphore_mem>>)
    %dma_start3A_75 = arith.constant 0 : i32
    %dma_start3A_76 = arith.constant 3 : i32
    %dma_start3A_77 = arith.constant 0 : i32
    %dma_start3A_78 = arith.constant 384 : i32
    %dma_start3A_79 = arith.constant 0 : i32
    %dma_start3A_80 = tpu.memref_slice %arg8[%dma_start3A_77, %dma_start3A_78, %dma_start3A_79] : memref<2x512x32xf32, #tpu.memory_space<vmem>> -> memref<1x128x32xf32, #tpu.memory_space<vmem>>
    %dma_start3A_81 = tpu.memref_squeeze %dma_start3A_80 : memref<1x128x32xf32, #tpu.memory_space<vmem>> -> memref<128x32xf32, #tpu.memory_space<vmem>>
    %dma_start3A_82 = arith.constant 0 : i32
    %dma_start3A_83 = tpu.memref_slice %arg7[%dma_start3A_75, %dma_start3A_76, %dma_start3A_82] : memref<2x4x128xi32, #tpu.memory_space<vmem>> -> memref<1x1x128xi32, #tpu.memory_space<vmem>>
    %dma_start3A_84 = tpu.memref_squeeze %dma_start3A_83 : memref<1x1x128xi32, #tpu.memory_space<vmem>> -> memref<128xi32, #tpu.memory_space<vmem>>
    %dma_start3A_85 = arith.constant 0 : i32
    %dma_start3A_86 = arith.constant 0 : i32
    %dma_start3A_87 = tpu.memref_slice %arg3[%dma_start3A_85, %dma_start3A_86] : memref<1000000x32xf32, #tpu.memory_space<hbm>> -> memref<1000000x32xf32, #tpu.memory_space<hbm>>
    tpu.enqueue_indirect_dma source(%dma_start3A_87 : memref<1000000x32xf32, #tpu.memory_space<hbm>>) target(%dma_start3A_81 : memref<128x32xf32, #tpu.memory_space<vmem>>) offsets(%dma_start3A_84 : memref<128xi32, #tpu.memory_space<vmem>>) semaphore(%arg12 : memref<!tpu.dma_semaphore, #tpu.memory_space<semaphore_mem>>)
    %scan3A = arith.constant 0 : i32
    %scan3A_88 = arith.constant 0 : i32
    %scan3A_89 = arith.constant 25 : i32
    %scan3A_90 = arith.addi %scan3A_88, %scan3A_89 : i32
    %scan3A_91 = arith.constant 1 : i32
    scf.for %scan3A_93 = %scan3A_88 to %scan3A_90 step %scan3A_91  : i32 {
      %mul3A_94 = arith.constant 2 : i32
      %mul3A_95 = arith.muli %scan3A_93, %mul3A_94 : i32
      %add3A_96 = arith.constant 0 : i32
      %add3A_97 = arith.addi %mul3A_95, %add3A_96 : i32
      %add3A_98 = arith.constant 1 : i32
      %add3A_99 = arith.addi %add3A_97, %add3A_98 : i32
      %lt3A_100 = arith.constant 50 : i32
      %lt3A_101 = arith.cmpi slt, %add3A_99, %lt3A_100 : i32
      %convert_element_type3A = arith.extui %lt3A_101 : i1 to i32
      %cond3A = arith.constant 0 : i32
      %cond3A_102 = arith.cmpi ne, %convert_element_type3A, %cond3A : i32
      scf.if %cond3A_102 {
        %add3A_345 = arith.constant 1 : i32
        %add3A_346 = arith.addi %add3A_97, %add3A_345 : i32
        %add3A_347 = arith.addi %mul3A_2, %add3A_346 : i32
        %jit3A_348 = arith.constant 32 : i32
        %div3A_349 = arith.divsi %add3A_347, %jit3A_348 : i32
        %sign3A_350 = arith.constant 0 : i32
        %sign3A_351 = arith.cmpi sgt, %add3A_347, %sign3A_350 : i32
        %sign3A_352 = arith.extui %sign3A_351 : i1 to i32
        %sign3A_353 = arith.constant 0 : i32
        %sign3A_354 = arith.cmpi slt, %add3A_347, %sign3A_353 : i32
        %sign3A_355 = arith.extui %sign3A_354 : i1 to i32
        %sign3A_356 = arith.subi %sign3A_352, %sign3A_355 : i32
        %sign3A_357 = arith.constant 0 : i32
        %sign3A_358 = arith.cmpi sgt, %jit3A_348, %sign3A_357 : i32
        %sign3A_359 = arith.extui %sign3A_358 : i1 to i32
        %sign3A_360 = arith.constant 0 : i32
        %sign3A_361 = arith.cmpi slt, %jit3A_348, %sign3A_360 : i32
        %sign3A_362 = arith.extui %sign3A_361 : i1 to i32
        %sign3A_363 = arith.subi %sign3A_359, %sign3A_362 : i32
        %ne3A_364 = arith.cmpi ne, %sign3A_356, %sign3A_363 : i32
        %rem3A_365 = arith.remsi %add3A_347, %jit3A_348 : i32
        %ne3A_366 = arith.constant 0 : i32
        %ne3A_367 = arith.cmpi ne, %rem3A_365, %ne3A_366 : i32
        %and3A_368 = arith.andi %ne3A_364, %ne3A_367 : i1
        %sub3A_369 = arith.constant 1 : i32
        %sub3A_370 = arith.subi %div3A_349, %sub3A_369 : i32
        %select_n3A_371 = arith.select %and3A_368, %sub3A_370, %div3A_349 : i32
        %jit3A_372 = arith.constant 32 : i32
        %eq3A_373 = arith.constant 0 : i32
        %eq3A_374 = arith.cmpi eq, %jit3A_372, %eq3A_373 : i32
        %jit3A_375 = arith.constant 1 : i32
        %select_n3A_376 = arith.select %eq3A_374, %jit3A_375, %jit3A_372 : i32
        %rem3A_377 = arith.remsi %add3A_347, %select_n3A_376 : i32
        %ne3A_378 = arith.constant 0 : i32
        %ne3A_379 = arith.cmpi ne, %rem3A_377, %ne3A_378 : i32
        %lt3A_380 = arith.constant 0 : i32
        %lt3A_381 = arith.cmpi slt, %rem3A_377, %lt3A_380 : i32
        %lt3A_382 = arith.constant 0 : i32
        %lt3A_383 = arith.cmpi slt, %select_n3A_376, %lt3A_382 : i32
        %ne3A_384 = arith.xori %lt3A_381, %lt3A_383 : i1
        %and3A_385 = arith.andi %ne3A_384, %ne3A_379 : i1
        %add3A_386 = arith.addi %rem3A_377, %select_n3A_376 : i32
        %select_n3A_387 = arith.select %and3A_385, %add3A_386, %rem3A_377 : i32
        %mul3A_388 = arith.constant 4 : i32
        %mul3A_389 = arith.muli %select_n3A_387, %mul3A_388 : i32
        %run_scoped3A_390 = arith.constant 1 : i32
        "tpu.region"() ({
          %run_scoped3A_443 = tpu.sem_alloc : memref<!tpu.dma_semaphore, #tpu.memory_space<semaphore_mem>>
          %dma_start3A_444 = arith.constant 0 : i32
          %dma_start3A_445 = arith.constant 0 : i32
          %dma_start3A_446 = tpu.memref_slice %arg7[%run_scoped3A_390, %dma_start3A_444, %dma_start3A_445] : memref<2x4x128xi32, #tpu.memory_space<vmem>> -> memref<1x4x128xi32, #tpu.memory_space<vmem>>
          %dma_start3A_447 = tpu.memref_squeeze %dma_start3A_446 : memref<1x4x128xi32, #tpu.memory_space<vmem>> -> memref<4x128xi32, #tpu.memory_space<vmem>>
          %dma_start3A_448 = arith.constant 0 : i32
          %dma_start3A_449 = tpu.memref_slice %arg2[%select_n3A_371, %mul3A_389, %dma_start3A_448] : memref<50x128x128xi32, #tpu.memory_space<hbm>> -> memref<1x4x128xi32, #tpu.memory_space<hbm>>
          %dma_start3A_450 = tpu.memref_squeeze %dma_start3A_449 : memref<1x4x128xi32, #tpu.memory_space<hbm>> -> memref<4x128xi32, #tpu.memory_space<hbm>>
          %dma_start3A_451 = arith.constant 0 : i32
          %dma_start3A_452 = arith.constant 0 : i32
          %dma_start3A_453 = tpu.memref_slice %arg7[%run_scoped3A_390, %dma_start3A_451, %dma_start3A_452] : memref<2x4x128xi32, #tpu.memory_space<vmem>> -> memref<1x4x128xi32, #tpu.memory_space<vmem>>
          %dma_start3A_454 = tpu.memref_squeeze %dma_start3A_453 : memref<1x4x128xi32, #tpu.memory_space<vmem>> -> memref<4x128xi32, #tpu.memory_space<vmem>>
          %dma_start3A_455 = arith.constant 0 : i32
          %dma_start3A_456 = tpu.memref_slice %arg2[%select_n3A_371, %mul3A_389, %dma_start3A_455] : memref<50x128x128xi32, #tpu.memory_space<hbm>> -> memref<1x4x128xi32, #tpu.memory_space<hbm>>
          %dma_start3A_457 = tpu.memref_squeeze %dma_start3A_456 : memref<1x4x128xi32, #tpu.memory_space<hbm>> -> memref<4x128xi32, #tpu.memory_space<hbm>>
          tpu.enqueue_dma source(%dma_start3A_457 : memref<4x128xi32, #tpu.memory_space<hbm>>) target(%dma_start3A_454 : memref<4x128xi32, #tpu.memory_space<vmem>>) target_semaphore(%run_scoped3A_443 : memref<!tpu.dma_semaphore, #tpu.memory_space<semaphore_mem>>)
          %dma_wait3A_458 = arith.constant 0 : i32
          %dma_wait3A_459 = arith.constant 0 : i32
          %dma_wait3A_460 = tpu.memref_slice %arg7[%run_scoped3A_390, %dma_wait3A_458, %dma_wait3A_459] : memref<2x4x128xi32, #tpu.memory_space<vmem>> -> memref<1x4x128xi32, #tpu.memory_space<vmem>>
          %dma_wait3A_461 = tpu.memref_squeeze %dma_wait3A_460 : memref<1x4x128xi32, #tpu.memory_space<vmem>> -> memref<4x128xi32, #tpu.memory_space<vmem>>
          %dma_wait3A_462 = arith.constant 0 : i32
          %dma_wait3A_463 = tpu.memref_slice %arg2[%select_n3A_371, %mul3A_389, %dma_wait3A_462] : memref<50x128x128xi32, #tpu.memory_space<hbm>> -> memref<1x4x128xi32, #tpu.memory_space<hbm>>
          %dma_wait3A_464 = tpu.memref_squeeze %dma_wait3A_463 : memref<1x4x128xi32, #tpu.memory_space<hbm>> -> memref<4x128xi32, #tpu.memory_space<hbm>>
          %dma_wait3A_465 = arith.constant 0 : i32
          %dma_wait3A_466 = arith.constant 0 : i32
          %dma_wait3A_467 = tpu.memref_slice %arg7[%run_scoped3A_390, %dma_wait3A_465, %dma_wait3A_466] : memref<2x4x128xi32, #tpu.memory_space<vmem>> -> memref<1x4x128xi32, #tpu.memory_space<vmem>>
          %dma_wait3A_468 = tpu.memref_squeeze %dma_wait3A_467 : memref<1x4x128xi32, #tpu.memory_space<vmem>> -> memref<4x128xi32, #tpu.memory_space<vmem>>
          %dma_wait3A_469 = arith.constant 0 : i32
          %dma_wait3A_470 = tpu.memref_slice %arg2[%select_n3A_371, %mul3A_389, %dma_wait3A_469] : memref<50x128x128xi32, #tpu.memory_space<hbm>> -> memref<1x4x128xi32, #tpu.memory_space<hbm>>
          %dma_wait3A_471 = tpu.memref_squeeze %dma_wait3A_470 : memref<1x4x128xi32, #tpu.memory_space<hbm>> -> memref<4x128xi32, #tpu.memory_space<hbm>>
          tpu.wait_dma2 semaphore(%run_scoped3A_443 : memref<!tpu.dma_semaphore, #tpu.memory_space<semaphore_mem>>) src(%dma_wait3A_471 : memref<4x128xi32, #tpu.memory_space<hbm>>) dst(%dma_wait3A_468 : memref<4x128xi32, #tpu.memory_space<vmem>>)
          tpu.yield
        }) : () -> ()
        %dma_start3A_391 = arith.constant 1 : i32
        %dma_start3A_392 = arith.constant 0 : i32
        %dma_start3A_393 = arith.constant 1 : i32
        %dma_start3A_394 = arith.constant 0 : i32
        %dma_start3A_395 = arith.constant 0 : i32
        %dma_start3A_396 = tpu.memref_slice %arg8[%dma_start3A_393, %dma_start3A_394, %dma_start3A_395] : memref<2x512x32xf32, #tpu.memory_space<vmem>> -> memref<1x128x32xf32, #tpu.memory_space<vmem>>
        %dma_start3A_397 = tpu.memref_squeeze %dma_start3A_396 : memref<1x128x32xf32, #tpu.memory_space<vmem>> -> memref<128x32xf32, #tpu.memory_space<vmem>>
        %dma_start3A_398 = arith.constant 0 : i32
        %dma_start3A_399 = tpu.memref_slice %arg7[%dma_start3A_391, %dma_start3A_392, %dma_start3A_398] : memref<2x4x128xi32, #tpu.memory_space<vmem>> -> memref<1x1x128xi32, #tpu.memory_space<vmem>>
        %dma_start3A_400 = tpu.memref_squeeze %dma_start3A_399 : memref<1x1x128xi32, #tpu.memory_space<vmem>> -> memref<128xi32, #tpu.memory_space<vmem>>
        %dma_start3A_401 = arith.constant 0 : i32
        %dma_start3A_402 = arith.constant 0 : i32
        %dma_start3A_403 = tpu.memref_slice %arg3[%dma_start3A_401, %dma_start3A_402] : memref<1000000x32xf32, #tpu.memory_space<hbm>> -> memref<1000000x32xf32, #tpu.memory_space<hbm>>
        tpu.enqueue_indirect_dma source(%dma_start3A_403 : memref<1000000x32xf32, #tpu.memory_space<hbm>>) target(%dma_start3A_397 : memref<128x32xf32, #tpu.memory_space<vmem>>) offsets(%dma_start3A_400 : memref<128xi32, #tpu.memory_space<vmem>>) semaphore(%arg13 : memref<!tpu.dma_semaphore, #tpu.memory_space<semaphore_mem>>)
        %dma_start3A_404 = arith.constant 1 : i32
        %dma_start3A_405 = arith.constant 1 : i32
        %dma_start3A_406 = arith.constant 1 : i32
        %dma_start3A_407 = arith.constant 128 : i32
        %dma_start3A_408 = arith.constant 0 : i32
        %dma_start3A_409 = tpu.memref_slice %arg8[%dma_start3A_406, %dma_start3A_407, %dma_start3A_408] : memref<2x512x32xf32, #tpu.memory_space<vmem>> -> memref<1x128x32xf32, #tpu.memory_space<vmem>>
        %dma_start3A_410 = tpu.memref_squeeze %dma_start3A_409 : memref<1x128x32xf32, #tpu.memory_space<vmem>> -> memref<128x32xf32, #tpu.memory_space<vmem>>
        %dma_start3A_411 = arith.constant 0 : i32
        %dma_start3A_412 = tpu.memref_slice %arg7[%dma_start3A_404, %dma_start3A_405, %dma_start3A_411] : memref<2x4x128xi32, #tpu.memory_space<vmem>> -> memref<1x1x128xi32, #tpu.memory_space<vmem>>
        %dma_start3A_413 = tpu.memref_squeeze %dma_start3A_412 : memref<1x1x128xi32, #tpu.memory_space<vmem>> -> memref<128xi32, #tpu.memory_space<vmem>>
        %dma_start3A_414 = arith.constant 0 : i32
        %dma_start3A_415 = arith.constant 0 : i32
        %dma_start3A_416 = tpu.memref_slice %arg3[%dma_start3A_414, %dma_start3A_415] : memref<1000000x32xf32, #tpu.memory_space<hbm>> -> memref<1000000x32xf32, #tpu.memory_space<hbm>>
        tpu.enqueue_indirect_dma source(%dma_start3A_416 : memref<1000000x32xf32, #tpu.memory_space<hbm>>) target(%dma_start3A_410 : memref<128x32xf32, #tpu.memory_space<vmem>>) offsets(%dma_start3A_413 : memref<128xi32, #tpu.memory_space<vmem>>) semaphore(%arg13 : memref<!tpu.dma_semaphore, #tpu.memory_space<semaphore_mem>>)
        %dma_start3A_417 = arith.constant 1 : i32
        %dma_start3A_418 = arith.constant 2 : i32
        %dma_start3A_419 = arith.constant 1 : i32
        %dma_start3A_420 = arith.constant 256 : i32
        %dma_start3A_421 = arith.constant 0 : i32
        %dma_start3A_422 = tpu.memref_slice %arg8[%dma_start3A_419, %dma_start3A_420, %dma_start3A_421] : memref<2x512x32xf32, #tpu.memory_space<vmem>> -> memref<1x128x32xf32, #tpu.memory_space<vmem>>
        %dma_start3A_423 = tpu.memref_squeeze %dma_start3A_422 : memref<1x128x32xf32, #tpu.memory_space<vmem>> -> memref<128x32xf32, #tpu.memory_space<vmem>>
        %dma_start3A_424 = arith.constant 0 : i32
        %dma_start3A_425 = tpu.memref_slice %arg7[%dma_start3A_417, %dma_start3A_418, %dma_start3A_424] : memref<2x4x128xi32, #tpu.memory_space<vmem>> -> memref<1x1x128xi32, #tpu.memory_space<vmem>>
        %dma_start3A_426 = tpu.memref_squeeze %dma_start3A_425 : memref<1x1x128xi32, #tpu.memory_space<vmem>> -> memref<128xi32, #tpu.memory_space<vmem>>
        %dma_start3A_427 = arith.constant 0 : i32
        %dma_start3A_428 = arith.constant 0 : i32
        %dma_start3A_429 = tpu.memref_slice %arg3[%dma_start3A_427, %dma_start3A_428] : memref<1000000x32xf32, #tpu.memory_space<hbm>> -> memref<1000000x32xf32, #tpu.memory_space<hbm>>
        tpu.enqueue_indirect_dma source(%dma_start3A_429 : memref<1000000x32xf32, #tpu.memory_space<hbm>>) target(%dma_start3A_423 : memref<128x32xf32, #tpu.memory_space<vmem>>) offsets(%dma_start3A_426 : memref<128xi32, #tpu.memory_space<vmem>>) semaphore(%arg13 : memref<!tpu.dma_semaphore, #tpu.memory_space<semaphore_mem>>)
        %dma_start3A_430 = arith.constant 1 : i32
        %dma_start3A_431 = arith.constant 3 : i32
        %dma_start3A_432 = arith.constant 1 : i32
        %dma_start3A_433 = arith.constant 384 : i32
        %dma_start3A_434 = arith.constant 0 : i32
        %dma_start3A_435 = tpu.memref_slice %arg8[%dma_start3A_432, %dma_start3A_433, %dma_start3A_434] : memref<2x512x32xf32, #tpu.memory_space<vmem>> -> memref<1x128x32xf32, #tpu.memory_space<vmem>>
        %dma_start3A_436 = tpu.memref_squeeze %dma_start3A_435 : memref<1x128x32xf32, #tpu.memory_space<vmem>> -> memref<128x32xf32, #tpu.memory_space<vmem>>
        %dma_start3A_437 = arith.constant 0 : i32
        %dma_start3A_438 = tpu.memref_slice %arg7[%dma_start3A_430, %dma_start3A_431, %dma_start3A_437] : memref<2x4x128xi32, #tpu.memory_space<vmem>> -> memref<1x1x128xi32, #tpu.memory_space<vmem>>
        %dma_start3A_439 = tpu.memref_squeeze %dma_start3A_438 : memref<1x1x128xi32, #tpu.memory_space<vmem>> -> memref<128xi32, #tpu.memory_space<vmem>>
        %dma_start3A_440 = arith.constant 0 : i32
        %dma_start3A_441 = arith.constant 0 : i32
        %dma_start3A_442 = tpu.memref_slice %arg3[%dma_start3A_440, %dma_start3A_441] : memref<1000000x32xf32, #tpu.memory_space<hbm>> -> memref<1000000x32xf32, #tpu.memory_space<hbm>>
        tpu.enqueue_indirect_dma source(%dma_start3A_442 : memref<1000000x32xf32, #tpu.memory_space<hbm>>) target(%dma_start3A_436 : memref<128x32xf32, #tpu.memory_space<vmem>>) offsets(%dma_start3A_439 : memref<128xi32, #tpu.memory_space<vmem>>) semaphore(%arg13 : memref<!tpu.dma_semaphore, #tpu.memory_space<semaphore_mem>>)
      } else {
      }
      %dma_wait3A = arith.constant 0 : i32
      %dma_wait3A_103 = arith.constant 0 : i32
      %dma_wait3A_104 = arith.constant 0 : i32
      %dma_wait3A_105 = arith.constant 0 : i32
      %dma_wait3A_106 = arith.constant 0 : i32
      %dma_wait3A_107 = tpu.memref_slice %arg8[%dma_wait3A_104, %dma_wait3A_105, %dma_wait3A_106] : memref<2x512x32xf32, #tpu.memory_space<vmem>> -> memref<1x128x32xf32, #tpu.memory_space<vmem>>
      %dma_wait3A_108 = tpu.memref_squeeze %dma_wait3A_107 : memref<1x128x32xf32, #tpu.memory_space<vmem>> -> memref<128x32xf32, #tpu.memory_space<vmem>>
      %dma_wait3A_109 = arith.constant 0 : i32
      %dma_wait3A_110 = tpu.memref_slice %arg7[%dma_wait3A, %dma_wait3A_103, %dma_wait3A_109] : memref<2x4x128xi32, #tpu.memory_space<vmem>> -> memref<1x1x128xi32, #tpu.memory_space<vmem>>
      %dma_wait3A_111 = tpu.memref_squeeze %dma_wait3A_110 : memref<1x1x128xi32, #tpu.memory_space<vmem>> -> memref<128xi32, #tpu.memory_space<vmem>>
      %dma_wait3A_112 = arith.constant 0 : i32
      %dma_wait3A_113 = arith.constant 0 : i32
      %dma_wait3A_114 = tpu.memref_slice %arg3[%dma_wait3A_112, %dma_wait3A_113] : memref<1000000x32xf32, #tpu.memory_space<hbm>> -> memref<1000000x32xf32, #tpu.memory_space<hbm>>
      tpu.wait_indirect_dma semaphore(%arg12 : memref<!tpu.dma_semaphore, #tpu.memory_space<semaphore_mem>>) src(%dma_wait3A_114 : memref<1000000x32xf32, #tpu.memory_space<hbm>>) dst(%dma_wait3A_108 : memref<128x32xf32, #tpu.memory_space<vmem>>)
      %dma_wait3A_115 = arith.constant 0 : i32
      %dma_wait3A_116 = arith.constant 1 : i32
      %dma_wait3A_117 = arith.constant 0 : i32
      %dma_wait3A_118 = arith.constant 128 : i32
      %dma_wait3A_119 = arith.constant 0 : i32
      %dma_wait3A_120 = tpu.memref_slice %arg8[%dma_wait3A_117, %dma_wait3A_118, %dma_wait3A_119] : memref<2x512x32xf32, #tpu.memory_space<vmem>> -> memref<1x128x32xf32, #tpu.memory_space<vmem>>
      %dma_wait3A_121 = tpu.memref_squeeze %dma_wait3A_120 : memref<1x128x32xf32, #tpu.memory_space<vmem>> -> memref<128x32xf32, #tpu.memory_space<vmem>>
      %dma_wait3A_122 = arith.constant 0 : i32
      %dma_wait3A_123 = tpu.memref_slice %arg7[%dma_wait3A_115, %dma_wait3A_116, %dma_wait3A_122] : memref<2x4x128xi32, #tpu.memory_space<vmem>> -> memref<1x1x128xi32, #tpu.memory_space<vmem>>
      %dma_wait3A_124 = tpu.memref_squeeze %dma_wait3A_123 : memref<1x1x128xi32, #tpu.memory_space<vmem>> -> memref<128xi32, #tpu.memory_space<vmem>>
      %dma_wait3A_125 = arith.constant 0 : i32
      %dma_wait3A_126 = arith.constant 0 : i32
      %dma_wait3A_127 = tpu.memref_slice %arg3[%dma_wait3A_125, %dma_wait3A_126] : memref<1000000x32xf32, #tpu.memory_space<hbm>> -> memref<1000000x32xf32, #tpu.memory_space<hbm>>
      tpu.wait_indirect_dma semaphore(%arg12 : memref<!tpu.dma_semaphore, #tpu.memory_space<semaphore_mem>>) src(%dma_wait3A_127 : memref<1000000x32xf32, #tpu.memory_space<hbm>>) dst(%dma_wait3A_121 : memref<128x32xf32, #tpu.memory_space<vmem>>)
      %dma_wait3A_128 = arith.constant 0 : i32
      %dma_wait3A_129 = arith.constant 2 : i32
      %dma_wait3A_130 = arith.constant 0 : i32
      %dma_wait3A_131 = arith.constant 256 : i32
      %dma_wait3A_132 = arith.constant 0 : i32
      %dma_wait3A_133 = tpu.memref_slice %arg8[%dma_wait3A_130, %dma_wait3A_131, %dma_wait3A_132] : memref<2x512x32xf32, #tpu.memory_space<vmem>> -> memref<1x128x32xf32, #tpu.memory_space<vmem>>
      %dma_wait3A_134 = tpu.memref_squeeze %dma_wait3A_133 : memref<1x128x32xf32, #tpu.memory_space<vmem>> -> memref<128x32xf32, #tpu.memory_space<vmem>>
      %dma_wait3A_135 = arith.constant 0 : i32
      %dma_wait3A_136 = tpu.memref_slice %arg7[%dma_wait3A_128, %dma_wait3A_129, %dma_wait3A_135] : memref<2x4x128xi32, #tpu.memory_space<vmem>> -> memref<1x1x128xi32, #tpu.memory_space<vmem>>
      %dma_wait3A_137 = tpu.memref_squeeze %dma_wait3A_136 : memref<1x1x128xi32, #tpu.memory_space<vmem>> -> memref<128xi32, #tpu.memory_space<vmem>>
      %dma_wait3A_138 = arith.constant 0 : i32
      %dma_wait3A_139 = arith.constant 0 : i32
      %dma_wait3A_140 = tpu.memref_slice %arg3[%dma_wait3A_138, %dma_wait3A_139] : memref<1000000x32xf32, #tpu.memory_space<hbm>> -> memref<1000000x32xf32, #tpu.memory_space<hbm>>
      tpu.wait_indirect_dma semaphore(%arg12 : memref<!tpu.dma_semaphore, #tpu.memory_space<semaphore_mem>>) src(%dma_wait3A_140 : memref<1000000x32xf32, #tpu.memory_space<hbm>>) dst(%dma_wait3A_134 : memref<128x32xf32, #tpu.memory_space<vmem>>)
      %dma_wait3A_141 = arith.constant 0 : i32
      %dma_wait3A_142 = arith.constant 3 : i32
      %dma_wait3A_143 = arith.constant 0 : i32
      %dma_wait3A_144 = arith.constant 384 : i32
      %dma_wait3A_145 = arith.constant 0 : i32
      %dma_wait3A_146 = tpu.memref_slice %arg8[%dma_wait3A_143, %dma_wait3A_144, %dma_wait3A_145] : memref<2x512x32xf32, #tpu.memory_space<vmem>> -> memref<1x128x32xf32, #tpu.memory_space<vmem>>
      %dma_wait3A_147 = tpu.memref_squeeze %dma_wait3A_146 : memref<1x128x32xf32, #tpu.memory_space<vmem>> -> memref<128x32xf32, #tpu.memory_space<vmem>>
      %dma_wait3A_148 = arith.constant 0 : i32
      %dma_wait3A_149 = tpu.memref_slice %arg7[%dma_wait3A_141, %dma_wait3A_142, %dma_wait3A_148] : memref<2x4x128xi32, #tpu.memory_space<vmem>> -> memref<1x1x128xi32, #tpu.memory_space<vmem>>
      %dma_wait3A_150 = tpu.memref_squeeze %dma_wait3A_149 : memref<1x1x128xi32, #tpu.memory_space<vmem>> -> memref<128xi32, #tpu.memory_space<vmem>>
      %dma_wait3A_151 = arith.constant 0 : i32
      %dma_wait3A_152 = arith.constant 0 : i32
      %dma_wait3A_153 = tpu.memref_slice %arg3[%dma_wait3A_151, %dma_wait3A_152] : memref<1000000x32xf32, #tpu.memory_space<hbm>> -> memref<1000000x32xf32, #tpu.memory_space<hbm>>
      tpu.wait_indirect_dma semaphore(%arg12 : memref<!tpu.dma_semaphore, #tpu.memory_space<semaphore_mem>>) src(%dma_wait3A_153 : memref<1000000x32xf32, #tpu.memory_space<hbm>>) dst(%dma_wait3A_147 : memref<128x32xf32, #tpu.memory_space<vmem>>)
      %scan3A_154 = arith.constant 0 : i32
      %scan3A_155 = arith.constant 0 : i32
      %scan3A_156 = arith.constant 0 : i32
      %scan3A_157 = arith.constant 32 : i32
      %scan3A_158 = arith.addi %scan3A_156, %scan3A_157 : i32
      %scan3A_159 = arith.constant 1 : i32
      scf.for %scan3A_345 = %scan3A_156 to %scan3A_158 step %scan3A_159  : i32 {
        %mul3A_346 = arith.constant 16 : i32
        %mul3A_347 = arith.muli %scan3A_345, %mul3A_346 : i32
        %add3A_348 = vector.broadcast %mul3A_347 : i32 to vector<16xi32>
        %add3A_349 = arith.addi %add3A_348, %iota3A : vector<16xi32>
        %broadcast_in_dim3A = arith.constant 0.000000e+00 : f32
        %broadcast_in_dim3A_350 = vector.broadcast %broadcast_in_dim3A : f32 to vector<16xf32>
        %broadcast_in_dim3A_351 = arith.constant 0.000000e+00 : f32
        %broadcast_in_dim3A_352 = vector.broadcast %broadcast_in_dim3A_351 : f32 to vector<16xf32>
        %broadcast_in_dim3A_353 = arith.constant 0.000000e+00 : f32
        %broadcast_in_dim3A_354 = vector.broadcast %broadcast_in_dim3A_353 : f32 to vector<16xf32>
        %broadcast_in_dim3A_355 = arith.constant 0.000000e+00 : f32
        %broadcast_in_dim3A_356 = vector.broadcast %broadcast_in_dim3A_355 : f32 to vector<16xf32>
        %broadcast_in_dim3A_357 = arith.constant 0.000000e+00 : f32
        %broadcast_in_dim3A_358 = vector.broadcast %broadcast_in_dim3A_357 : f32 to vector<16xf32>
        %broadcast_in_dim3A_359 = arith.constant 0.000000e+00 : f32
        %broadcast_in_dim3A_360 = vector.broadcast %broadcast_in_dim3A_359 : f32 to vector<16xf32>
        %broadcast_in_dim3A_361 = arith.constant 0.000000e+00 : f32
        %broadcast_in_dim3A_362 = vector.broadcast %broadcast_in_dim3A_361 : f32 to vector<16xf32>
        %broadcast_in_dim3A_363 = arith.constant 0.000000e+00 : f32
        %broadcast_in_dim3A_364 = vector.broadcast %broadcast_in_dim3A_363 : f32 to vector<16xf32>
        %broadcast_in_dim3A_365 = arith.constant 0 : i32
        %broadcast_in_dim3A_366 = vector.broadcast %broadcast_in_dim3A_365 : i32 to vector<16xi32>
        %gather3A = arith.constant 0 : i32
        %gather3A_367 = arith.constant 0 : i32
        %gather3A_368 = tpu.memref_slice %arg8[%scan3A_155, %gather3A, %gather3A_367] : memref<2x512x32xf32, #tpu.memory_space<vmem>> -> memref<1x512x32xf32, #tpu.memory_space<vmem>>
        %gather3A_369 = tpu.memref_squeeze %gather3A_368 : memref<1x512x32xf32, #tpu.memory_space<vmem>> -> memref<512x32xf32, #tpu.memory_space<vmem>>
        %gather3A_370 = tpu.vector_load_idx %gather3A_369[%add3A_349, %broadcast_in_dim3A_366] : memref<512x32xf32, #tpu.memory_space<vmem>>[vector<16xi32>, vector<16xi32>], vector<16xf32>,
        %add3A_371 = arith.addf %broadcast_in_dim3A_350, %gather3A_370 : vector<16xf32>
        %mul3A_372 = arith.mulf %gather3A_370, %gather3A_370 : vector<16xf32>
        %add3A_373 = arith.addf %broadcast_in_dim3A_358, %mul3A_372 : vector<16xf32>
        %broadcast_in_dim3A_374 = arith.constant 1 : i32
        %broadcast_in_dim3A_375 = vector.broadcast %broadcast_in_dim3A_374 : i32 to vector<16xi32>
        %gather3A_376 = arith.constant 0 : i32
        %gather3A_377 = arith.constant 0 : i32
        %gather3A_378 = tpu.memref_slice %arg8[%scan3A_155, %gather3A_376, %gather3A_377] : memref<2x512x32xf32, #tpu.memory_space<vmem>> -> memref<1x512x32xf32, #tpu.memory_space<vmem>>
        %gather3A_379 = tpu.memref_squeeze %gather3A_378 : memref<1x512x32xf32, #tpu.memory_space<vmem>> -> memref<512x32xf32, #tpu.memory_space<vmem>>
        %gather3A_380 = tpu.vector_load_idx %gather3A_379[%add3A_349, %broadcast_in_dim3A_375] : memref<512x32xf32, #tpu.memory_space<vmem>>[vector<16xi32>, vector<16xi32>], vector<16xf32>,
        %add3A_381 = arith.addf %broadcast_in_dim3A_352, %gather3A_380 : vector<16xf32>
        %mul3A_382 = arith.mulf %gather3A_380, %gather3A_380 : vector<16xf32>
        %add3A_383 = arith.addf %broadcast_in_dim3A_360, %mul3A_382 : vector<16xf32>
        %broadcast_in_dim3A_384 = arith.constant 2 : i32
        %broadcast_in_dim3A_385 = vector.broadcast %broadcast_in_dim3A_384 : i32 to vector<16xi32>
        %gather3A_386 = arith.constant 0 : i32
        %gather3A_387 = arith.constant 0 : i32
        %gather3A_388 = tpu.memref_slice %arg8[%scan3A_155, %gather3A_386, %gather3A_387] : memref<2x512x32xf32, #tpu.memory_space<vmem>> -> memref<1x512x32xf32, #tpu.memory_space<vmem>>
        %gather3A_389 = tpu.memref_squeeze %gather3A_388 : memref<1x512x32xf32, #tpu.memory_space<vmem>> -> memref<512x32xf32, #tpu.memory_space<vmem>>
        %gather3A_390 = tpu.vector_load_idx %gather3A_389[%add3A_349, %broadcast_in_dim3A_385] : memref<512x32xf32, #tpu.memory_space<vmem>>[vector<16xi32>, vector<16xi32>], vector<16xf32>,
        %add3A_391 = arith.addf %broadcast_in_dim3A_354, %gather3A_390 : vector<16xf32>
        %mul3A_392 = arith.mulf %gather3A_390, %gather3A_390 : vector<16xf32>
        %add3A_393 = arith.addf %broadcast_in_dim3A_362, %mul3A_392 : vector<16xf32>
        %broadcast_in_dim3A_394 = arith.constant 3 : i32
        %broadcast_in_dim3A_395 = vector.broadcast %broadcast_in_dim3A_394 : i32 to vector<16xi32>
        %gather3A_396 = arith.constant 0 : i32
        %gather3A_397 = arith.constant 0 : i32
        %gather3A_398 = tpu.memref_slice %arg8[%scan3A_155, %gather3A_396, %gather3A_397] : memref<2x512x32xf32, #tpu.memory_space<vmem>> -> memref<1x512x32xf32, #tpu.memory_space<vmem>>
        %gather3A_399 = tpu.memref_squeeze %gather3A_398 : memref<1x512x32xf32, #tpu.memory_space<vmem>> -> memref<512x32xf32, #tpu.memory_space<vmem>>
        %gather3A_400 = tpu.vector_load_idx %gather3A_399[%add3A_349, %broadcast_in_dim3A_395] : memref<512x32xf32, #tpu.memory_space<vmem>>[vector<16xi32>, vector<16xi32>], vector<16xf32>,
        %add3A_401 = arith.addf %broadcast_in_dim3A_356, %gather3A_400 : vector<16xf32>
        %mul3A_402 = arith.mulf %gather3A_400, %gather3A_400 : vector<16xf32>
        %add3A_403 = arith.addf %broadcast_in_dim3A_364, %mul3A_402 : vector<16xf32>
        %broadcast_in_dim3A_404 = arith.constant 4 : i32
        %broadcast_in_dim3A_405 = vector.broadcast %broadcast_in_dim3A_404 : i32 to vector<16xi32>
        %gather3A_406 = arith.constant 0 : i32
        %gather3A_407 = arith.constant 0 : i32
        %gather3A_408 = tpu.memref_slice %arg8[%scan3A_155, %gather3A_406, %gather3A_407] : memref<2x512x32xf32, #tpu.memory_space<vmem>> -> memref<1x512x32xf32, #tpu.memory_space<vmem>>
        %gather3A_409 = tpu.memref_squeeze %gather3A_408 : memref<1x512x32xf32, #tpu.memory_space<vmem>> -> memref<512x32xf32, #tpu.memory_space<vmem>>
        %gather3A_410 = tpu.vector_load_idx %gather3A_409[%add3A_349, %broadcast_in_dim3A_405] : memref<512x32xf32, #tpu.memory_space<vmem>>[vector<16xi32>, vector<16xi32>], vector<16xf32>,
        %add3A_411 = arith.addf %add3A_371, %gather3A_410 : vector<16xf32>
        %mul3A_412 = arith.mulf %gather3A_410, %gather3A_410 : vector<16xf32>
        %add3A_413 = arith.addf %add3A_373, %mul3A_412 : vector<16xf32>
        %broadcast_in_dim3A_414 = arith.constant 5 : i32
        %broadcast_in_dim3A_415 = vector.broadcast %broadcast_in_dim3A_414 : i32 to vector<16xi32>
        %gather3A_416 = arith.constant 0 : i32
        %gather3A_417 = arith.constant 0 : i32
        %gather3A_418 = tpu.memref_slice %arg8[%scan3A_155, %gather3A_416, %gather3A_417] : memref<2x512x32xf32, #tpu.memory_space<vmem>> -> memref<1x512x32xf32, #tpu.memory_space<vmem>>
        %gather3A_419 = tpu.memref_squeeze %gather3A_418 : memref<1x512x32xf32, #tpu.memory_space<vmem>> -> memref<512x32xf32, #tpu.memory_space<vmem>>
        %gather3A_420 = tpu.vector_load_idx %gather3A_419[%add3A_349, %broadcast_in_dim3A_415] : memref<512x32xf32, #tpu.memory_space<vmem>>[vector<16xi32>, vector<16xi32>], vector<16xf32>,
        %add3A_421 = arith.addf %add3A_381, %gather3A_420 : vector<16xf32>
        %mul3A_422 = arith.mulf %gather3A_420, %gather3A_420 : vector<16xf32>
        %add3A_423 = arith.addf %add3A_383, %mul3A_422 : vector<16xf32>
        %broadcast_in_dim3A_424 = arith.constant 6 : i32
        %broadcast_in_dim3A_425 = vector.broadcast %broadcast_in_dim3A_424 : i32 to vector<16xi32>
        %gather3A_426 = arith.constant 0 : i32
        %gather3A_427 = arith.constant 0 : i32
        %gather3A_428 = tpu.memref_slice %arg8[%scan3A_155, %gather3A_426, %gather3A_427] : memref<2x512x32xf32, #tpu.memory_space<vmem>> -> memref<1x512x32xf32, #tpu.memory_space<vmem>>
        %gather3A_429 = tpu.memref_squeeze %gather3A_428 : memref<1x512x32xf32, #tpu.memory_space<vmem>> -> memref<512x32xf32, #tpu.memory_space<vmem>>
        %gather3A_430 = tpu.vector_load_idx %gather3A_429[%add3A_349, %broadcast_in_dim3A_425] : memref<512x32xf32, #tpu.memory_space<vmem>>[vector<16xi32>, vector<16xi32>], vector<16xf32>,
        %add3A_431 = arith.addf %add3A_391, %gather3A_430 : vector<16xf32>
        %mul3A_432 = arith.mulf %gather3A_430, %gather3A_430 : vector<16xf32>
        %add3A_433 = arith.addf %add3A_393, %mul3A_432 : vector<16xf32>
        %broadcast_in_dim3A_434 = arith.constant 7 : i32
        %broadcast_in_dim3A_435 = vector.broadcast %broadcast_in_dim3A_434 : i32 to vector<16xi32>
        %gather3A_436 = arith.constant 0 : i32
        %gather3A_437 = arith.constant 0 : i32
        %gather3A_438 = tpu.memref_slice %arg8[%scan3A_155, %gather3A_436, %gather3A_437] : memref<2x512x32xf32, #tpu.memory_space<vmem>> -> memref<1x512x32xf32, #tpu.memory_space<vmem>>
        %gather3A_439 = tpu.memref_squeeze %gather3A_438 : memref<1x512x32xf32, #tpu.memory_space<vmem>> -> memref<512x32xf32, #tpu.memory_space<vmem>>
        %gather3A_440 = tpu.vector_load_idx %gather3A_439[%add3A_349, %broadcast_in_dim3A_435] : memref<512x32xf32, #tpu.memory_space<vmem>>[vector<16xi32>, vector<16xi32>], vector<16xf32>,
        %add3A_441 = arith.addf %add3A_401, %gather3A_440 : vector<16xf32>
        %mul3A_442 = arith.mulf %gather3A_440, %gather3A_440 : vector<16xf32>
        %add3A_443 = arith.addf %add3A_403, %mul3A_442 : vector<16xf32>
        %broadcast_in_dim3A_444 = arith.constant 8 : i32
        %broadcast_in_dim3A_445 = vector.broadcast %broadcast_in_dim3A_444 : i32 to vector<16xi32>
        %gather3A_446 = arith.constant 0 : i32
        %gather3A_447 = arith.constant 0 : i32
        %gather3A_448 = tpu.memref_slice %arg8[%scan3A_155, %gather3A_446, %gather3A_447] : memref<2x512x32xf32, #tpu.memory_space<vmem>> -> memref<1x512x32xf32, #tpu.memory_space<vmem>>
        %gather3A_449 = tpu.memref_squeeze %gather3A_448 : memref<1x512x32xf32, #tpu.memory_space<vmem>> -> memref<512x32xf32, #tpu.memory_space<vmem>>
        %gather3A_450 = tpu.vector_load_idx %gather3A_449[%add3A_349, %broadcast_in_dim3A_445] : memref<512x32xf32, #tpu.memory_space<vmem>>[vector<16xi32>, vector<16xi32>], vector<16xf32>,
        %add3A_451 = arith.addf %add3A_411, %gather3A_450 : vector<16xf32>
        %mul3A_452 = arith.mulf %gather3A_450, %gather3A_450 : vector<16xf32>
        %add3A_453 = arith.addf %add3A_413, %mul3A_452 : vector<16xf32>
        %broadcast_in_dim3A_454 = arith.constant 9 : i32
        %broadcast_in_dim3A_455 = vector.broadcast %broadcast_in_dim3A_454 : i32 to vector<16xi32>
        %gather3A_456 = arith.constant 0 : i32
        %gather3A_457 = arith.constant 0 : i32
        %gather3A_458 = tpu.memref_slice %arg8[%scan3A_155, %gather3A_456, %gather3A_457] : memref<2x512x32xf32, #tpu.memory_space<vmem>> -> memref<1x512x32xf32, #tpu.memory_space<vmem>>
        %gather3A_459 = tpu.memref_squeeze %gather3A_458 : memref<1x512x32xf32, #tpu.memory_space<vmem>> -> memref<512x32xf32, #tpu.memory_space<vmem>>
        %gather3A_460 = tpu.vector_load_idx %gather3A_459[%add3A_349, %broadcast_in_dim3A_455] : memref<512x32xf32, #tpu.memory_space<vmem>>[vector<16xi32>, vector<16xi32>], vector<16xf32>,
        %add3A_461 = arith.addf %add3A_421, %gather3A_460 : vector<16xf32>
        %mul3A_462 = arith.mulf %gather3A_460, %gather3A_460 : vector<16xf32>
        %add3A_463 = arith.addf %add3A_423, %mul3A_462 : vector<16xf32>
        %broadcast_in_dim3A_464 = arith.constant 10 : i32
        %broadcast_in_dim3A_465 = vector.broadcast %broadcast_in_dim3A_464 : i32 to vector<16xi32>
        %gather3A_466 = arith.constant 0 : i32
        %gather3A_467 = arith.constant 0 : i32
        %gather3A_468 = tpu.memref_slice %arg8[%scan3A_155, %gather3A_466, %gather3A_467] : memref<2x512x32xf32, #tpu.memory_space<vmem>> -> memref<1x512x32xf32, #tpu.memory_space<vmem>>
        %gather3A_469 = tpu.memref_squeeze %gather3A_468 : memref<1x512x32xf32, #tpu.memory_space<vmem>> -> memref<512x32xf32, #tpu.memory_space<vmem>>
        %gather3A_470 = tpu.vector_load_idx %gather3A_469[%add3A_349, %broadcast_in_dim3A_465] : memref<512x32xf32, #tpu.memory_space<vmem>>[vector<16xi32>, vector<16xi32>], vector<16xf32>,
        %add3A_471 = arith.addf %add3A_431, %gather3A_470 : vector<16xf32>
        %mul3A_472 = arith.mulf %gather3A_470, %gather3A_470 : vector<16xf32>
        %add3A_473 = arith.addf %add3A_433, %mul3A_472 : vector<16xf32>
        %broadcast_in_dim3A_474 = arith.constant 11 : i32
        %broadcast_in_dim3A_475 = vector.broadcast %broadcast_in_dim3A_474 : i32 to vector<16xi32>
        %gather3A_476 = arith.constant 0 : i32
        %gather3A_477 = arith.constant 0 : i32
        %gather3A_478 = tpu.memref_slice %arg8[%scan3A_155, %gather3A_476, %gather3A_477] : memref<2x512x32xf32, #tpu.memory_space<vmem>> -> memref<1x512x32xf32, #tpu.memory_space<vmem>>
        %gather3A_479 = tpu.memref_squeeze %gather3A_478 : memref<1x512x32xf32, #tpu.memory_space<vmem>> -> memref<512x32xf32, #tpu.memory_space<vmem>>
        %gather3A_480 = tpu.vector_load_idx %gather3A_479[%add3A_349, %broadcast_in_dim3A_475] : memref<512x32xf32, #tpu.memory_space<vmem>>[vector<16xi32>, vector<16xi32>], vector<16xf32>,
        %add3A_481 = arith.addf %add3A_441, %gather3A_480 : vector<16xf32>
        %mul3A_482 = arith.mulf %gather3A_480, %gather3A_480 : vector<16xf32>
        %add3A_483 = arith.addf %add3A_443, %mul3A_482 : vector<16xf32>
        %broadcast_in_dim3A_484 = arith.constant 12 : i32
        %broadcast_in_dim3A_485 = vector.broadcast %broadcast_in_dim3A_484 : i32 to vector<16xi32>
        %gather3A_486 = arith.constant 0 : i32
        %gather3A_487 = arith.constant 0 : i32
        %gather3A_488 = tpu.memref_slice %arg8[%scan3A_155, %gather3A_486, %gather3A_487] : memref<2x512x32xf32, #tpu.memory_space<vmem>> -> memref<1x512x32xf32, #tpu.memory_space<vmem>>
        %gather3A_489 = tpu.memref_squeeze %gather3A_488 : memref<1x512x32xf32, #tpu.memory_space<vmem>> -> memref<512x32xf32, #tpu.memory_space<vmem>>
        %gather3A_490 = tpu.vector_load_idx %gather3A_489[%add3A_349, %broadcast_in_dim3A_485] : memref<512x32xf32, #tpu.memory_space<vmem>>[vector<16xi32>, vector<16xi32>], vector<16xf32>,
        %add3A_491 = arith.addf %add3A_451, %gather3A_490 : vector<16xf32>
        %mul3A_492 = arith.mulf %gather3A_490, %gather3A_490 : vector<16xf32>
        %add3A_493 = arith.addf %add3A_453, %mul3A_492 : vector<16xf32>
        %broadcast_in_dim3A_494 = arith.constant 13 : i32
        %broadcast_in_dim3A_495 = vector.broadcast %broadcast_in_dim3A_494 : i32 to vector<16xi32>
        %gather3A_496 = arith.constant 0 : i32
        %gather3A_497 = arith.constant 0 : i32
        %gather3A_498 = tpu.memref_slice %arg8[%scan3A_155, %gather3A_496, %gather3A_497] : memref<2x512x32xf32, #tpu.memory_space<vmem>> -> memref<1x512x32xf32, #tpu.memory_space<vmem>>
        %gather3A_499 = tpu.memref_squeeze %gather3A_498 : memref<1x512x32xf32, #tpu.memory_space<vmem>> -> memref<512x32xf32, #tpu.memory_space<vmem>>
        %gather3A_500 = tpu.vector_load_idx %gather3A_499[%add3A_349, %broadcast_in_dim3A_495] : memref<512x32xf32, #tpu.memory_space<vmem>>[vector<16xi32>, vector<16xi32>], vector<16xf32>,
        %add3A_501 = arith.addf %add3A_461, %gather3A_500 : vector<16xf32>
        %mul3A_502 = arith.mulf %gather3A_500, %gather3A_500 : vector<16xf32>
        %add3A_503 = arith.addf %add3A_463, %mul3A_502 : vector<16xf32>
        %broadcast_in_dim3A_504 = arith.constant 14 : i32
        %broadcast_in_dim3A_505 = vector.broadcast %broadcast_in_dim3A_504 : i32 to vector<16xi32>
        %gather3A_506 = arith.constant 0 : i32
        %gather3A_507 = arith.constant 0 : i32
        %gather3A_508 = tpu.memref_slice %arg8[%scan3A_155, %gather3A_506, %gather3A_507] : memref<2x512x32xf32, #tpu.memory_space<vmem>> -> memref<1x512x32xf32, #tpu.memory_space<vmem>>
        %gather3A_509 = tpu.memref_squeeze %gather3A_508 : memref<1x512x32xf32, #tpu.memory_space<vmem>> -> memref<512x32xf32, #tpu.memory_space<vmem>>
        %gather3A_510 = tpu.vector_load_idx %gather3A_509[%add3A_349, %broadcast_in_dim3A_505] : memref<512x32xf32, #tpu.memory_space<vmem>>[vector<16xi32>, vector<16xi32>], vector<16xf32>,
        %add3A_511 = arith.addf %add3A_471, %gather3A_510 : vector<16xf32>
        %mul3A_512 = arith.mulf %gather3A_510, %gather3A_510 : vector<16xf32>
        %add3A_513 = arith.addf %add3A_473, %mul3A_512 : vector<16xf32>
        %broadcast_in_dim3A_514 = arith.constant 15 : i32
        %broadcast_in_dim3A_515 = vector.broadcast %broadcast_in_dim3A_514 : i32 to vector<16xi32>
        %gather3A_516 = arith.constant 0 : i32
        %gather3A_517 = arith.constant 0 : i32
        %gather3A_518 = tpu.memref_slice %arg8[%scan3A_155, %gather3A_516, %gather3A_517] : memref<2x512x32xf32, #tpu.memory_space<vmem>> -> memref<1x512x32xf32, #tpu.memory_space<vmem>>
        %gather3A_519 = tpu.memref_squeeze %gather3A_518 : memref<1x512x32xf32, #tpu.memory_space<vmem>> -> memref<512x32xf32, #tpu.memory_space<vmem>>
        %gather3A_520 = tpu.vector_load_idx %gather3A_519[%add3A_349, %broadcast_in_dim3A_515] : memref<512x32xf32, #tpu.memory_space<vmem>>[vector<16xi32>, vector<16xi32>], vector<16xf32>,
        %add3A_521 = arith.addf %add3A_481, %gather3A_520 : vector<16xf32>
        %mul3A_522 = arith.mulf %gather3A_520, %gather3A_520 : vector<16xf32>
        %add3A_523 = arith.addf %add3A_483, %mul3A_522 : vector<16xf32>
        %broadcast_in_dim3A_524 = arith.constant 16 : i32
        %broadcast_in_dim3A_525 = vector.broadcast %broadcast_in_dim3A_524 : i32 to vector<16xi32>
        %gather3A_526 = arith.constant 0 : i32
        %gather3A_527 = arith.constant 0 : i32
        %gather3A_528 = tpu.memref_slice %arg8[%scan3A_155, %gather3A_526, %gather3A_527] : memref<2x512x32xf32, #tpu.memory_space<vmem>> -> memref<1x512x32xf32, #tpu.memory_space<vmem>>
        %gather3A_529 = tpu.memref_squeeze %gather3A_528 : memref<1x512x32xf32, #tpu.memory_space<vmem>> -> memref<512x32xf32, #tpu.memory_space<vmem>>
        %gather3A_530 = tpu.vector_load_idx %gather3A_529[%add3A_349, %broadcast_in_dim3A_525] : memref<512x32xf32, #tpu.memory_space<vmem>>[vector<16xi32>, vector<16xi32>], vector<16xf32>,
        %add3A_531 = arith.addf %add3A_491, %gather3A_530 : vector<16xf32>
        %mul3A_532 = arith.mulf %gather3A_530, %gather3A_530 : vector<16xf32>
        %add3A_533 = arith.addf %add3A_493, %mul3A_532 : vector<16xf32>
        %broadcast_in_dim3A_534 = arith.constant 17 : i32
        %broadcast_in_dim3A_535 = vector.broadcast %broadcast_in_dim3A_534 : i32 to vector<16xi32>
        %gather3A_536 = arith.constant 0 : i32
        %gather3A_537 = arith.constant 0 : i32
        %gather3A_538 = tpu.memref_slice %arg8[%scan3A_155, %gather3A_536, %gather3A_537] : memref<2x512x32xf32, #tpu.memory_space<vmem>> -> memref<1x512x32xf32, #tpu.memory_space<vmem>>
        %gather3A_539 = tpu.memref_squeeze %gather3A_538 : memref<1x512x32xf32, #tpu.memory_space<vmem>> -> memref<512x32xf32, #tpu.memory_space<vmem>>
        %gather3A_540 = tpu.vector_load_idx %gather3A_539[%add3A_349, %broadcast_in_dim3A_535] : memref<512x32xf32, #tpu.memory_space<vmem>>[vector<16xi32>, vector<16xi32>], vector<16xf32>,
        %add3A_541 = arith.addf %add3A_501, %gather3A_540 : vector<16xf32>
        %mul3A_542 = arith.mulf %gather3A_540, %gather3A_540 : vector<16xf32>
        %add3A_543 = arith.addf %add3A_503, %mul3A_542 : vector<16xf32>
        %broadcast_in_dim3A_544 = arith.constant 18 : i32
        %broadcast_in_dim3A_545 = vector.broadcast %broadcast_in_dim3A_544 : i32 to vector<16xi32>
        %gather3A_546 = arith.constant 0 : i32
        %gather3A_547 = arith.constant 0 : i32
        %gather3A_548 = tpu.memref_slice %arg8[%scan3A_155, %gather3A_546, %gather3A_547] : memref<2x512x32xf32, #tpu.memory_space<vmem>> -> memref<1x512x32xf32, #tpu.memory_space<vmem>>
        %gather3A_549 = tpu.memref_squeeze %gather3A_548 : memref<1x512x32xf32, #tpu.memory_space<vmem>> -> memref<512x32xf32, #tpu.memory_space<vmem>>
        %gather3A_550 = tpu.vector_load_idx %gather3A_549[%add3A_349, %broadcast_in_dim3A_545] : memref<512x32xf32, #tpu.memory_space<vmem>>[vector<16xi32>, vector<16xi32>], vector<16xf32>,
        %add3A_551 = arith.addf %add3A_511, %gather3A_550 : vector<16xf32>
        %mul3A_552 = arith.mulf %gather3A_550, %gather3A_550 : vector<16xf32>
        %add3A_553 = arith.addf %add3A_513, %mul3A_552 : vector<16xf32>
        %broadcast_in_dim3A_554 = arith.constant 19 : i32
        %broadcast_in_dim3A_555 = vector.broadcast %broadcast_in_dim3A_554 : i32 to vector<16xi32>
        %gather3A_556 = arith.constant 0 : i32
        %gather3A_557 = arith.constant 0 : i32
        %gather3A_558 = tpu.memref_slice %arg8[%scan3A_155, %gather3A_556, %gather3A_557] : memref<2x512x32xf32, #tpu.memory_space<vmem>> -> memref<1x512x32xf32, #tpu.memory_space<vmem>>
        %gather3A_559 = tpu.memref_squeeze %gather3A_558 : memref<1x512x32xf32, #tpu.memory_space<vmem>> -> memref<512x32xf32, #tpu.memory_space<vmem>>
        %gather3A_560 = tpu.vector_load_idx %gather3A_559[%add3A_349, %broadcast_in_dim3A_555] : memref<512x32xf32, #tpu.memory_space<vmem>>[vector<16xi32>, vector<16xi32>], vector<16xf32>,
        %add3A_561 = arith.addf %add3A_521, %gather3A_560 : vector<16xf32>
        %mul3A_562 = arith.mulf %gather3A_560, %gather3A_560 : vector<16xf32>
        %add3A_563 = arith.addf %add3A_523, %mul3A_562 : vector<16xf32>
        %broadcast_in_dim3A_564 = arith.constant 20 : i32
        %broadcast_in_dim3A_565 = vector.broadcast %broadcast_in_dim3A_564 : i32 to vector<16xi32>
        %gather3A_566 = arith.constant 0 : i32
        %gather3A_567 = arith.constant 0 : i32
        %gather3A_568 = tpu.memref_slice %arg8[%scan3A_155, %gather3A_566, %gather3A_567] : memref<2x512x32xf32, #tpu.memory_space<vmem>> -> memref<1x512x32xf32, #tpu.memory_space<vmem>>
        %gather3A_569 = tpu.memref_squeeze %gather3A_568 : memref<1x512x32xf32, #tpu.memory_space<vmem>> -> memref<512x32xf32, #tpu.memory_space<vmem>>
        %gather3A_570 = tpu.vector_load_idx %gather3A_569[%add3A_349, %broadcast_in_dim3A_565] : memref<512x32xf32, #tpu.memory_space<vmem>>[vector<16xi32>, vector<16xi32>], vector<16xf32>,
        %add3A_571 = arith.addf %add3A_531, %gather3A_570 : vector<16xf32>
        %mul3A_572 = arith.mulf %gather3A_570, %gather3A_570 : vector<16xf32>
        %add3A_573 = arith.addf %add3A_533, %mul3A_572 : vector<16xf32>
        %broadcast_in_dim3A_574 = arith.constant 21 : i32
        %broadcast_in_dim3A_575 = vector.broadcast %broadcast_in_dim3A_574 : i32 to vector<16xi32>
        %gather3A_576 = arith.constant 0 : i32
        %gather3A_577 = arith.constant 0 : i32
        %gather3A_578 = tpu.memref_slice %arg8[%scan3A_155, %gather3A_576, %gather3A_577] : memref<2x512x32xf32, #tpu.memory_space<vmem>> -> memref<1x512x32xf32, #tpu.memory_space<vmem>>
        %gather3A_579 = tpu.memref_squeeze %gather3A_578 : memref<1x512x32xf32, #tpu.memory_space<vmem>> -> memref<512x32xf32, #tpu.memory_space<vmem>>
        %gather3A_580 = tpu.vector_load_idx %gather3A_579[%add3A_349, %broadcast_in_dim3A_575] : memref<512x32xf32, #tpu.memory_space<vmem>>[vector<16xi32>, vector<16xi32>], vector<16xf32>,
        %add3A_581 = arith.addf %add3A_541, %gather3A_580 : vector<16xf32>
        %mul3A_582 = arith.mulf %gather3A_580, %gather3A_580 : vector<16xf32>
        %add3A_583 = arith.addf %add3A_543, %mul3A_582 : vector<16xf32>
        %broadcast_in_dim3A_584 = arith.constant 22 : i32
        %broadcast_in_dim3A_585 = vector.broadcast %broadcast_in_dim3A_584 : i32 to vector<16xi32>
        %gather3A_586 = arith.constant 0 : i32
        %gather3A_587 = arith.constant 0 : i32
        %gather3A_588 = tpu.memref_slice %arg8[%scan3A_155, %gather3A_586, %gather3A_587] : memref<2x512x32xf32, #tpu.memory_space<vmem>> -> memref<1x512x32xf32, #tpu.memory_space<vmem>>
        %gather3A_589 = tpu.memref_squeeze %gather3A_588 : memref<1x512x32xf32, #tpu.memory_space<vmem>> -> memref<512x32xf32, #tpu.memory_space<vmem>>
        %gather3A_590 = tpu.vector_load_idx %gather3A_589[%add3A_349, %broadcast_in_dim3A_585] : memref<512x32xf32, #tpu.memory_space<vmem>>[vector<16xi32>, vector<16xi32>], vector<16xf32>,
        %add3A_591 = arith.addf %add3A_551, %gather3A_590 : vector<16xf32>
        %mul3A_592 = arith.mulf %gather3A_590, %gather3A_590 : vector<16xf32>
        %add3A_593 = arith.addf %add3A_553, %mul3A_592 : vector<16xf32>
        %broadcast_in_dim3A_594 = arith.constant 23 : i32
        %broadcast_in_dim3A_595 = vector.broadcast %broadcast_in_dim3A_594 : i32 to vector<16xi32>
        %gather3A_596 = arith.constant 0 : i32
        %gather3A_597 = arith.constant 0 : i32
        %gather3A_598 = tpu.memref_slice %arg8[%scan3A_155, %gather3A_596, %gather3A_597] : memref<2x512x32xf32, #tpu.memory_space<vmem>> -> memref<1x512x32xf32, #tpu.memory_space<vmem>>
        %gather3A_599 = tpu.memref_squeeze %gather3A_598 : memref<1x512x32xf32, #tpu.memory_space<vmem>> -> memref<512x32xf32, #tpu.memory_space<vmem>>
        %gather3A_600 = tpu.vector_load_idx %gather3A_599[%add3A_349, %broadcast_in_dim3A_595] : memref<512x32xf32, #tpu.memory_space<vmem>>[vector<16xi32>, vector<16xi32>], vector<16xf32>,
        %add3A_601 = arith.addf %add3A_561, %gather3A_600 : vector<16xf32>
        %mul3A_602 = arith.mulf %gather3A_600, %gather3A_600 : vector<16xf32>
        %add3A_603 = arith.addf %add3A_563, %mul3A_602 : vector<16xf32>
        %broadcast_in_dim3A_604 = arith.constant 24 : i32
        %broadcast_in_dim3A_605 = vector.broadcast %broadcast_in_dim3A_604 : i32 to vector<16xi32>
        %gather3A_606 = arith.constant 0 : i32
        %gather3A_607 = arith.constant 0 : i32
        %gather3A_608 = tpu.memref_slice %arg8[%scan3A_155, %gather3A_606, %gather3A_607] : memref<2x512x32xf32, #tpu.memory_space<vmem>> -> memref<1x512x32xf32, #tpu.memory_space<vmem>>
        %gather3A_609 = tpu.memref_squeeze %gather3A_608 : memref<1x512x32xf32, #tpu.memory_space<vmem>> -> memref<512x32xf32, #tpu.memory_space<vmem>>
        %gather3A_610 = tpu.vector_load_idx %gather3A_609[%add3A_349, %broadcast_in_dim3A_605] : memref<512x32xf32, #tpu.memory_space<vmem>>[vector<16xi32>, vector<16xi32>], vector<16xf32>,
        %add3A_611 = arith.addf %add3A_571, %gather3A_610 : vector<16xf32>
        %mul3A_612 = arith.mulf %gather3A_610, %gather3A_610 : vector<16xf32>
        %add3A_613 = arith.addf %add3A_573, %mul3A_612 : vector<16xf32>
        %broadcast_in_dim3A_614 = arith.constant 25 : i32
        %broadcast_in_dim3A_615 = vector.broadcast %broadcast_in_dim3A_614 : i32 to vector<16xi32>
        %gather3A_616 = arith.constant 0 : i32
        %gather3A_617 = arith.constant 0 : i32
        %gather3A_618 = tpu.memref_slice %arg8[%scan3A_155, %gather3A_616, %gather3A_617] : memref<2x512x32xf32, #tpu.memory_space<vmem>> -> memref<1x512x32xf32, #tpu.memory_space<vmem>>
        %gather3A_619 = tpu.memref_squeeze %gather3A_618 : memref<1x512x32xf32, #tpu.memory_space<vmem>> -> memref<512x32xf32, #tpu.memory_space<vmem>>
        %gather3A_620 = tpu.vector_load_idx %gather3A_619[%add3A_349, %broadcast_in_dim3A_615] : memref<512x32xf32, #tpu.memory_space<vmem>>[vector<16xi32>, vector<16xi32>], vector<16xf32>,
        %add3A_621 = arith.addf %add3A_581, %gather3A_620 : vector<16xf32>
        %mul3A_622 = arith.mulf %gather3A_620, %gather3A_620 : vector<16xf32>
        %add3A_623 = arith.addf %add3A_583, %mul3A_622 : vector<16xf32>
        %broadcast_in_dim3A_624 = arith.constant 26 : i32
        %broadcast_in_dim3A_625 = vector.broadcast %broadcast_in_dim3A_624 : i32 to vector<16xi32>
        %gather3A_626 = arith.constant 0 : i32
        %gather3A_627 = arith.constant 0 : i32
        %gather3A_628 = tpu.memref_slice %arg8[%scan3A_155, %gather3A_626, %gather3A_627] : memref<2x512x32xf32, #tpu.memory_space<vmem>> -> memref<1x512x32xf32, #tpu.memory_space<vmem>>
        %gather3A_629 = tpu.memref_squeeze %gather3A_628 : memref<1x512x32xf32, #tpu.memory_space<vmem>> -> memref<512x32xf32, #tpu.memory_space<vmem>>
        %gather3A_630 = tpu.vector_load_idx %gather3A_629[%add3A_349, %broadcast_in_dim3A_625] : memref<512x32xf32, #tpu.memory_space<vmem>>[vector<16xi32>, vector<16xi32>], vector<16xf32>,
        %add3A_631 = arith.addf %add3A_591, %gather3A_630 : vector<16xf32>
        %mul3A_632 = arith.mulf %gather3A_630, %gather3A_630 : vector<16xf32>
        %add3A_633 = arith.addf %add3A_593, %mul3A_632 : vector<16xf32>
        %broadcast_in_dim3A_634 = arith.constant 27 : i32
        %broadcast_in_dim3A_635 = vector.broadcast %broadcast_in_dim3A_634 : i32 to vector<16xi32>
        %gather3A_636 = arith.constant 0 : i32
        %gather3A_637 = arith.constant 0 : i32
        %gather3A_638 = tpu.memref_slice %arg8[%scan3A_155, %gather3A_636, %gather3A_637] : memref<2x512x32xf32, #tpu.memory_space<vmem>> -> memref<1x512x32xf32, #tpu.memory_space<vmem>>
        %gather3A_639 = tpu.memref_squeeze %gather3A_638 : memref<1x512x32xf32, #tpu.memory_space<vmem>> -> memref<512x32xf32, #tpu.memory_space<vmem>>
        %gather3A_640 = tpu.vector_load_idx %gather3A_639[%add3A_349, %broadcast_in_dim3A_635] : memref<512x32xf32, #tpu.memory_space<vmem>>[vector<16xi32>, vector<16xi32>], vector<16xf32>,
        %add3A_641 = arith.addf %add3A_601, %gather3A_640 : vector<16xf32>
        %mul3A_642 = arith.mulf %gather3A_640, %gather3A_640 : vector<16xf32>
        %add3A_643 = arith.addf %add3A_603, %mul3A_642 : vector<16xf32>
        %broadcast_in_dim3A_644 = arith.constant 28 : i32
        %broadcast_in_dim3A_645 = vector.broadcast %broadcast_in_dim3A_644 : i32 to vector<16xi32>
        %gather3A_646 = arith.constant 0 : i32
        %gather3A_647 = arith.constant 0 : i32
        %gather3A_648 = tpu.memref_slice %arg8[%scan3A_155, %gather3A_646, %gather3A_647] : memref<2x512x32xf32, #tpu.memory_space<vmem>> -> memref<1x512x32xf32, #tpu.memory_space<vmem>>
        %gather3A_649 = tpu.memref_squeeze %gather3A_648 : memref<1x512x32xf32, #tpu.memory_space<vmem>> -> memref<512x32xf32, #tpu.memory_space<vmem>>
        %gather3A_650 = tpu.vector_load_idx %gather3A_649[%add3A_349, %broadcast_in_dim3A_645] : memref<512x32xf32, #tpu.memory_space<vmem>>[vector<16xi32>, vector<16xi32>], vector<16xf32>,
        %add3A_651 = arith.addf %add3A_611, %gather3A_650 : vector<16xf32>
        %mul3A_652 = arith.mulf %gather3A_650, %gather3A_650 : vector<16xf32>
        %add3A_653 = arith.addf %add3A_613, %mul3A_652 : vector<16xf32>
        %broadcast_in_dim3A_654 = arith.constant 29 : i32
        %broadcast_in_dim3A_655 = vector.broadcast %broadcast_in_dim3A_654 : i32 to vector<16xi32>
        %gather3A_656 = arith.constant 0 : i32
        %gather3A_657 = arith.constant 0 : i32
        %gather3A_658 = tpu.memref_slice %arg8[%scan3A_155, %gather3A_656, %gather3A_657] : memref<2x512x32xf32, #tpu.memory_space<vmem>> -> memref<1x512x32xf32, #tpu.memory_space<vmem>>
        %gather3A_659 = tpu.memref_squeeze %gather3A_658 : memref<1x512x32xf32, #tpu.memory_space<vmem>> -> memref<512x32xf32, #tpu.memory_space<vmem>>
        %gather3A_660 = tpu.vector_load_idx %gather3A_659[%add3A_349, %broadcast_in_dim3A_655] : memref<512x32xf32, #tpu.memory_space<vmem>>[vector<16xi32>, vector<16xi32>], vector<16xf32>,
        %add3A_661 = arith.addf %add3A_621, %gather3A_660 : vector<16xf32>
        %mul3A_662 = arith.mulf %gather3A_660, %gather3A_660 : vector<16xf32>
        %add3A_663 = arith.addf %add3A_623, %mul3A_662 : vector<16xf32>
        %broadcast_in_dim3A_664 = arith.constant 30 : i32
        %broadcast_in_dim3A_665 = vector.broadcast %broadcast_in_dim3A_664 : i32 to vector<16xi32>
        %gather3A_666 = arith.constant 0 : i32
        %gather3A_667 = arith.constant 0 : i32
        %gather3A_668 = tpu.memref_slice %arg8[%scan3A_155, %gather3A_666, %gather3A_667] : memref<2x512x32xf32, #tpu.memory_space<vmem>> -> memref<1x512x32xf32, #tpu.memory_space<vmem>>
        %gather3A_669 = tpu.memref_squeeze %gather3A_668 : memref<1x512x32xf32, #tpu.memory_space<vmem>> -> memref<512x32xf32, #tpu.memory_space<vmem>>
        %gather3A_670 = tpu.vector_load_idx %gather3A_669[%add3A_349, %broadcast_in_dim3A_665] : memref<512x32xf32, #tpu.memory_space<vmem>>[vector<16xi32>, vector<16xi32>], vector<16xf32>,
        %add3A_671 = arith.addf %add3A_631, %gather3A_670 : vector<16xf32>
        %mul3A_672 = arith.mulf %gather3A_670, %gather3A_670 : vector<16xf32>
        %add3A_673 = arith.addf %add3A_633, %mul3A_672 : vector<16xf32>
        %broadcast_in_dim3A_674 = arith.constant 31 : i32
        %broadcast_in_dim3A_675 = vector.broadcast %broadcast_in_dim3A_674 : i32 to vector<16xi32>
        %gather3A_676 = arith.constant 0 : i32
        %gather3A_677 = arith.constant 0 : i32
        %gather3A_678 = tpu.memref_slice %arg8[%scan3A_155, %gather3A_676, %gather3A_677] : memref<2x512x32xf32, #tpu.memory_space<vmem>> -> memref<1x512x32xf32, #tpu.memory_space<vmem>>
        %gather3A_679 = tpu.memref_squeeze %gather3A_678 : memref<1x512x32xf32, #tpu.memory_space<vmem>> -> memref<512x32xf32, #tpu.memory_space<vmem>>
        %gather3A_680 = tpu.vector_load_idx %gather3A_679[%add3A_349, %broadcast_in_dim3A_675] : memref<512x32xf32, #tpu.memory_space<vmem>>[vector<16xi32>, vector<16xi32>], vector<16xf32>,
        %add3A_681 = arith.addf %add3A_641, %gather3A_680 : vector<16xf32>
        %mul3A_682 = arith.mulf %gather3A_680, %gather3A_680 : vector<16xf32>
        %add3A_683 = arith.addf %add3A_643, %mul3A_682 : vector<16xf32>
        %add3A_684 = arith.addf %add3A_651, %add3A_661 : vector<16xf32>
        %add3A_685 = arith.addf %add3A_671, %add3A_681 : vector<16xf32>
        %add3A_686 = arith.addf %add3A_684, %add3A_685 : vector<16xf32>
        %add3A_687 = arith.addf %add3A_653, %add3A_663 : vector<16xf32>
        %add3A_688 = arith.addf %add3A_673, %add3A_683 : vector<16xf32>
        %add3A_689 = arith.addf %add3A_687, %add3A_688 : vector<16xf32>
        %mul3A_690 = arith.constant 3.125000e-02 : f32
        %mul3A_691 = vector.broadcast %mul3A_690 : f32 to vector<16xf32>
        %mul3A_692 = arith.mulf %add3A_686, %mul3A_691 : vector<16xf32>
        %mul3A_693 = arith.constant 3.125000e-02 : f32
        %mul3A_694 = vector.broadcast %mul3A_693 : f32 to vector<16xf32>
        %mul3A_695 = arith.mulf %add3A_689, %mul3A_694 : vector<16xf32>
        %mul3A_696 = arith.mulf %mul3A_692, %mul3A_692 : vector<16xf32>
        %sub3A_697 = arith.subf %mul3A_695, %mul3A_696 : vector<16xf32>
        %add3A_698 = arith.constant 9.99999974E-6 : f32
        %add3A_699 = vector.broadcast %add3A_698 : f32 to vector<16xf32>
        %add3A_700 = arith.addf %sub3A_697, %add3A_699 : vector<16xf32>
        %bitcast3A = vector.bitcast %add3A_700 : vector<16xf32> to vector<16xi32>
        %shift_right_arithmetic3A = arith.constant 1 : i32
        %shift_right_arithmetic3A_701 = vector.broadcast %shift_right_arithmetic3A : i32 to vector<16xi32>
        %shift_right_arithmetic3A_702 = arith.shrsi %bitcast3A, %shift_right_arithmetic3A_701 : vector<16xi32>
        %sub3A_703 = arith.constant 1597463007 : i32
        %sub3A_704 = vector.broadcast %sub3A_703 : i32 to vector<16xi32>
        %sub3A_705 = arith.subi %sub3A_704, %shift_right_arithmetic3A_702 : vector<16xi32>
        %bitcast3A_706 = vector.bitcast %sub3A_705 : vector<16xi32> to vector<16xf32>
        %mul3A_707 = arith.constant 5.000000e-01 : f32
        %mul3A_708 = vector.broadcast %mul3A_707 : f32 to vector<16xf32>
        %mul3A_709 = arith.mulf %mul3A_708, %add3A_700 : vector<16xf32>
        %mul3A_710 = arith.mulf %mul3A_709, %bitcast3A_706 : vector<16xf32>
        %mul3A_711 = arith.mulf %mul3A_710, %bitcast3A_706 : vector<16xf32>
        %sub3A_712 = arith.constant 1.500000e+00 : f32
        %sub3A_713 = vector.broadcast %sub3A_712 : f32 to vector<16xf32>
        %sub3A_714 = arith.subf %sub3A_713, %mul3A_711 : vector<16xf32>
        %mul3A_715 = arith.mulf %bitcast3A_706, %sub3A_714 : vector<16xf32>
        %mul3A_716 = arith.constant 5.000000e-01 : f32
        %mul3A_717 = vector.broadcast %mul3A_716 : f32 to vector<16xf32>
        %mul3A_718 = arith.mulf %mul3A_717, %add3A_700 : vector<16xf32>
        %mul3A_719 = arith.mulf %mul3A_718, %mul3A_715 : vector<16xf32>
        %mul3A_720 = arith.mulf %mul3A_719, %mul3A_715 : vector<16xf32>
        %sub3A_721 = arith.constant 1.500000e+00 : f32
        %sub3A_722 = vector.broadcast %sub3A_721 : f32 to vector<16xf32>
        %sub3A_723 = arith.subf %sub3A_722, %mul3A_720 : vector<16xf32>
        %mul3A_724 = arith.mulf %mul3A_715, %sub3A_723 : vector<16xf32>
        %mul3A_725 = arith.constant 5.000000e-01 : f32
        %mul3A_726 = vector.broadcast %mul3A_725 : f32 to vector<16xf32>
        %mul3A_727 = arith.mulf %mul3A_726, %add3A_700 : vector<16xf32>
        %mul3A_728 = arith.mulf %mul3A_727, %mul3A_724 : vector<16xf32>
        %mul3A_729 = arith.mulf %mul3A_728, %mul3A_724 : vector<16xf32>
        %sub3A_730 = arith.constant 1.500000e+00 : f32
        %sub3A_731 = vector.broadcast %sub3A_730 : f32 to vector<16xf32>
        %sub3A_732 = arith.subf %sub3A_731, %mul3A_729 : vector<16xf32>
        %mul3A_733 = arith.mulf %mul3A_724, %sub3A_732 : vector<16xf32>
        %mul3A_734 = arith.mulf %mul3A_692, %mul3A_733 : vector<16xf32>
        %jit3A_735 = arith.constant 8 : i32
        %div3A_736 = arith.divsi %scan3A_345, %jit3A_735 : i32
        %sign3A_737 = arith.constant 0 : i32
        %sign3A_738 = arith.cmpi sgt, %scan3A_345, %sign3A_737 : i32
        %sign3A_739 = arith.extui %sign3A_738 : i1 to i32
        %sign3A_740 = arith.constant 0 : i32
        %sign3A_741 = arith.cmpi slt, %scan3A_345, %sign3A_740 : i32
        %sign3A_742 = arith.extui %sign3A_741 : i1 to i32
        %sign3A_743 = arith.subi %sign3A_739, %sign3A_742 : i32
        %sign3A_744 = arith.constant 0 : i32
        %sign3A_745 = arith.cmpi sgt, %jit3A_735, %sign3A_744 : i32
        %sign3A_746 = arith.extui %sign3A_745 : i1 to i32
        %sign3A_747 = arith.constant 0 : i32
        %sign3A_748 = arith.cmpi slt, %jit3A_735, %sign3A_747 : i32
        %sign3A_749 = arith.extui %sign3A_748 : i1 to i32
        %sign3A_750 = arith.subi %sign3A_746, %sign3A_749 : i32
        %ne3A_751 = arith.cmpi ne, %sign3A_743, %sign3A_750 : i32
        %rem3A_752 = arith.remsi %scan3A_345, %jit3A_735 : i32
        %ne3A_753 = arith.constant 0 : i32
        %ne3A_754 = arith.cmpi ne, %rem3A_752, %ne3A_753 : i32
        %and3A_755 = arith.andi %ne3A_751, %ne3A_754 : i1
        %sub3A_756 = arith.constant 1 : i32
        %sub3A_757 = arith.subi %div3A_736, %sub3A_756 : i32
        %select_n3A_758 = arith.select %and3A_755, %sub3A_757, %div3A_736 : i32
        %jit3A_759 = arith.constant 8 : i32
        %eq3A_760 = arith.constant 0 : i32
        %eq3A_761 = arith.cmpi eq, %jit3A_759, %eq3A_760 : i32
        %jit3A_762 = arith.constant 1 : i32
        %select_n3A_763 = arith.select %eq3A_761, %jit3A_762, %jit3A_759 : i32
        %rem3A_764 = arith.remsi %scan3A_345, %select_n3A_763 : i32
        %ne3A_765 = arith.constant 0 : i32
        %ne3A_766 = arith.cmpi ne, %rem3A_764, %ne3A_765 : i32
        %lt3A_767 = arith.constant 0 : i32
        %lt3A_768 = arith.cmpi slt, %rem3A_764, %lt3A_767 : i32
        %lt3A_769 = arith.constant 0 : i32
        %lt3A_770 = arith.cmpi slt, %select_n3A_763, %lt3A_769 : i32
        %ne3A_771 = arith.xori %lt3A_768, %lt3A_770 : i1
        %and3A_772 = arith.andi %ne3A_771, %ne3A_766 : i1
        %add3A_773 = arith.addi %rem3A_764, %select_n3A_763 : i32
        %select_n3A_774 = arith.select %and3A_772, %add3A_773, %rem3A_764 : i32
        %mul3A_775 = arith.constant 16 : i32
        %mul3A_776 = arith.muli %select_n3A_774, %mul3A_775 : i32
        %broadcast_in_dim3A_777 = arith.constant 0 : i32
        %broadcast_in_dim3A_778 = vector.broadcast %broadcast_in_dim3A_777 : i32 to vector<16xi32>
        %gather3A_779 = arith.constant 0 : i32
        %gather3A_780 = arith.constant 0 : i32
        %gather3A_781 = tpu.memref_slice %arg8[%scan3A_155, %gather3A_779, %gather3A_780] : memref<2x512x32xf32, #tpu.memory_space<vmem>> -> memref<1x512x32xf32, #tpu.memory_space<vmem>>
        %gather3A_782 = tpu.memref_squeeze %gather3A_781 : memref<1x512x32xf32, #tpu.memory_space<vmem>> -> memref<512x32xf32, #tpu.memory_space<vmem>>
        %gather3A_783 = tpu.vector_load_idx %gather3A_782[%add3A_349, %broadcast_in_dim3A_778] : memref<512x32xf32, #tpu.memory_space<vmem>>[vector<16xi32>, vector<16xi32>], vector<16xf32>,
        %get3A = arith.constant 0 : index
        %get3A_784 = tpu.vector_load %arg10[%get3A] {strides = array<i32>} : memref<512xf32, #tpu.memory_space<vmem>>, vector<16xf32>,
        %get3A_785 = arith.constant 0 : index
        %get3A_786 = tpu.vector_load %arg11[%get3A_785] {strides = array<i32>} : memref<512xf32, #tpu.memory_space<vmem>>, vector<16xf32>,
        %mul3A_787 = arith.mulf %gather3A_783, %mul3A_733 : vector<16xf32>
        %sub3A_788 = arith.subf %mul3A_787, %mul3A_734 : vector<16xf32>
        %mul3A_789 = arith.mulf %sub3A_788, %get3A_784 : vector<16xf32>
        %add3A_790 = arith.addf %mul3A_789, %get3A_786 : vector<16xf32>
        %mul3A_791 = arith.constant 1024 : i32
        %mul3A_792 = arith.muli %select_n3A_758, %mul3A_791 : i32
        %add3A_793 = arith.constant 0 : i32
        %add3A_794 = arith.addi %mul3A_792, %add3A_793 : i32
        %add3A_795 = arith.addi %add3A_794, %mul3A_776 : i32
        %swap3A = arith.constant 0 : i32
        %swap3A_796 = arith.index_cast %swap3A : i32 to index
        %swap3A_797 = arith.index_cast %add3A_795 : i32 to index
        %swap3A_798 = tpu.vector_load %arg9[%swap3A_796, %swap3A_797] {strides = array<i32>} : memref<4x4096xf32, #tpu.memory_space<vmem>>, vector<16xf32>,
        tpu.vector_store %arg9[%swap3A_796, %swap3A_797], %add3A_790 {strides = array<i32>} : memref<4x4096xf32, #tpu.memory_space<vmem>>, vector<16xf32>,
        %broadcast_in_dim3A_799 = arith.constant 1 : i32
        %broadcast_in_dim3A_800 = vector.broadcast %broadcast_in_dim3A_799 : i32 to vector<16xi32>
        %gather3A_801 = arith.constant 0 : i32
        %gather3A_802 = arith.constant 0 : i32
        %gather3A_803 = tpu.memref_slice %arg8[%scan3A_155, %gather3A_801, %gather3A_802] : memref<2x512x32xf32, #tpu.memory_space<vmem>> -> memref<1x512x32xf32, #tpu.memory_space<vmem>>
        %gather3A_804 = tpu.memref_squeeze %gather3A_803 : memref<1x512x32xf32, #tpu.memory_space<vmem>> -> memref<512x32xf32, #tpu.memory_space<vmem>>
        %gather3A_805 = tpu.vector_load_idx %gather3A_804[%add3A_349, %broadcast_in_dim3A_800] : memref<512x32xf32, #tpu.memory_space<vmem>>[vector<16xi32>, vector<16xi32>], vector<16xf32>,
        %get3A_806 = arith.constant 16 : index
        %get3A_807 = tpu.vector_load %arg10[%get3A_806] {strides = array<i32>} : memref<512xf32, #tpu.memory_space<vmem>>, vector<16xf32>,
        %get3A_808 = arith.constant 16 : index
        %get3A_809 = tpu.vector_load %arg11[%get3A_808] {strides = array<i32>} : memref<512xf32, #tpu.memory_space<vmem>>, vector<16xf32>,
        %mul3A_810 = arith.mulf %gather3A_805, %mul3A_733 : vector<16xf32>
        %sub3A_811 = arith.subf %mul3A_810, %mul3A_734 : vector<16xf32>
        %mul3A_812 = arith.mulf %sub3A_811, %get3A_807 : vector<16xf32>
        %add3A_813 = arith.addf %mul3A_812, %get3A_809 : vector<16xf32>
        %mul3A_814 = arith.constant 1024 : i32
        %mul3A_815 = arith.muli %select_n3A_758, %mul3A_814 : i32
        %add3A_816 = arith.constant 128 : i32
        %add3A_817 = arith.addi %mul3A_815, %add3A_816 : i32
        %add3A_818 = arith.addi %add3A_817, %mul3A_776 : i32
        %swap3A_819 = arith.constant 0 : i32
        %swap3A_820 = arith.index_cast %swap3A_819 : i32 to index
        %swap3A_821 = arith.index_cast %add3A_818 : i32 to index
        %swap3A_822 = tpu.vector_load %arg9[%swap3A_820, %swap3A_821] {strides = array<i32>} : memref<4x4096xf32, #tpu.memory_space<vmem>>, vector<16xf32>,
        tpu.vector_store %arg9[%swap3A_820, %swap3A_821], %add3A_813 {strides = array<i32>} : memref<4x4096xf32, #tpu.memory_space<vmem>>, vector<16xf32>,
        %broadcast_in_dim3A_823 = arith.constant 2 : i32
        %broadcast_in_dim3A_824 = vector.broadcast %broadcast_in_dim3A_823 : i32 to vector<16xi32>
        %gather3A_825 = arith.constant 0 : i32
        %gather3A_826 = arith.constant 0 : i32
        %gather3A_827 = tpu.memref_slice %arg8[%scan3A_155, %gather3A_825, %gather3A_826] : memref<2x512x32xf32, #tpu.memory_space<vmem>> -> memref<1x512x32xf32, #tpu.memory_space<vmem>>
        %gather3A_828 = tpu.memref_squeeze %gather3A_827 : memref<1x512x32xf32, #tpu.memory_space<vmem>> -> memref<512x32xf32, #tpu.memory_space<vmem>>
        %gather3A_829 = tpu.vector_load_idx %gather3A_828[%add3A_349, %broadcast_in_dim3A_824] : memref<512x32xf32, #tpu.memory_space<vmem>>[vector<16xi32>, vector<16xi32>], vector<16xf32>,
        %get3A_830 = arith.constant 32 : index
        %get3A_831 = tpu.vector_load %arg10[%get3A_830] {strides = array<i32>} : memref<512xf32, #tpu.memory_space<vmem>>, vector<16xf32>,
        %get3A_832 = arith.constant 32 : index
        %get3A_833 = tpu.vector_load %arg11[%get3A_832] {strides = array<i32>} : memref<512xf32, #tpu.memory_space<vmem>>, vector<16xf32>,
        %mul3A_834 = arith.mulf %gather3A_829, %mul3A_733 : vector<16xf32>
        %sub3A_835 = arith.subf %mul3A_834, %mul3A_734 : vector<16xf32>
        %mul3A_836 = arith.mulf %sub3A_835, %get3A_831 : vector<16xf32>
        %add3A_837 = arith.addf %mul3A_836, %get3A_833 : vector<16xf32>
        %mul3A_838 = arith.constant 1024 : i32
        %mul3A_839 = arith.muli %select_n3A_758, %mul3A_838 : i32
        %add3A_840 = arith.constant 256 : i32
        %add3A_841 = arith.addi %mul3A_839, %add3A_840 : i32
        %add3A_842 = arith.addi %add3A_841, %mul3A_776 : i32
        %swap3A_843 = arith.constant 0 : i32
        %swap3A_844 = arith.index_cast %swap3A_843 : i32 to index
        %swap3A_845 = arith.index_cast %add3A_842 : i32 to index
        %swap3A_846 = tpu.vector_load %arg9[%swap3A_844, %swap3A_845] {strides = array<i32>} : memref<4x4096xf32, #tpu.memory_space<vmem>>, vector<16xf32>,
        tpu.vector_store %arg9[%swap3A_844, %swap3A_845], %add3A_837 {strides = array<i32>} : memref<4x4096xf32, #tpu.memory_space<vmem>>, vector<16xf32>,
        %broadcast_in_dim3A_847 = arith.constant 3 : i32
        %broadcast_in_dim3A_848 = vector.broadcast %broadcast_in_dim3A_847 : i32 to vector<16xi32>
        %gather3A_849 = arith.constant 0 : i32
        %gather3A_850 = arith.constant 0 : i32
        %gather3A_851 = tpu.memref_slice %arg8[%scan3A_155, %gather3A_849, %gather3A_850] : memref<2x512x32xf32, #tpu.memory_space<vmem>> -> memref<1x512x32xf32, #tpu.memory_space<vmem>>
        %gather3A_852 = tpu.memref_squeeze %gather3A_851 : memref<1x512x32xf32, #tpu.memory_space<vmem>> -> memref<512x32xf32, #tpu.memory_space<vmem>>
        %gather3A_853 = tpu.vector_load_idx %gather3A_852[%add3A_349, %broadcast_in_dim3A_848] : memref<512x32xf32, #tpu.memory_space<vmem>>[vector<16xi32>, vector<16xi32>], vector<16xf32>,
        %get3A_854 = arith.constant 48 : index
        %get3A_855 = tpu.vector_load %arg10[%get3A_854] {strides = array<i32>} : memref<512xf32, #tpu.memory_space<vmem>>, vector<16xf32>,
        %get3A_856 = arith.constant 48 : index
        %get3A_857 = tpu.vector_load %arg11[%get3A_856] {strides = array<i32>} : memref<512xf32, #tpu.memory_space<vmem>>, vector<16xf32>,
        %mul3A_858 = arith.mulf %gather3A_853, %mul3A_733 : vector<16xf32>
        %sub3A_859 = arith.subf %mul3A_858, %mul3A_734 : vector<16xf32>
        %mul3A_860 = arith.mulf %sub3A_859, %get3A_855 : vector<16xf32>
        %add3A_861 = arith.addf %mul3A_860, %get3A_857 : vector<16xf32>
        %mul3A_862 = arith.constant 1024 : i32
        %mul3A_863 = arith.muli %select_n3A_758, %mul3A_862 : i32
        %add3A_864 = arith.constant 384 : i32
        %add3A_865 = arith.addi %mul3A_863, %add3A_864 : i32
        %add3A_866 = arith.addi %add3A_865, %mul3A_776 : i32
        %swap3A_867 = arith.constant 0 : i32
        %swap3A_868 = arith.index_cast %swap3A_867 : i32 to index
        %swap3A_869 = arith.index_cast %add3A_866 : i32 to index
        %swap3A_870 = tpu.vector_load %arg9[%swap3A_868, %swap3A_869] {strides = array<i32>} : memref<4x4096xf32, #tpu.memory_space<vmem>>, vector<16xf32>,
        tpu.vector_store %arg9[%swap3A_868, %swap3A_869], %add3A_861 {strides = array<i32>} : memref<4x4096xf32, #tpu.memory_space<vmem>>, vector<16xf32>,
        %broadcast_in_dim3A_871 = arith.constant 4 : i32
        %broadcast_in_dim3A_872 = vector.broadcast %broadcast_in_dim3A_871 : i32 to vector<16xi32>
        %gather3A_873 = arith.constant 0 : i32
        %gather3A_874 = arith.constant 0 : i32
        %gather3A_875 = tpu.memref_slice %arg8[%scan3A_155, %gather3A_873, %gather3A_874] : memref<2x512x32xf32, #tpu.memory_space<vmem>> -> memref<1x512x32xf32, #tpu.memory_space<vmem>>
        %gather3A_876 = tpu.memref_squeeze %gather3A_875 : memref<1x512x32xf32, #tpu.memory_space<vmem>> -> memref<512x32xf32, #tpu.memory_space<vmem>>
        %gather3A_877 = tpu.vector_load_idx %gather3A_876[%add3A_349, %broadcast_in_dim3A_872] : memref<512x32xf32, #tpu.memory_space<vmem>>[vector<16xi32>, vector<16xi32>], vector<16xf32>,
        %get3A_878 = arith.constant 64 : index
        %get3A_879 = tpu.vector_load %arg10[%get3A_878] {strides = array<i32>} : memref<512xf32, #tpu.memory_space<vmem>>, vector<16xf32>,
        %get3A_880 = arith.constant 64 : index
        %get3A_881 = tpu.vector_load %arg11[%get3A_880] {strides = array<i32>} : memref<512xf32, #tpu.memory_space<vmem>>, vector<16xf32>,
        %mul3A_882 = arith.mulf %gather3A_877, %mul3A_733 : vector<16xf32>
        %sub3A_883 = arith.subf %mul3A_882, %mul3A_734 : vector<16xf32>
        %mul3A_884 = arith.mulf %sub3A_883, %get3A_879 : vector<16xf32>
        %add3A_885 = arith.addf %mul3A_884, %get3A_881 : vector<16xf32>
        %mul3A_886 = arith.constant 1024 : i32
        %mul3A_887 = arith.muli %select_n3A_758, %mul3A_886 : i32
        %add3A_888 = arith.constant 512 : i32
        %add3A_889 = arith.addi %mul3A_887, %add3A_888 : i32
        %add3A_890 = arith.addi %add3A_889, %mul3A_776 : i32
        %swap3A_891 = arith.constant 0 : i32
        %swap3A_892 = arith.index_cast %swap3A_891 : i32 to index
        %swap3A_893 = arith.index_cast %add3A_890 : i32 to index
        %swap3A_894 = tpu.vector_load %arg9[%swap3A_892, %swap3A_893] {strides = array<i32>} : memref<4x4096xf32, #tpu.memory_space<vmem>>, vector<16xf32>,
        tpu.vector_store %arg9[%swap3A_892, %swap3A_893], %add3A_885 {strides = array<i32>} : memref<4x4096xf32, #tpu.memory_space<vmem>>, vector<16xf32>,
        %broadcast_in_dim3A_895 = arith.constant 5 : i32
        %broadcast_in_dim3A_896 = vector.broadcast %broadcast_in_dim3A_895 : i32 to vector<16xi32>
        %gather3A_897 = arith.constant 0 : i32
        %gather3A_898 = arith.constant 0 : i32
        %gather3A_899 = tpu.memref_slice %arg8[%scan3A_155, %gather3A_897, %gather3A_898] : memref<2x512x32xf32, #tpu.memory_space<vmem>> -> memref<1x512x32xf32, #tpu.memory_space<vmem>>
        %gather3A_900 = tpu.memref_squeeze %gather3A_899 : memref<1x512x32xf32, #tpu.memory_space<vmem>> -> memref<512x32xf32, #tpu.memory_space<vmem>>
        %gather3A_901 = tpu.vector_load_idx %gather3A_900[%add3A_349, %broadcast_in_dim3A_896] : memref<512x32xf32, #tpu.memory_space<vmem>>[vector<16xi32>, vector<16xi32>], vector<16xf32>,
        %get3A_902 = arith.constant 80 : index
        %get3A_903 = tpu.vector_load %arg10[%get3A_902] {strides = array<i32>} : memref<512xf32, #tpu.memory_space<vmem>>, vector<16xf32>,
        %get3A_904 = arith.constant 80 : index
        %get3A_905 = tpu.vector_load %arg11[%get3A_904] {strides = array<i32>} : memref<512xf32, #tpu.memory_space<vmem>>, vector<16xf32>,
        %mul3A_906 = arith.mulf %gather3A_901, %mul3A_733 : vector<16xf32>
        %sub3A_907 = arith.subf %mul3A_906, %mul3A_734 : vector<16xf32>
        %mul3A_908 = arith.mulf %sub3A_907, %get3A_903 : vector<16xf32>
        %add3A_909 = arith.addf %mul3A_908, %get3A_905 : vector<16xf32>
        %mul3A_910 = arith.constant 1024 : i32
        %mul3A_911 = arith.muli %select_n3A_758, %mul3A_910 : i32
        %add3A_912 = arith.constant 640 : i32
        %add3A_913 = arith.addi %mul3A_911, %add3A_912 : i32
        %add3A_914 = arith.addi %add3A_913, %mul3A_776 : i32
        %swap3A_915 = arith.constant 0 : i32
        %swap3A_916 = arith.index_cast %swap3A_915 : i32 to index
        %swap3A_917 = arith.index_cast %add3A_914 : i32 to index
        %swap3A_918 = tpu.vector_load %arg9[%swap3A_916, %swap3A_917] {strides = array<i32>} : memref<4x4096xf32, #tpu.memory_space<vmem>>, vector<16xf32>,
        tpu.vector_store %arg9[%swap3A_916, %swap3A_917], %add3A_909 {strides = array<i32>} : memref<4x4096xf32, #tpu.memory_space<vmem>>, vector<16xf32>,
        %broadcast_in_dim3A_919 = arith.constant 6 : i32
        %broadcast_in_dim3A_920 = vector.broadcast %broadcast_in_dim3A_919 : i32 to vector<16xi32>
        %gather3A_921 = arith.constant 0 : i32
        %gather3A_922 = arith.constant 0 : i32
        %gather3A_923 = tpu.memref_slice %arg8[%scan3A_155, %gather3A_921, %gather3A_922] : memref<2x512x32xf32, #tpu.memory_space<vmem>> -> memref<1x512x32xf32, #tpu.memory_space<vmem>>
        %gather3A_924 = tpu.memref_squeeze %gather3A_923 : memref<1x512x32xf32, #tpu.memory_space<vmem>> -> memref<512x32xf32, #tpu.memory_space<vmem>>
        %gather3A_925 = tpu.vector_load_idx %gather3A_924[%add3A_349, %broadcast_in_dim3A_920] : memref<512x32xf32, #tpu.memory_space<vmem>>[vector<16xi32>, vector<16xi32>], vector<16xf32>,
        %get3A_926 = arith.constant 96 : index
        %get3A_927 = tpu.vector_load %arg10[%get3A_926] {strides = array<i32>} : memref<512xf32, #tpu.memory_space<vmem>>, vector<16xf32>,
        %get3A_928 = arith.constant 96 : index
        %get3A_929 = tpu.vector_load %arg11[%get3A_928] {strides = array<i32>} : memref<512xf32, #tpu.memory_space<vmem>>, vector<16xf32>,
        %mul3A_930 = arith.mulf %gather3A_925, %mul3A_733 : vector<16xf32>
        %sub3A_931 = arith.subf %mul3A_930, %mul3A_734 : vector<16xf32>
        %mul3A_932 = arith.mulf %sub3A_931, %get3A_927 : vector<16xf32>
        %add3A_933 = arith.addf %mul3A_932, %get3A_929 : vector<16xf32>
        %mul3A_934 = arith.constant 1024 : i32
        %mul3A_935 = arith.muli %select_n3A_758, %mul3A_934 : i32
        %add3A_936 = arith.constant 768 : i32
        %add3A_937 = arith.addi %mul3A_935, %add3A_936 : i32
        %add3A_938 = arith.addi %add3A_937, %mul3A_776 : i32
        %swap3A_939 = arith.constant 0 : i32
        %swap3A_940 = arith.index_cast %swap3A_939 : i32 to index
        %swap3A_941 = arith.index_cast %add3A_938 : i32 to index
        %swap3A_942 = tpu.vector_load %arg9[%swap3A_940, %swap3A_941] {strides = array<i32>} : memref<4x4096xf32, #tpu.memory_space<vmem>>, vector<16xf32>,
        tpu.vector_store %arg9[%swap3A_940, %swap3A_941], %add3A_933 {strides = array<i32>} : memref<4x4096xf32, #tpu.memory_space<vmem>>, vector<16xf32>,
        %broadcast_in_dim3A_943 = arith.constant 7 : i32
        %broadcast_in_dim3A_944 = vector.broadcast %broadcast_in_dim3A_943 : i32 to vector<16xi32>
        %gather3A_945 = arith.constant 0 : i32
        %gather3A_946 = arith.constant 0 : i32
        %gather3A_947 = tpu.memref_slice %arg8[%scan3A_155, %gather3A_945, %gather3A_946] : memref<2x512x32xf32, #tpu.memory_space<vmem>> -> memref<1x512x32xf32, #tpu.memory_space<vmem>>
        %gather3A_948 = tpu.memref_squeeze %gather3A_947 : memref<1x512x32xf32, #tpu.memory_space<vmem>> -> memref<512x32xf32, #tpu.memory_space<vmem>>
        %gather3A_949 = tpu.vector_load_idx %gather3A_948[%add3A_349, %broadcast_in_dim3A_944] : memref<512x32xf32, #tpu.memory_space<vmem>>[vector<16xi32>, vector<16xi32>], vector<16xf32>,
        %get3A_950 = arith.constant 112 : index
        %get3A_951 = tpu.vector_load %arg10[%get3A_950] {strides = array<i32>} : memref<512xf32, #tpu.memory_space<vmem>>, vector<16xf32>,
        %get3A_952 = arith.constant 112 : index
        %get3A_953 = tpu.vector_load %arg11[%get3A_952] {strides = array<i32>} : memref<512xf32, #tpu.memory_space<vmem>>, vector<16xf32>,
        %mul3A_954 = arith.mulf %gather3A_949, %mul3A_733 : vector<16xf32>
        %sub3A_955 = arith.subf %mul3A_954, %mul3A_734 : vector<16xf32>
        %mul3A_956 = arith.mulf %sub3A_955, %get3A_951 : vector<16xf32>
        %add3A_957 = arith.addf %mul3A_956, %get3A_953 : vector<16xf32>
        %mul3A_958 = arith.constant 1024 : i32
        %mul3A_959 = arith.muli %select_n3A_758, %mul3A_958 : i32
        %add3A_960 = arith.constant 896 : i32
        %add3A_961 = arith.addi %mul3A_959, %add3A_960 : i32
        %add3A_962 = arith.addi %add3A_961, %mul3A_776 : i32
        %swap3A_963 = arith.constant 0 : i32
        %swap3A_964 = arith.index_cast %swap3A_963 : i32 to index
        %swap3A_965 = arith.index_cast %add3A_962 : i32 to index
        %swap3A_966 = tpu.vector_load %arg9[%swap3A_964, %swap3A_965] {strides = array<i32>} : memref<4x4096xf32, #tpu.memory_space<vmem>>, vector<16xf32>,
        tpu.vector_store %arg9[%swap3A_964, %swap3A_965], %add3A_957 {strides = array<i32>} : memref<4x4096xf32, #tpu.memory_space<vmem>>, vector<16xf32>,
        %broadcast_in_dim3A_967 = arith.constant 8 : i32
        %broadcast_in_dim3A_968 = vector.broadcast %broadcast_in_dim3A_967 : i32 to vector<16xi32>
        %gather3A_969 = arith.constant 0 : i32
        %gather3A_970 = arith.constant 0 : i32
        %gather3A_971 = tpu.memref_slice %arg8[%scan3A_155, %gather3A_969, %gather3A_970] : memref<2x512x32xf32, #tpu.memory_space<vmem>> -> memref<1x512x32xf32, #tpu.memory_space<vmem>>
        %gather3A_972 = tpu.memref_squeeze %gather3A_971 : memref<1x512x32xf32, #tpu.memory_space<vmem>> -> memref<512x32xf32, #tpu.memory_space<vmem>>
        %gather3A_973 = tpu.vector_load_idx %gather3A_972[%add3A_349, %broadcast_in_dim3A_968] : memref<512x32xf32, #tpu.memory_space<vmem>>[vector<16xi32>, vector<16xi32>], vector<16xf32>,
        %get3A_974 = arith.constant 128 : index
        %get3A_975 = tpu.vector_load %arg10[%get3A_974] {strides = array<i32>} : memref<512xf32, #tpu.memory_space<vmem>>, vector<16xf32>,
        %get3A_976 = arith.constant 128 : index
        %get3A_977 = tpu.vector_load %arg11[%get3A_976] {strides = array<i32>} : memref<512xf32, #tpu.memory_space<vmem>>, vector<16xf32>,
        %mul3A_978 = arith.mulf %gather3A_973, %mul3A_733 : vector<16xf32>
        %sub3A_979 = arith.subf %mul3A_978, %mul3A_734 : vector<16xf32>
        %mul3A_980 = arith.mulf %sub3A_979, %get3A_975 : vector<16xf32>
        %add3A_981 = arith.addf %mul3A_980, %get3A_977 : vector<16xf32>
        %mul3A_982 = arith.constant 1024 : i32
        %mul3A_983 = arith.muli %select_n3A_758, %mul3A_982 : i32
        %add3A_984 = arith.constant 0 : i32
        %add3A_985 = arith.addi %mul3A_983, %add3A_984 : i32
        %add3A_986 = arith.addi %add3A_985, %mul3A_776 : i32
        %swap3A_987 = arith.constant 1 : i32
        %swap3A_988 = arith.index_cast %swap3A_987 : i32 to index
        %swap3A_989 = arith.index_cast %add3A_986 : i32 to index
        %swap3A_990 = tpu.vector_load %arg9[%swap3A_988, %swap3A_989] {strides = array<i32>} : memref<4x4096xf32, #tpu.memory_space<vmem>>, vector<16xf32>,
        tpu.vector_store %arg9[%swap3A_988, %swap3A_989], %add3A_981 {strides = array<i32>} : memref<4x4096xf32, #tpu.memory_space<vmem>>, vector<16xf32>,
        %broadcast_in_dim3A_991 = arith.constant 9 : i32
        %broadcast_in_dim3A_992 = vector.broadcast %broadcast_in_dim3A_991 : i32 to vector<16xi32>
        %gather3A_993 = arith.constant 0 : i32
        %gather3A_994 = arith.constant 0 : i32
        %gather3A_995 = tpu.memref_slice %arg8[%scan3A_155, %gather3A_993, %gather3A_994] : memref<2x512x32xf32, #tpu.memory_space<vmem>> -> memref<1x512x32xf32, #tpu.memory_space<vmem>>
        %gather3A_996 = tpu.memref_squeeze %gather3A_995 : memref<1x512x32xf32, #tpu.memory_space<vmem>> -> memref<512x32xf32, #tpu.memory_space<vmem>>
        %gather3A_997 = tpu.vector_load_idx %gather3A_996[%add3A_349, %broadcast_in_dim3A_992] : memref<512x32xf32, #tpu.memory_space<vmem>>[vector<16xi32>, vector<16xi32>], vector<16xf32>,
        %get3A_998 = arith.constant 144 : index
        %get3A_999 = tpu.vector_load %arg10[%get3A_998] {strides = array<i32>} : memref<512xf32, #tpu.memory_space<vmem>>, vector<16xf32>,
        %get3A_1000 = arith.constant 144 : index
        %get3A_1001 = tpu.vector_load %arg11[%get3A_1000] {strides = array<i32>} : memref<512xf32, #tpu.memory_space<vmem>>, vector<16xf32>,
        %mul3A_1002 = arith.mulf %gather3A_997, %mul3A_733 : vector<16xf32>
        %sub3A_1003 = arith.subf %mul3A_1002, %mul3A_734 : vector<16xf32>
        %mul3A_1004 = arith.mulf %sub3A_1003, %get3A_999 : vector<16xf32>
        %add3A_1005 = arith.addf %mul3A_1004, %get3A_1001 : vector<16xf32>
        %mul3A_1006 = arith.constant 1024 : i32
        %mul3A_1007 = arith.muli %select_n3A_758, %mul3A_1006 : i32
        %add3A_1008 = arith.constant 128 : i32
        %add3A_1009 = arith.addi %mul3A_1007, %add3A_1008 : i32
        %add3A_1010 = arith.addi %add3A_1009, %mul3A_776 : i32
        %swap3A_1011 = arith.constant 1 : i32
        %swap3A_1012 = arith.index_cast %swap3A_1011 : i32 to index
        %swap3A_1013 = arith.index_cast %add3A_1010 : i32 to index
        %swap3A_1014 = tpu.vector_load %arg9[%swap3A_1012, %swap3A_1013] {strides = array<i32>} : memref<4x4096xf32, #tpu.memory_space<vmem>>, vector<16xf32>,
        tpu.vector_store %arg9[%swap3A_1012, %swap3A_1013], %add3A_1005 {strides = array<i32>} : memref<4x4096xf32, #tpu.memory_space<vmem>>, vector<16xf32>,
        %broadcast_in_dim3A_1015 = arith.constant 10 : i32
        %broadcast_in_dim3A_1016 = vector.broadcast %broadcast_in_dim3A_1015 : i32 to vector<16xi32>
        %gather3A_1017 = arith.constant 0 : i32
        %gather3A_1018 = arith.constant 0 : i32
        %gather3A_1019 = tpu.memref_slice %arg8[%scan3A_155, %gather3A_1017, %gather3A_1018] : memref<2x512x32xf32, #tpu.memory_space<vmem>> -> memref<1x512x32xf32, #tpu.memory_space<vmem>>
        %gather3A_1020 = tpu.memref_squeeze %gather3A_1019 : memref<1x512x32xf32, #tpu.memory_space<vmem>> -> memref<512x32xf32, #tpu.memory_space<vmem>>
        %gather3A_1021 = tpu.vector_load_idx %gather3A_1020[%add3A_349, %broadcast_in_dim3A_1016] : memref<512x32xf32, #tpu.memory_space<vmem>>[vector<16xi32>, vector<16xi32>], vector<16xf32>,
        %get3A_1022 = arith.constant 160 : index
        %get3A_1023 = tpu.vector_load %arg10[%get3A_1022] {strides = array<i32>} : memref<512xf32, #tpu.memory_space<vmem>>, vector<16xf32>,
        %get3A_1024 = arith.constant 160 : index
        %get3A_1025 = tpu.vector_load %arg11[%get3A_1024] {strides = array<i32>} : memref<512xf32, #tpu.memory_space<vmem>>, vector<16xf32>,
        %mul3A_1026 = arith.mulf %gather3A_1021, %mul3A_733 : vector<16xf32>
        %sub3A_1027 = arith.subf %mul3A_1026, %mul3A_734 : vector<16xf32>
        %mul3A_1028 = arith.mulf %sub3A_1027, %get3A_1023 : vector<16xf32>
        %add3A_1029 = arith.addf %mul3A_1028, %get3A_1025 : vector<16xf32>
        %mul3A_1030 = arith.constant 1024 : i32
        %mul3A_1031 = arith.muli %select_n3A_758, %mul3A_1030 : i32
        %add3A_1032 = arith.constant 256 : i32
        %add3A_1033 = arith.addi %mul3A_1031, %add3A_1032 : i32
        %add3A_1034 = arith.addi %add3A_1033, %mul3A_776 : i32
        %swap3A_1035 = arith.constant 1 : i32
        %swap3A_1036 = arith.index_cast %swap3A_1035 : i32 to index
        %swap3A_1037 = arith.index_cast %add3A_1034 : i32 to index
        %swap3A_1038 = tpu.vector_load %arg9[%swap3A_1036, %swap3A_1037] {strides = array<i32>} : memref<4x4096xf32, #tpu.memory_space<vmem>>, vector<16xf32>,
        tpu.vector_store %arg9[%swap3A_1036, %swap3A_1037], %add3A_1029 {strides = array<i32>} : memref<4x4096xf32, #tpu.memory_space<vmem>>, vector<16xf32>,
        %broadcast_in_dim3A_1039 = arith.constant 11 : i32
        %broadcast_in_dim3A_1040 = vector.broadcast %broadcast_in_dim3A_1039 : i32 to vector<16xi32>
        %gather3A_1041 = arith.constant 0 : i32
        %gather3A_1042 = arith.constant 0 : i32
        %gather3A_1043 = tpu.memref_slice %arg8[%scan3A_155, %gather3A_1041, %gather3A_1042] : memref<2x512x32xf32, #tpu.memory_space<vmem>> -> memref<1x512x32xf32, #tpu.memory_space<vmem>>
        %gather3A_1044 = tpu.memref_squeeze %gather3A_1043 : memref<1x512x32xf32, #tpu.memory_space<vmem>> -> memref<512x32xf32, #tpu.memory_space<vmem>>
        %gather3A_1045 = tpu.vector_load_idx %gather3A_1044[%add3A_349, %broadcast_in_dim3A_1040] : memref<512x32xf32, #tpu.memory_space<vmem>>[vector<16xi32>, vector<16xi32>], vector<16xf32>,
        %get3A_1046 = arith.constant 176 : index
        %get3A_1047 = tpu.vector_load %arg10[%get3A_1046] {strides = array<i32>} : memref<512xf32, #tpu.memory_space<vmem>>, vector<16xf32>,
        %get3A_1048 = arith.constant 176 : index
        %get3A_1049 = tpu.vector_load %arg11[%get3A_1048] {strides = array<i32>} : memref<512xf32, #tpu.memory_space<vmem>>, vector<16xf32>,
        %mul3A_1050 = arith.mulf %gather3A_1045, %mul3A_733 : vector<16xf32>
        %sub3A_1051 = arith.subf %mul3A_1050, %mul3A_734 : vector<16xf32>
        %mul3A_1052 = arith.mulf %sub3A_1051, %get3A_1047 : vector<16xf32>
        %add3A_1053 = arith.addf %mul3A_1052, %get3A_1049 : vector<16xf32>
        %mul3A_1054 = arith.constant 1024 : i32
        %mul3A_1055 = arith.muli %select_n3A_758, %mul3A_1054 : i32
        %add3A_1056 = arith.constant 384 : i32
        %add3A_1057 = arith.addi %mul3A_1055, %add3A_1056 : i32
        %add3A_1058 = arith.addi %add3A_1057, %mul3A_776 : i32
        %swap3A_1059 = arith.constant 1 : i32
        %swap3A_1060 = arith.index_cast %swap3A_1059 : i32 to index
        %swap3A_1061 = arith.index_cast %add3A_1058 : i32 to index
        %swap3A_1062 = tpu.vector_load %arg9[%swap3A_1060, %swap3A_1061] {strides = array<i32>} : memref<4x4096xf32, #tpu.memory_space<vmem>>, vector<16xf32>,
        tpu.vector_store %arg9[%swap3A_1060, %swap3A_1061], %add3A_1053 {strides = array<i32>} : memref<4x4096xf32, #tpu.memory_space<vmem>>, vector<16xf32>,
        %broadcast_in_dim3A_1063 = arith.constant 12 : i32
        %broadcast_in_dim3A_1064 = vector.broadcast %broadcast_in_dim3A_1063 : i32 to vector<16xi32>
        %gather3A_1065 = arith.constant 0 : i32
        %gather3A_1066 = arith.constant 0 : i32
        %gather3A_1067 = tpu.memref_slice %arg8[%scan3A_155, %gather3A_1065, %gather3A_1066] : memref<2x512x32xf32, #tpu.memory_space<vmem>> -> memref<1x512x32xf32, #tpu.memory_space<vmem>>
        %gather3A_1068 = tpu.memref_squeeze %gather3A_1067 : memref<1x512x32xf32, #tpu.memory_space<vmem>> -> memref<512x32xf32, #tpu.memory_space<vmem>>
        %gather3A_1069 = tpu.vector_load_idx %gather3A_1068[%add3A_349, %broadcast_in_dim3A_1064] : memref<512x32xf32, #tpu.memory_space<vmem>>[vector<16xi32>, vector<16xi32>], vector<16xf32>,
        %get3A_1070 = arith.constant 192 : index
        %get3A_1071 = tpu.vector_load %arg10[%get3A_1070] {strides = array<i32>} : memref<512xf32, #tpu.memory_space<vmem>>, vector<16xf32>,
        %get3A_1072 = arith.constant 192 : index
        %get3A_1073 = tpu.vector_load %arg11[%get3A_1072] {strides = array<i32>} : memref<512xf32, #tpu.memory_space<vmem>>, vector<16xf32>,
        %mul3A_1074 = arith.mulf %gather3A_1069, %mul3A_733 : vector<16xf32>
        %sub3A_1075 = arith.subf %mul3A_1074, %mul3A_734 : vector<16xf32>
        %mul3A_1076 = arith.mulf %sub3A_1075, %get3A_1071 : vector<16xf32>
        %add3A_1077 = arith.addf %mul3A_1076, %get3A_1073 : vector<16xf32>
        %mul3A_1078 = arith.constant 1024 : i32
        %mul3A_1079 = arith.muli %select_n3A_758, %mul3A_1078 : i32
        %add3A_1080 = arith.constant 512 : i32
        %add3A_1081 = arith.addi %mul3A_1079, %add3A_1080 : i32
        %add3A_1082 = arith.addi %add3A_1081, %mul3A_776 : i32
        %swap3A_1083 = arith.constant 1 : i32
        %swap3A_1084 = arith.index_cast %swap3A_1083 : i32 to index
        %swap3A_1085 = arith.index_cast %add3A_1082 : i32 to index
        %swap3A_1086 = tpu.vector_load %arg9[%swap3A_1084, %swap3A_1085] {strides = array<i32>} : memref<4x4096xf32, #tpu.memory_space<vmem>>, vector<16xf32>,
        tpu.vector_store %arg9[%swap3A_1084, %swap3A_1085], %add3A_1077 {strides = array<i32>} : memref<4x4096xf32, #tpu.memory_space<vmem>>, vector<16xf32>,
        %broadcast_in_dim3A_1087 = arith.constant 13 : i32
        %broadcast_in_dim3A_1088 = vector.broadcast %broadcast_in_dim3A_1087 : i32 to vector<16xi32>
        %gather3A_1089 = arith.constant 0 : i32
        %gather3A_1090 = arith.constant 0 : i32
        %gather3A_1091 = tpu.memref_slice %arg8[%scan3A_155, %gather3A_1089, %gather3A_1090] : memref<2x512x32xf32, #tpu.memory_space<vmem>> -> memref<1x512x32xf32, #tpu.memory_space<vmem>>
        %gather3A_1092 = tpu.memref_squeeze %gather3A_1091 : memref<1x512x32xf32, #tpu.memory_space<vmem>> -> memref<512x32xf32, #tpu.memory_space<vmem>>
        %gather3A_1093 = tpu.vector_load_idx %gather3A_1092[%add3A_349, %broadcast_in_dim3A_1088] : memref<512x32xf32, #tpu.memory_space<vmem>>[vector<16xi32>, vector<16xi32>], vector<16xf32>,
        %get3A_1094 = arith.constant 208 : index
        %get3A_1095 = tpu.vector_load %arg10[%get3A_1094] {strides = array<i32>} : memref<512xf32, #tpu.memory_space<vmem>>, vector<16xf32>,
        %get3A_1096 = arith.constant 208 : index
        %get3A_1097 = tpu.vector_load %arg11[%get3A_1096] {strides = array<i32>} : memref<512xf32, #tpu.memory_space<vmem>>, vector<16xf32>,
        %mul3A_1098 = arith.mulf %gather3A_1093, %mul3A_733 : vector<16xf32>
        %sub3A_1099 = arith.subf %mul3A_1098, %mul3A_734 : vector<16xf32>
        %mul3A_1100 = arith.mulf %sub3A_1099, %get3A_1095 : vector<16xf32>
        %add3A_1101 = arith.addf %mul3A_1100, %get3A_1097 : vector<16xf32>
        %mul3A_1102 = arith.constant 1024 : i32
        %mul3A_1103 = arith.muli %select_n3A_758, %mul3A_1102 : i32
        %add3A_1104 = arith.constant 640 : i32
        %add3A_1105 = arith.addi %mul3A_1103, %add3A_1104 : i32
        %add3A_1106 = arith.addi %add3A_1105, %mul3A_776 : i32
        %swap3A_1107 = arith.constant 1 : i32
        %swap3A_1108 = arith.index_cast %swap3A_1107 : i32 to index
        %swap3A_1109 = arith.index_cast %add3A_1106 : i32 to index
        %swap3A_1110 = tpu.vector_load %arg9[%swap3A_1108, %swap3A_1109] {strides = array<i32>} : memref<4x4096xf32, #tpu.memory_space<vmem>>, vector<16xf32>,
        tpu.vector_store %arg9[%swap3A_1108, %swap3A_1109], %add3A_1101 {strides = array<i32>} : memref<4x4096xf32, #tpu.memory_space<vmem>>, vector<16xf32>,
        %broadcast_in_dim3A_1111 = arith.constant 14 : i32
        %broadcast_in_dim3A_1112 = vector.broadcast %broadcast_in_dim3A_1111 : i32 to vector<16xi32>
        %gather3A_1113 = arith.constant 0 : i32
        %gather3A_1114 = arith.constant 0 : i32
        %gather3A_1115 = tpu.memref_slice %arg8[%scan3A_155, %gather3A_1113, %gather3A_1114] : memref<2x512x32xf32, #tpu.memory_space<vmem>> -> memref<1x512x32xf32, #tpu.memory_space<vmem>>
        %gather3A_1116 = tpu.memref_squeeze %gather3A_1115 : memref<1x512x32xf32, #tpu.memory_space<vmem>> -> memref<512x32xf32, #tpu.memory_space<vmem>>
        %gather3A_1117 = tpu.vector_load_idx %gather3A_1116[%add3A_349, %broadcast_in_dim3A_1112] : memref<512x32xf32, #tpu.memory_space<vmem>>[vector<16xi32>, vector<16xi32>], vector<16xf32>,
        %get3A_1118 = arith.constant 224 : index
        %get3A_1119 = tpu.vector_load %arg10[%get3A_1118] {strides = array<i32>} : memref<512xf32, #tpu.memory_space<vmem>>, vector<16xf32>,
        %get3A_1120 = arith.constant 224 : index
        %get3A_1121 = tpu.vector_load %arg11[%get3A_1120] {strides = array<i32>} : memref<512xf32, #tpu.memory_space<vmem>>, vector<16xf32>,
        %mul3A_1122 = arith.mulf %gather3A_1117, %mul3A_733 : vector<16xf32>
        %sub3A_1123 = arith.subf %mul3A_1122, %mul3A_734 : vector<16xf32>
        %mul3A_1124 = arith.mulf %sub3A_1123, %get3A_1119 : vector<16xf32>
        %add3A_1125 = arith.addf %mul3A_1124, %get3A_1121 : vector<16xf32>
        %mul3A_1126 = arith.constant 1024 : i32
        %mul3A_1127 = arith.muli %select_n3A_758, %mul3A_1126 : i32
        %add3A_1128 = arith.constant 768 : i32
        %add3A_1129 = arith.addi %mul3A_1127, %add3A_1128 : i32
        %add3A_1130 = arith.addi %add3A_1129, %mul3A_776 : i32
        %swap3A_1131 = arith.constant 1 : i32
        %swap3A_1132 = arith.index_cast %swap3A_1131 : i32 to index
        %swap3A_1133 = arith.index_cast %add3A_1130 : i32 to index
        %swap3A_1134 = tpu.vector_load %arg9[%swap3A_1132, %swap3A_1133] {strides = array<i32>} : memref<4x4096xf32, #tpu.memory_space<vmem>>, vector<16xf32>,
        tpu.vector_store %arg9[%swap3A_1132, %swap3A_1133], %add3A_1125 {strides = array<i32>} : memref<4x4096xf32, #tpu.memory_space<vmem>>, vector<16xf32>,
        %broadcast_in_dim3A_1135 = arith.constant 15 : i32
        %broadcast_in_dim3A_1136 = vector.broadcast %broadcast_in_dim3A_1135 : i32 to vector<16xi32>
        %gather3A_1137 = arith.constant 0 : i32
        %gather3A_1138 = arith.constant 0 : i32
        %gather3A_1139 = tpu.memref_slice %arg8[%scan3A_155, %gather3A_1137, %gather3A_1138] : memref<2x512x32xf32, #tpu.memory_space<vmem>> -> memref<1x512x32xf32, #tpu.memory_space<vmem>>
        %gather3A_1140 = tpu.memref_squeeze %gather3A_1139 : memref<1x512x32xf32, #tpu.memory_space<vmem>> -> memref<512x32xf32, #tpu.memory_space<vmem>>
        %gather3A_1141 = tpu.vector_load_idx %gather3A_1140[%add3A_349, %broadcast_in_dim3A_1136] : memref<512x32xf32, #tpu.memory_space<vmem>>[vector<16xi32>, vector<16xi32>], vector<16xf32>,
        %get3A_1142 = arith.constant 240 : index
        %get3A_1143 = tpu.vector_load %arg10[%get3A_1142] {strides = array<i32>} : memref<512xf32, #tpu.memory_space<vmem>>, vector<16xf32>,
        %get3A_1144 = arith.constant 240 : index
        %get3A_1145 = tpu.vector_load %arg11[%get3A_1144] {strides = array<i32>} : memref<512xf32, #tpu.memory_space<vmem>>, vector<16xf32>,
        %mul3A_1146 = arith.mulf %gather3A_1141, %mul3A_733 : vector<16xf32>
        %sub3A_1147 = arith.subf %mul3A_1146, %mul3A_734 : vector<16xf32>
        %mul3A_1148 = arith.mulf %sub3A_1147, %get3A_1143 : vector<16xf32>
        %add3A_1149 = arith.addf %mul3A_1148, %get3A_1145 : vector<16xf32>
        %mul3A_1150 = arith.constant 1024 : i32
        %mul3A_1151 = arith.muli %select_n3A_758, %mul3A_1150 : i32
        %add3A_1152 = arith.constant 896 : i32
        %add3A_1153 = arith.addi %mul3A_1151, %add3A_1152 : i32
        %add3A_1154 = arith.addi %add3A_1153, %mul3A_776 : i32
        %swap3A_1155 = arith.constant 1 : i32
        %swap3A_1156 = arith.index_cast %swap3A_1155 : i32 to index
        %swap3A_1157 = arith.index_cast %add3A_1154 : i32 to index
        %swap3A_1158 = tpu.vector_load %arg9[%swap3A_1156, %swap3A_1157] {strides = array<i32>} : memref<4x4096xf32, #tpu.memory_space<vmem>>, vector<16xf32>,
        tpu.vector_store %arg9[%swap3A_1156, %swap3A_1157], %add3A_1149 {strides = array<i32>} : memref<4x4096xf32, #tpu.memory_space<vmem>>, vector<16xf32>,
        %broadcast_in_dim3A_1159 = arith.constant 16 : i32
        %broadcast_in_dim3A_1160 = vector.broadcast %broadcast_in_dim3A_1159 : i32 to vector<16xi32>
        %gather3A_1161 = arith.constant 0 : i32
        %gather3A_1162 = arith.constant 0 : i32
        %gather3A_1163 = tpu.memref_slice %arg8[%scan3A_155, %gather3A_1161, %gather3A_1162] : memref<2x512x32xf32, #tpu.memory_space<vmem>> -> memref<1x512x32xf32, #tpu.memory_space<vmem>>
        %gather3A_1164 = tpu.memref_squeeze %gather3A_1163 : memref<1x512x32xf32, #tpu.memory_space<vmem>> -> memref<512x32xf32, #tpu.memory_space<vmem>>
        %gather3A_1165 = tpu.vector_load_idx %gather3A_1164[%add3A_349, %broadcast_in_dim3A_1160] : memref<512x32xf32, #tpu.memory_space<vmem>>[vector<16xi32>, vector<16xi32>], vector<16xf32>,
        %get3A_1166 = arith.constant 256 : index
        %get3A_1167 = tpu.vector_load %arg10[%get3A_1166] {strides = array<i32>} : memref<512xf32, #tpu.memory_space<vmem>>, vector<16xf32>,
        %get3A_1168 = arith.constant 256 : index
        %get3A_1169 = tpu.vector_load %arg11[%get3A_1168] {strides = array<i32>} : memref<512xf32, #tpu.memory_space<vmem>>, vector<16xf32>,
        %mul3A_1170 = arith.mulf %gather3A_1165, %mul3A_733 : vector<16xf32>
        %sub3A_1171 = arith.subf %mul3A_1170, %mul3A_734 : vector<16xf32>
        %mul3A_1172 = arith.mulf %sub3A_1171, %get3A_1167 : vector<16xf32>
        %add3A_1173 = arith.addf %mul3A_1172, %get3A_1169 : vector<16xf32>
        %mul3A_1174 = arith.constant 1024 : i32
        %mul3A_1175 = arith.muli %select_n3A_758, %mul3A_1174 : i32
        %add3A_1176 = arith.constant 0 : i32
        %add3A_1177 = arith.addi %mul3A_1175, %add3A_1176 : i32
        %add3A_1178 = arith.addi %add3A_1177, %mul3A_776 : i32
        %swap3A_1179 = arith.constant 2 : i32
        %swap3A_1180 = arith.index_cast %swap3A_1179 : i32 to index
        %swap3A_1181 = arith.index_cast %add3A_1178 : i32 to index
        %swap3A_1182 = tpu.vector_load %arg9[%swap3A_1180, %swap3A_1181] {strides = array<i32>} : memref<4x4096xf32, #tpu.memory_space<vmem>>, vector<16xf32>,
        tpu.vector_store %arg9[%swap3A_1180, %swap3A_1181], %add3A_1173 {strides = array<i32>} : memref<4x4096xf32, #tpu.memory_space<vmem>>, vector<16xf32>,
        %broadcast_in_dim3A_1183 = arith.constant 17 : i32
        %broadcast_in_dim3A_1184 = vector.broadcast %broadcast_in_dim3A_1183 : i32 to vector<16xi32>
        %gather3A_1185 = arith.constant 0 : i32
        %gather3A_1186 = arith.constant 0 : i32
        %gather3A_1187 = tpu.memref_slice %arg8[%scan3A_155, %gather3A_1185, %gather3A_1186] : memref<2x512x32xf32, #tpu.memory_space<vmem>> -> memref<1x512x32xf32, #tpu.memory_space<vmem>>
        %gather3A_1188 = tpu.memref_squeeze %gather3A_1187 : memref<1x512x32xf32, #tpu.memory_space<vmem>> -> memref<512x32xf32, #tpu.memory_space<vmem>>
        %gather3A_1189 = tpu.vector_load_idx %gather3A_1188[%add3A_349, %broadcast_in_dim3A_1184] : memref<512x32xf32, #tpu.memory_space<vmem>>[vector<16xi32>, vector<16xi32>], vector<16xf32>,
        %get3A_1190 = arith.constant 272 : index
        %get3A_1191 = tpu.vector_load %arg10[%get3A_1190] {strides = array<i32>} : memref<512xf32, #tpu.memory_space<vmem>>, vector<16xf32>,
        %get3A_1192 = arith.constant 272 : index
        %get3A_1193 = tpu.vector_load %arg11[%get3A_1192] {strides = array<i32>} : memref<512xf32, #tpu.memory_space<vmem>>, vector<16xf32>,
        %mul3A_1194 = arith.mulf %gather3A_1189, %mul3A_733 : vector<16xf32>
        %sub3A_1195 = arith.subf %mul3A_1194, %mul3A_734 : vector<16xf32>
        %mul3A_1196 = arith.mulf %sub3A_1195, %get3A_1191 : vector<16xf32>
        %add3A_1197 = arith.addf %mul3A_1196, %get3A_1193 : vector<16xf32>
        %mul3A_1198 = arith.constant 1024 : i32
        %mul3A_1199 = arith.muli %select_n3A_758, %mul3A_1198 : i32
        %add3A_1200 = arith.constant 128 : i32
        %add3A_1201 = arith.addi %mul3A_1199, %add3A_1200 : i32
        %add3A_1202 = arith.addi %add3A_1201, %mul3A_776 : i32
        %swap3A_1203 = arith.constant 2 : i32
        %swap3A_1204 = arith.index_cast %swap3A_1203 : i32 to index
        %swap3A_1205 = arith.index_cast %add3A_1202 : i32 to index
        %swap3A_1206 = tpu.vector_load %arg9[%swap3A_1204, %swap3A_1205] {strides = array<i32>} : memref<4x4096xf32, #tpu.memory_space<vmem>>, vector<16xf32>,
        tpu.vector_store %arg9[%swap3A_1204, %swap3A_1205], %add3A_1197 {strides = array<i32>} : memref<4x4096xf32, #tpu.memory_space<vmem>>, vector<16xf32>,
        %broadcast_in_dim3A_1207 = arith.constant 18 : i32
        %broadcast_in_dim3A_1208 = vector.broadcast %broadcast_in_dim3A_1207 : i32 to vector<16xi32>
        %gather3A_1209 = arith.constant 0 : i32
        %gather3A_1210 = arith.constant 0 : i32
        %gather3A_1211 = tpu.memref_slice %arg8[%scan3A_155, %gather3A_1209, %gather3A_1210] : memref<2x512x32xf32, #tpu.memory_space<vmem>> -> memref<1x512x32xf32, #tpu.memory_space<vmem>>
        %gather3A_1212 = tpu.memref_squeeze %gather3A_1211 : memref<1x512x32xf32, #tpu.memory_space<vmem>> -> memref<512x32xf32, #tpu.memory_space<vmem>>
        %gather3A_1213 = tpu.vector_load_idx %gather3A_1212[%add3A_349, %broadcast_in_dim3A_1208] : memref<512x32xf32, #tpu.memory_space<vmem>>[vector<16xi32>, vector<16xi32>], vector<16xf32>,
        %get3A_1214 = arith.constant 288 : index
        %get3A_1215 = tpu.vector_load %arg10[%get3A_1214] {strides = array<i32>} : memref<512xf32, #tpu.memory_space<vmem>>, vector<16xf32>,
        %get3A_1216 = arith.constant 288 : index
        %get3A_1217 = tpu.vector_load %arg11[%get3A_1216] {strides = array<i32>} : memref<512xf32, #tpu.memory_space<vmem>>, vector<16xf32>,
        %mul3A_1218 = arith.mulf %gather3A_1213, %mul3A_733 : vector<16xf32>
        %sub3A_1219 = arith.subf %mul3A_1218, %mul3A_734 : vector<16xf32>
        %mul3A_1220 = arith.mulf %sub3A_1219, %get3A_1215 : vector<16xf32>
        %add3A_1221 = arith.addf %mul3A_1220, %get3A_1217 : vector<16xf32>
        %mul3A_1222 = arith.constant 1024 : i32
        %mul3A_1223 = arith.muli %select_n3A_758, %mul3A_1222 : i32
        %add3A_1224 = arith.constant 256 : i32
        %add3A_1225 = arith.addi %mul3A_1223, %add3A_1224 : i32
        %add3A_1226 = arith.addi %add3A_1225, %mul3A_776 : i32
        %swap3A_1227 = arith.constant 2 : i32
        %swap3A_1228 = arith.index_cast %swap3A_1227 : i32 to index
        %swap3A_1229 = arith.index_cast %add3A_1226 : i32 to index
        %swap3A_1230 = tpu.vector_load %arg9[%swap3A_1228, %swap3A_1229] {strides = array<i32>} : memref<4x4096xf32, #tpu.memory_space<vmem>>, vector<16xf32>,
        tpu.vector_store %arg9[%swap3A_1228, %swap3A_1229], %add3A_1221 {strides = array<i32>} : memref<4x4096xf32, #tpu.memory_space<vmem>>, vector<16xf32>,
        %broadcast_in_dim3A_1231 = arith.constant 19 : i32
        %broadcast_in_dim3A_1232 = vector.broadcast %broadcast_in_dim3A_1231 : i32 to vector<16xi32>
        %gather3A_1233 = arith.constant 0 : i32
        %gather3A_1234 = arith.constant 0 : i32
        %gather3A_1235 = tpu.memref_slice %arg8[%scan3A_155, %gather3A_1233, %gather3A_1234] : memref<2x512x32xf32, #tpu.memory_space<vmem>> -> memref<1x512x32xf32, #tpu.memory_space<vmem>>
        %gather3A_1236 = tpu.memref_squeeze %gather3A_1235 : memref<1x512x32xf32, #tpu.memory_space<vmem>> -> memref<512x32xf32, #tpu.memory_space<vmem>>
        %gather3A_1237 = tpu.vector_load_idx %gather3A_1236[%add3A_349, %broadcast_in_dim3A_1232] : memref<512x32xf32, #tpu.memory_space<vmem>>[vector<16xi32>, vector<16xi32>], vector<16xf32>,
        %get3A_1238 = arith.constant 304 : index
        %get3A_1239 = tpu.vector_load %arg10[%get3A_1238] {strides = array<i32>} : memref<512xf32, #tpu.memory_space<vmem>>, vector<16xf32>,
        %get3A_1240 = arith.constant 304 : index
        %get3A_1241 = tpu.vector_load %arg11[%get3A_1240] {strides = array<i32>} : memref<512xf32, #tpu.memory_space<vmem>>, vector<16xf32>,
        %mul3A_1242 = arith.mulf %gather3A_1237, %mul3A_733 : vector<16xf32>
        %sub3A_1243 = arith.subf %mul3A_1242, %mul3A_734 : vector<16xf32>
        %mul3A_1244 = arith.mulf %sub3A_1243, %get3A_1239 : vector<16xf32>
        %add3A_1245 = arith.addf %mul3A_1244, %get3A_1241 : vector<16xf32>
        %mul3A_1246 = arith.constant 1024 : i32
        %mul3A_1247 = arith.muli %select_n3A_758, %mul3A_1246 : i32
        %add3A_1248 = arith.constant 384 : i32
        %add3A_1249 = arith.addi %mul3A_1247, %add3A_1248 : i32
        %add3A_1250 = arith.addi %add3A_1249, %mul3A_776 : i32
        %swap3A_1251 = arith.constant 2 : i32
        %swap3A_1252 = arith.index_cast %swap3A_1251 : i32 to index
        %swap3A_1253 = arith.index_cast %add3A_1250 : i32 to index
        %swap3A_1254 = tpu.vector_load %arg9[%swap3A_1252, %swap3A_1253] {strides = array<i32>} : memref<4x4096xf32, #tpu.memory_space<vmem>>, vector<16xf32>,
        tpu.vector_store %arg9[%swap3A_1252, %swap3A_1253], %add3A_1245 {strides = array<i32>} : memref<4x4096xf32, #tpu.memory_space<vmem>>, vector<16xf32>,
        %broadcast_in_dim3A_1255 = arith.constant 20 : i32
        %broadcast_in_dim3A_1256 = vector.broadcast %broadcast_in_dim3A_1255 : i32 to vector<16xi32>
        %gather3A_1257 = arith.constant 0 : i32
        %gather3A_1258 = arith.constant 0 : i32
        %gather3A_1259 = tpu.memref_slice %arg8[%scan3A_155, %gather3A_1257, %gather3A_1258] : memref<2x512x32xf32, #tpu.memory_space<vmem>> -> memref<1x512x32xf32, #tpu.memory_space<vmem>>
        %gather3A_1260 = tpu.memref_squeeze %gather3A_1259 : memref<1x512x32xf32, #tpu.memory_space<vmem>> -> memref<512x32xf32, #tpu.memory_space<vmem>>
        %gather3A_1261 = tpu.vector_load_idx %gather3A_1260[%add3A_349, %broadcast_in_dim3A_1256] : memref<512x32xf32, #tpu.memory_space<vmem>>[vector<16xi32>, vector<16xi32>], vector<16xf32>,
        %get3A_1262 = arith.constant 320 : index
        %get3A_1263 = tpu.vector_load %arg10[%get3A_1262] {strides = array<i32>} : memref<512xf32, #tpu.memory_space<vmem>>, vector<16xf32>,
        %get3A_1264 = arith.constant 320 : index
        %get3A_1265 = tpu.vector_load %arg11[%get3A_1264] {strides = array<i32>} : memref<512xf32, #tpu.memory_space<vmem>>, vector<16xf32>,
        %mul3A_1266 = arith.mulf %gather3A_1261, %mul3A_733 : vector<16xf32>
        %sub3A_1267 = arith.subf %mul3A_1266, %mul3A_734 : vector<16xf32>
        %mul3A_1268 = arith.mulf %sub3A_1267, %get3A_1263 : vector<16xf32>
        %add3A_1269 = arith.addf %mul3A_1268, %get3A_1265 : vector<16xf32>
        %mul3A_1270 = arith.constant 1024 : i32
        %mul3A_1271 = arith.muli %select_n3A_758, %mul3A_1270 : i32
        %add3A_1272 = arith.constant 512 : i32
        %add3A_1273 = arith.addi %mul3A_1271, %add3A_1272 : i32
        %add3A_1274 = arith.addi %add3A_1273, %mul3A_776 : i32
        %swap3A_1275 = arith.constant 2 : i32
        %swap3A_1276 = arith.index_cast %swap3A_1275 : i32 to index
        %swap3A_1277 = arith.index_cast %add3A_1274 : i32 to index
        %swap3A_1278 = tpu.vector_load %arg9[%swap3A_1276, %swap3A_1277] {strides = array<i32>} : memref<4x4096xf32, #tpu.memory_space<vmem>>, vector<16xf32>,
        tpu.vector_store %arg9[%swap3A_1276, %swap3A_1277], %add3A_1269 {strides = array<i32>} : memref<4x4096xf32, #tpu.memory_space<vmem>>, vector<16xf32>,
        %broadcast_in_dim3A_1279 = arith.constant 21 : i32
        %broadcast_in_dim3A_1280 = vector.broadcast %broadcast_in_dim3A_1279 : i32 to vector<16xi32>
        %gather3A_1281 = arith.constant 0 : i32
        %gather3A_1282 = arith.constant 0 : i32
        %gather3A_1283 = tpu.memref_slice %arg8[%scan3A_155, %gather3A_1281, %gather3A_1282] : memref<2x512x32xf32, #tpu.memory_space<vmem>> -> memref<1x512x32xf32, #tpu.memory_space<vmem>>
        %gather3A_1284 = tpu.memref_squeeze %gather3A_1283 : memref<1x512x32xf32, #tpu.memory_space<vmem>> -> memref<512x32xf32, #tpu.memory_space<vmem>>
        %gather3A_1285 = tpu.vector_load_idx %gather3A_1284[%add3A_349, %broadcast_in_dim3A_1280] : memref<512x32xf32, #tpu.memory_space<vmem>>[vector<16xi32>, vector<16xi32>], vector<16xf32>,
        %get3A_1286 = arith.constant 336 : index
        %get3A_1287 = tpu.vector_load %arg10[%get3A_1286] {strides = array<i32>} : memref<512xf32, #tpu.memory_space<vmem>>, vector<16xf32>,
        %get3A_1288 = arith.constant 336 : index
        %get3A_1289 = tpu.vector_load %arg11[%get3A_1288] {strides = array<i32>} : memref<512xf32, #tpu.memory_space<vmem>>, vector<16xf32>,
        %mul3A_1290 = arith.mulf %gather3A_1285, %mul3A_733 : vector<16xf32>
        %sub3A_1291 = arith.subf %mul3A_1290, %mul3A_734 : vector<16xf32>
        %mul3A_1292 = arith.mulf %sub3A_1291, %get3A_1287 : vector<16xf32>
        %add3A_1293 = arith.addf %mul3A_1292, %get3A_1289 : vector<16xf32>
        %mul3A_1294 = arith.constant 1024 : i32
        %mul3A_1295 = arith.muli %select_n3A_758, %mul3A_1294 : i32
        %add3A_1296 = arith.constant 640 : i32
        %add3A_1297 = arith.addi %mul3A_1295, %add3A_1296 : i32
        %add3A_1298 = arith.addi %add3A_1297, %mul3A_776 : i32
        %swap3A_1299 = arith.constant 2 : i32
        %swap3A_1300 = arith.index_cast %swap3A_1299 : i32 to index
        %swap3A_1301 = arith.index_cast %add3A_1298 : i32 to index
        %swap3A_1302 = tpu.vector_load %arg9[%swap3A_1300, %swap3A_1301] {strides = array<i32>} : memref<4x4096xf32, #tpu.memory_space<vmem>>, vector<16xf32>,
        tpu.vector_store %arg9[%swap3A_1300, %swap3A_1301], %add3A_1293 {strides = array<i32>} : memref<4x4096xf32, #tpu.memory_space<vmem>>, vector<16xf32>,
        %broadcast_in_dim3A_1303 = arith.constant 22 : i32
        %broadcast_in_dim3A_1304 = vector.broadcast %broadcast_in_dim3A_1303 : i32 to vector<16xi32>
        %gather3A_1305 = arith.constant 0 : i32
        %gather3A_1306 = arith.constant 0 : i32
        %gather3A_1307 = tpu.memref_slice %arg8[%scan3A_155, %gather3A_1305, %gather3A_1306] : memref<2x512x32xf32, #tpu.memory_space<vmem>> -> memref<1x512x32xf32, #tpu.memory_space<vmem>>
        %gather3A_1308 = tpu.memref_squeeze %gather3A_1307 : memref<1x512x32xf32, #tpu.memory_space<vmem>> -> memref<512x32xf32, #tpu.memory_space<vmem>>
        %gather3A_1309 = tpu.vector_load_idx %gather3A_1308[%add3A_349, %broadcast_in_dim3A_1304] : memref<512x32xf32, #tpu.memory_space<vmem>>[vector<16xi32>, vector<16xi32>], vector<16xf32>,
        %get3A_1310 = arith.constant 352 : index
        %get3A_1311 = tpu.vector_load %arg10[%get3A_1310] {strides = array<i32>} : memref<512xf32, #tpu.memory_space<vmem>>, vector<16xf32>,
        %get3A_1312 = arith.constant 352 : index
        %get3A_1313 = tpu.vector_load %arg11[%get3A_1312] {strides = array<i32>} : memref<512xf32, #tpu.memory_space<vmem>>, vector<16xf32>,
        %mul3A_1314 = arith.mulf %gather3A_1309, %mul3A_733 : vector<16xf32>
        %sub3A_1315 = arith.subf %mul3A_1314, %mul3A_734 : vector<16xf32>
        %mul3A_1316 = arith.mulf %sub3A_1315, %get3A_1311 : vector<16xf32>
        %add3A_1317 = arith.addf %mul3A_1316, %get3A_1313 : vector<16xf32>
        %mul3A_1318 = arith.constant 1024 : i32
        %mul3A_1319 = arith.muli %select_n3A_758, %mul3A_1318 : i32
        %add3A_1320 = arith.constant 768 : i32
        %add3A_1321 = arith.addi %mul3A_1319, %add3A_1320 : i32
        %add3A_1322 = arith.addi %add3A_1321, %mul3A_776 : i32
        %swap3A_1323 = arith.constant 2 : i32
        %swap3A_1324 = arith.index_cast %swap3A_1323 : i32 to index
        %swap3A_1325 = arith.index_cast %add3A_1322 : i32 to index
        %swap3A_1326 = tpu.vector_load %arg9[%swap3A_1324, %swap3A_1325] {strides = array<i32>} : memref<4x4096xf32, #tpu.memory_space<vmem>>, vector<16xf32>,
        tpu.vector_store %arg9[%swap3A_1324, %swap3A_1325], %add3A_1317 {strides = array<i32>} : memref<4x4096xf32, #tpu.memory_space<vmem>>, vector<16xf32>,
        %broadcast_in_dim3A_1327 = arith.constant 23 : i32
        %broadcast_in_dim3A_1328 = vector.broadcast %broadcast_in_dim3A_1327 : i32 to vector<16xi32>
        %gather3A_1329 = arith.constant 0 : i32
        %gather3A_1330 = arith.constant 0 : i32
        %gather3A_1331 = tpu.memref_slice %arg8[%scan3A_155, %gather3A_1329, %gather3A_1330] : memref<2x512x32xf32, #tpu.memory_space<vmem>> -> memref<1x512x32xf32, #tpu.memory_space<vmem>>
        %gather3A_1332 = tpu.memref_squeeze %gather3A_1331 : memref<1x512x32xf32, #tpu.memory_space<vmem>> -> memref<512x32xf32, #tpu.memory_space<vmem>>
        %gather3A_1333 = tpu.vector_load_idx %gather3A_1332[%add3A_349, %broadcast_in_dim3A_1328] : memref<512x32xf32, #tpu.memory_space<vmem>>[vector<16xi32>, vector<16xi32>], vector<16xf32>,
        %get3A_1334 = arith.constant 368 : index
        %get3A_1335 = tpu.vector_load %arg10[%get3A_1334] {strides = array<i32>} : memref<512xf32, #tpu.memory_space<vmem>>, vector<16xf32>,
        %get3A_1336 = arith.constant 368 : index
        %get3A_1337 = tpu.vector_load %arg11[%get3A_1336] {strides = array<i32>} : memref<512xf32, #tpu.memory_space<vmem>>, vector<16xf32>,
        %mul3A_1338 = arith.mulf %gather3A_1333, %mul3A_733 : vector<16xf32>
        %sub3A_1339 = arith.subf %mul3A_1338, %mul3A_734 : vector<16xf32>
        %mul3A_1340 = arith.mulf %sub3A_1339, %get3A_1335 : vector<16xf32>
        %add3A_1341 = arith.addf %mul3A_1340, %get3A_1337 : vector<16xf32>
        %mul3A_1342 = arith.constant 1024 : i32
        %mul3A_1343 = arith.muli %select_n3A_758, %mul3A_1342 : i32
        %add3A_1344 = arith.constant 896 : i32
        %add3A_1345 = arith.addi %mul3A_1343, %add3A_1344 : i32
        %add3A_1346 = arith.addi %add3A_1345, %mul3A_776 : i32
        %swap3A_1347 = arith.constant 2 : i32
        %swap3A_1348 = arith.index_cast %swap3A_1347 : i32 to index
        %swap3A_1349 = arith.index_cast %add3A_1346 : i32 to index
        %swap3A_1350 = tpu.vector_load %arg9[%swap3A_1348, %swap3A_1349] {strides = array<i32>} : memref<4x4096xf32, #tpu.memory_space<vmem>>, vector<16xf32>,
        tpu.vector_store %arg9[%swap3A_1348, %swap3A_1349], %add3A_1341 {strides = array<i32>} : memref<4x4096xf32, #tpu.memory_space<vmem>>, vector<16xf32>,
        %broadcast_in_dim3A_1351 = arith.constant 24 : i32
        %broadcast_in_dim3A_1352 = vector.broadcast %broadcast_in_dim3A_1351 : i32 to vector<16xi32>
        %gather3A_1353 = arith.constant 0 : i32
        %gather3A_1354 = arith.constant 0 : i32
        %gather3A_1355 = tpu.memref_slice %arg8[%scan3A_155, %gather3A_1353, %gather3A_1354] : memref<2x512x32xf32, #tpu.memory_space<vmem>> -> memref<1x512x32xf32, #tpu.memory_space<vmem>>
        %gather3A_1356 = tpu.memref_squeeze %gather3A_1355 : memref<1x512x32xf32, #tpu.memory_space<vmem>> -> memref<512x32xf32, #tpu.memory_space<vmem>>
        %gather3A_1357 = tpu.vector_load_idx %gather3A_1356[%add3A_349, %broadcast_in_dim3A_1352] : memref<512x32xf32, #tpu.memory_space<vmem>>[vector<16xi32>, vector<16xi32>], vector<16xf32>,
        %get3A_1358 = arith.constant 384 : index
        %get3A_1359 = tpu.vector_load %arg10[%get3A_1358] {strides = array<i32>} : memref<512xf32, #tpu.memory_space<vmem>>, vector<16xf32>,
        %get3A_1360 = arith.constant 384 : index
        %get3A_1361 = tpu.vector_load %arg11[%get3A_1360] {strides = array<i32>} : memref<512xf32, #tpu.memory_space<vmem>>, vector<16xf32>,
        %mul3A_1362 = arith.mulf %gather3A_1357, %mul3A_733 : vector<16xf32>
        %sub3A_1363 = arith.subf %mul3A_1362, %mul3A_734 : vector<16xf32>
        %mul3A_1364 = arith.mulf %sub3A_1363, %get3A_1359 : vector<16xf32>
        %add3A_1365 = arith.addf %mul3A_1364, %get3A_1361 : vector<16xf32>
        %mul3A_1366 = arith.constant 1024 : i32
        %mul3A_1367 = arith.muli %select_n3A_758, %mul3A_1366 : i32
        %add3A_1368 = arith.constant 0 : i32
        %add3A_1369 = arith.addi %mul3A_1367, %add3A_1368 : i32
        %add3A_1370 = arith.addi %add3A_1369, %mul3A_776 : i32
        %swap3A_1371 = arith.constant 3 : i32
        %swap3A_1372 = arith.index_cast %swap3A_1371 : i32 to index
        %swap3A_1373 = arith.index_cast %add3A_1370 : i32 to index
        %swap3A_1374 = tpu.vector_load %arg9[%swap3A_1372, %swap3A_1373] {strides = array<i32>} : memref<4x4096xf32, #tpu.memory_space<vmem>>, vector<16xf32>,
        tpu.vector_store %arg9[%swap3A_1372, %swap3A_1373], %add3A_1365 {strides = array<i32>} : memref<4x4096xf32, #tpu.memory_space<vmem>>, vector<16xf32>,
        %broadcast_in_dim3A_1375 = arith.constant 25 : i32
        %broadcast_in_dim3A_1376 = vector.broadcast %broadcast_in_dim3A_1375 : i32 to vector<16xi32>
        %gather3A_1377 = arith.constant 0 : i32
        %gather3A_1378 = arith.constant 0 : i32
        %gather3A_1379 = tpu.memref_slice %arg8[%scan3A_155, %gather3A_1377, %gather3A_1378] : memref<2x512x32xf32, #tpu.memory_space<vmem>> -> memref<1x512x32xf32, #tpu.memory_space<vmem>>
        %gather3A_1380 = tpu.memref_squeeze %gather3A_1379 : memref<1x512x32xf32, #tpu.memory_space<vmem>> -> memref<512x32xf32, #tpu.memory_space<vmem>>
        %gather3A_1381 = tpu.vector_load_idx %gather3A_1380[%add3A_349, %broadcast_in_dim3A_1376] : memref<512x32xf32, #tpu.memory_space<vmem>>[vector<16xi32>, vector<16xi32>], vector<16xf32>,
        %get3A_1382 = arith.constant 400 : index
        %get3A_1383 = tpu.vector_load %arg10[%get3A_1382] {strides = array<i32>} : memref<512xf32, #tpu.memory_space<vmem>>, vector<16xf32>,
        %get3A_1384 = arith.constant 400 : index
        %get3A_1385 = tpu.vector_load %arg11[%get3A_1384] {strides = array<i32>} : memref<512xf32, #tpu.memory_space<vmem>>, vector<16xf32>,
        %mul3A_1386 = arith.mulf %gather3A_1381, %mul3A_733 : vector<16xf32>
        %sub3A_1387 = arith.subf %mul3A_1386, %mul3A_734 : vector<16xf32>
        %mul3A_1388 = arith.mulf %sub3A_1387, %get3A_1383 : vector<16xf32>
        %add3A_1389 = arith.addf %mul3A_1388, %get3A_1385 : vector<16xf32>
        %mul3A_1390 = arith.constant 1024 : i32
        %mul3A_1391 = arith.muli %select_n3A_758, %mul3A_1390 : i32
        %add3A_1392 = arith.constant 128 : i32
        %add3A_1393 = arith.addi %mul3A_1391, %add3A_1392 : i32
        %add3A_1394 = arith.addi %add3A_1393, %mul3A_776 : i32
        %swap3A_1395 = arith.constant 3 : i32
        %swap3A_1396 = arith.index_cast %swap3A_1395 : i32 to index
        %swap3A_1397 = arith.index_cast %add3A_1394 : i32 to index
        %swap3A_1398 = tpu.vector_load %arg9[%swap3A_1396, %swap3A_1397] {strides = array<i32>} : memref<4x4096xf32, #tpu.memory_space<vmem>>, vector<16xf32>,
        tpu.vector_store %arg9[%swap3A_1396, %swap3A_1397], %add3A_1389 {strides = array<i32>} : memref<4x4096xf32, #tpu.memory_space<vmem>>, vector<16xf32>,
        %broadcast_in_dim3A_1399 = arith.constant 26 : i32
        %broadcast_in_dim3A_1400 = vector.broadcast %broadcast_in_dim3A_1399 : i32 to vector<16xi32>
        %gather3A_1401 = arith.constant 0 : i32
        %gather3A_1402 = arith.constant 0 : i32
        %gather3A_1403 = tpu.memref_slice %arg8[%scan3A_155, %gather3A_1401, %gather3A_1402] : memref<2x512x32xf32, #tpu.memory_space<vmem>> -> memref<1x512x32xf32, #tpu.memory_space<vmem>>
        %gather3A_1404 = tpu.memref_squeeze %gather3A_1403 : memref<1x512x32xf32, #tpu.memory_space<vmem>> -> memref<512x32xf32, #tpu.memory_space<vmem>>
        %gather3A_1405 = tpu.vector_load_idx %gather3A_1404[%add3A_349, %broadcast_in_dim3A_1400] : memref<512x32xf32, #tpu.memory_space<vmem>>[vector<16xi32>, vector<16xi32>], vector<16xf32>,
        %get3A_1406 = arith.constant 416 : index
        %get3A_1407 = tpu.vector_load %arg10[%get3A_1406] {strides = array<i32>} : memref<512xf32, #tpu.memory_space<vmem>>, vector<16xf32>,
        %get3A_1408 = arith.constant 416 : index
        %get3A_1409 = tpu.vector_load %arg11[%get3A_1408] {strides = array<i32>} : memref<512xf32, #tpu.memory_space<vmem>>, vector<16xf32>,
        %mul3A_1410 = arith.mulf %gather3A_1405, %mul3A_733 : vector<16xf32>
        %sub3A_1411 = arith.subf %mul3A_1410, %mul3A_734 : vector<16xf32>
        %mul3A_1412 = arith.mulf %sub3A_1411, %get3A_1407 : vector<16xf32>
        %add3A_1413 = arith.addf %mul3A_1412, %get3A_1409 : vector<16xf32>
        %mul3A_1414 = arith.constant 1024 : i32
        %mul3A_1415 = arith.muli %select_n3A_758, %mul3A_1414 : i32
        %add3A_1416 = arith.constant 256 : i32
        %add3A_1417 = arith.addi %mul3A_1415, %add3A_1416 : i32
        %add3A_1418 = arith.addi %add3A_1417, %mul3A_776 : i32
        %swap3A_1419 = arith.constant 3 : i32
        %swap3A_1420 = arith.index_cast %swap3A_1419 : i32 to index
        %swap3A_1421 = arith.index_cast %add3A_1418 : i32 to index
        %swap3A_1422 = tpu.vector_load %arg9[%swap3A_1420, %swap3A_1421] {strides = array<i32>} : memref<4x4096xf32, #tpu.memory_space<vmem>>, vector<16xf32>,
        tpu.vector_store %arg9[%swap3A_1420, %swap3A_1421], %add3A_1413 {strides = array<i32>} : memref<4x4096xf32, #tpu.memory_space<vmem>>, vector<16xf32>,
        %broadcast_in_dim3A_1423 = arith.constant 27 : i32
        %broadcast_in_dim3A_1424 = vector.broadcast %broadcast_in_dim3A_1423 : i32 to vector<16xi32>
        %gather3A_1425 = arith.constant 0 : i32
        %gather3A_1426 = arith.constant 0 : i32
        %gather3A_1427 = tpu.memref_slice %arg8[%scan3A_155, %gather3A_1425, %gather3A_1426] : memref<2x512x32xf32, #tpu.memory_space<vmem>> -> memref<1x512x32xf32, #tpu.memory_space<vmem>>
        %gather3A_1428 = tpu.memref_squeeze %gather3A_1427 : memref<1x512x32xf32, #tpu.memory_space<vmem>> -> memref<512x32xf32, #tpu.memory_space<vmem>>
        %gather3A_1429 = tpu.vector_load_idx %gather3A_1428[%add3A_349, %broadcast_in_dim3A_1424] : memref<512x32xf32, #tpu.memory_space<vmem>>[vector<16xi32>, vector<16xi32>], vector<16xf32>,
        %get3A_1430 = arith.constant 432 : index
        %get3A_1431 = tpu.vector_load %arg10[%get3A_1430] {strides = array<i32>} : memref<512xf32, #tpu.memory_space<vmem>>, vector<16xf32>,
        %get3A_1432 = arith.constant 432 : index
        %get3A_1433 = tpu.vector_load %arg11[%get3A_1432] {strides = array<i32>} : memref<512xf32, #tpu.memory_space<vmem>>, vector<16xf32>,
        %mul3A_1434 = arith.mulf %gather3A_1429, %mul3A_733 : vector<16xf32>
        %sub3A_1435 = arith.subf %mul3A_1434, %mul3A_734 : vector<16xf32>
        %mul3A_1436 = arith.mulf %sub3A_1435, %get3A_1431 : vector<16xf32>
        %add3A_1437 = arith.addf %mul3A_1436, %get3A_1433 : vector<16xf32>
        %mul3A_1438 = arith.constant 1024 : i32
        %mul3A_1439 = arith.muli %select_n3A_758, %mul3A_1438 : i32
        %add3A_1440 = arith.constant 384 : i32
        %add3A_1441 = arith.addi %mul3A_1439, %add3A_1440 : i32
        %add3A_1442 = arith.addi %add3A_1441, %mul3A_776 : i32
        %swap3A_1443 = arith.constant 3 : i32
        %swap3A_1444 = arith.index_cast %swap3A_1443 : i32 to index
        %swap3A_1445 = arith.index_cast %add3A_1442 : i32 to index
        %swap3A_1446 = tpu.vector_load %arg9[%swap3A_1444, %swap3A_1445] {strides = array<i32>} : memref<4x4096xf32, #tpu.memory_space<vmem>>, vector<16xf32>,
        tpu.vector_store %arg9[%swap3A_1444, %swap3A_1445], %add3A_1437 {strides = array<i32>} : memref<4x4096xf32, #tpu.memory_space<vmem>>, vector<16xf32>,
        %broadcast_in_dim3A_1447 = arith.constant 28 : i32
        %broadcast_in_dim3A_1448 = vector.broadcast %broadcast_in_dim3A_1447 : i32 to vector<16xi32>
        %gather3A_1449 = arith.constant 0 : i32
        %gather3A_1450 = arith.constant 0 : i32
        %gather3A_1451 = tpu.memref_slice %arg8[%scan3A_155, %gather3A_1449, %gather3A_1450] : memref<2x512x32xf32, #tpu.memory_space<vmem>> -> memref<1x512x32xf32, #tpu.memory_space<vmem>>
        %gather3A_1452 = tpu.memref_squeeze %gather3A_1451 : memref<1x512x32xf32, #tpu.memory_space<vmem>> -> memref<512x32xf32, #tpu.memory_space<vmem>>
        %gather3A_1453 = tpu.vector_load_idx %gather3A_1452[%add3A_349, %broadcast_in_dim3A_1448] : memref<512x32xf32, #tpu.memory_space<vmem>>[vector<16xi32>, vector<16xi32>], vector<16xf32>,
        %get3A_1454 = arith.constant 448 : index
        %get3A_1455 = tpu.vector_load %arg10[%get3A_1454] {strides = array<i32>} : memref<512xf32, #tpu.memory_space<vmem>>, vector<16xf32>,
        %get3A_1456 = arith.constant 448 : index
        %get3A_1457 = tpu.vector_load %arg11[%get3A_1456] {strides = array<i32>} : memref<512xf32, #tpu.memory_space<vmem>>, vector<16xf32>,
        %mul3A_1458 = arith.mulf %gather3A_1453, %mul3A_733 : vector<16xf32>
        %sub3A_1459 = arith.subf %mul3A_1458, %mul3A_734 : vector<16xf32>
        %mul3A_1460 = arith.mulf %sub3A_1459, %get3A_1455 : vector<16xf32>
        %add3A_1461 = arith.addf %mul3A_1460, %get3A_1457 : vector<16xf32>
        %mul3A_1462 = arith.constant 1024 : i32
        %mul3A_1463 = arith.muli %select_n3A_758, %mul3A_1462 : i32
        %add3A_1464 = arith.constant 512 : i32
        %add3A_1465 = arith.addi %mul3A_1463, %add3A_1464 : i32
        %add3A_1466 = arith.addi %add3A_1465, %mul3A_776 : i32
        %swap3A_1467 = arith.constant 3 : i32
        %swap3A_1468 = arith.index_cast %swap3A_1467 : i32 to index
        %swap3A_1469 = arith.index_cast %add3A_1466 : i32 to index
        %swap3A_1470 = tpu.vector_load %arg9[%swap3A_1468, %swap3A_1469] {strides = array<i32>} : memref<4x4096xf32, #tpu.memory_space<vmem>>, vector<16xf32>,
        tpu.vector_store %arg9[%swap3A_1468, %swap3A_1469], %add3A_1461 {strides = array<i32>} : memref<4x4096xf32, #tpu.memory_space<vmem>>, vector<16xf32>,
        %broadcast_in_dim3A_1471 = arith.constant 29 : i32
        %broadcast_in_dim3A_1472 = vector.broadcast %broadcast_in_dim3A_1471 : i32 to vector<16xi32>
        %gather3A_1473 = arith.constant 0 : i32
        %gather3A_1474 = arith.constant 0 : i32
        %gather3A_1475 = tpu.memref_slice %arg8[%scan3A_155, %gather3A_1473, %gather3A_1474] : memref<2x512x32xf32, #tpu.memory_space<vmem>> -> memref<1x512x32xf32, #tpu.memory_space<vmem>>
        %gather3A_1476 = tpu.memref_squeeze %gather3A_1475 : memref<1x512x32xf32, #tpu.memory_space<vmem>> -> memref<512x32xf32, #tpu.memory_space<vmem>>
        %gather3A_1477 = tpu.vector_load_idx %gather3A_1476[%add3A_349, %broadcast_in_dim3A_1472] : memref<512x32xf32, #tpu.memory_space<vmem>>[vector<16xi32>, vector<16xi32>], vector<16xf32>,
        %get3A_1478 = arith.constant 464 : index
        %get3A_1479 = tpu.vector_load %arg10[%get3A_1478] {strides = array<i32>} : memref<512xf32, #tpu.memory_space<vmem>>, vector<16xf32>,
        %get3A_1480 = arith.constant 464 : index
        %get3A_1481 = tpu.vector_load %arg11[%get3A_1480] {strides = array<i32>} : memref<512xf32, #tpu.memory_space<vmem>>, vector<16xf32>,
        %mul3A_1482 = arith.mulf %gather3A_1477, %mul3A_733 : vector<16xf32>
        %sub3A_1483 = arith.subf %mul3A_1482, %mul3A_734 : vector<16xf32>
        %mul3A_1484 = arith.mulf %sub3A_1483, %get3A_1479 : vector<16xf32>
        %add3A_1485 = arith.addf %mul3A_1484, %get3A_1481 : vector<16xf32>
        %mul3A_1486 = arith.constant 1024 : i32
        %mul3A_1487 = arith.muli %select_n3A_758, %mul3A_1486 : i32
        %add3A_1488 = arith.constant 640 : i32
        %add3A_1489 = arith.addi %mul3A_1487, %add3A_1488 : i32
        %add3A_1490 = arith.addi %add3A_1489, %mul3A_776 : i32
        %swap3A_1491 = arith.constant 3 : i32
        %swap3A_1492 = arith.index_cast %swap3A_1491 : i32 to index
        %swap3A_1493 = arith.index_cast %add3A_1490 : i32 to index
        %swap3A_1494 = tpu.vector_load %arg9[%swap3A_1492, %swap3A_1493] {strides = array<i32>} : memref<4x4096xf32, #tpu.memory_space<vmem>>, vector<16xf32>,
        tpu.vector_store %arg9[%swap3A_1492, %swap3A_1493], %add3A_1485 {strides = array<i32>} : memref<4x4096xf32, #tpu.memory_space<vmem>>, vector<16xf32>,
        %broadcast_in_dim3A_1495 = arith.constant 30 : i32
        %broadcast_in_dim3A_1496 = vector.broadcast %broadcast_in_dim3A_1495 : i32 to vector<16xi32>
        %gather3A_1497 = arith.constant 0 : i32
        %gather3A_1498 = arith.constant 0 : i32
        %gather3A_1499 = tpu.memref_slice %arg8[%scan3A_155, %gather3A_1497, %gather3A_1498] : memref<2x512x32xf32, #tpu.memory_space<vmem>> -> memref<1x512x32xf32, #tpu.memory_space<vmem>>
        %gather3A_1500 = tpu.memref_squeeze %gather3A_1499 : memref<1x512x32xf32, #tpu.memory_space<vmem>> -> memref<512x32xf32, #tpu.memory_space<vmem>>
        %gather3A_1501 = tpu.vector_load_idx %gather3A_1500[%add3A_349, %broadcast_in_dim3A_1496] : memref<512x32xf32, #tpu.memory_space<vmem>>[vector<16xi32>, vector<16xi32>], vector<16xf32>,
        %get3A_1502 = arith.constant 480 : index
        %get3A_1503 = tpu.vector_load %arg10[%get3A_1502] {strides = array<i32>} : memref<512xf32, #tpu.memory_space<vmem>>, vector<16xf32>,
        %get3A_1504 = arith.constant 480 : index
        %get3A_1505 = tpu.vector_load %arg11[%get3A_1504] {strides = array<i32>} : memref<512xf32, #tpu.memory_space<vmem>>, vector<16xf32>,
        %mul3A_1506 = arith.mulf %gather3A_1501, %mul3A_733 : vector<16xf32>
        %sub3A_1507 = arith.subf %mul3A_1506, %mul3A_734 : vector<16xf32>
        %mul3A_1508 = arith.mulf %sub3A_1507, %get3A_1503 : vector<16xf32>
        %add3A_1509 = arith.addf %mul3A_1508, %get3A_1505 : vector<16xf32>
        %mul3A_1510 = arith.constant 1024 : i32
        %mul3A_1511 = arith.muli %select_n3A_758, %mul3A_1510 : i32
        %add3A_1512 = arith.constant 768 : i32
        %add3A_1513 = arith.addi %mul3A_1511, %add3A_1512 : i32
        %add3A_1514 = arith.addi %add3A_1513, %mul3A_776 : i32
        %swap3A_1515 = arith.constant 3 : i32
        %swap3A_1516 = arith.index_cast %swap3A_1515 : i32 to index
        %swap3A_1517 = arith.index_cast %add3A_1514 : i32 to index
        %swap3A_1518 = tpu.vector_load %arg9[%swap3A_1516, %swap3A_1517] {strides = array<i32>} : memref<4x4096xf32, #tpu.memory_space<vmem>>, vector<16xf32>,
        tpu.vector_store %arg9[%swap3A_1516, %swap3A_1517], %add3A_1509 {strides = array<i32>} : memref<4x4096xf32, #tpu.memory_space<vmem>>, vector<16xf32>,
        %broadcast_in_dim3A_1519 = arith.constant 31 : i32
        %broadcast_in_dim3A_1520 = vector.broadcast %broadcast_in_dim3A_1519 : i32 to vector<16xi32>
        %gather3A_1521 = arith.constant 0 : i32
        %gather3A_1522 = arith.constant 0 : i32
        %gather3A_1523 = tpu.memref_slice %arg8[%scan3A_155, %gather3A_1521, %gather3A_1522] : memref<2x512x32xf32, #tpu.memory_space<vmem>> -> memref<1x512x32xf32, #tpu.memory_space<vmem>>
        %gather3A_1524 = tpu.memref_squeeze %gather3A_1523 : memref<1x512x32xf32, #tpu.memory_space<vmem>> -> memref<512x32xf32, #tpu.memory_space<vmem>>
        %gather3A_1525 = tpu.vector_load_idx %gather3A_1524[%add3A_349, %broadcast_in_dim3A_1520] : memref<512x32xf32, #tpu.memory_space<vmem>>[vector<16xi32>, vector<16xi32>], vector<16xf32>,
        %get3A_1526 = arith.constant 496 : index
        %get3A_1527 = tpu.vector_load %arg10[%get3A_1526] {strides = array<i32>} : memref<512xf32, #tpu.memory_space<vmem>>, vector<16xf32>,
        %get3A_1528 = arith.constant 496 : index
        %get3A_1529 = tpu.vector_load %arg11[%get3A_1528] {strides = array<i32>} : memref<512xf32, #tpu.memory_space<vmem>>, vector<16xf32>,
        %mul3A_1530 = arith.mulf %gather3A_1525, %mul3A_733 : vector<16xf32>
        %sub3A_1531 = arith.subf %mul3A_1530, %mul3A_734 : vector<16xf32>
        %mul3A_1532 = arith.mulf %sub3A_1531, %get3A_1527 : vector<16xf32>
        %add3A_1533 = arith.addf %mul3A_1532, %get3A_1529 : vector<16xf32>
        %mul3A_1534 = arith.constant 1024 : i32
        %mul3A_1535 = arith.muli %select_n3A_758, %mul3A_1534 : i32
        %add3A_1536 = arith.constant 896 : i32
        %add3A_1537 = arith.addi %mul3A_1535, %add3A_1536 : i32
        %add3A_1538 = arith.addi %add3A_1537, %mul3A_776 : i32
        %swap3A_1539 = arith.constant 3 : i32
        %swap3A_1540 = arith.index_cast %swap3A_1539 : i32 to index
        %swap3A_1541 = arith.index_cast %add3A_1538 : i32 to index
        %swap3A_1542 = tpu.vector_load %arg9[%swap3A_1540, %swap3A_1541] {strides = array<i32>} : memref<4x4096xf32, #tpu.memory_space<vmem>>, vector<16xf32>,
        tpu.vector_store %arg9[%swap3A_1540, %swap3A_1541], %add3A_1533 {strides = array<i32>} : memref<4x4096xf32, #tpu.memory_space<vmem>>, vector<16xf32>,
      }
      %scan3A_160 = arith.constant 32 : i32
      %add3A_161 = arith.addi %mul3A_2, %add3A_97 : i32
      %jit3A_162 = arith.constant 32 : i32
      %div3A_163 = arith.divsi %add3A_161, %jit3A_162 : i32
      %sign3A_164 = arith.constant 0 : i32
      %sign3A_165 = arith.cmpi sgt, %add3A_161, %sign3A_164 : i32
      %sign3A_166 = arith.extui %sign3A_165 : i1 to i32
      %sign3A_167 = arith.constant 0 : i32
      %sign3A_168 = arith.cmpi slt, %add3A_161, %sign3A_167 : i32
      %sign3A_169 = arith.extui %sign3A_168 : i1 to i32
      %sign3A_170 = arith.subi %sign3A_166, %sign3A_169 : i32
      %sign3A_171 = arith.constant 0 : i32
      %sign3A_172 = arith.cmpi sgt, %jit3A_162, %sign3A_171 : i32
      %sign3A_173 = arith.extui %sign3A_172 : i1 to i32
      %sign3A_174 = arith.constant 0 : i32
      %sign3A_175 = arith.cmpi slt, %jit3A_162, %sign3A_174 : i32
      %sign3A_176 = arith.extui %sign3A_175 : i1 to i32
      %sign3A_177 = arith.subi %sign3A_173, %sign3A_176 : i32
      %ne3A_178 = arith.cmpi ne, %sign3A_170, %sign3A_177 : i32
      %rem3A_179 = arith.remsi %add3A_161, %jit3A_162 : i32
      %ne3A_180 = arith.constant 0 : i32
      %ne3A_181 = arith.cmpi ne, %rem3A_179, %ne3A_180 : i32
      %and3A_182 = arith.andi %ne3A_178, %ne3A_181 : i1
      %sub3A_183 = arith.constant 1 : i32
      %sub3A_184 = arith.subi %div3A_163, %sub3A_183 : i32
      %select_n3A_185 = arith.select %and3A_182, %sub3A_184, %div3A_163 : i32
      %jit3A_186 = arith.constant 32 : i32
      %eq3A_187 = arith.constant 0 : i32
      %eq3A_188 = arith.cmpi eq, %jit3A_186, %eq3A_187 : i32
      %jit3A_189 = arith.constant 1 : i32
      %select_n3A_190 = arith.select %eq3A_188, %jit3A_189, %jit3A_186 : i32
      %rem3A_191 = arith.remsi %add3A_161, %select_n3A_190 : i32
      %ne3A_192 = arith.constant 0 : i32
      %ne3A_193 = arith.cmpi ne, %rem3A_191, %ne3A_192 : i32
      %lt3A_194 = arith.constant 0 : i32
      %lt3A_195 = arith.cmpi slt, %rem3A_191, %lt3A_194 : i32
      %lt3A_196 = arith.constant 0 : i32
      %lt3A_197 = arith.cmpi slt, %select_n3A_190, %lt3A_196 : i32
      %ne3A_198 = arith.xori %lt3A_195, %lt3A_197 : i1
      %and3A_199 = arith.andi %ne3A_198, %ne3A_193 : i1
      %add3A_200 = arith.addi %rem3A_191, %select_n3A_190 : i32
      %select_n3A_201 = arith.select %and3A_199, %add3A_200, %rem3A_191 : i32
      %mul3A_202 = arith.constant 4096 : i32
      %mul3A_203 = arith.muli %select_n3A_201, %mul3A_202 : i32
      %run_scoped3A_204 = arith.constant 0 : i32
      %run_scoped3A_205 = arith.constant 0 : i32
      "tpu.region"() ({
        %run_scoped3A_345 = tpu.sem_alloc : memref<!tpu.dma_semaphore, #tpu.memory_space<semaphore_mem>>
        %dma_start3A_346 = arith.constant 0 : i32
        %dma_start3A_347 = tpu.memref_slice %arg9[%run_scoped3A_204, %dma_start3A_346] : memref<4x4096xf32, #tpu.memory_space<vmem>> -> memref<1x4096xf32, #tpu.memory_space<vmem>>
        %dma_start3A_348 = tpu.memref_squeeze %dma_start3A_347 : memref<1x4096xf32, #tpu.memory_space<vmem>> -> memref<4096xf32, #tpu.memory_space<vmem>>
        %dma_start3A_349 = tpu.memref_slice %arg6[%select_n3A_185, %run_scoped3A_205, %mul3A_203] : memref<50x4x131072xf32, #tpu.memory_space<hbm>> -> memref<1x1x4096xf32, #tpu.memory_space<hbm>>
        %dma_start3A_350 = tpu.memref_squeeze %dma_start3A_349 : memref<1x1x4096xf32, #tpu.memory_space<hbm>> -> memref<4096xf32, #tpu.memory_space<hbm>>
        %dma_start3A_351 = tpu.memref_slice %arg6[%select_n3A_185, %run_scoped3A_205, %mul3A_203] : memref<50x4x131072xf32, #tpu.memory_space<hbm>> -> memref<1x1x4096xf32, #tpu.memory_space<hbm>>
        %dma_start3A_352 = tpu.memref_squeeze %dma_start3A_351 : memref<1x1x4096xf32, #tpu.memory_space<hbm>> -> memref<4096xf32, #tpu.memory_space<hbm>>
        %dma_start3A_353 = arith.constant 0 : i32
        %dma_start3A_354 = tpu.memref_slice %arg9[%run_scoped3A_204, %dma_start3A_353] : memref<4x4096xf32, #tpu.memory_space<vmem>> -> memref<1x4096xf32, #tpu.memory_space<vmem>>
        %dma_start3A_355 = tpu.memref_squeeze %dma_start3A_354 : memref<1x4096xf32, #tpu.memory_space<vmem>> -> memref<4096xf32, #tpu.memory_space<vmem>>
        tpu.enqueue_dma source(%dma_start3A_355 : memref<4096xf32, #tpu.memory_space<vmem>>) target(%dma_start3A_352 : memref<4096xf32, #tpu.memory_space<hbm>>) target_semaphore(%run_scoped3A_345 : memref<!tpu.dma_semaphore, #tpu.memory_space<semaphore_mem>>)
        %dma_wait3A_356 = arith.constant 0 : i32
        %dma_wait3A_357 = tpu.memref_slice %arg9[%run_scoped3A_204, %dma_wait3A_356] : memref<4x4096xf32, #tpu.memory_space<vmem>> -> memref<1x4096xf32, #tpu.memory_space<vmem>>
        %dma_wait3A_358 = tpu.memref_squeeze %dma_wait3A_357 : memref<1x4096xf32, #tpu.memory_space<vmem>> -> memref<4096xf32, #tpu.memory_space<vmem>>
        %dma_wait3A_359 = tpu.memref_slice %arg6[%select_n3A_185, %run_scoped3A_205, %mul3A_203] : memref<50x4x131072xf32, #tpu.memory_space<hbm>> -> memref<1x1x4096xf32, #tpu.memory_space<hbm>>
        %dma_wait3A_360 = tpu.memref_squeeze %dma_wait3A_359 : memref<1x1x4096xf32, #tpu.memory_space<hbm>> -> memref<4096xf32, #tpu.memory_space<hbm>>
        %dma_wait3A_361 = tpu.memref_slice %arg6[%select_n3A_185, %run_scoped3A_205, %mul3A_203] : memref<50x4x131072xf32, #tpu.memory_space<hbm>> -> memref<1x1x4096xf32, #tpu.memory_space<hbm>>
        %dma_wait3A_362 = tpu.memref_squeeze %dma_wait3A_361 : memref<1x1x4096xf32, #tpu.memory_space<hbm>> -> memref<4096xf32, #tpu.memory_space<hbm>>
        %dma_wait3A_363 = arith.constant 0 : i32
        %dma_wait3A_364 = tpu.memref_slice %arg9[%run_scoped3A_204, %dma_wait3A_363] : memref<4x4096xf32, #tpu.memory_space<vmem>> -> memref<1x4096xf32, #tpu.memory_space<vmem>>
        %dma_wait3A_365 = tpu.memref_squeeze %dma_wait3A_364 : memref<1x4096xf32, #tpu.memory_space<vmem>> -> memref<4096xf32, #tpu.memory_space<vmem>>
        tpu.wait_dma2 semaphore(%run_scoped3A_345 : memref<!tpu.dma_semaphore, #tpu.memory_space<semaphore_mem>>) src(%dma_wait3A_365 : memref<4096xf32, #tpu.memory_space<vmem>>) dst(%dma_wait3A_362 : memref<4096xf32, #tpu.memory_space<hbm>>)
        tpu.yield
      }) : () -> ()
      %mul3A_206 = arith.constant 4096 : i32
      %mul3A_207 = arith.muli %select_n3A_201, %mul3A_206 : i32
      %run_scoped3A_208 = arith.constant 1 : i32
      %run_scoped3A_209 = arith.constant 1 : i32
      "tpu.region"() ({
        %run_scoped3A_345 = tpu.sem_alloc : memref<!tpu.dma_semaphore, #tpu.memory_space<semaphore_mem>>
        %dma_start3A_346 = arith.constant 0 : i32
        %dma_start3A_347 = tpu.memref_slice %arg9[%run_scoped3A_208, %dma_start3A_346] : memref<4x4096xf32, #tpu.memory_space<vmem>> -> memref<1x4096xf32, #tpu.memory_space<vmem>>
        %dma_start3A_348 = tpu.memref_squeeze %dma_start3A_347 : memref<1x4096xf32, #tpu.memory_space<vmem>> -> memref<4096xf32, #tpu.memory_space<vmem>>
        %dma_start3A_349 = tpu.memref_slice %arg6[%select_n3A_185, %run_scoped3A_209, %mul3A_207] : memref<50x4x131072xf32, #tpu.memory_space<hbm>> -> memref<1x1x4096xf32, #tpu.memory_space<hbm>>
        %dma_start3A_350 = tpu.memref_squeeze %dma_start3A_349 : memref<1x1x4096xf32, #tpu.memory_space<hbm>> -> memref<4096xf32, #tpu.memory_space<hbm>>
        %dma_start3A_351 = tpu.memref_slice %arg6[%select_n3A_185, %run_scoped3A_209, %mul3A_207] : memref<50x4x131072xf32, #tpu.memory_space<hbm>> -> memref<1x1x4096xf32, #tpu.memory_space<hbm>>
        %dma_start3A_352 = tpu.memref_squeeze %dma_start3A_351 : memref<1x1x4096xf32, #tpu.memory_space<hbm>> -> memref<4096xf32, #tpu.memory_space<hbm>>
        %dma_start3A_353 = arith.constant 0 : i32
        %dma_start3A_354 = tpu.memref_slice %arg9[%run_scoped3A_208, %dma_start3A_353] : memref<4x4096xf32, #tpu.memory_space<vmem>> -> memref<1x4096xf32, #tpu.memory_space<vmem>>
        %dma_start3A_355 = tpu.memref_squeeze %dma_start3A_354 : memref<1x4096xf32, #tpu.memory_space<vmem>> -> memref<4096xf32, #tpu.memory_space<vmem>>
        tpu.enqueue_dma source(%dma_start3A_355 : memref<4096xf32, #tpu.memory_space<vmem>>) target(%dma_start3A_352 : memref<4096xf32, #tpu.memory_space<hbm>>) target_semaphore(%run_scoped3A_345 : memref<!tpu.dma_semaphore, #tpu.memory_space<semaphore_mem>>)
        %dma_wait3A_356 = arith.constant 0 : i32
        %dma_wait3A_357 = tpu.memref_slice %arg9[%run_scoped3A_208, %dma_wait3A_356] : memref<4x4096xf32, #tpu.memory_space<vmem>> -> memref<1x4096xf32, #tpu.memory_space<vmem>>
        %dma_wait3A_358 = tpu.memref_squeeze %dma_wait3A_357 : memref<1x4096xf32, #tpu.memory_space<vmem>> -> memref<4096xf32, #tpu.memory_space<vmem>>
        %dma_wait3A_359 = tpu.memref_slice %arg6[%select_n3A_185, %run_scoped3A_209, %mul3A_207] : memref<50x4x131072xf32, #tpu.memory_space<hbm>> -> memref<1x1x4096xf32, #tpu.memory_space<hbm>>
        %dma_wait3A_360 = tpu.memref_squeeze %dma_wait3A_359 : memref<1x1x4096xf32, #tpu.memory_space<hbm>> -> memref<4096xf32, #tpu.memory_space<hbm>>
        %dma_wait3A_361 = tpu.memref_slice %arg6[%select_n3A_185, %run_scoped3A_209, %mul3A_207] : memref<50x4x131072xf32, #tpu.memory_space<hbm>> -> memref<1x1x4096xf32, #tpu.memory_space<hbm>>
        %dma_wait3A_362 = tpu.memref_squeeze %dma_wait3A_361 : memref<1x1x4096xf32, #tpu.memory_space<hbm>> -> memref<4096xf32, #tpu.memory_space<hbm>>
        %dma_wait3A_363 = arith.constant 0 : i32
        %dma_wait3A_364 = tpu.memref_slice %arg9[%run_scoped3A_208, %dma_wait3A_363] : memref<4x4096xf32, #tpu.memory_space<vmem>> -> memref<1x4096xf32, #tpu.memory_space<vmem>>
        %dma_wait3A_365 = tpu.memref_squeeze %dma_wait3A_364 : memref<1x4096xf32, #tpu.memory_space<vmem>> -> memref<4096xf32, #tpu.memory_space<vmem>>
        tpu.wait_dma2 semaphore(%run_scoped3A_345 : memref<!tpu.dma_semaphore, #tpu.memory_space<semaphore_mem>>) src(%dma_wait3A_365 : memref<4096xf32, #tpu.memory_space<vmem>>) dst(%dma_wait3A_362 : memref<4096xf32, #tpu.memory_space<hbm>>)
        tpu.yield
      }) : () -> ()
      %mul3A_210 = arith.constant 4096 : i32
      %mul3A_211 = arith.muli %select_n3A_201, %mul3A_210 : i32
      %run_scoped3A_212 = arith.constant 2 : i32
      %run_scoped3A_213 = arith.constant 2 : i32
      "tpu.region"() ({
        %run_scoped3A_345 = tpu.sem_alloc : memref<!tpu.dma_semaphore, #tpu.memory_space<semaphore_mem>>
        %dma_start3A_346 = arith.constant 0 : i32
        %dma_start3A_347 = tpu.memref_slice %arg9[%run_scoped3A_212, %dma_start3A_346] : memref<4x4096xf32, #tpu.memory_space<vmem>> -> memref<1x4096xf32, #tpu.memory_space<vmem>>
        %dma_start3A_348 = tpu.memref_squeeze %dma_start3A_347 : memref<1x4096xf32, #tpu.memory_space<vmem>> -> memref<4096xf32, #tpu.memory_space<vmem>>
        %dma_start3A_349 = tpu.memref_slice %arg6[%select_n3A_185, %run_scoped3A_213, %mul3A_211] : memref<50x4x131072xf32, #tpu.memory_space<hbm>> -> memref<1x1x4096xf32, #tpu.memory_space<hbm>>
        %dma_start3A_350 = tpu.memref_squeeze %dma_start3A_349 : memref<1x1x4096xf32, #tpu.memory_space<hbm>> -> memref<4096xf32, #tpu.memory_space<hbm>>
        %dma_start3A_351 = tpu.memref_slice %arg6[%select_n3A_185, %run_scoped3A_213, %mul3A_211] : memref<50x4x131072xf32, #tpu.memory_space<hbm>> -> memref<1x1x4096xf32, #tpu.memory_space<hbm>>
        %dma_start3A_352 = tpu.memref_squeeze %dma_start3A_351 : memref<1x1x4096xf32, #tpu.memory_space<hbm>> -> memref<4096xf32, #tpu.memory_space<hbm>>
        %dma_start3A_353 = arith.constant 0 : i32
        %dma_start3A_354 = tpu.memref_slice %arg9[%run_scoped3A_212, %dma_start3A_353] : memref<4x4096xf32, #tpu.memory_space<vmem>> -> memref<1x4096xf32, #tpu.memory_space<vmem>>
        %dma_start3A_355 = tpu.memref_squeeze %dma_start3A_354 : memref<1x4096xf32, #tpu.memory_space<vmem>> -> memref<4096xf32, #tpu.memory_space<vmem>>
        tpu.enqueue_dma source(%dma_start3A_355 : memref<4096xf32, #tpu.memory_space<vmem>>) target(%dma_start3A_352 : memref<4096xf32, #tpu.memory_space<hbm>>) target_semaphore(%run_scoped3A_345 : memref<!tpu.dma_semaphore, #tpu.memory_space<semaphore_mem>>)
        %dma_wait3A_356 = arith.constant 0 : i32
        %dma_wait3A_357 = tpu.memref_slice %arg9[%run_scoped3A_212, %dma_wait3A_356] : memref<4x4096xf32, #tpu.memory_space<vmem>> -> memref<1x4096xf32, #tpu.memory_space<vmem>>
        %dma_wait3A_358 = tpu.memref_squeeze %dma_wait3A_357 : memref<1x4096xf32, #tpu.memory_space<vmem>> -> memref<4096xf32, #tpu.memory_space<vmem>>
        %dma_wait3A_359 = tpu.memref_slice %arg6[%select_n3A_185, %run_scoped3A_213, %mul3A_211] : memref<50x4x131072xf32, #tpu.memory_space<hbm>> -> memref<1x1x4096xf32, #tpu.memory_space<hbm>>
        %dma_wait3A_360 = tpu.memref_squeeze %dma_wait3A_359 : memref<1x1x4096xf32, #tpu.memory_space<hbm>> -> memref<4096xf32, #tpu.memory_space<hbm>>
        %dma_wait3A_361 = tpu.memref_slice %arg6[%select_n3A_185, %run_scoped3A_213, %mul3A_211] : memref<50x4x131072xf32, #tpu.memory_space<hbm>> -> memref<1x1x4096xf32, #tpu.memory_space<hbm>>
        %dma_wait3A_362 = tpu.memref_squeeze %dma_wait3A_361 : memref<1x1x4096xf32, #tpu.memory_space<hbm>> -> memref<4096xf32, #tpu.memory_space<hbm>>
        %dma_wait3A_363 = arith.constant 0 : i32
        %dma_wait3A_364 = tpu.memref_slice %arg9[%run_scoped3A_212, %dma_wait3A_363] : memref<4x4096xf32, #tpu.memory_space<vmem>> -> memref<1x4096xf32, #tpu.memory_space<vmem>>
        %dma_wait3A_365 = tpu.memref_squeeze %dma_wait3A_364 : memref<1x4096xf32, #tpu.memory_space<vmem>> -> memref<4096xf32, #tpu.memory_space<vmem>>
        tpu.wait_dma2 semaphore(%run_scoped3A_345 : memref<!tpu.dma_semaphore, #tpu.memory_space<semaphore_mem>>) src(%dma_wait3A_365 : memref<4096xf32, #tpu.memory_space<vmem>>) dst(%dma_wait3A_362 : memref<4096xf32, #tpu.memory_space<hbm>>)
        tpu.yield
      }) : () -> ()
      %mul3A_214 = arith.constant 4096 : i32
      %mul3A_215 = arith.muli %select_n3A_201, %mul3A_214 : i32
      %run_scoped3A_216 = arith.constant 3 : i32
      %run_scoped3A_217 = arith.constant 3 : i32
      "tpu.region"() ({
        %run_scoped3A_345 = tpu.sem_alloc : memref<!tpu.dma_semaphore, #tpu.memory_space<semaphore_mem>>
        %dma_start3A_346 = arith.constant 0 : i32
        %dma_start3A_347 = tpu.memref_slice %arg9[%run_scoped3A_216, %dma_start3A_346] : memref<4x4096xf32, #tpu.memory_space<vmem>> -> memref<1x4096xf32, #tpu.memory_space<vmem>>
        %dma_start3A_348 = tpu.memref_squeeze %dma_start3A_347 : memref<1x4096xf32, #tpu.memory_space<vmem>> -> memref<4096xf32, #tpu.memory_space<vmem>>
        %dma_start3A_349 = tpu.memref_slice %arg6[%select_n3A_185, %run_scoped3A_217, %mul3A_215] : memref<50x4x131072xf32, #tpu.memory_space<hbm>> -> memref<1x1x4096xf32, #tpu.memory_space<hbm>>
        %dma_start3A_350 = tpu.memref_squeeze %dma_start3A_349 : memref<1x1x4096xf32, #tpu.memory_space<hbm>> -> memref<4096xf32, #tpu.memory_space<hbm>>
        %dma_start3A_351 = tpu.memref_slice %arg6[%select_n3A_185, %run_scoped3A_217, %mul3A_215] : memref<50x4x131072xf32, #tpu.memory_space<hbm>> -> memref<1x1x4096xf32, #tpu.memory_space<hbm>>
        %dma_start3A_352 = tpu.memref_squeeze %dma_start3A_351 : memref<1x1x4096xf32, #tpu.memory_space<hbm>> -> memref<4096xf32, #tpu.memory_space<hbm>>
        %dma_start3A_353 = arith.constant 0 : i32
        %dma_start3A_354 = tpu.memref_slice %arg9[%run_scoped3A_216, %dma_start3A_353] : memref<4x4096xf32, #tpu.memory_space<vmem>> -> memref<1x4096xf32, #tpu.memory_space<vmem>>
        %dma_start3A_355 = tpu.memref_squeeze %dma_start3A_354 : memref<1x4096xf32, #tpu.memory_space<vmem>> -> memref<4096xf32, #tpu.memory_space<vmem>>
        tpu.enqueue_dma source(%dma_start3A_355 : memref<4096xf32, #tpu.memory_space<vmem>>) target(%dma_start3A_352 : memref<4096xf32, #tpu.memory_space<hbm>>) target_semaphore(%run_scoped3A_345 : memref<!tpu.dma_semaphore, #tpu.memory_space<semaphore_mem>>)
        %dma_wait3A_356 = arith.constant 0 : i32
        %dma_wait3A_357 = tpu.memref_slice %arg9[%run_scoped3A_216, %dma_wait3A_356] : memref<4x4096xf32, #tpu.memory_space<vmem>> -> memref<1x4096xf32, #tpu.memory_space<vmem>>
        %dma_wait3A_358 = tpu.memref_squeeze %dma_wait3A_357 : memref<1x4096xf32, #tpu.memory_space<vmem>> -> memref<4096xf32, #tpu.memory_space<vmem>>
        %dma_wait3A_359 = tpu.memref_slice %arg6[%select_n3A_185, %run_scoped3A_217, %mul3A_215] : memref<50x4x131072xf32, #tpu.memory_space<hbm>> -> memref<1x1x4096xf32, #tpu.memory_space<hbm>>
        %dma_wait3A_360 = tpu.memref_squeeze %dma_wait3A_359 : memref<1x1x4096xf32, #tpu.memory_space<hbm>> -> memref<4096xf32, #tpu.memory_space<hbm>>
        %dma_wait3A_361 = tpu.memref_slice %arg6[%select_n3A_185, %run_scoped3A_217, %mul3A_215] : memref<50x4x131072xf32, #tpu.memory_space<hbm>> -> memref<1x1x4096xf32, #tpu.memory_space<hbm>>
        %dma_wait3A_362 = tpu.memref_squeeze %dma_wait3A_361 : memref<1x1x4096xf32, #tpu.memory_space<hbm>> -> memref<4096xf32, #tpu.memory_space<hbm>>
        %dma_wait3A_363 = arith.constant 0 : i32
        %dma_wait3A_364 = tpu.memref_slice %arg9[%run_scoped3A_216, %dma_wait3A_363] : memref<4x4096xf32, #tpu.memory_space<vmem>> -> memref<1x4096xf32, #tpu.memory_space<vmem>>
        %dma_wait3A_365 = tpu.memref_squeeze %dma_wait3A_364 : memref<1x4096xf32, #tpu.memory_space<vmem>> -> memref<4096xf32, #tpu.memory_space<vmem>>
        tpu.wait_dma2 semaphore(%run_scoped3A_345 : memref<!tpu.dma_semaphore, #tpu.memory_space<semaphore_mem>>) src(%dma_wait3A_365 : memref<4096xf32, #tpu.memory_space<vmem>>) dst(%dma_wait3A_362 : memref<4096xf32, #tpu.memory_space<hbm>>)
        tpu.yield
      }) : () -> ()
      %mul3A_218 = arith.constant 2 : i32
      %mul3A_219 = arith.muli %scan3A_93, %mul3A_218 : i32
      %add3A_220 = arith.constant 1 : i32
      %add3A_221 = arith.addi %mul3A_219, %add3A_220 : i32
      %add3A_222 = arith.constant 1 : i32
      %add3A_223 = arith.addi %add3A_221, %add3A_222 : i32
      %lt3A_224 = arith.constant 50 : i32
      %lt3A_225 = arith.cmpi slt, %add3A_223, %lt3A_224 : i32
      %convert_element_type3A_226 = arith.extui %lt3A_225 : i1 to i32
      %cond3A_227 = arith.constant 0 : i32
      %cond3A_228 = arith.cmpi ne, %convert_element_type3A_226, %cond3A_227 : i32
      scf.if %cond3A_228 {
        %add3A_345 = arith.constant 1 : i32
        %add3A_346 = arith.addi %add3A_221, %add3A_345 : i32
        %add3A_347 = arith.addi %mul3A_2, %add3A_346 : i32
        %jit3A_348 = arith.constant 32 : i32
        %div3A_349 = arith.divsi %add3A_347, %jit3A_348 : i32
        %sign3A_350 = arith.constant 0 : i32
        %sign3A_351 = arith.cmpi sgt, %add3A_347, %sign3A_350 : i32
        %sign3A_352 = arith.extui %sign3A_351 : i1 to i32
        %sign3A_353 = arith.constant 0 : i32
        %sign3A_354 = arith.cmpi slt, %add3A_347, %sign3A_353 : i32
        %sign3A_355 = arith.extui %sign3A_354 : i1 to i32
        %sign3A_356 = arith.subi %sign3A_352, %sign3A_355 : i32
        %sign3A_357 = arith.constant 0 : i32
        %sign3A_358 = arith.cmpi sgt, %jit3A_348, %sign3A_357 : i32
        %sign3A_359 = arith.extui %sign3A_358 : i1 to i32
        %sign3A_360 = arith.constant 0 : i32
        %sign3A_361 = arith.cmpi slt, %jit3A_348, %sign3A_360 : i32
        %sign3A_362 = arith.extui %sign3A_361 : i1 to i32
        %sign3A_363 = arith.subi %sign3A_359, %sign3A_362 : i32
        %ne3A_364 = arith.cmpi ne, %sign3A_356, %sign3A_363 : i32
        %rem3A_365 = arith.remsi %add3A_347, %jit3A_348 : i32
        %ne3A_366 = arith.constant 0 : i32
        %ne3A_367 = arith.cmpi ne, %rem3A_365, %ne3A_366 : i32
        %and3A_368 = arith.andi %ne3A_364, %ne3A_367 : i1
        %sub3A_369 = arith.constant 1 : i32
        %sub3A_370 = arith.subi %div3A_349, %sub3A_369 : i32
        %select_n3A_371 = arith.select %and3A_368, %sub3A_370, %div3A_349 : i32
        %jit3A_372 = arith.constant 32 : i32
        %eq3A_373 = arith.constant 0 : i32
        %eq3A_374 = arith.cmpi eq, %jit3A_372, %eq3A_373 : i32
        %jit3A_375 = arith.constant 1 : i32
        %select_n3A_376 = arith.select %eq3A_374, %jit3A_375, %jit3A_372 : i32
        %rem3A_377 = arith.remsi %add3A_347, %select_n3A_376 : i32
        %ne3A_378 = arith.constant 0 : i32
        %ne3A_379 = arith.cmpi ne, %rem3A_377, %ne3A_378 : i32
        %lt3A_380 = arith.constant 0 : i32
        %lt3A_381 = arith.cmpi slt, %rem3A_377, %lt3A_380 : i32
        %lt3A_382 = arith.constant 0 : i32
        %lt3A_383 = arith.cmpi slt, %select_n3A_376, %lt3A_382 : i32
        %ne3A_384 = arith.xori %lt3A_381, %lt3A_383 : i1
        %and3A_385 = arith.andi %ne3A_384, %ne3A_379 : i1
        %add3A_386 = arith.addi %rem3A_377, %select_n3A_376 : i32
        %select_n3A_387 = arith.select %and3A_385, %add3A_386, %rem3A_377 : i32
        %mul3A_388 = arith.constant 4 : i32
        %mul3A_389 = arith.muli %select_n3A_387, %mul3A_388 : i32
        %run_scoped3A_390 = arith.constant 0 : i32
        "tpu.region"() ({
          %run_scoped3A_443 = tpu.sem_alloc : memref<!tpu.dma_semaphore, #tpu.memory_space<semaphore_mem>>
          %dma_start3A_444 = arith.constant 0 : i32
          %dma_start3A_445 = arith.constant 0 : i32
          %dma_start3A_446 = tpu.memref_slice %arg7[%run_scoped3A_390, %dma_start3A_444, %dma_start3A_445] : memref<2x4x128xi32, #tpu.memory_space<vmem>> -> memref<1x4x128xi32, #tpu.memory_space<vmem>>
          %dma_start3A_447 = tpu.memref_squeeze %dma_start3A_446 : memref<1x4x128xi32, #tpu.memory_space<vmem>> -> memref<4x128xi32, #tpu.memory_space<vmem>>
          %dma_start3A_448 = arith.constant 0 : i32
          %dma_start3A_449 = tpu.memref_slice %arg2[%select_n3A_371, %mul3A_389, %dma_start3A_448] : memref<50x128x128xi32, #tpu.memory_space<hbm>> -> memref<1x4x128xi32, #tpu.memory_space<hbm>>
          %dma_start3A_450 = tpu.memref_squeeze %dma_start3A_449 : memref<1x4x128xi32, #tpu.memory_space<hbm>> -> memref<4x128xi32, #tpu.memory_space<hbm>>
          %dma_start3A_451 = arith.constant 0 : i32
          %dma_start3A_452 = arith.constant 0 : i32
          %dma_start3A_453 = tpu.memref_slice %arg7[%run_scoped3A_390, %dma_start3A_451, %dma_start3A_452] : memref<2x4x128xi32, #tpu.memory_space<vmem>> -> memref<1x4x128xi32, #tpu.memory_space<vmem>>
          %dma_start3A_454 = tpu.memref_squeeze %dma_start3A_453 : memref<1x4x128xi32, #tpu.memory_space<vmem>> -> memref<4x128xi32, #tpu.memory_space<vmem>>
          %dma_start3A_455 = arith.constant 0 : i32
          %dma_start3A_456 = tpu.memref_slice %arg2[%select_n3A_371, %mul3A_389, %dma_start3A_455] : memref<50x128x128xi32, #tpu.memory_space<hbm>> -> memref<1x4x128xi32, #tpu.memory_space<hbm>>
          %dma_start3A_457 = tpu.memref_squeeze %dma_start3A_456 : memref<1x4x128xi32, #tpu.memory_space<hbm>> -> memref<4x128xi32, #tpu.memory_space<hbm>>
          tpu.enqueue_dma source(%dma_start3A_457 : memref<4x128xi32, #tpu.memory_space<hbm>>) target(%dma_start3A_454 : memref<4x128xi32, #tpu.memory_space<vmem>>) target_semaphore(%run_scoped3A_443 : memref<!tpu.dma_semaphore, #tpu.memory_space<semaphore_mem>>)
          %dma_wait3A_458 = arith.constant 0 : i32
          %dma_wait3A_459 = arith.constant 0 : i32
          %dma_wait3A_460 = tpu.memref_slice %arg7[%run_scoped3A_390, %dma_wait3A_458, %dma_wait3A_459] : memref<2x4x128xi32, #tpu.memory_space<vmem>> -> memref<1x4x128xi32, #tpu.memory_space<vmem>>
          %dma_wait3A_461 = tpu.memref_squeeze %dma_wait3A_460 : memref<1x4x128xi32, #tpu.memory_space<vmem>> -> memref<4x128xi32, #tpu.memory_space<vmem>>
          %dma_wait3A_462 = arith.constant 0 : i32
          %dma_wait3A_463 = tpu.memref_slice %arg2[%select_n3A_371, %mul3A_389, %dma_wait3A_462] : memref<50x128x128xi32, #tpu.memory_space<hbm>> -> memref<1x4x128xi32, #tpu.memory_space<hbm>>
          %dma_wait3A_464 = tpu.memref_squeeze %dma_wait3A_463 : memref<1x4x128xi32, #tpu.memory_space<hbm>> -> memref<4x128xi32, #tpu.memory_space<hbm>>
          %dma_wait3A_465 = arith.constant 0 : i32
          %dma_wait3A_466 = arith.constant 0 : i32
          %dma_wait3A_467 = tpu.memref_slice %arg7[%run_scoped3A_390, %dma_wait3A_465, %dma_wait3A_466] : memref<2x4x128xi32, #tpu.memory_space<vmem>> -> memref<1x4x128xi32, #tpu.memory_space<vmem>>
          %dma_wait3A_468 = tpu.memref_squeeze %dma_wait3A_467 : memref<1x4x128xi32, #tpu.memory_space<vmem>> -> memref<4x128xi32, #tpu.memory_space<vmem>>
          %dma_wait3A_469 = arith.constant 0 : i32
          %dma_wait3A_470 = tpu.memref_slice %arg2[%select_n3A_371, %mul3A_389, %dma_wait3A_469] : memref<50x128x128xi32, #tpu.memory_space<hbm>> -> memref<1x4x128xi32, #tpu.memory_space<hbm>>
          %dma_wait3A_471 = tpu.memref_squeeze %dma_wait3A_470 : memref<1x4x128xi32, #tpu.memory_space<hbm>> -> memref<4x128xi32, #tpu.memory_space<hbm>>
          tpu.wait_dma2 semaphore(%run_scoped3A_443 : memref<!tpu.dma_semaphore, #tpu.memory_space<semaphore_mem>>) src(%dma_wait3A_471 : memref<4x128xi32, #tpu.memory_space<hbm>>) dst(%dma_wait3A_468 : memref<4x128xi32, #tpu.memory_space<vmem>>)
          tpu.yield
        }) : () -> ()
        %dma_start3A_391 = arith.constant 0 : i32
        %dma_start3A_392 = arith.constant 0 : i32
        %dma_start3A_393 = arith.constant 0 : i32
        %dma_start3A_394 = arith.constant 0 : i32
        %dma_start3A_395 = arith.constant 0 : i32
        %dma_start3A_396 = tpu.memref_slice %arg8[%dma_start3A_393, %dma_start3A_394, %dma_start3A_395] : memref<2x512x32xf32, #tpu.memory_space<vmem>> -> memref<1x128x32xf32, #tpu.memory_space<vmem>>
        %dma_start3A_397 = tpu.memref_squeeze %dma_start3A_396 : memref<1x128x32xf32, #tpu.memory_space<vmem>> -> memref<128x32xf32, #tpu.memory_space<vmem>>
        %dma_start3A_398 = arith.constant 0 : i32
        %dma_start3A_399 = tpu.memref_slice %arg7[%dma_start3A_391, %dma_start3A_392, %dma_start3A_398] : memref<2x4x128xi32, #tpu.memory_space<vmem>> -> memref<1x1x128xi32, #tpu.memory_space<vmem>>
        %dma_start3A_400 = tpu.memref_squeeze %dma_start3A_399 : memref<1x1x128xi32, #tpu.memory_space<vmem>> -> memref<128xi32, #tpu.memory_space<vmem>>
        %dma_start3A_401 = arith.constant 0 : i32
        %dma_start3A_402 = arith.constant 0 : i32
        %dma_start3A_403 = tpu.memref_slice %arg3[%dma_start3A_401, %dma_start3A_402] : memref<1000000x32xf32, #tpu.memory_space<hbm>> -> memref<1000000x32xf32, #tpu.memory_space<hbm>>
        tpu.enqueue_indirect_dma source(%dma_start3A_403 : memref<1000000x32xf32, #tpu.memory_space<hbm>>) target(%dma_start3A_397 : memref<128x32xf32, #tpu.memory_space<vmem>>) offsets(%dma_start3A_400 : memref<128xi32, #tpu.memory_space<vmem>>) semaphore(%arg12 : memref<!tpu.dma_semaphore, #tpu.memory_space<semaphore_mem>>)
        %dma_start3A_404 = arith.constant 0 : i32
        %dma_start3A_405 = arith.constant 1 : i32
        %dma_start3A_406 = arith.constant 0 : i32
        %dma_start3A_407 = arith.constant 128 : i32
        %dma_start3A_408 = arith.constant 0 : i32
        %dma_start3A_409 = tpu.memref_slice %arg8[%dma_start3A_406, %dma_start3A_407, %dma_start3A_408] : memref<2x512x32xf32, #tpu.memory_space<vmem>> -> memref<1x128x32xf32, #tpu.memory_space<vmem>>
        %dma_start3A_410 = tpu.memref_squeeze %dma_start3A_409 : memref<1x128x32xf32, #tpu.memory_space<vmem>> -> memref<128x32xf32, #tpu.memory_space<vmem>>
        %dma_start3A_411 = arith.constant 0 : i32
        %dma_start3A_412 = tpu.memref_slice %arg7[%dma_start3A_404, %dma_start3A_405, %dma_start3A_411] : memref<2x4x128xi32, #tpu.memory_space<vmem>> -> memref<1x1x128xi32, #tpu.memory_space<vmem>>
        %dma_start3A_413 = tpu.memref_squeeze %dma_start3A_412 : memref<1x1x128xi32, #tpu.memory_space<vmem>> -> memref<128xi32, #tpu.memory_space<vmem>>
        %dma_start3A_414 = arith.constant 0 : i32
        %dma_start3A_415 = arith.constant 0 : i32
        %dma_start3A_416 = tpu.memref_slice %arg3[%dma_start3A_414, %dma_start3A_415] : memref<1000000x32xf32, #tpu.memory_space<hbm>> -> memref<1000000x32xf32, #tpu.memory_space<hbm>>
        tpu.enqueue_indirect_dma source(%dma_start3A_416 : memref<1000000x32xf32, #tpu.memory_space<hbm>>) target(%dma_start3A_410 : memref<128x32xf32, #tpu.memory_space<vmem>>) offsets(%dma_start3A_413 : memref<128xi32, #tpu.memory_space<vmem>>) semaphore(%arg12 : memref<!tpu.dma_semaphore, #tpu.memory_space<semaphore_mem>>)
        %dma_start3A_417 = arith.constant 0 : i32
        %dma_start3A_418 = arith.constant 2 : i32
        %dma_start3A_419 = arith.constant 0 : i32
        %dma_start3A_420 = arith.constant 256 : i32
        %dma_start3A_421 = arith.constant 0 : i32
        %dma_start3A_422 = tpu.memref_slice %arg8[%dma_start3A_419, %dma_start3A_420, %dma_start3A_421] : memref<2x512x32xf32, #tpu.memory_space<vmem>> -> memref<1x128x32xf32, #tpu.memory_space<vmem>>
        %dma_start3A_423 = tpu.memref_squeeze %dma_start3A_422 : memref<1x128x32xf32, #tpu.memory_space<vmem>> -> memref<128x32xf32, #tpu.memory_space<vmem>>
        %dma_start3A_424 = arith.constant 0 : i32
        %dma_start3A_425 = tpu.memref_slice %arg7[%dma_start3A_417, %dma_start3A_418, %dma_start3A_424] : memref<2x4x128xi32, #tpu.memory_space<vmem>> -> memref<1x1x128xi32, #tpu.memory_space<vmem>>
        %dma_start3A_426 = tpu.memref_squeeze %dma_start3A_425 : memref<1x1x128xi32, #tpu.memory_space<vmem>> -> memref<128xi32, #tpu.memory_space<vmem>>
        %dma_start3A_427 = arith.constant 0 : i32
        %dma_start3A_428 = arith.constant 0 : i32
        %dma_start3A_429 = tpu.memref_slice %arg3[%dma_start3A_427, %dma_start3A_428] : memref<1000000x32xf32, #tpu.memory_space<hbm>> -> memref<1000000x32xf32, #tpu.memory_space<hbm>>
        tpu.enqueue_indirect_dma source(%dma_start3A_429 : memref<1000000x32xf32, #tpu.memory_space<hbm>>) target(%dma_start3A_423 : memref<128x32xf32, #tpu.memory_space<vmem>>) offsets(%dma_start3A_426 : memref<128xi32, #tpu.memory_space<vmem>>) semaphore(%arg12 : memref<!tpu.dma_semaphore, #tpu.memory_space<semaphore_mem>>)
        %dma_start3A_430 = arith.constant 0 : i32
        %dma_start3A_431 = arith.constant 3 : i32
        %dma_start3A_432 = arith.constant 0 : i32
        %dma_start3A_433 = arith.constant 384 : i32
        %dma_start3A_434 = arith.constant 0 : i32
        %dma_start3A_435 = tpu.memref_slice %arg8[%dma_start3A_432, %dma_start3A_433, %dma_start3A_434] : memref<2x512x32xf32, #tpu.memory_space<vmem>> -> memref<1x128x32xf32, #tpu.memory_space<vmem>>
        %dma_start3A_436 = tpu.memref_squeeze %dma_start3A_435 : memref<1x128x32xf32, #tpu.memory_space<vmem>> -> memref<128x32xf32, #tpu.memory_space<vmem>>
        %dma_start3A_437 = arith.constant 0 : i32
        %dma_start3A_438 = tpu.memref_slice %arg7[%dma_start3A_430, %dma_start3A_431, %dma_start3A_437] : memref<2x4x128xi32, #tpu.memory_space<vmem>> -> memref<1x1x128xi32, #tpu.memory_space<vmem>>
        %dma_start3A_439 = tpu.memref_squeeze %dma_start3A_438 : memref<1x1x128xi32, #tpu.memory_space<vmem>> -> memref<128xi32, #tpu.memory_space<vmem>>
        %dma_start3A_440 = arith.constant 0 : i32
        %dma_start3A_441 = arith.constant 0 : i32
        %dma_start3A_442 = tpu.memref_slice %arg3[%dma_start3A_440, %dma_start3A_441] : memref<1000000x32xf32, #tpu.memory_space<hbm>> -> memref<1000000x32xf32, #tpu.memory_space<hbm>>
        tpu.enqueue_indirect_dma source(%dma_start3A_442 : memref<1000000x32xf32, #tpu.memory_space<hbm>>) target(%dma_start3A_436 : memref<128x32xf32, #tpu.memory_space<vmem>>) offsets(%dma_start3A_439 : memref<128xi32, #tpu.memory_space<vmem>>) semaphore(%arg12 : memref<!tpu.dma_semaphore, #tpu.memory_space<semaphore_mem>>)
      } else {
      }
      %dma_wait3A_229 = arith.constant 1 : i32
      %dma_wait3A_230 = arith.constant 0 : i32
      %dma_wait3A_231 = arith.constant 1 : i32
      %dma_wait3A_232 = arith.constant 0 : i32
      %dma_wait3A_233 = arith.constant 0 : i32
      %dma_wait3A_234 = tpu.memref_slice %arg8[%dma_wait3A_231, %dma_wait3A_232, %dma_wait3A_233] : memref<2x512x32xf32, #tpu.memory_space<vmem>> -> memref<1x128x32xf32, #tpu.memory_space<vmem>>
      %dma_wait3A_235 = tpu.memref_squeeze %dma_wait3A_234 : memref<1x128x32xf32, #tpu.memory_space<vmem>> -> memref<128x32xf32, #tpu.memory_space<vmem>>
      %dma_wait3A_236 = arith.constant 0 : i32
      %dma_wait3A_237 = tpu.memref_slice %arg7[%dma_wait3A_229, %dma_wait3A_230, %dma_wait3A_236] : memref<2x4x128xi32, #tpu.memory_space<vmem>> -> memref<1x1x128xi32, #tpu.memory_space<vmem>>
      %dma_wait3A_238 = tpu.memref_squeeze %dma_wait3A_237 : memref<1x1x128xi32, #tpu.memory_space<vmem>> -> memref<128xi32, #tpu.memory_space<vmem>>
      %dma_wait3A_239 = arith.constant 0 : i32
      %dma_wait3A_240 = arith.constant 0 : i32
      %dma_wait3A_241 = tpu.memref_slice %arg3[%dma_wait3A_239, %dma_wait3A_240] : memref<1000000x32xf32, #tpu.memory_space<hbm>> -> memref<1000000x32xf32, #tpu.memory_space<hbm>>
      tpu.wait_indirect_dma semaphore(%arg13 : memref<!tpu.dma_semaphore, #tpu.memory_space<semaphore_mem>>) src(%dma_wait3A_241 : memref<1000000x32xf32, #tpu.memory_space<hbm>>) dst(%dma_wait3A_235 : memref<128x32xf32, #tpu.memory_space<vmem>>)
      %dma_wait3A_242 = arith.constant 1 : i32
      %dma_wait3A_243 = arith.constant 1 : i32
      %dma_wait3A_244 = arith.constant 1 : i32
      %dma_wait3A_245 = arith.constant 128 : i32
      %dma_wait3A_246 = arith.constant 0 : i32
      %dma_wait3A_247 = tpu.memref_slice %arg8[%dma_wait3A_244, %dma_wait3A_245, %dma_wait3A_246] : memref<2x512x32xf32, #tpu.memory_space<vmem>> -> memref<1x128x32xf32, #tpu.memory_space<vmem>>
      %dma_wait3A_248 = tpu.memref_squeeze %dma_wait3A_247 : memref<1x128x32xf32, #tpu.memory_space<vmem>> -> memref<128x32xf32, #tpu.memory_space<vmem>>
      %dma_wait3A_249 = arith.constant 0 : i32
      %dma_wait3A_250 = tpu.memref_slice %arg7[%dma_wait3A_242, %dma_wait3A_243, %dma_wait3A_249] : memref<2x4x128xi32, #tpu.memory_space<vmem>> -> memref<1x1x128xi32, #tpu.memory_space<vmem>>
      %dma_wait3A_251 = tpu.memref_squeeze %dma_wait3A_250 : memref<1x1x128xi32, #tpu.memory_space<vmem>> -> memref<128xi32, #tpu.memory_space<vmem>>
      %dma_wait3A_252 = arith.constant 0 : i32
      %dma_wait3A_253 = arith.constant 0 : i32
      %dma_wait3A_254 = tpu.memref_slice %arg3[%dma_wait3A_252, %dma_wait3A_253] : memref<1000000x32xf32, #tpu.memory_space<hbm>> -> memref<1000000x32xf32, #tpu.memory_space<hbm>>
      tpu.wait_indirect_dma semaphore(%arg13 : memref<!tpu.dma_semaphore, #tpu.memory_space<semaphore_mem>>) src(%dma_wait3A_254 : memref<1000000x32xf32, #tpu.memory_space<hbm>>) dst(%dma_wait3A_248 : memref<128x32xf32, #tpu.memory_space<vmem>>)
      %dma_wait3A_255 = arith.constant 1 : i32
      %dma_wait3A_256 = arith.constant 2 : i32
      %dma_wait3A_257 = arith.constant 1 : i32
      %dma_wait3A_258 = arith.constant 256 : i32
      %dma_wait3A_259 = arith.constant 0 : i32
      %dma_wait3A_260 = tpu.memref_slice %arg8[%dma_wait3A_257, %dma_wait3A_258, %dma_wait3A_259] : memref<2x512x32xf32, #tpu.memory_space<vmem>> -> memref<1x128x32xf32, #tpu.memory_space<vmem>>
      %dma_wait3A_261 = tpu.memref_squeeze %dma_wait3A_260 : memref<1x128x32xf32, #tpu.memory_space<vmem>> -> memref<128x32xf32, #tpu.memory_space<vmem>>
      %dma_wait3A_262 = arith.constant 0 : i32
      %dma_wait3A_263 = tpu.memref_slice %arg7[%dma_wait3A_255, %dma_wait3A_256, %dma_wait3A_262] : memref<2x4x128xi32, #tpu.memory_space<vmem>> -> memref<1x1x128xi32, #tpu.memory_space<vmem>>
      %dma_wait3A_264 = tpu.memref_squeeze %dma_wait3A_263 : memref<1x1x128xi32, #tpu.memory_space<vmem>> -> memref<128xi32, #tpu.memory_space<vmem>>
      %dma_wait3A_265 = arith.constant 0 : i32
      %dma_wait3A_266 = arith.constant 0 : i32
      %dma_wait3A_267 = tpu.memref_slice %arg3[%dma_wait3A_265, %dma_wait3A_266] : memref<1000000x32xf32, #tpu.memory_space<hbm>> -> memref<1000000x32xf32, #tpu.memory_space<hbm>>
      tpu.wait_indirect_dma semaphore(%arg13 : memref<!tpu.dma_semaphore, #tpu.memory_space<semaphore_mem>>) src(%dma_wait3A_267 : memref<1000000x32xf32, #tpu.memory_space<hbm>>) dst(%dma_wait3A_261 : memref<128x32xf32, #tpu.memory_space<vmem>>)
      %dma_wait3A_268 = arith.constant 1 : i32
      %dma_wait3A_269 = arith.constant 3 : i32
      %dma_wait3A_270 = arith.constant 1 : i32
      %dma_wait3A_271 = arith.constant 384 : i32
      %dma_wait3A_272 = arith.constant 0 : i32
      %dma_wait3A_273 = tpu.memref_slice %arg8[%dma_wait3A_270, %dma_wait3A_271, %dma_wait3A_272] : memref<2x512x32xf32, #tpu.memory_space<vmem>> -> memref<1x128x32xf32, #tpu.memory_space<vmem>>
      %dma_wait3A_274 = tpu.memref_squeeze %dma_wait3A_273 : memref<1x128x32xf32, #tpu.memory_space<vmem>> -> memref<128x32xf32, #tpu.memory_space<vmem>>
      %dma_wait3A_275 = arith.constant 0 : i32
      %dma_wait3A_276 = tpu.memref_slice %arg7[%dma_wait3A_268, %dma_wait3A_269, %dma_wait3A_275] : memref<2x4x128xi32, #tpu.memory_space<vmem>> -> memref<1x1x128xi32, #tpu.memory_space<vmem>>
      %dma_wait3A_277 = tpu.memref_squeeze %dma_wait3A_276 : memref<1x1x128xi32, #tpu.memory_space<vmem>> -> memref<128xi32, #tpu.memory_space<vmem>>
      %dma_wait3A_278 = arith.constant 0 : i32
      %dma_wait3A_279 = arith.constant 0 : i32
      %dma_wait3A_280 = tpu.memref_slice %arg3[%dma_wait3A_278, %dma_wait3A_279] : memref<1000000x32xf32, #tpu.memory_space<hbm>> -> memref<1000000x32xf32, #tpu.memory_space<hbm>>
      tpu.wait_indirect_dma semaphore(%arg13 : memref<!tpu.dma_semaphore, #tpu.memory_space<semaphore_mem>>) src(%dma_wait3A_280 : memref<1000000x32xf32, #tpu.memory_space<hbm>>) dst(%dma_wait3A_274 : memref<128x32xf32, #tpu.memory_space<vmem>>)
      %scan3A_281 = arith.constant 0 : i32
      %scan3A_282 = arith.constant 1 : i32
      %scan3A_283 = arith.constant 0 : i32
      %scan3A_284 = arith.constant 32 : i32
      %scan3A_285 = arith.addi %scan3A_283, %scan3A_284 : i32
      %scan3A_286 = arith.constant 1 : i32
      scf.for %scan3A_345 = %scan3A_283 to %scan3A_285 step %scan3A_286  : i32 {
        %mul3A_346 = arith.constant 16 : i32
        %mul3A_347 = arith.muli %scan3A_345, %mul3A_346 : i32
        %add3A_348 = vector.broadcast %mul3A_347 : i32 to vector<16xi32>
        %add3A_349 = arith.addi %add3A_348, %iota3A : vector<16xi32>
        %broadcast_in_dim3A = arith.constant 0.000000e+00 : f32
        %broadcast_in_dim3A_350 = vector.broadcast %broadcast_in_dim3A : f32 to vector<16xf32>
        %broadcast_in_dim3A_351 = arith.constant 0.000000e+00 : f32
        %broadcast_in_dim3A_352 = vector.broadcast %broadcast_in_dim3A_351 : f32 to vector<16xf32>
        %broadcast_in_dim3A_353 = arith.constant 0.000000e+00 : f32
        %broadcast_in_dim3A_354 = vector.broadcast %broadcast_in_dim3A_353 : f32 to vector<16xf32>
        %broadcast_in_dim3A_355 = arith.constant 0.000000e+00 : f32
        %broadcast_in_dim3A_356 = vector.broadcast %broadcast_in_dim3A_355 : f32 to vector<16xf32>
        %broadcast_in_dim3A_357 = arith.constant 0.000000e+00 : f32
        %broadcast_in_dim3A_358 = vector.broadcast %broadcast_in_dim3A_357 : f32 to vector<16xf32>
        %broadcast_in_dim3A_359 = arith.constant 0.000000e+00 : f32
        %broadcast_in_dim3A_360 = vector.broadcast %broadcast_in_dim3A_359 : f32 to vector<16xf32>
        %broadcast_in_dim3A_361 = arith.constant 0.000000e+00 : f32
        %broadcast_in_dim3A_362 = vector.broadcast %broadcast_in_dim3A_361 : f32 to vector<16xf32>
        %broadcast_in_dim3A_363 = arith.constant 0.000000e+00 : f32
        %broadcast_in_dim3A_364 = vector.broadcast %broadcast_in_dim3A_363 : f32 to vector<16xf32>
        %broadcast_in_dim3A_365 = arith.constant 0 : i32
        %broadcast_in_dim3A_366 = vector.broadcast %broadcast_in_dim3A_365 : i32 to vector<16xi32>
        %gather3A = arith.constant 0 : i32
        %gather3A_367 = arith.constant 0 : i32
        %gather3A_368 = tpu.memref_slice %arg8[%scan3A_282, %gather3A, %gather3A_367] : memref<2x512x32xf32, #tpu.memory_space<vmem>> -> memref<1x512x32xf32, #tpu.memory_space<vmem>>
        %gather3A_369 = tpu.memref_squeeze %gather3A_368 : memref<1x512x32xf32, #tpu.memory_space<vmem>> -> memref<512x32xf32, #tpu.memory_space<vmem>>
        %gather3A_370 = tpu.vector_load_idx %gather3A_369[%add3A_349, %broadcast_in_dim3A_366] : memref<512x32xf32, #tpu.memory_space<vmem>>[vector<16xi32>, vector<16xi32>], vector<16xf32>,
        %add3A_371 = arith.addf %broadcast_in_dim3A_350, %gather3A_370 : vector<16xf32>
        %mul3A_372 = arith.mulf %gather3A_370, %gather3A_370 : vector<16xf32>
        %add3A_373 = arith.addf %broadcast_in_dim3A_358, %mul3A_372 : vector<16xf32>
        %broadcast_in_dim3A_374 = arith.constant 1 : i32
        %broadcast_in_dim3A_375 = vector.broadcast %broadcast_in_dim3A_374 : i32 to vector<16xi32>
        %gather3A_376 = arith.constant 0 : i32
        %gather3A_377 = arith.constant 0 : i32
        %gather3A_378 = tpu.memref_slice %arg8[%scan3A_282, %gather3A_376, %gather3A_377] : memref<2x512x32xf32, #tpu.memory_space<vmem>> -> memref<1x512x32xf32, #tpu.memory_space<vmem>>
        %gather3A_379 = tpu.memref_squeeze %gather3A_378 : memref<1x512x32xf32, #tpu.memory_space<vmem>> -> memref<512x32xf32, #tpu.memory_space<vmem>>
        %gather3A_380 = tpu.vector_load_idx %gather3A_379[%add3A_349, %broadcast_in_dim3A_375] : memref<512x32xf32, #tpu.memory_space<vmem>>[vector<16xi32>, vector<16xi32>], vector<16xf32>,
        %add3A_381 = arith.addf %broadcast_in_dim3A_352, %gather3A_380 : vector<16xf32>
        %mul3A_382 = arith.mulf %gather3A_380, %gather3A_380 : vector<16xf32>
        %add3A_383 = arith.addf %broadcast_in_dim3A_360, %mul3A_382 : vector<16xf32>
        %broadcast_in_dim3A_384 = arith.constant 2 : i32
        %broadcast_in_dim3A_385 = vector.broadcast %broadcast_in_dim3A_384 : i32 to vector<16xi32>
        %gather3A_386 = arith.constant 0 : i32
        %gather3A_387 = arith.constant 0 : i32
        %gather3A_388 = tpu.memref_slice %arg8[%scan3A_282, %gather3A_386, %gather3A_387] : memref<2x512x32xf32, #tpu.memory_space<vmem>> -> memref<1x512x32xf32, #tpu.memory_space<vmem>>
        %gather3A_389 = tpu.memref_squeeze %gather3A_388 : memref<1x512x32xf32, #tpu.memory_space<vmem>> -> memref<512x32xf32, #tpu.memory_space<vmem>>
        %gather3A_390 = tpu.vector_load_idx %gather3A_389[%add3A_349, %broadcast_in_dim3A_385] : memref<512x32xf32, #tpu.memory_space<vmem>>[vector<16xi32>, vector<16xi32>], vector<16xf32>,
        %add3A_391 = arith.addf %broadcast_in_dim3A_354, %gather3A_390 : vector<16xf32>
        %mul3A_392 = arith.mulf %gather3A_390, %gather3A_390 : vector<16xf32>
        %add3A_393 = arith.addf %broadcast_in_dim3A_362, %mul3A_392 : vector<16xf32>
        %broadcast_in_dim3A_394 = arith.constant 3 : i32
        %broadcast_in_dim3A_395 = vector.broadcast %broadcast_in_dim3A_394 : i32 to vector<16xi32>
        %gather3A_396 = arith.constant 0 : i32
        %gather3A_397 = arith.constant 0 : i32
        %gather3A_398 = tpu.memref_slice %arg8[%scan3A_282, %gather3A_396, %gather3A_397] : memref<2x512x32xf32, #tpu.memory_space<vmem>> -> memref<1x512x32xf32, #tpu.memory_space<vmem>>
        %gather3A_399 = tpu.memref_squeeze %gather3A_398 : memref<1x512x32xf32, #tpu.memory_space<vmem>> -> memref<512x32xf32, #tpu.memory_space<vmem>>
        %gather3A_400 = tpu.vector_load_idx %gather3A_399[%add3A_349, %broadcast_in_dim3A_395] : memref<512x32xf32, #tpu.memory_space<vmem>>[vector<16xi32>, vector<16xi32>], vector<16xf32>,
        %add3A_401 = arith.addf %broadcast_in_dim3A_356, %gather3A_400 : vector<16xf32>
        %mul3A_402 = arith.mulf %gather3A_400, %gather3A_400 : vector<16xf32>
        %add3A_403 = arith.addf %broadcast_in_dim3A_364, %mul3A_402 : vector<16xf32>
        %broadcast_in_dim3A_404 = arith.constant 4 : i32
        %broadcast_in_dim3A_405 = vector.broadcast %broadcast_in_dim3A_404 : i32 to vector<16xi32>
        %gather3A_406 = arith.constant 0 : i32
        %gather3A_407 = arith.constant 0 : i32
        %gather3A_408 = tpu.memref_slice %arg8[%scan3A_282, %gather3A_406, %gather3A_407] : memref<2x512x32xf32, #tpu.memory_space<vmem>> -> memref<1x512x32xf32, #tpu.memory_space<vmem>>
        %gather3A_409 = tpu.memref_squeeze %gather3A_408 : memref<1x512x32xf32, #tpu.memory_space<vmem>> -> memref<512x32xf32, #tpu.memory_space<vmem>>
        %gather3A_410 = tpu.vector_load_idx %gather3A_409[%add3A_349, %broadcast_in_dim3A_405] : memref<512x32xf32, #tpu.memory_space<vmem>>[vector<16xi32>, vector<16xi32>], vector<16xf32>,
        %add3A_411 = arith.addf %add3A_371, %gather3A_410 : vector<16xf32>
        %mul3A_412 = arith.mulf %gather3A_410, %gather3A_410 : vector<16xf32>
        %add3A_413 = arith.addf %add3A_373, %mul3A_412 : vector<16xf32>
        %broadcast_in_dim3A_414 = arith.constant 5 : i32
        %broadcast_in_dim3A_415 = vector.broadcast %broadcast_in_dim3A_414 : i32 to vector<16xi32>
        %gather3A_416 = arith.constant 0 : i32
        %gather3A_417 = arith.constant 0 : i32
        %gather3A_418 = tpu.memref_slice %arg8[%scan3A_282, %gather3A_416, %gather3A_417] : memref<2x512x32xf32, #tpu.memory_space<vmem>> -> memref<1x512x32xf32, #tpu.memory_space<vmem>>
        %gather3A_419 = tpu.memref_squeeze %gather3A_418 : memref<1x512x32xf32, #tpu.memory_space<vmem>> -> memref<512x32xf32, #tpu.memory_space<vmem>>
        %gather3A_420 = tpu.vector_load_idx %gather3A_419[%add3A_349, %broadcast_in_dim3A_415] : memref<512x32xf32, #tpu.memory_space<vmem>>[vector<16xi32>, vector<16xi32>], vector<16xf32>,
        %add3A_421 = arith.addf %add3A_381, %gather3A_420 : vector<16xf32>
        %mul3A_422 = arith.mulf %gather3A_420, %gather3A_420 : vector<16xf32>
        %add3A_423 = arith.addf %add3A_383, %mul3A_422 : vector<16xf32>
        %broadcast_in_dim3A_424 = arith.constant 6 : i32
        %broadcast_in_dim3A_425 = vector.broadcast %broadcast_in_dim3A_424 : i32 to vector<16xi32>
        %gather3A_426 = arith.constant 0 : i32
        %gather3A_427 = arith.constant 0 : i32
        %gather3A_428 = tpu.memref_slice %arg8[%scan3A_282, %gather3A_426, %gather3A_427] : memref<2x512x32xf32, #tpu.memory_space<vmem>> -> memref<1x512x32xf32, #tpu.memory_space<vmem>>
        %gather3A_429 = tpu.memref_squeeze %gather3A_428 : memref<1x512x32xf32, #tpu.memory_space<vmem>> -> memref<512x32xf32, #tpu.memory_space<vmem>>
        %gather3A_430 = tpu.vector_load_idx %gather3A_429[%add3A_349, %broadcast_in_dim3A_425] : memref<512x32xf32, #tpu.memory_space<vmem>>[vector<16xi32>, vector<16xi32>], vector<16xf32>,
        %add3A_431 = arith.addf %add3A_391, %gather3A_430 : vector<16xf32>
        %mul3A_432 = arith.mulf %gather3A_430, %gather3A_430 : vector<16xf32>
        %add3A_433 = arith.addf %add3A_393, %mul3A_432 : vector<16xf32>
        %broadcast_in_dim3A_434 = arith.constant 7 : i32
        %broadcast_in_dim3A_435 = vector.broadcast %broadcast_in_dim3A_434 : i32 to vector<16xi32>
        %gather3A_436 = arith.constant 0 : i32
        %gather3A_437 = arith.constant 0 : i32
        %gather3A_438 = tpu.memref_slice %arg8[%scan3A_282, %gather3A_436, %gather3A_437] : memref<2x512x32xf32, #tpu.memory_space<vmem>> -> memref<1x512x32xf32, #tpu.memory_space<vmem>>
        %gather3A_439 = tpu.memref_squeeze %gather3A_438 : memref<1x512x32xf32, #tpu.memory_space<vmem>> -> memref<512x32xf32, #tpu.memory_space<vmem>>
        %gather3A_440 = tpu.vector_load_idx %gather3A_439[%add3A_349, %broadcast_in_dim3A_435] : memref<512x32xf32, #tpu.memory_space<vmem>>[vector<16xi32>, vector<16xi32>], vector<16xf32>,
        %add3A_441 = arith.addf %add3A_401, %gather3A_440 : vector<16xf32>
        %mul3A_442 = arith.mulf %gather3A_440, %gather3A_440 : vector<16xf32>
        %add3A_443 = arith.addf %add3A_403, %mul3A_442 : vector<16xf32>
        %broadcast_in_dim3A_444 = arith.constant 8 : i32
        %broadcast_in_dim3A_445 = vector.broadcast %broadcast_in_dim3A_444 : i32 to vector<16xi32>
        %gather3A_446 = arith.constant 0 : i32
        %gather3A_447 = arith.constant 0 : i32
        %gather3A_448 = tpu.memref_slice %arg8[%scan3A_282, %gather3A_446, %gather3A_447] : memref<2x512x32xf32, #tpu.memory_space<vmem>> -> memref<1x512x32xf32, #tpu.memory_space<vmem>>
        %gather3A_449 = tpu.memref_squeeze %gather3A_448 : memref<1x512x32xf32, #tpu.memory_space<vmem>> -> memref<512x32xf32, #tpu.memory_space<vmem>>
        %gather3A_450 = tpu.vector_load_idx %gather3A_449[%add3A_349, %broadcast_in_dim3A_445] : memref<512x32xf32, #tpu.memory_space<vmem>>[vector<16xi32>, vector<16xi32>], vector<16xf32>,
        %add3A_451 = arith.addf %add3A_411, %gather3A_450 : vector<16xf32>
        %mul3A_452 = arith.mulf %gather3A_450, %gather3A_450 : vector<16xf32>
        %add3A_453 = arith.addf %add3A_413, %mul3A_452 : vector<16xf32>
        %broadcast_in_dim3A_454 = arith.constant 9 : i32
        %broadcast_in_dim3A_455 = vector.broadcast %broadcast_in_dim3A_454 : i32 to vector<16xi32>
        %gather3A_456 = arith.constant 0 : i32
        %gather3A_457 = arith.constant 0 : i32
        %gather3A_458 = tpu.memref_slice %arg8[%scan3A_282, %gather3A_456, %gather3A_457] : memref<2x512x32xf32, #tpu.memory_space<vmem>> -> memref<1x512x32xf32, #tpu.memory_space<vmem>>
        %gather3A_459 = tpu.memref_squeeze %gather3A_458 : memref<1x512x32xf32, #tpu.memory_space<vmem>> -> memref<512x32xf32, #tpu.memory_space<vmem>>
        %gather3A_460 = tpu.vector_load_idx %gather3A_459[%add3A_349, %broadcast_in_dim3A_455] : memref<512x32xf32, #tpu.memory_space<vmem>>[vector<16xi32>, vector<16xi32>], vector<16xf32>,
        %add3A_461 = arith.addf %add3A_421, %gather3A_460 : vector<16xf32>
        %mul3A_462 = arith.mulf %gather3A_460, %gather3A_460 : vector<16xf32>
        %add3A_463 = arith.addf %add3A_423, %mul3A_462 : vector<16xf32>
        %broadcast_in_dim3A_464 = arith.constant 10 : i32
        %broadcast_in_dim3A_465 = vector.broadcast %broadcast_in_dim3A_464 : i32 to vector<16xi32>
        %gather3A_466 = arith.constant 0 : i32
        %gather3A_467 = arith.constant 0 : i32
        %gather3A_468 = tpu.memref_slice %arg8[%scan3A_282, %gather3A_466, %gather3A_467] : memref<2x512x32xf32, #tpu.memory_space<vmem>> -> memref<1x512x32xf32, #tpu.memory_space<vmem>>
        %gather3A_469 = tpu.memref_squeeze %gather3A_468 : memref<1x512x32xf32, #tpu.memory_space<vmem>> -> memref<512x32xf32, #tpu.memory_space<vmem>>
        %gather3A_470 = tpu.vector_load_idx %gather3A_469[%add3A_349, %broadcast_in_dim3A_465] : memref<512x32xf32, #tpu.memory_space<vmem>>[vector<16xi32>, vector<16xi32>], vector<16xf32>,
        %add3A_471 = arith.addf %add3A_431, %gather3A_470 : vector<16xf32>
        %mul3A_472 = arith.mulf %gather3A_470, %gather3A_470 : vector<16xf32>
        %add3A_473 = arith.addf %add3A_433, %mul3A_472 : vector<16xf32>
        %broadcast_in_dim3A_474 = arith.constant 11 : i32
        %broadcast_in_dim3A_475 = vector.broadcast %broadcast_in_dim3A_474 : i32 to vector<16xi32>
        %gather3A_476 = arith.constant 0 : i32
        %gather3A_477 = arith.constant 0 : i32
        %gather3A_478 = tpu.memref_slice %arg8[%scan3A_282, %gather3A_476, %gather3A_477] : memref<2x512x32xf32, #tpu.memory_space<vmem>> -> memref<1x512x32xf32, #tpu.memory_space<vmem>>
        %gather3A_479 = tpu.memref_squeeze %gather3A_478 : memref<1x512x32xf32, #tpu.memory_space<vmem>> -> memref<512x32xf32, #tpu.memory_space<vmem>>
        %gather3A_480 = tpu.vector_load_idx %gather3A_479[%add3A_349, %broadcast_in_dim3A_475] : memref<512x32xf32, #tpu.memory_space<vmem>>[vector<16xi32>, vector<16xi32>], vector<16xf32>,
        %add3A_481 = arith.addf %add3A_441, %gather3A_480 : vector<16xf32>
        %mul3A_482 = arith.mulf %gather3A_480, %gather3A_480 : vector<16xf32>
        %add3A_483 = arith.addf %add3A_443, %mul3A_482 : vector<16xf32>
        %broadcast_in_dim3A_484 = arith.constant 12 : i32
        %broadcast_in_dim3A_485 = vector.broadcast %broadcast_in_dim3A_484 : i32 to vector<16xi32>
        %gather3A_486 = arith.constant 0 : i32
        %gather3A_487 = arith.constant 0 : i32
        %gather3A_488 = tpu.memref_slice %arg8[%scan3A_282, %gather3A_486, %gather3A_487] : memref<2x512x32xf32, #tpu.memory_space<vmem>> -> memref<1x512x32xf32, #tpu.memory_space<vmem>>
        %gather3A_489 = tpu.memref_squeeze %gather3A_488 : memref<1x512x32xf32, #tpu.memory_space<vmem>> -> memref<512x32xf32, #tpu.memory_space<vmem>>
        %gather3A_490 = tpu.vector_load_idx %gather3A_489[%add3A_349, %broadcast_in_dim3A_485] : memref<512x32xf32, #tpu.memory_space<vmem>>[vector<16xi32>, vector<16xi32>], vector<16xf32>,
        %add3A_491 = arith.addf %add3A_451, %gather3A_490 : vector<16xf32>
        %mul3A_492 = arith.mulf %gather3A_490, %gather3A_490 : vector<16xf32>
        %add3A_493 = arith.addf %add3A_453, %mul3A_492 : vector<16xf32>
        %broadcast_in_dim3A_494 = arith.constant 13 : i32
        %broadcast_in_dim3A_495 = vector.broadcast %broadcast_in_dim3A_494 : i32 to vector<16xi32>
        %gather3A_496 = arith.constant 0 : i32
        %gather3A_497 = arith.constant 0 : i32
        %gather3A_498 = tpu.memref_slice %arg8[%scan3A_282, %gather3A_496, %gather3A_497] : memref<2x512x32xf32, #tpu.memory_space<vmem>> -> memref<1x512x32xf32, #tpu.memory_space<vmem>>
        %gather3A_499 = tpu.memref_squeeze %gather3A_498 : memref<1x512x32xf32, #tpu.memory_space<vmem>> -> memref<512x32xf32, #tpu.memory_space<vmem>>
        %gather3A_500 = tpu.vector_load_idx %gather3A_499[%add3A_349, %broadcast_in_dim3A_495] : memref<512x32xf32, #tpu.memory_space<vmem>>[vector<16xi32>, vector<16xi32>], vector<16xf32>,
        %add3A_501 = arith.addf %add3A_461, %gather3A_500 : vector<16xf32>
        %mul3A_502 = arith.mulf %gather3A_500, %gather3A_500 : vector<16xf32>
        %add3A_503 = arith.addf %add3A_463, %mul3A_502 : vector<16xf32>
        %broadcast_in_dim3A_504 = arith.constant 14 : i32
        %broadcast_in_dim3A_505 = vector.broadcast %broadcast_in_dim3A_504 : i32 to vector<16xi32>
        %gather3A_506 = arith.constant 0 : i32
        %gather3A_507 = arith.constant 0 : i32
        %gather3A_508 = tpu.memref_slice %arg8[%scan3A_282, %gather3A_506, %gather3A_507] : memref<2x512x32xf32, #tpu.memory_space<vmem>> -> memref<1x512x32xf32, #tpu.memory_space<vmem>>
        %gather3A_509 = tpu.memref_squeeze %gather3A_508 : memref<1x512x32xf32, #tpu.memory_space<vmem>> -> memref<512x32xf32, #tpu.memory_space<vmem>>
        %gather3A_510 = tpu.vector_load_idx %gather3A_509[%add3A_349, %broadcast_in_dim3A_505] : memref<512x32xf32, #tpu.memory_space<vmem>>[vector<16xi32>, vector<16xi32>], vector<16xf32>,
        %add3A_511 = arith.addf %add3A_471, %gather3A_510 : vector<16xf32>
        %mul3A_512 = arith.mulf %gather3A_510, %gather3A_510 : vector<16xf32>
        %add3A_513 = arith.addf %add3A_473, %mul3A_512 : vector<16xf32>
        %broadcast_in_dim3A_514 = arith.constant 15 : i32
        %broadcast_in_dim3A_515 = vector.broadcast %broadcast_in_dim3A_514 : i32 to vector<16xi32>
        %gather3A_516 = arith.constant 0 : i32
        %gather3A_517 = arith.constant 0 : i32
        %gather3A_518 = tpu.memref_slice %arg8[%scan3A_282, %gather3A_516, %gather3A_517] : memref<2x512x32xf32, #tpu.memory_space<vmem>> -> memref<1x512x32xf32, #tpu.memory_space<vmem>>
        %gather3A_519 = tpu.memref_squeeze %gather3A_518 : memref<1x512x32xf32, #tpu.memory_space<vmem>> -> memref<512x32xf32, #tpu.memory_space<vmem>>
        %gather3A_520 = tpu.vector_load_idx %gather3A_519[%add3A_349, %broadcast_in_dim3A_515] : memref<512x32xf32, #tpu.memory_space<vmem>>[vector<16xi32>, vector<16xi32>], vector<16xf32>,
        %add3A_521 = arith.addf %add3A_481, %gather3A_520 : vector<16xf32>
        %mul3A_522 = arith.mulf %gather3A_520, %gather3A_520 : vector<16xf32>
        %add3A_523 = arith.addf %add3A_483, %mul3A_522 : vector<16xf32>
        %broadcast_in_dim3A_524 = arith.constant 16 : i32
        %broadcast_in_dim3A_525 = vector.broadcast %broadcast_in_dim3A_524 : i32 to vector<16xi32>
        %gather3A_526 = arith.constant 0 : i32
        %gather3A_527 = arith.constant 0 : i32
        %gather3A_528 = tpu.memref_slice %arg8[%scan3A_282, %gather3A_526, %gather3A_527] : memref<2x512x32xf32, #tpu.memory_space<vmem>> -> memref<1x512x32xf32, #tpu.memory_space<vmem>>
        %gather3A_529 = tpu.memref_squeeze %gather3A_528 : memref<1x512x32xf32, #tpu.memory_space<vmem>> -> memref<512x32xf32, #tpu.memory_space<vmem>>
        %gather3A_530 = tpu.vector_load_idx %gather3A_529[%add3A_349, %broadcast_in_dim3A_525] : memref<512x32xf32, #tpu.memory_space<vmem>>[vector<16xi32>, vector<16xi32>], vector<16xf32>,
        %add3A_531 = arith.addf %add3A_491, %gather3A_530 : vector<16xf32>
        %mul3A_532 = arith.mulf %gather3A_530, %gather3A_530 : vector<16xf32>
        %add3A_533 = arith.addf %add3A_493, %mul3A_532 : vector<16xf32>
        %broadcast_in_dim3A_534 = arith.constant 17 : i32
        %broadcast_in_dim3A_535 = vector.broadcast %broadcast_in_dim3A_534 : i32 to vector<16xi32>
        %gather3A_536 = arith.constant 0 : i32
        %gather3A_537 = arith.constant 0 : i32
        %gather3A_538 = tpu.memref_slice %arg8[%scan3A_282, %gather3A_536, %gather3A_537] : memref<2x512x32xf32, #tpu.memory_space<vmem>> -> memref<1x512x32xf32, #tpu.memory_space<vmem>>
        %gather3A_539 = tpu.memref_squeeze %gather3A_538 : memref<1x512x32xf32, #tpu.memory_space<vmem>> -> memref<512x32xf32, #tpu.memory_space<vmem>>
        %gather3A_540 = tpu.vector_load_idx %gather3A_539[%add3A_349, %broadcast_in_dim3A_535] : memref<512x32xf32, #tpu.memory_space<vmem>>[vector<16xi32>, vector<16xi32>], vector<16xf32>,
        %add3A_541 = arith.addf %add3A_501, %gather3A_540 : vector<16xf32>
        %mul3A_542 = arith.mulf %gather3A_540, %gather3A_540 : vector<16xf32>
        %add3A_543 = arith.addf %add3A_503, %mul3A_542 : vector<16xf32>
        %broadcast_in_dim3A_544 = arith.constant 18 : i32
        %broadcast_in_dim3A_545 = vector.broadcast %broadcast_in_dim3A_544 : i32 to vector<16xi32>
        %gather3A_546 = arith.constant 0 : i32
        %gather3A_547 = arith.constant 0 : i32
        %gather3A_548 = tpu.memref_slice %arg8[%scan3A_282, %gather3A_546, %gather3A_547] : memref<2x512x32xf32, #tpu.memory_space<vmem>> -> memref<1x512x32xf32, #tpu.memory_space<vmem>>
        %gather3A_549 = tpu.memref_squeeze %gather3A_548 : memref<1x512x32xf32, #tpu.memory_space<vmem>> -> memref<512x32xf32, #tpu.memory_space<vmem>>
        %gather3A_550 = tpu.vector_load_idx %gather3A_549[%add3A_349, %broadcast_in_dim3A_545] : memref<512x32xf32, #tpu.memory_space<vmem>>[vector<16xi32>, vector<16xi32>], vector<16xf32>,
        %add3A_551 = arith.addf %add3A_511, %gather3A_550 : vector<16xf32>
        %mul3A_552 = arith.mulf %gather3A_550, %gather3A_550 : vector<16xf32>
        %add3A_553 = arith.addf %add3A_513, %mul3A_552 : vector<16xf32>
        %broadcast_in_dim3A_554 = arith.constant 19 : i32
        %broadcast_in_dim3A_555 = vector.broadcast %broadcast_in_dim3A_554 : i32 to vector<16xi32>
        %gather3A_556 = arith.constant 0 : i32
        %gather3A_557 = arith.constant 0 : i32
        %gather3A_558 = tpu.memref_slice %arg8[%scan3A_282, %gather3A_556, %gather3A_557] : memref<2x512x32xf32, #tpu.memory_space<vmem>> -> memref<1x512x32xf32, #tpu.memory_space<vmem>>
        %gather3A_559 = tpu.memref_squeeze %gather3A_558 : memref<1x512x32xf32, #tpu.memory_space<vmem>> -> memref<512x32xf32, #tpu.memory_space<vmem>>
        %gather3A_560 = tpu.vector_load_idx %gather3A_559[%add3A_349, %broadcast_in_dim3A_555] : memref<512x32xf32, #tpu.memory_space<vmem>>[vector<16xi32>, vector<16xi32>], vector<16xf32>,
        %add3A_561 = arith.addf %add3A_521, %gather3A_560 : vector<16xf32>
        %mul3A_562 = arith.mulf %gather3A_560, %gather3A_560 : vector<16xf32>
        %add3A_563 = arith.addf %add3A_523, %mul3A_562 : vector<16xf32>
        %broadcast_in_dim3A_564 = arith.constant 20 : i32
        %broadcast_in_dim3A_565 = vector.broadcast %broadcast_in_dim3A_564 : i32 to vector<16xi32>
        %gather3A_566 = arith.constant 0 : i32
        %gather3A_567 = arith.constant 0 : i32
        %gather3A_568 = tpu.memref_slice %arg8[%scan3A_282, %gather3A_566, %gather3A_567] : memref<2x512x32xf32, #tpu.memory_space<vmem>> -> memref<1x512x32xf32, #tpu.memory_space<vmem>>
        %gather3A_569 = tpu.memref_squeeze %gather3A_568 : memref<1x512x32xf32, #tpu.memory_space<vmem>> -> memref<512x32xf32, #tpu.memory_space<vmem>>
        %gather3A_570 = tpu.vector_load_idx %gather3A_569[%add3A_349, %broadcast_in_dim3A_565] : memref<512x32xf32, #tpu.memory_space<vmem>>[vector<16xi32>, vector<16xi32>], vector<16xf32>,
        %add3A_571 = arith.addf %add3A_531, %gather3A_570 : vector<16xf32>
        %mul3A_572 = arith.mulf %gather3A_570, %gather3A_570 : vector<16xf32>
        %add3A_573 = arith.addf %add3A_533, %mul3A_572 : vector<16xf32>
        %broadcast_in_dim3A_574 = arith.constant 21 : i32
        %broadcast_in_dim3A_575 = vector.broadcast %broadcast_in_dim3A_574 : i32 to vector<16xi32>
        %gather3A_576 = arith.constant 0 : i32
        %gather3A_577 = arith.constant 0 : i32
        %gather3A_578 = tpu.memref_slice %arg8[%scan3A_282, %gather3A_576, %gather3A_577] : memref<2x512x32xf32, #tpu.memory_space<vmem>> -> memref<1x512x32xf32, #tpu.memory_space<vmem>>
        %gather3A_579 = tpu.memref_squeeze %gather3A_578 : memref<1x512x32xf32, #tpu.memory_space<vmem>> -> memref<512x32xf32, #tpu.memory_space<vmem>>
        %gather3A_580 = tpu.vector_load_idx %gather3A_579[%add3A_349, %broadcast_in_dim3A_575] : memref<512x32xf32, #tpu.memory_space<vmem>>[vector<16xi32>, vector<16xi32>], vector<16xf32>,
        %add3A_581 = arith.addf %add3A_541, %gather3A_580 : vector<16xf32>
        %mul3A_582 = arith.mulf %gather3A_580, %gather3A_580 : vector<16xf32>
        %add3A_583 = arith.addf %add3A_543, %mul3A_582 : vector<16xf32>
        %broadcast_in_dim3A_584 = arith.constant 22 : i32
        %broadcast_in_dim3A_585 = vector.broadcast %broadcast_in_dim3A_584 : i32 to vector<16xi32>
        %gather3A_586 = arith.constant 0 : i32
        %gather3A_587 = arith.constant 0 : i32
        %gather3A_588 = tpu.memref_slice %arg8[%scan3A_282, %gather3A_586, %gather3A_587] : memref<2x512x32xf32, #tpu.memory_space<vmem>> -> memref<1x512x32xf32, #tpu.memory_space<vmem>>
        %gather3A_589 = tpu.memref_squeeze %gather3A_588 : memref<1x512x32xf32, #tpu.memory_space<vmem>> -> memref<512x32xf32, #tpu.memory_space<vmem>>
        %gather3A_590 = tpu.vector_load_idx %gather3A_589[%add3A_349, %broadcast_in_dim3A_585] : memref<512x32xf32, #tpu.memory_space<vmem>>[vector<16xi32>, vector<16xi32>], vector<16xf32>,
        %add3A_591 = arith.addf %add3A_551, %gather3A_590 : vector<16xf32>
        %mul3A_592 = arith.mulf %gather3A_590, %gather3A_590 : vector<16xf32>
        %add3A_593 = arith.addf %add3A_553, %mul3A_592 : vector<16xf32>
        %broadcast_in_dim3A_594 = arith.constant 23 : i32
        %broadcast_in_dim3A_595 = vector.broadcast %broadcast_in_dim3A_594 : i32 to vector<16xi32>
        %gather3A_596 = arith.constant 0 : i32
        %gather3A_597 = arith.constant 0 : i32
        %gather3A_598 = tpu.memref_slice %arg8[%scan3A_282, %gather3A_596, %gather3A_597] : memref<2x512x32xf32, #tpu.memory_space<vmem>> -> memref<1x512x32xf32, #tpu.memory_space<vmem>>
        %gather3A_599 = tpu.memref_squeeze %gather3A_598 : memref<1x512x32xf32, #tpu.memory_space<vmem>> -> memref<512x32xf32, #tpu.memory_space<vmem>>
        %gather3A_600 = tpu.vector_load_idx %gather3A_599[%add3A_349, %broadcast_in_dim3A_595] : memref<512x32xf32, #tpu.memory_space<vmem>>[vector<16xi32>, vector<16xi32>], vector<16xf32>,
        %add3A_601 = arith.addf %add3A_561, %gather3A_600 : vector<16xf32>
        %mul3A_602 = arith.mulf %gather3A_600, %gather3A_600 : vector<16xf32>
        %add3A_603 = arith.addf %add3A_563, %mul3A_602 : vector<16xf32>
        %broadcast_in_dim3A_604 = arith.constant 24 : i32
        %broadcast_in_dim3A_605 = vector.broadcast %broadcast_in_dim3A_604 : i32 to vector<16xi32>
        %gather3A_606 = arith.constant 0 : i32
        %gather3A_607 = arith.constant 0 : i32
        %gather3A_608 = tpu.memref_slice %arg8[%scan3A_282, %gather3A_606, %gather3A_607] : memref<2x512x32xf32, #tpu.memory_space<vmem>> -> memref<1x512x32xf32, #tpu.memory_space<vmem>>
        %gather3A_609 = tpu.memref_squeeze %gather3A_608 : memref<1x512x32xf32, #tpu.memory_space<vmem>> -> memref<512x32xf32, #tpu.memory_space<vmem>>
        %gather3A_610 = tpu.vector_load_idx %gather3A_609[%add3A_349, %broadcast_in_dim3A_605] : memref<512x32xf32, #tpu.memory_space<vmem>>[vector<16xi32>, vector<16xi32>], vector<16xf32>,
        %add3A_611 = arith.addf %add3A_571, %gather3A_610 : vector<16xf32>
        %mul3A_612 = arith.mulf %gather3A_610, %gather3A_610 : vector<16xf32>
        %add3A_613 = arith.addf %add3A_573, %mul3A_612 : vector<16xf32>
        %broadcast_in_dim3A_614 = arith.constant 25 : i32
        %broadcast_in_dim3A_615 = vector.broadcast %broadcast_in_dim3A_614 : i32 to vector<16xi32>
        %gather3A_616 = arith.constant 0 : i32
        %gather3A_617 = arith.constant 0 : i32
        %gather3A_618 = tpu.memref_slice %arg8[%scan3A_282, %gather3A_616, %gather3A_617] : memref<2x512x32xf32, #tpu.memory_space<vmem>> -> memref<1x512x32xf32, #tpu.memory_space<vmem>>
        %gather3A_619 = tpu.memref_squeeze %gather3A_618 : memref<1x512x32xf32, #tpu.memory_space<vmem>> -> memref<512x32xf32, #tpu.memory_space<vmem>>
        %gather3A_620 = tpu.vector_load_idx %gather3A_619[%add3A_349, %broadcast_in_dim3A_615] : memref<512x32xf32, #tpu.memory_space<vmem>>[vector<16xi32>, vector<16xi32>], vector<16xf32>,
        %add3A_621 = arith.addf %add3A_581, %gather3A_620 : vector<16xf32>
        %mul3A_622 = arith.mulf %gather3A_620, %gather3A_620 : vector<16xf32>
        %add3A_623 = arith.addf %add3A_583, %mul3A_622 : vector<16xf32>
        %broadcast_in_dim3A_624 = arith.constant 26 : i32
        %broadcast_in_dim3A_625 = vector.broadcast %broadcast_in_dim3A_624 : i32 to vector<16xi32>
        %gather3A_626 = arith.constant 0 : i32
        %gather3A_627 = arith.constant 0 : i32
        %gather3A_628 = tpu.memref_slice %arg8[%scan3A_282, %gather3A_626, %gather3A_627] : memref<2x512x32xf32, #tpu.memory_space<vmem>> -> memref<1x512x32xf32, #tpu.memory_space<vmem>>
        %gather3A_629 = tpu.memref_squeeze %gather3A_628 : memref<1x512x32xf32, #tpu.memory_space<vmem>> -> memref<512x32xf32, #tpu.memory_space<vmem>>
        %gather3A_630 = tpu.vector_load_idx %gather3A_629[%add3A_349, %broadcast_in_dim3A_625] : memref<512x32xf32, #tpu.memory_space<vmem>>[vector<16xi32>, vector<16xi32>], vector<16xf32>,
        %add3A_631 = arith.addf %add3A_591, %gather3A_630 : vector<16xf32>
        %mul3A_632 = arith.mulf %gather3A_630, %gather3A_630 : vector<16xf32>
        %add3A_633 = arith.addf %add3A_593, %mul3A_632 : vector<16xf32>
        %broadcast_in_dim3A_634 = arith.constant 27 : i32
        %broadcast_in_dim3A_635 = vector.broadcast %broadcast_in_dim3A_634 : i32 to vector<16xi32>
        %gather3A_636 = arith.constant 0 : i32
        %gather3A_637 = arith.constant 0 : i32
        %gather3A_638 = tpu.memref_slice %arg8[%scan3A_282, %gather3A_636, %gather3A_637] : memref<2x512x32xf32, #tpu.memory_space<vmem>> -> memref<1x512x32xf32, #tpu.memory_space<vmem>>
        %gather3A_639 = tpu.memref_squeeze %gather3A_638 : memref<1x512x32xf32, #tpu.memory_space<vmem>> -> memref<512x32xf32, #tpu.memory_space<vmem>>
        %gather3A_640 = tpu.vector_load_idx %gather3A_639[%add3A_349, %broadcast_in_dim3A_635] : memref<512x32xf32, #tpu.memory_space<vmem>>[vector<16xi32>, vector<16xi32>], vector<16xf32>,
        %add3A_641 = arith.addf %add3A_601, %gather3A_640 : vector<16xf32>
        %mul3A_642 = arith.mulf %gather3A_640, %gather3A_640 : vector<16xf32>
        %add3A_643 = arith.addf %add3A_603, %mul3A_642 : vector<16xf32>
        %broadcast_in_dim3A_644 = arith.constant 28 : i32
        %broadcast_in_dim3A_645 = vector.broadcast %broadcast_in_dim3A_644 : i32 to vector<16xi32>
        %gather3A_646 = arith.constant 0 : i32
        %gather3A_647 = arith.constant 0 : i32
        %gather3A_648 = tpu.memref_slice %arg8[%scan3A_282, %gather3A_646, %gather3A_647] : memref<2x512x32xf32, #tpu.memory_space<vmem>> -> memref<1x512x32xf32, #tpu.memory_space<vmem>>
        %gather3A_649 = tpu.memref_squeeze %gather3A_648 : memref<1x512x32xf32, #tpu.memory_space<vmem>> -> memref<512x32xf32, #tpu.memory_space<vmem>>
        %gather3A_650 = tpu.vector_load_idx %gather3A_649[%add3A_349, %broadcast_in_dim3A_645] : memref<512x32xf32, #tpu.memory_space<vmem>>[vector<16xi32>, vector<16xi32>], vector<16xf32>,
        %add3A_651 = arith.addf %add3A_611, %gather3A_650 : vector<16xf32>
        %mul3A_652 = arith.mulf %gather3A_650, %gather3A_650 : vector<16xf32>
        %add3A_653 = arith.addf %add3A_613, %mul3A_652 : vector<16xf32>
        %broadcast_in_dim3A_654 = arith.constant 29 : i32
        %broadcast_in_dim3A_655 = vector.broadcast %broadcast_in_dim3A_654 : i32 to vector<16xi32>
        %gather3A_656 = arith.constant 0 : i32
        %gather3A_657 = arith.constant 0 : i32
        %gather3A_658 = tpu.memref_slice %arg8[%scan3A_282, %gather3A_656, %gather3A_657] : memref<2x512x32xf32, #tpu.memory_space<vmem>> -> memref<1x512x32xf32, #tpu.memory_space<vmem>>
        %gather3A_659 = tpu.memref_squeeze %gather3A_658 : memref<1x512x32xf32, #tpu.memory_space<vmem>> -> memref<512x32xf32, #tpu.memory_space<vmem>>
        %gather3A_660 = tpu.vector_load_idx %gather3A_659[%add3A_349, %broadcast_in_dim3A_655] : memref<512x32xf32, #tpu.memory_space<vmem>>[vector<16xi32>, vector<16xi32>], vector<16xf32>,
        %add3A_661 = arith.addf %add3A_621, %gather3A_660 : vector<16xf32>
        %mul3A_662 = arith.mulf %gather3A_660, %gather3A_660 : vector<16xf32>
        %add3A_663 = arith.addf %add3A_623, %mul3A_662 : vector<16xf32>
        %broadcast_in_dim3A_664 = arith.constant 30 : i32
        %broadcast_in_dim3A_665 = vector.broadcast %broadcast_in_dim3A_664 : i32 to vector<16xi32>
        %gather3A_666 = arith.constant 0 : i32
        %gather3A_667 = arith.constant 0 : i32
        %gather3A_668 = tpu.memref_slice %arg8[%scan3A_282, %gather3A_666, %gather3A_667] : memref<2x512x32xf32, #tpu.memory_space<vmem>> -> memref<1x512x32xf32, #tpu.memory_space<vmem>>
        %gather3A_669 = tpu.memref_squeeze %gather3A_668 : memref<1x512x32xf32, #tpu.memory_space<vmem>> -> memref<512x32xf32, #tpu.memory_space<vmem>>
        %gather3A_670 = tpu.vector_load_idx %gather3A_669[%add3A_349, %broadcast_in_dim3A_665] : memref<512x32xf32, #tpu.memory_space<vmem>>[vector<16xi32>, vector<16xi32>], vector<16xf32>,
        %add3A_671 = arith.addf %add3A_631, %gather3A_670 : vector<16xf32>
        %mul3A_672 = arith.mulf %gather3A_670, %gather3A_670 : vector<16xf32>
        %add3A_673 = arith.addf %add3A_633, %mul3A_672 : vector<16xf32>
        %broadcast_in_dim3A_674 = arith.constant 31 : i32
        %broadcast_in_dim3A_675 = vector.broadcast %broadcast_in_dim3A_674 : i32 to vector<16xi32>
        %gather3A_676 = arith.constant 0 : i32
        %gather3A_677 = arith.constant 0 : i32
        %gather3A_678 = tpu.memref_slice %arg8[%scan3A_282, %gather3A_676, %gather3A_677] : memref<2x512x32xf32, #tpu.memory_space<vmem>> -> memref<1x512x32xf32, #tpu.memory_space<vmem>>
        %gather3A_679 = tpu.memref_squeeze %gather3A_678 : memref<1x512x32xf32, #tpu.memory_space<vmem>> -> memref<512x32xf32, #tpu.memory_space<vmem>>
        %gather3A_680 = tpu.vector_load_idx %gather3A_679[%add3A_349, %broadcast_in_dim3A_675] : memref<512x32xf32, #tpu.memory_space<vmem>>[vector<16xi32>, vector<16xi32>], vector<16xf32>,
        %add3A_681 = arith.addf %add3A_641, %gather3A_680 : vector<16xf32>
        %mul3A_682 = arith.mulf %gather3A_680, %gather3A_680 : vector<16xf32>
        %add3A_683 = arith.addf %add3A_643, %mul3A_682 : vector<16xf32>
        %add3A_684 = arith.addf %add3A_651, %add3A_661 : vector<16xf32>
        %add3A_685 = arith.addf %add3A_671, %add3A_681 : vector<16xf32>
        %add3A_686 = arith.addf %add3A_684, %add3A_685 : vector<16xf32>
        %add3A_687 = arith.addf %add3A_653, %add3A_663 : vector<16xf32>
        %add3A_688 = arith.addf %add3A_673, %add3A_683 : vector<16xf32>
        %add3A_689 = arith.addf %add3A_687, %add3A_688 : vector<16xf32>
        %mul3A_690 = arith.constant 3.125000e-02 : f32
        %mul3A_691 = vector.broadcast %mul3A_690 : f32 to vector<16xf32>
        %mul3A_692 = arith.mulf %add3A_686, %mul3A_691 : vector<16xf32>
        %mul3A_693 = arith.constant 3.125000e-02 : f32
        %mul3A_694 = vector.broadcast %mul3A_693 : f32 to vector<16xf32>
        %mul3A_695 = arith.mulf %add3A_689, %mul3A_694 : vector<16xf32>
        %mul3A_696 = arith.mulf %mul3A_692, %mul3A_692 : vector<16xf32>
        %sub3A_697 = arith.subf %mul3A_695, %mul3A_696 : vector<16xf32>
        %add3A_698 = arith.constant 9.99999974E-6 : f32
        %add3A_699 = vector.broadcast %add3A_698 : f32 to vector<16xf32>
        %add3A_700 = arith.addf %sub3A_697, %add3A_699 : vector<16xf32>
        %bitcast3A = vector.bitcast %add3A_700 : vector<16xf32> to vector<16xi32>
        %shift_right_arithmetic3A = arith.constant 1 : i32
        %shift_right_arithmetic3A_701 = vector.broadcast %shift_right_arithmetic3A : i32 to vector<16xi32>
        %shift_right_arithmetic3A_702 = arith.shrsi %bitcast3A, %shift_right_arithmetic3A_701 : vector<16xi32>
        %sub3A_703 = arith.constant 1597463007 : i32
        %sub3A_704 = vector.broadcast %sub3A_703 : i32 to vector<16xi32>
        %sub3A_705 = arith.subi %sub3A_704, %shift_right_arithmetic3A_702 : vector<16xi32>
        %bitcast3A_706 = vector.bitcast %sub3A_705 : vector<16xi32> to vector<16xf32>
        %mul3A_707 = arith.constant 5.000000e-01 : f32
        %mul3A_708 = vector.broadcast %mul3A_707 : f32 to vector<16xf32>
        %mul3A_709 = arith.mulf %mul3A_708, %add3A_700 : vector<16xf32>
        %mul3A_710 = arith.mulf %mul3A_709, %bitcast3A_706 : vector<16xf32>
        %mul3A_711 = arith.mulf %mul3A_710, %bitcast3A_706 : vector<16xf32>
        %sub3A_712 = arith.constant 1.500000e+00 : f32
        %sub3A_713 = vector.broadcast %sub3A_712 : f32 to vector<16xf32>
        %sub3A_714 = arith.subf %sub3A_713, %mul3A_711 : vector<16xf32>
        %mul3A_715 = arith.mulf %bitcast3A_706, %sub3A_714 : vector<16xf32>
        %mul3A_716 = arith.constant 5.000000e-01 : f32
        %mul3A_717 = vector.broadcast %mul3A_716 : f32 to vector<16xf32>
        %mul3A_718 = arith.mulf %mul3A_717, %add3A_700 : vector<16xf32>
        %mul3A_719 = arith.mulf %mul3A_718, %mul3A_715 : vector<16xf32>
        %mul3A_720 = arith.mulf %mul3A_719, %mul3A_715 : vector<16xf32>
        %sub3A_721 = arith.constant 1.500000e+00 : f32
        %sub3A_722 = vector.broadcast %sub3A_721 : f32 to vector<16xf32>
        %sub3A_723 = arith.subf %sub3A_722, %mul3A_720 : vector<16xf32>
        %mul3A_724 = arith.mulf %mul3A_715, %sub3A_723 : vector<16xf32>
        %mul3A_725 = arith.constant 5.000000e-01 : f32
        %mul3A_726 = vector.broadcast %mul3A_725 : f32 to vector<16xf32>
        %mul3A_727 = arith.mulf %mul3A_726, %add3A_700 : vector<16xf32>
        %mul3A_728 = arith.mulf %mul3A_727, %mul3A_724 : vector<16xf32>
        %mul3A_729 = arith.mulf %mul3A_728, %mul3A_724 : vector<16xf32>
        %sub3A_730 = arith.constant 1.500000e+00 : f32
        %sub3A_731 = vector.broadcast %sub3A_730 : f32 to vector<16xf32>
        %sub3A_732 = arith.subf %sub3A_731, %mul3A_729 : vector<16xf32>
        %mul3A_733 = arith.mulf %mul3A_724, %sub3A_732 : vector<16xf32>
        %mul3A_734 = arith.mulf %mul3A_692, %mul3A_733 : vector<16xf32>
        %jit3A_735 = arith.constant 8 : i32
        %div3A_736 = arith.divsi %scan3A_345, %jit3A_735 : i32
        %sign3A_737 = arith.constant 0 : i32
        %sign3A_738 = arith.cmpi sgt, %scan3A_345, %sign3A_737 : i32
        %sign3A_739 = arith.extui %sign3A_738 : i1 to i32
        %sign3A_740 = arith.constant 0 : i32
        %sign3A_741 = arith.cmpi slt, %scan3A_345, %sign3A_740 : i32
        %sign3A_742 = arith.extui %sign3A_741 : i1 to i32
        %sign3A_743 = arith.subi %sign3A_739, %sign3A_742 : i32
        %sign3A_744 = arith.constant 0 : i32
        %sign3A_745 = arith.cmpi sgt, %jit3A_735, %sign3A_744 : i32
        %sign3A_746 = arith.extui %sign3A_745 : i1 to i32
        %sign3A_747 = arith.constant 0 : i32
        %sign3A_748 = arith.cmpi slt, %jit3A_735, %sign3A_747 : i32
        %sign3A_749 = arith.extui %sign3A_748 : i1 to i32
        %sign3A_750 = arith.subi %sign3A_746, %sign3A_749 : i32
        %ne3A_751 = arith.cmpi ne, %sign3A_743, %sign3A_750 : i32
        %rem3A_752 = arith.remsi %scan3A_345, %jit3A_735 : i32
        %ne3A_753 = arith.constant 0 : i32
        %ne3A_754 = arith.cmpi ne, %rem3A_752, %ne3A_753 : i32
        %and3A_755 = arith.andi %ne3A_751, %ne3A_754 : i1
        %sub3A_756 = arith.constant 1 : i32
        %sub3A_757 = arith.subi %div3A_736, %sub3A_756 : i32
        %select_n3A_758 = arith.select %and3A_755, %sub3A_757, %div3A_736 : i32
        %jit3A_759 = arith.constant 8 : i32
        %eq3A_760 = arith.constant 0 : i32
        %eq3A_761 = arith.cmpi eq, %jit3A_759, %eq3A_760 : i32
        %jit3A_762 = arith.constant 1 : i32
        %select_n3A_763 = arith.select %eq3A_761, %jit3A_762, %jit3A_759 : i32
        %rem3A_764 = arith.remsi %scan3A_345, %select_n3A_763 : i32
        %ne3A_765 = arith.constant 0 : i32
        %ne3A_766 = arith.cmpi ne, %rem3A_764, %ne3A_765 : i32
        %lt3A_767 = arith.constant 0 : i32
        %lt3A_768 = arith.cmpi slt, %rem3A_764, %lt3A_767 : i32
        %lt3A_769 = arith.constant 0 : i32
        %lt3A_770 = arith.cmpi slt, %select_n3A_763, %lt3A_769 : i32
        %ne3A_771 = arith.xori %lt3A_768, %lt3A_770 : i1
        %and3A_772 = arith.andi %ne3A_771, %ne3A_766 : i1
        %add3A_773 = arith.addi %rem3A_764, %select_n3A_763 : i32
        %select_n3A_774 = arith.select %and3A_772, %add3A_773, %rem3A_764 : i32
        %mul3A_775 = arith.constant 16 : i32
        %mul3A_776 = arith.muli %select_n3A_774, %mul3A_775 : i32
        %broadcast_in_dim3A_777 = arith.constant 0 : i32
        %broadcast_in_dim3A_778 = vector.broadcast %broadcast_in_dim3A_777 : i32 to vector<16xi32>
        %gather3A_779 = arith.constant 0 : i32
        %gather3A_780 = arith.constant 0 : i32
        %gather3A_781 = tpu.memref_slice %arg8[%scan3A_282, %gather3A_779, %gather3A_780] : memref<2x512x32xf32, #tpu.memory_space<vmem>> -> memref<1x512x32xf32, #tpu.memory_space<vmem>>
        %gather3A_782 = tpu.memref_squeeze %gather3A_781 : memref<1x512x32xf32, #tpu.memory_space<vmem>> -> memref<512x32xf32, #tpu.memory_space<vmem>>
        %gather3A_783 = tpu.vector_load_idx %gather3A_782[%add3A_349, %broadcast_in_dim3A_778] : memref<512x32xf32, #tpu.memory_space<vmem>>[vector<16xi32>, vector<16xi32>], vector<16xf32>,
        %get3A = arith.constant 0 : index
        %get3A_784 = tpu.vector_load %arg10[%get3A] {strides = array<i32>} : memref<512xf32, #tpu.memory_space<vmem>>, vector<16xf32>,
        %get3A_785 = arith.constant 0 : index
        %get3A_786 = tpu.vector_load %arg11[%get3A_785] {strides = array<i32>} : memref<512xf32, #tpu.memory_space<vmem>>, vector<16xf32>,
        %mul3A_787 = arith.mulf %gather3A_783, %mul3A_733 : vector<16xf32>
        %sub3A_788 = arith.subf %mul3A_787, %mul3A_734 : vector<16xf32>
        %mul3A_789 = arith.mulf %sub3A_788, %get3A_784 : vector<16xf32>
        %add3A_790 = arith.addf %mul3A_789, %get3A_786 : vector<16xf32>
        %mul3A_791 = arith.constant 1024 : i32
        %mul3A_792 = arith.muli %select_n3A_758, %mul3A_791 : i32
        %add3A_793 = arith.constant 0 : i32
        %add3A_794 = arith.addi %mul3A_792, %add3A_793 : i32
        %add3A_795 = arith.addi %add3A_794, %mul3A_776 : i32
        %swap3A = arith.constant 0 : i32
        %swap3A_796 = arith.index_cast %swap3A : i32 to index
        %swap3A_797 = arith.index_cast %add3A_795 : i32 to index
        %swap3A_798 = tpu.vector_load %arg9[%swap3A_796, %swap3A_797] {strides = array<i32>} : memref<4x4096xf32, #tpu.memory_space<vmem>>, vector<16xf32>,
        tpu.vector_store %arg9[%swap3A_796, %swap3A_797], %add3A_790 {strides = array<i32>} : memref<4x4096xf32, #tpu.memory_space<vmem>>, vector<16xf32>,
        %broadcast_in_dim3A_799 = arith.constant 1 : i32
        %broadcast_in_dim3A_800 = vector.broadcast %broadcast_in_dim3A_799 : i32 to vector<16xi32>
        %gather3A_801 = arith.constant 0 : i32
        %gather3A_802 = arith.constant 0 : i32
        %gather3A_803 = tpu.memref_slice %arg8[%scan3A_282, %gather3A_801, %gather3A_802] : memref<2x512x32xf32, #tpu.memory_space<vmem>> -> memref<1x512x32xf32, #tpu.memory_space<vmem>>
        %gather3A_804 = tpu.memref_squeeze %gather3A_803 : memref<1x512x32xf32, #tpu.memory_space<vmem>> -> memref<512x32xf32, #tpu.memory_space<vmem>>
        %gather3A_805 = tpu.vector_load_idx %gather3A_804[%add3A_349, %broadcast_in_dim3A_800] : memref<512x32xf32, #tpu.memory_space<vmem>>[vector<16xi32>, vector<16xi32>], vector<16xf32>,
        %get3A_806 = arith.constant 16 : index
        %get3A_807 = tpu.vector_load %arg10[%get3A_806] {strides = array<i32>} : memref<512xf32, #tpu.memory_space<vmem>>, vector<16xf32>,
        %get3A_808 = arith.constant 16 : index
        %get3A_809 = tpu.vector_load %arg11[%get3A_808] {strides = array<i32>} : memref<512xf32, #tpu.memory_space<vmem>>, vector<16xf32>,
        %mul3A_810 = arith.mulf %gather3A_805, %mul3A_733 : vector<16xf32>
        %sub3A_811 = arith.subf %mul3A_810, %mul3A_734 : vector<16xf32>
        %mul3A_812 = arith.mulf %sub3A_811, %get3A_807 : vector<16xf32>
        %add3A_813 = arith.addf %mul3A_812, %get3A_809 : vector<16xf32>
        %mul3A_814 = arith.constant 1024 : i32
        %mul3A_815 = arith.muli %select_n3A_758, %mul3A_814 : i32
        %add3A_816 = arith.constant 128 : i32
        %add3A_817 = arith.addi %mul3A_815, %add3A_816 : i32
        %add3A_818 = arith.addi %add3A_817, %mul3A_776 : i32
        %swap3A_819 = arith.constant 0 : i32
        %swap3A_820 = arith.index_cast %swap3A_819 : i32 to index
        %swap3A_821 = arith.index_cast %add3A_818 : i32 to index
        %swap3A_822 = tpu.vector_load %arg9[%swap3A_820, %swap3A_821] {strides = array<i32>} : memref<4x4096xf32, #tpu.memory_space<vmem>>, vector<16xf32>,
        tpu.vector_store %arg9[%swap3A_820, %swap3A_821], %add3A_813 {strides = array<i32>} : memref<4x4096xf32, #tpu.memory_space<vmem>>, vector<16xf32>,
        %broadcast_in_dim3A_823 = arith.constant 2 : i32
        %broadcast_in_dim3A_824 = vector.broadcast %broadcast_in_dim3A_823 : i32 to vector<16xi32>
        %gather3A_825 = arith.constant 0 : i32
        %gather3A_826 = arith.constant 0 : i32
        %gather3A_827 = tpu.memref_slice %arg8[%scan3A_282, %gather3A_825, %gather3A_826] : memref<2x512x32xf32, #tpu.memory_space<vmem>> -> memref<1x512x32xf32, #tpu.memory_space<vmem>>
        %gather3A_828 = tpu.memref_squeeze %gather3A_827 : memref<1x512x32xf32, #tpu.memory_space<vmem>> -> memref<512x32xf32, #tpu.memory_space<vmem>>
        %gather3A_829 = tpu.vector_load_idx %gather3A_828[%add3A_349, %broadcast_in_dim3A_824] : memref<512x32xf32, #tpu.memory_space<vmem>>[vector<16xi32>, vector<16xi32>], vector<16xf32>,
        %get3A_830 = arith.constant 32 : index
        %get3A_831 = tpu.vector_load %arg10[%get3A_830] {strides = array<i32>} : memref<512xf32, #tpu.memory_space<vmem>>, vector<16xf32>,
        %get3A_832 = arith.constant 32 : index
        %get3A_833 = tpu.vector_load %arg11[%get3A_832] {strides = array<i32>} : memref<512xf32, #tpu.memory_space<vmem>>, vector<16xf32>,
        %mul3A_834 = arith.mulf %gather3A_829, %mul3A_733 : vector<16xf32>
        %sub3A_835 = arith.subf %mul3A_834, %mul3A_734 : vector<16xf32>
        %mul3A_836 = arith.mulf %sub3A_835, %get3A_831 : vector<16xf32>
        %add3A_837 = arith.addf %mul3A_836, %get3A_833 : vector<16xf32>
        %mul3A_838 = arith.constant 1024 : i32
        %mul3A_839 = arith.muli %select_n3A_758, %mul3A_838 : i32
        %add3A_840 = arith.constant 256 : i32
        %add3A_841 = arith.addi %mul3A_839, %add3A_840 : i32
        %add3A_842 = arith.addi %add3A_841, %mul3A_776 : i32
        %swap3A_843 = arith.constant 0 : i32
        %swap3A_844 = arith.index_cast %swap3A_843 : i32 to index
        %swap3A_845 = arith.index_cast %add3A_842 : i32 to index
        %swap3A_846 = tpu.vector_load %arg9[%swap3A_844, %swap3A_845] {strides = array<i32>} : memref<4x4096xf32, #tpu.memory_space<vmem>>, vector<16xf32>,
        tpu.vector_store %arg9[%swap3A_844, %swap3A_845], %add3A_837 {strides = array<i32>} : memref<4x4096xf32, #tpu.memory_space<vmem>>, vector<16xf32>,
        %broadcast_in_dim3A_847 = arith.constant 3 : i32
        %broadcast_in_dim3A_848 = vector.broadcast %broadcast_in_dim3A_847 : i32 to vector<16xi32>
        %gather3A_849 = arith.constant 0 : i32
        %gather3A_850 = arith.constant 0 : i32
        %gather3A_851 = tpu.memref_slice %arg8[%scan3A_282, %gather3A_849, %gather3A_850] : memref<2x512x32xf32, #tpu.memory_space<vmem>> -> memref<1x512x32xf32, #tpu.memory_space<vmem>>
        %gather3A_852 = tpu.memref_squeeze %gather3A_851 : memref<1x512x32xf32, #tpu.memory_space<vmem>> -> memref<512x32xf32, #tpu.memory_space<vmem>>
        %gather3A_853 = tpu.vector_load_idx %gather3A_852[%add3A_349, %broadcast_in_dim3A_848] : memref<512x32xf32, #tpu.memory_space<vmem>>[vector<16xi32>, vector<16xi32>], vector<16xf32>,
        %get3A_854 = arith.constant 48 : index
        %get3A_855 = tpu.vector_load %arg10[%get3A_854] {strides = array<i32>} : memref<512xf32, #tpu.memory_space<vmem>>, vector<16xf32>,
        %get3A_856 = arith.constant 48 : index
        %get3A_857 = tpu.vector_load %arg11[%get3A_856] {strides = array<i32>} : memref<512xf32, #tpu.memory_space<vmem>>, vector<16xf32>,
        %mul3A_858 = arith.mulf %gather3A_853, %mul3A_733 : vector<16xf32>
        %sub3A_859 = arith.subf %mul3A_858, %mul3A_734 : vector<16xf32>
        %mul3A_860 = arith.mulf %sub3A_859, %get3A_855 : vector<16xf32>
        %add3A_861 = arith.addf %mul3A_860, %get3A_857 : vector<16xf32>
        %mul3A_862 = arith.constant 1024 : i32
        %mul3A_863 = arith.muli %select_n3A_758, %mul3A_862 : i32
        %add3A_864 = arith.constant 384 : i32
        %add3A_865 = arith.addi %mul3A_863, %add3A_864 : i32
        %add3A_866 = arith.addi %add3A_865, %mul3A_776 : i32
        %swap3A_867 = arith.constant 0 : i32
        %swap3A_868 = arith.index_cast %swap3A_867 : i32 to index
        %swap3A_869 = arith.index_cast %add3A_866 : i32 to index
        %swap3A_870 = tpu.vector_load %arg9[%swap3A_868, %swap3A_869] {strides = array<i32>} : memref<4x4096xf32, #tpu.memory_space<vmem>>, vector<16xf32>,
        tpu.vector_store %arg9[%swap3A_868, %swap3A_869], %add3A_861 {strides = array<i32>} : memref<4x4096xf32, #tpu.memory_space<vmem>>, vector<16xf32>,
        %broadcast_in_dim3A_871 = arith.constant 4 : i32
        %broadcast_in_dim3A_872 = vector.broadcast %broadcast_in_dim3A_871 : i32 to vector<16xi32>
        %gather3A_873 = arith.constant 0 : i32
        %gather3A_874 = arith.constant 0 : i32
        %gather3A_875 = tpu.memref_slice %arg8[%scan3A_282, %gather3A_873, %gather3A_874] : memref<2x512x32xf32, #tpu.memory_space<vmem>> -> memref<1x512x32xf32, #tpu.memory_space<vmem>>
        %gather3A_876 = tpu.memref_squeeze %gather3A_875 : memref<1x512x32xf32, #tpu.memory_space<vmem>> -> memref<512x32xf32, #tpu.memory_space<vmem>>
        %gather3A_877 = tpu.vector_load_idx %gather3A_876[%add3A_349, %broadcast_in_dim3A_872] : memref<512x32xf32, #tpu.memory_space<vmem>>[vector<16xi32>, vector<16xi32>], vector<16xf32>,
        %get3A_878 = arith.constant 64 : index
        %get3A_879 = tpu.vector_load %arg10[%get3A_878] {strides = array<i32>} : memref<512xf32, #tpu.memory_space<vmem>>, vector<16xf32>,
        %get3A_880 = arith.constant 64 : index
        %get3A_881 = tpu.vector_load %arg11[%get3A_880] {strides = array<i32>} : memref<512xf32, #tpu.memory_space<vmem>>, vector<16xf32>,
        %mul3A_882 = arith.mulf %gather3A_877, %mul3A_733 : vector<16xf32>
        %sub3A_883 = arith.subf %mul3A_882, %mul3A_734 : vector<16xf32>
        %mul3A_884 = arith.mulf %sub3A_883, %get3A_879 : vector<16xf32>
        %add3A_885 = arith.addf %mul3A_884, %get3A_881 : vector<16xf32>
        %mul3A_886 = arith.constant 1024 : i32
        %mul3A_887 = arith.muli %select_n3A_758, %mul3A_886 : i32
        %add3A_888 = arith.constant 512 : i32
        %add3A_889 = arith.addi %mul3A_887, %add3A_888 : i32
        %add3A_890 = arith.addi %add3A_889, %mul3A_776 : i32
        %swap3A_891 = arith.constant 0 : i32
        %swap3A_892 = arith.index_cast %swap3A_891 : i32 to index
        %swap3A_893 = arith.index_cast %add3A_890 : i32 to index
        %swap3A_894 = tpu.vector_load %arg9[%swap3A_892, %swap3A_893] {strides = array<i32>} : memref<4x4096xf32, #tpu.memory_space<vmem>>, vector<16xf32>,
        tpu.vector_store %arg9[%swap3A_892, %swap3A_893], %add3A_885 {strides = array<i32>} : memref<4x4096xf32, #tpu.memory_space<vmem>>, vector<16xf32>,
        %broadcast_in_dim3A_895 = arith.constant 5 : i32
        %broadcast_in_dim3A_896 = vector.broadcast %broadcast_in_dim3A_895 : i32 to vector<16xi32>
        %gather3A_897 = arith.constant 0 : i32
        %gather3A_898 = arith.constant 0 : i32
        %gather3A_899 = tpu.memref_slice %arg8[%scan3A_282, %gather3A_897, %gather3A_898] : memref<2x512x32xf32, #tpu.memory_space<vmem>> -> memref<1x512x32xf32, #tpu.memory_space<vmem>>
        %gather3A_900 = tpu.memref_squeeze %gather3A_899 : memref<1x512x32xf32, #tpu.memory_space<vmem>> -> memref<512x32xf32, #tpu.memory_space<vmem>>
        %gather3A_901 = tpu.vector_load_idx %gather3A_900[%add3A_349, %broadcast_in_dim3A_896] : memref<512x32xf32, #tpu.memory_space<vmem>>[vector<16xi32>, vector<16xi32>], vector<16xf32>,
        %get3A_902 = arith.constant 80 : index
        %get3A_903 = tpu.vector_load %arg10[%get3A_902] {strides = array<i32>} : memref<512xf32, #tpu.memory_space<vmem>>, vector<16xf32>,
        %get3A_904 = arith.constant 80 : index
        %get3A_905 = tpu.vector_load %arg11[%get3A_904] {strides = array<i32>} : memref<512xf32, #tpu.memory_space<vmem>>, vector<16xf32>,
        %mul3A_906 = arith.mulf %gather3A_901, %mul3A_733 : vector<16xf32>
        %sub3A_907 = arith.subf %mul3A_906, %mul3A_734 : vector<16xf32>
        %mul3A_908 = arith.mulf %sub3A_907, %get3A_903 : vector<16xf32>
        %add3A_909 = arith.addf %mul3A_908, %get3A_905 : vector<16xf32>
        %mul3A_910 = arith.constant 1024 : i32
        %mul3A_911 = arith.muli %select_n3A_758, %mul3A_910 : i32
        %add3A_912 = arith.constant 640 : i32
        %add3A_913 = arith.addi %mul3A_911, %add3A_912 : i32
        %add3A_914 = arith.addi %add3A_913, %mul3A_776 : i32
        %swap3A_915 = arith.constant 0 : i32
        %swap3A_916 = arith.index_cast %swap3A_915 : i32 to index
        %swap3A_917 = arith.index_cast %add3A_914 : i32 to index
        %swap3A_918 = tpu.vector_load %arg9[%swap3A_916, %swap3A_917] {strides = array<i32>} : memref<4x4096xf32, #tpu.memory_space<vmem>>, vector<16xf32>,
        tpu.vector_store %arg9[%swap3A_916, %swap3A_917], %add3A_909 {strides = array<i32>} : memref<4x4096xf32, #tpu.memory_space<vmem>>, vector<16xf32>,
        %broadcast_in_dim3A_919 = arith.constant 6 : i32
        %broadcast_in_dim3A_920 = vector.broadcast %broadcast_in_dim3A_919 : i32 to vector<16xi32>
        %gather3A_921 = arith.constant 0 : i32
        %gather3A_922 = arith.constant 0 : i32
        %gather3A_923 = tpu.memref_slice %arg8[%scan3A_282, %gather3A_921, %gather3A_922] : memref<2x512x32xf32, #tpu.memory_space<vmem>> -> memref<1x512x32xf32, #tpu.memory_space<vmem>>
        %gather3A_924 = tpu.memref_squeeze %gather3A_923 : memref<1x512x32xf32, #tpu.memory_space<vmem>> -> memref<512x32xf32, #tpu.memory_space<vmem>>
        %gather3A_925 = tpu.vector_load_idx %gather3A_924[%add3A_349, %broadcast_in_dim3A_920] : memref<512x32xf32, #tpu.memory_space<vmem>>[vector<16xi32>, vector<16xi32>], vector<16xf32>,
        %get3A_926 = arith.constant 96 : index
        %get3A_927 = tpu.vector_load %arg10[%get3A_926] {strides = array<i32>} : memref<512xf32, #tpu.memory_space<vmem>>, vector<16xf32>,
        %get3A_928 = arith.constant 96 : index
        %get3A_929 = tpu.vector_load %arg11[%get3A_928] {strides = array<i32>} : memref<512xf32, #tpu.memory_space<vmem>>, vector<16xf32>,
        %mul3A_930 = arith.mulf %gather3A_925, %mul3A_733 : vector<16xf32>
        %sub3A_931 = arith.subf %mul3A_930, %mul3A_734 : vector<16xf32>
        %mul3A_932 = arith.mulf %sub3A_931, %get3A_927 : vector<16xf32>
        %add3A_933 = arith.addf %mul3A_932, %get3A_929 : vector<16xf32>
        %mul3A_934 = arith.constant 1024 : i32
        %mul3A_935 = arith.muli %select_n3A_758, %mul3A_934 : i32
        %add3A_936 = arith.constant 768 : i32
        %add3A_937 = arith.addi %mul3A_935, %add3A_936 : i32
        %add3A_938 = arith.addi %add3A_937, %mul3A_776 : i32
        %swap3A_939 = arith.constant 0 : i32
        %swap3A_940 = arith.index_cast %swap3A_939 : i32 to index
        %swap3A_941 = arith.index_cast %add3A_938 : i32 to index
        %swap3A_942 = tpu.vector_load %arg9[%swap3A_940, %swap3A_941] {strides = array<i32>} : memref<4x4096xf32, #tpu.memory_space<vmem>>, vector<16xf32>,
        tpu.vector_store %arg9[%swap3A_940, %swap3A_941], %add3A_933 {strides = array<i32>} : memref<4x4096xf32, #tpu.memory_space<vmem>>, vector<16xf32>,
        %broadcast_in_dim3A_943 = arith.constant 7 : i32
        %broadcast_in_dim3A_944 = vector.broadcast %broadcast_in_dim3A_943 : i32 to vector<16xi32>
        %gather3A_945 = arith.constant 0 : i32
        %gather3A_946 = arith.constant 0 : i32
        %gather3A_947 = tpu.memref_slice %arg8[%scan3A_282, %gather3A_945, %gather3A_946] : memref<2x512x32xf32, #tpu.memory_space<vmem>> -> memref<1x512x32xf32, #tpu.memory_space<vmem>>
        %gather3A_948 = tpu.memref_squeeze %gather3A_947 : memref<1x512x32xf32, #tpu.memory_space<vmem>> -> memref<512x32xf32, #tpu.memory_space<vmem>>
        %gather3A_949 = tpu.vector_load_idx %gather3A_948[%add3A_349, %broadcast_in_dim3A_944] : memref<512x32xf32, #tpu.memory_space<vmem>>[vector<16xi32>, vector<16xi32>], vector<16xf32>,
        %get3A_950 = arith.constant 112 : index
        %get3A_951 = tpu.vector_load %arg10[%get3A_950] {strides = array<i32>} : memref<512xf32, #tpu.memory_space<vmem>>, vector<16xf32>,
        %get3A_952 = arith.constant 112 : index
        %get3A_953 = tpu.vector_load %arg11[%get3A_952] {strides = array<i32>} : memref<512xf32, #tpu.memory_space<vmem>>, vector<16xf32>,
        %mul3A_954 = arith.mulf %gather3A_949, %mul3A_733 : vector<16xf32>
        %sub3A_955 = arith.subf %mul3A_954, %mul3A_734 : vector<16xf32>
        %mul3A_956 = arith.mulf %sub3A_955, %get3A_951 : vector<16xf32>
        %add3A_957 = arith.addf %mul3A_956, %get3A_953 : vector<16xf32>
        %mul3A_958 = arith.constant 1024 : i32
        %mul3A_959 = arith.muli %select_n3A_758, %mul3A_958 : i32
        %add3A_960 = arith.constant 896 : i32
        %add3A_961 = arith.addi %mul3A_959, %add3A_960 : i32
        %add3A_962 = arith.addi %add3A_961, %mul3A_776 : i32
        %swap3A_963 = arith.constant 0 : i32
        %swap3A_964 = arith.index_cast %swap3A_963 : i32 to index
        %swap3A_965 = arith.index_cast %add3A_962 : i32 to index
        %swap3A_966 = tpu.vector_load %arg9[%swap3A_964, %swap3A_965] {strides = array<i32>} : memref<4x4096xf32, #tpu.memory_space<vmem>>, vector<16xf32>,
        tpu.vector_store %arg9[%swap3A_964, %swap3A_965], %add3A_957 {strides = array<i32>} : memref<4x4096xf32, #tpu.memory_space<vmem>>, vector<16xf32>,
        %broadcast_in_dim3A_967 = arith.constant 8 : i32
        %broadcast_in_dim3A_968 = vector.broadcast %broadcast_in_dim3A_967 : i32 to vector<16xi32>
        %gather3A_969 = arith.constant 0 : i32
        %gather3A_970 = arith.constant 0 : i32
        %gather3A_971 = tpu.memref_slice %arg8[%scan3A_282, %gather3A_969, %gather3A_970] : memref<2x512x32xf32, #tpu.memory_space<vmem>> -> memref<1x512x32xf32, #tpu.memory_space<vmem>>
        %gather3A_972 = tpu.memref_squeeze %gather3A_971 : memref<1x512x32xf32, #tpu.memory_space<vmem>> -> memref<512x32xf32, #tpu.memory_space<vmem>>
        %gather3A_973 = tpu.vector_load_idx %gather3A_972[%add3A_349, %broadcast_in_dim3A_968] : memref<512x32xf32, #tpu.memory_space<vmem>>[vector<16xi32>, vector<16xi32>], vector<16xf32>,
        %get3A_974 = arith.constant 128 : index
        %get3A_975 = tpu.vector_load %arg10[%get3A_974] {strides = array<i32>} : memref<512xf32, #tpu.memory_space<vmem>>, vector<16xf32>,
        %get3A_976 = arith.constant 128 : index
        %get3A_977 = tpu.vector_load %arg11[%get3A_976] {strides = array<i32>} : memref<512xf32, #tpu.memory_space<vmem>>, vector<16xf32>,
        %mul3A_978 = arith.mulf %gather3A_973, %mul3A_733 : vector<16xf32>
        %sub3A_979 = arith.subf %mul3A_978, %mul3A_734 : vector<16xf32>
        %mul3A_980 = arith.mulf %sub3A_979, %get3A_975 : vector<16xf32>
        %add3A_981 = arith.addf %mul3A_980, %get3A_977 : vector<16xf32>
        %mul3A_982 = arith.constant 1024 : i32
        %mul3A_983 = arith.muli %select_n3A_758, %mul3A_982 : i32
        %add3A_984 = arith.constant 0 : i32
        %add3A_985 = arith.addi %mul3A_983, %add3A_984 : i32
        %add3A_986 = arith.addi %add3A_985, %mul3A_776 : i32
        %swap3A_987 = arith.constant 1 : i32
        %swap3A_988 = arith.index_cast %swap3A_987 : i32 to index
        %swap3A_989 = arith.index_cast %add3A_986 : i32 to index
        %swap3A_990 = tpu.vector_load %arg9[%swap3A_988, %swap3A_989] {strides = array<i32>} : memref<4x4096xf32, #tpu.memory_space<vmem>>, vector<16xf32>,
        tpu.vector_store %arg9[%swap3A_988, %swap3A_989], %add3A_981 {strides = array<i32>} : memref<4x4096xf32, #tpu.memory_space<vmem>>, vector<16xf32>,
        %broadcast_in_dim3A_991 = arith.constant 9 : i32
        %broadcast_in_dim3A_992 = vector.broadcast %broadcast_in_dim3A_991 : i32 to vector<16xi32>
        %gather3A_993 = arith.constant 0 : i32
        %gather3A_994 = arith.constant 0 : i32
        %gather3A_995 = tpu.memref_slice %arg8[%scan3A_282, %gather3A_993, %gather3A_994] : memref<2x512x32xf32, #tpu.memory_space<vmem>> -> memref<1x512x32xf32, #tpu.memory_space<vmem>>
        %gather3A_996 = tpu.memref_squeeze %gather3A_995 : memref<1x512x32xf32, #tpu.memory_space<vmem>> -> memref<512x32xf32, #tpu.memory_space<vmem>>
        %gather3A_997 = tpu.vector_load_idx %gather3A_996[%add3A_349, %broadcast_in_dim3A_992] : memref<512x32xf32, #tpu.memory_space<vmem>>[vector<16xi32>, vector<16xi32>], vector<16xf32>,
        %get3A_998 = arith.constant 144 : index
        %get3A_999 = tpu.vector_load %arg10[%get3A_998] {strides = array<i32>} : memref<512xf32, #tpu.memory_space<vmem>>, vector<16xf32>,
        %get3A_1000 = arith.constant 144 : index
        %get3A_1001 = tpu.vector_load %arg11[%get3A_1000] {strides = array<i32>} : memref<512xf32, #tpu.memory_space<vmem>>, vector<16xf32>,
        %mul3A_1002 = arith.mulf %gather3A_997, %mul3A_733 : vector<16xf32>
        %sub3A_1003 = arith.subf %mul3A_1002, %mul3A_734 : vector<16xf32>
        %mul3A_1004 = arith.mulf %sub3A_1003, %get3A_999 : vector<16xf32>
        %add3A_1005 = arith.addf %mul3A_1004, %get3A_1001 : vector<16xf32>
        %mul3A_1006 = arith.constant 1024 : i32
        %mul3A_1007 = arith.muli %select_n3A_758, %mul3A_1006 : i32
        %add3A_1008 = arith.constant 128 : i32
        %add3A_1009 = arith.addi %mul3A_1007, %add3A_1008 : i32
        %add3A_1010 = arith.addi %add3A_1009, %mul3A_776 : i32
        %swap3A_1011 = arith.constant 1 : i32
        %swap3A_1012 = arith.index_cast %swap3A_1011 : i32 to index
        %swap3A_1013 = arith.index_cast %add3A_1010 : i32 to index
        %swap3A_1014 = tpu.vector_load %arg9[%swap3A_1012, %swap3A_1013] {strides = array<i32>} : memref<4x4096xf32, #tpu.memory_space<vmem>>, vector<16xf32>,
        tpu.vector_store %arg9[%swap3A_1012, %swap3A_1013], %add3A_1005 {strides = array<i32>} : memref<4x4096xf32, #tpu.memory_space<vmem>>, vector<16xf32>,
        %broadcast_in_dim3A_1015 = arith.constant 10 : i32
        %broadcast_in_dim3A_1016 = vector.broadcast %broadcast_in_dim3A_1015 : i32 to vector<16xi32>
        %gather3A_1017 = arith.constant 0 : i32
        %gather3A_1018 = arith.constant 0 : i32
        %gather3A_1019 = tpu.memref_slice %arg8[%scan3A_282, %gather3A_1017, %gather3A_1018] : memref<2x512x32xf32, #tpu.memory_space<vmem>> -> memref<1x512x32xf32, #tpu.memory_space<vmem>>
        %gather3A_1020 = tpu.memref_squeeze %gather3A_1019 : memref<1x512x32xf32, #tpu.memory_space<vmem>> -> memref<512x32xf32, #tpu.memory_space<vmem>>
        %gather3A_1021 = tpu.vector_load_idx %gather3A_1020[%add3A_349, %broadcast_in_dim3A_1016] : memref<512x32xf32, #tpu.memory_space<vmem>>[vector<16xi32>, vector<16xi32>], vector<16xf32>,
        %get3A_1022 = arith.constant 160 : index
        %get3A_1023 = tpu.vector_load %arg10[%get3A_1022] {strides = array<i32>} : memref<512xf32, #tpu.memory_space<vmem>>, vector<16xf32>,
        %get3A_1024 = arith.constant 160 : index
        %get3A_1025 = tpu.vector_load %arg11[%get3A_1024] {strides = array<i32>} : memref<512xf32, #tpu.memory_space<vmem>>, vector<16xf32>,
        %mul3A_1026 = arith.mulf %gather3A_1021, %mul3A_733 : vector<16xf32>
        %sub3A_1027 = arith.subf %mul3A_1026, %mul3A_734 : vector<16xf32>
        %mul3A_1028 = arith.mulf %sub3A_1027, %get3A_1023 : vector<16xf32>
        %add3A_1029 = arith.addf %mul3A_1028, %get3A_1025 : vector<16xf32>
        %mul3A_1030 = arith.constant 1024 : i32
        %mul3A_1031 = arith.muli %select_n3A_758, %mul3A_1030 : i32
        %add3A_1032 = arith.constant 256 : i32
        %add3A_1033 = arith.addi %mul3A_1031, %add3A_1032 : i32
        %add3A_1034 = arith.addi %add3A_1033, %mul3A_776 : i32
        %swap3A_1035 = arith.constant 1 : i32
        %swap3A_1036 = arith.index_cast %swap3A_1035 : i32 to index
        %swap3A_1037 = arith.index_cast %add3A_1034 : i32 to index
        %swap3A_1038 = tpu.vector_load %arg9[%swap3A_1036, %swap3A_1037] {strides = array<i32>} : memref<4x4096xf32, #tpu.memory_space<vmem>>, vector<16xf32>,
        tpu.vector_store %arg9[%swap3A_1036, %swap3A_1037], %add3A_1029 {strides = array<i32>} : memref<4x4096xf32, #tpu.memory_space<vmem>>, vector<16xf32>,
        %broadcast_in_dim3A_1039 = arith.constant 11 : i32
        %broadcast_in_dim3A_1040 = vector.broadcast %broadcast_in_dim3A_1039 : i32 to vector<16xi32>
        %gather3A_1041 = arith.constant 0 : i32
        %gather3A_1042 = arith.constant 0 : i32
        %gather3A_1043 = tpu.memref_slice %arg8[%scan3A_282, %gather3A_1041, %gather3A_1042] : memref<2x512x32xf32, #tpu.memory_space<vmem>> -> memref<1x512x32xf32, #tpu.memory_space<vmem>>
        %gather3A_1044 = tpu.memref_squeeze %gather3A_1043 : memref<1x512x32xf32, #tpu.memory_space<vmem>> -> memref<512x32xf32, #tpu.memory_space<vmem>>
        %gather3A_1045 = tpu.vector_load_idx %gather3A_1044[%add3A_349, %broadcast_in_dim3A_1040] : memref<512x32xf32, #tpu.memory_space<vmem>>[vector<16xi32>, vector<16xi32>], vector<16xf32>,
        %get3A_1046 = arith.constant 176 : index
        %get3A_1047 = tpu.vector_load %arg10[%get3A_1046] {strides = array<i32>} : memref<512xf32, #tpu.memory_space<vmem>>, vector<16xf32>,
        %get3A_1048 = arith.constant 176 : index
        %get3A_1049 = tpu.vector_load %arg11[%get3A_1048] {strides = array<i32>} : memref<512xf32, #tpu.memory_space<vmem>>, vector<16xf32>,
        %mul3A_1050 = arith.mulf %gather3A_1045, %mul3A_733 : vector<16xf32>
        %sub3A_1051 = arith.subf %mul3A_1050, %mul3A_734 : vector<16xf32>
        %mul3A_1052 = arith.mulf %sub3A_1051, %get3A_1047 : vector<16xf32>
        %add3A_1053 = arith.addf %mul3A_1052, %get3A_1049 : vector<16xf32>
        %mul3A_1054 = arith.constant 1024 : i32
        %mul3A_1055 = arith.muli %select_n3A_758, %mul3A_1054 : i32
        %add3A_1056 = arith.constant 384 : i32
        %add3A_1057 = arith.addi %mul3A_1055, %add3A_1056 : i32
        %add3A_1058 = arith.addi %add3A_1057, %mul3A_776 : i32
        %swap3A_1059 = arith.constant 1 : i32
        %swap3A_1060 = arith.index_cast %swap3A_1059 : i32 to index
        %swap3A_1061 = arith.index_cast %add3A_1058 : i32 to index
        %swap3A_1062 = tpu.vector_load %arg9[%swap3A_1060, %swap3A_1061] {strides = array<i32>} : memref<4x4096xf32, #tpu.memory_space<vmem>>, vector<16xf32>,
        tpu.vector_store %arg9[%swap3A_1060, %swap3A_1061], %add3A_1053 {strides = array<i32>} : memref<4x4096xf32, #tpu.memory_space<vmem>>, vector<16xf32>,
        %broadcast_in_dim3A_1063 = arith.constant 12 : i32
        %broadcast_in_dim3A_1064 = vector.broadcast %broadcast_in_dim3A_1063 : i32 to vector<16xi32>
        %gather3A_1065 = arith.constant 0 : i32
        %gather3A_1066 = arith.constant 0 : i32
        %gather3A_1067 = tpu.memref_slice %arg8[%scan3A_282, %gather3A_1065, %gather3A_1066] : memref<2x512x32xf32, #tpu.memory_space<vmem>> -> memref<1x512x32xf32, #tpu.memory_space<vmem>>
        %gather3A_1068 = tpu.memref_squeeze %gather3A_1067 : memref<1x512x32xf32, #tpu.memory_space<vmem>> -> memref<512x32xf32, #tpu.memory_space<vmem>>
        %gather3A_1069 = tpu.vector_load_idx %gather3A_1068[%add3A_349, %broadcast_in_dim3A_1064] : memref<512x32xf32, #tpu.memory_space<vmem>>[vector<16xi32>, vector<16xi32>], vector<16xf32>,
        %get3A_1070 = arith.constant 192 : index
        %get3A_1071 = tpu.vector_load %arg10[%get3A_1070] {strides = array<i32>} : memref<512xf32, #tpu.memory_space<vmem>>, vector<16xf32>,
        %get3A_1072 = arith.constant 192 : index
        %get3A_1073 = tpu.vector_load %arg11[%get3A_1072] {strides = array<i32>} : memref<512xf32, #tpu.memory_space<vmem>>, vector<16xf32>,
        %mul3A_1074 = arith.mulf %gather3A_1069, %mul3A_733 : vector<16xf32>
        %sub3A_1075 = arith.subf %mul3A_1074, %mul3A_734 : vector<16xf32>
        %mul3A_1076 = arith.mulf %sub3A_1075, %get3A_1071 : vector<16xf32>
        %add3A_1077 = arith.addf %mul3A_1076, %get3A_1073 : vector<16xf32>
        %mul3A_1078 = arith.constant 1024 : i32
        %mul3A_1079 = arith.muli %select_n3A_758, %mul3A_1078 : i32
        %add3A_1080 = arith.constant 512 : i32
        %add3A_1081 = arith.addi %mul3A_1079, %add3A_1080 : i32
        %add3A_1082 = arith.addi %add3A_1081, %mul3A_776 : i32
        %swap3A_1083 = arith.constant 1 : i32
        %swap3A_1084 = arith.index_cast %swap3A_1083 : i32 to index
        %swap3A_1085 = arith.index_cast %add3A_1082 : i32 to index
        %swap3A_1086 = tpu.vector_load %arg9[%swap3A_1084, %swap3A_1085] {strides = array<i32>} : memref<4x4096xf32, #tpu.memory_space<vmem>>, vector<16xf32>,
        tpu.vector_store %arg9[%swap3A_1084, %swap3A_1085], %add3A_1077 {strides = array<i32>} : memref<4x4096xf32, #tpu.memory_space<vmem>>, vector<16xf32>,
        %broadcast_in_dim3A_1087 = arith.constant 13 : i32
        %broadcast_in_dim3A_1088 = vector.broadcast %broadcast_in_dim3A_1087 : i32 to vector<16xi32>
        %gather3A_1089 = arith.constant 0 : i32
        %gather3A_1090 = arith.constant 0 : i32
        %gather3A_1091 = tpu.memref_slice %arg8[%scan3A_282, %gather3A_1089, %gather3A_1090] : memref<2x512x32xf32, #tpu.memory_space<vmem>> -> memref<1x512x32xf32, #tpu.memory_space<vmem>>
        %gather3A_1092 = tpu.memref_squeeze %gather3A_1091 : memref<1x512x32xf32, #tpu.memory_space<vmem>> -> memref<512x32xf32, #tpu.memory_space<vmem>>
        %gather3A_1093 = tpu.vector_load_idx %gather3A_1092[%add3A_349, %broadcast_in_dim3A_1088] : memref<512x32xf32, #tpu.memory_space<vmem>>[vector<16xi32>, vector<16xi32>], vector<16xf32>,
        %get3A_1094 = arith.constant 208 : index
        %get3A_1095 = tpu.vector_load %arg10[%get3A_1094] {strides = array<i32>} : memref<512xf32, #tpu.memory_space<vmem>>, vector<16xf32>,
        %get3A_1096 = arith.constant 208 : index
        %get3A_1097 = tpu.vector_load %arg11[%get3A_1096] {strides = array<i32>} : memref<512xf32, #tpu.memory_space<vmem>>, vector<16xf32>,
        %mul3A_1098 = arith.mulf %gather3A_1093, %mul3A_733 : vector<16xf32>
        %sub3A_1099 = arith.subf %mul3A_1098, %mul3A_734 : vector<16xf32>
        %mul3A_1100 = arith.mulf %sub3A_1099, %get3A_1095 : vector<16xf32>
        %add3A_1101 = arith.addf %mul3A_1100, %get3A_1097 : vector<16xf32>
        %mul3A_1102 = arith.constant 1024 : i32
        %mul3A_1103 = arith.muli %select_n3A_758, %mul3A_1102 : i32
        %add3A_1104 = arith.constant 640 : i32
        %add3A_1105 = arith.addi %mul3A_1103, %add3A_1104 : i32
        %add3A_1106 = arith.addi %add3A_1105, %mul3A_776 : i32
        %swap3A_1107 = arith.constant 1 : i32
        %swap3A_1108 = arith.index_cast %swap3A_1107 : i32 to index
        %swap3A_1109 = arith.index_cast %add3A_1106 : i32 to index
        %swap3A_1110 = tpu.vector_load %arg9[%swap3A_1108, %swap3A_1109] {strides = array<i32>} : memref<4x4096xf32, #tpu.memory_space<vmem>>, vector<16xf32>,
        tpu.vector_store %arg9[%swap3A_1108, %swap3A_1109], %add3A_1101 {strides = array<i32>} : memref<4x4096xf32, #tpu.memory_space<vmem>>, vector<16xf32>,
        %broadcast_in_dim3A_1111 = arith.constant 14 : i32
        %broadcast_in_dim3A_1112 = vector.broadcast %broadcast_in_dim3A_1111 : i32 to vector<16xi32>
        %gather3A_1113 = arith.constant 0 : i32
        %gather3A_1114 = arith.constant 0 : i32
        %gather3A_1115 = tpu.memref_slice %arg8[%scan3A_282, %gather3A_1113, %gather3A_1114] : memref<2x512x32xf32, #tpu.memory_space<vmem>> -> memref<1x512x32xf32, #tpu.memory_space<vmem>>
        %gather3A_1116 = tpu.memref_squeeze %gather3A_1115 : memref<1x512x32xf32, #tpu.memory_space<vmem>> -> memref<512x32xf32, #tpu.memory_space<vmem>>
        %gather3A_1117 = tpu.vector_load_idx %gather3A_1116[%add3A_349, %broadcast_in_dim3A_1112] : memref<512x32xf32, #tpu.memory_space<vmem>>[vector<16xi32>, vector<16xi32>], vector<16xf32>,
        %get3A_1118 = arith.constant 224 : index
        %get3A_1119 = tpu.vector_load %arg10[%get3A_1118] {strides = array<i32>} : memref<512xf32, #tpu.memory_space<vmem>>, vector<16xf32>,
        %get3A_1120 = arith.constant 224 : index
        %get3A_1121 = tpu.vector_load %arg11[%get3A_1120] {strides = array<i32>} : memref<512xf32, #tpu.memory_space<vmem>>, vector<16xf32>,
        %mul3A_1122 = arith.mulf %gather3A_1117, %mul3A_733 : vector<16xf32>
        %sub3A_1123 = arith.subf %mul3A_1122, %mul3A_734 : vector<16xf32>
        %mul3A_1124 = arith.mulf %sub3A_1123, %get3A_1119 : vector<16xf32>
        %add3A_1125 = arith.addf %mul3A_1124, %get3A_1121 : vector<16xf32>
        %mul3A_1126 = arith.constant 1024 : i32
        %mul3A_1127 = arith.muli %select_n3A_758, %mul3A_1126 : i32
        %add3A_1128 = arith.constant 768 : i32
        %add3A_1129 = arith.addi %mul3A_1127, %add3A_1128 : i32
        %add3A_1130 = arith.addi %add3A_1129, %mul3A_776 : i32
        %swap3A_1131 = arith.constant 1 : i32
        %swap3A_1132 = arith.index_cast %swap3A_1131 : i32 to index
        %swap3A_1133 = arith.index_cast %add3A_1130 : i32 to index
        %swap3A_1134 = tpu.vector_load %arg9[%swap3A_1132, %swap3A_1133] {strides = array<i32>} : memref<4x4096xf32, #tpu.memory_space<vmem>>, vector<16xf32>,
        tpu.vector_store %arg9[%swap3A_1132, %swap3A_1133], %add3A_1125 {strides = array<i32>} : memref<4x4096xf32, #tpu.memory_space<vmem>>, vector<16xf32>,
        %broadcast_in_dim3A_1135 = arith.constant 15 : i32
        %broadcast_in_dim3A_1136 = vector.broadcast %broadcast_in_dim3A_1135 : i32 to vector<16xi32>
        %gather3A_1137 = arith.constant 0 : i32
        %gather3A_1138 = arith.constant 0 : i32
        %gather3A_1139 = tpu.memref_slice %arg8[%scan3A_282, %gather3A_1137, %gather3A_1138] : memref<2x512x32xf32, #tpu.memory_space<vmem>> -> memref<1x512x32xf32, #tpu.memory_space<vmem>>
        %gather3A_1140 = tpu.memref_squeeze %gather3A_1139 : memref<1x512x32xf32, #tpu.memory_space<vmem>> -> memref<512x32xf32, #tpu.memory_space<vmem>>
        %gather3A_1141 = tpu.vector_load_idx %gather3A_1140[%add3A_349, %broadcast_in_dim3A_1136] : memref<512x32xf32, #tpu.memory_space<vmem>>[vector<16xi32>, vector<16xi32>], vector<16xf32>,
        %get3A_1142 = arith.constant 240 : index
        %get3A_1143 = tpu.vector_load %arg10[%get3A_1142] {strides = array<i32>} : memref<512xf32, #tpu.memory_space<vmem>>, vector<16xf32>,
        %get3A_1144 = arith.constant 240 : index
        %get3A_1145 = tpu.vector_load %arg11[%get3A_1144] {strides = array<i32>} : memref<512xf32, #tpu.memory_space<vmem>>, vector<16xf32>,
        %mul3A_1146 = arith.mulf %gather3A_1141, %mul3A_733 : vector<16xf32>
        %sub3A_1147 = arith.subf %mul3A_1146, %mul3A_734 : vector<16xf32>
        %mul3A_1148 = arith.mulf %sub3A_1147, %get3A_1143 : vector<16xf32>
        %add3A_1149 = arith.addf %mul3A_1148, %get3A_1145 : vector<16xf32>
        %mul3A_1150 = arith.constant 1024 : i32
        %mul3A_1151 = arith.muli %select_n3A_758, %mul3A_1150 : i32
        %add3A_1152 = arith.constant 896 : i32
        %add3A_1153 = arith.addi %mul3A_1151, %add3A_1152 : i32
        %add3A_1154 = arith.addi %add3A_1153, %mul3A_776 : i32
        %swap3A_1155 = arith.constant 1 : i32
        %swap3A_1156 = arith.index_cast %swap3A_1155 : i32 to index
        %swap3A_1157 = arith.index_cast %add3A_1154 : i32 to index
        %swap3A_1158 = tpu.vector_load %arg9[%swap3A_1156, %swap3A_1157] {strides = array<i32>} : memref<4x4096xf32, #tpu.memory_space<vmem>>, vector<16xf32>,
        tpu.vector_store %arg9[%swap3A_1156, %swap3A_1157], %add3A_1149 {strides = array<i32>} : memref<4x4096xf32, #tpu.memory_space<vmem>>, vector<16xf32>,
        %broadcast_in_dim3A_1159 = arith.constant 16 : i32
        %broadcast_in_dim3A_1160 = vector.broadcast %broadcast_in_dim3A_1159 : i32 to vector<16xi32>
        %gather3A_1161 = arith.constant 0 : i32
        %gather3A_1162 = arith.constant 0 : i32
        %gather3A_1163 = tpu.memref_slice %arg8[%scan3A_282, %gather3A_1161, %gather3A_1162] : memref<2x512x32xf32, #tpu.memory_space<vmem>> -> memref<1x512x32xf32, #tpu.memory_space<vmem>>
        %gather3A_1164 = tpu.memref_squeeze %gather3A_1163 : memref<1x512x32xf32, #tpu.memory_space<vmem>> -> memref<512x32xf32, #tpu.memory_space<vmem>>
        %gather3A_1165 = tpu.vector_load_idx %gather3A_1164[%add3A_349, %broadcast_in_dim3A_1160] : memref<512x32xf32, #tpu.memory_space<vmem>>[vector<16xi32>, vector<16xi32>], vector<16xf32>,
        %get3A_1166 = arith.constant 256 : index
        %get3A_1167 = tpu.vector_load %arg10[%get3A_1166] {strides = array<i32>} : memref<512xf32, #tpu.memory_space<vmem>>, vector<16xf32>,
        %get3A_1168 = arith.constant 256 : index
        %get3A_1169 = tpu.vector_load %arg11[%get3A_1168] {strides = array<i32>} : memref<512xf32, #tpu.memory_space<vmem>>, vector<16xf32>,
        %mul3A_1170 = arith.mulf %gather3A_1165, %mul3A_733 : vector<16xf32>
        %sub3A_1171 = arith.subf %mul3A_1170, %mul3A_734 : vector<16xf32>
        %mul3A_1172 = arith.mulf %sub3A_1171, %get3A_1167 : vector<16xf32>
        %add3A_1173 = arith.addf %mul3A_1172, %get3A_1169 : vector<16xf32>
        %mul3A_1174 = arith.constant 1024 : i32
        %mul3A_1175 = arith.muli %select_n3A_758, %mul3A_1174 : i32
        %add3A_1176 = arith.constant 0 : i32
        %add3A_1177 = arith.addi %mul3A_1175, %add3A_1176 : i32
        %add3A_1178 = arith.addi %add3A_1177, %mul3A_776 : i32
        %swap3A_1179 = arith.constant 2 : i32
        %swap3A_1180 = arith.index_cast %swap3A_1179 : i32 to index
        %swap3A_1181 = arith.index_cast %add3A_1178 : i32 to index
        %swap3A_1182 = tpu.vector_load %arg9[%swap3A_1180, %swap3A_1181] {strides = array<i32>} : memref<4x4096xf32, #tpu.memory_space<vmem>>, vector<16xf32>,
        tpu.vector_store %arg9[%swap3A_1180, %swap3A_1181], %add3A_1173 {strides = array<i32>} : memref<4x4096xf32, #tpu.memory_space<vmem>>, vector<16xf32>,
        %broadcast_in_dim3A_1183 = arith.constant 17 : i32
        %broadcast_in_dim3A_1184 = vector.broadcast %broadcast_in_dim3A_1183 : i32 to vector<16xi32>
        %gather3A_1185 = arith.constant 0 : i32
        %gather3A_1186 = arith.constant 0 : i32
        %gather3A_1187 = tpu.memref_slice %arg8[%scan3A_282, %gather3A_1185, %gather3A_1186] : memref<2x512x32xf32, #tpu.memory_space<vmem>> -> memref<1x512x32xf32, #tpu.memory_space<vmem>>
        %gather3A_1188 = tpu.memref_squeeze %gather3A_1187 : memref<1x512x32xf32, #tpu.memory_space<vmem>> -> memref<512x32xf32, #tpu.memory_space<vmem>>
        %gather3A_1189 = tpu.vector_load_idx %gather3A_1188[%add3A_349, %broadcast_in_dim3A_1184] : memref<512x32xf32, #tpu.memory_space<vmem>>[vector<16xi32>, vector<16xi32>], vector<16xf32>,
        %get3A_1190 = arith.constant 272 : index
        %get3A_1191 = tpu.vector_load %arg10[%get3A_1190] {strides = array<i32>} : memref<512xf32, #tpu.memory_space<vmem>>, vector<16xf32>,
        %get3A_1192 = arith.constant 272 : index
        %get3A_1193 = tpu.vector_load %arg11[%get3A_1192] {strides = array<i32>} : memref<512xf32, #tpu.memory_space<vmem>>, vector<16xf32>,
        %mul3A_1194 = arith.mulf %gather3A_1189, %mul3A_733 : vector<16xf32>
        %sub3A_1195 = arith.subf %mul3A_1194, %mul3A_734 : vector<16xf32>
        %mul3A_1196 = arith.mulf %sub3A_1195, %get3A_1191 : vector<16xf32>
        %add3A_1197 = arith.addf %mul3A_1196, %get3A_1193 : vector<16xf32>
        %mul3A_1198 = arith.constant 1024 : i32
        %mul3A_1199 = arith.muli %select_n3A_758, %mul3A_1198 : i32
        %add3A_1200 = arith.constant 128 : i32
        %add3A_1201 = arith.addi %mul3A_1199, %add3A_1200 : i32
        %add3A_1202 = arith.addi %add3A_1201, %mul3A_776 : i32
        %swap3A_1203 = arith.constant 2 : i32
        %swap3A_1204 = arith.index_cast %swap3A_1203 : i32 to index
        %swap3A_1205 = arith.index_cast %add3A_1202 : i32 to index
        %swap3A_1206 = tpu.vector_load %arg9[%swap3A_1204, %swap3A_1205] {strides = array<i32>} : memref<4x4096xf32, #tpu.memory_space<vmem>>, vector<16xf32>,
        tpu.vector_store %arg9[%swap3A_1204, %swap3A_1205], %add3A_1197 {strides = array<i32>} : memref<4x4096xf32, #tpu.memory_space<vmem>>, vector<16xf32>,
        %broadcast_in_dim3A_1207 = arith.constant 18 : i32
        %broadcast_in_dim3A_1208 = vector.broadcast %broadcast_in_dim3A_1207 : i32 to vector<16xi32>
        %gather3A_1209 = arith.constant 0 : i32
        %gather3A_1210 = arith.constant 0 : i32
        %gather3A_1211 = tpu.memref_slice %arg8[%scan3A_282, %gather3A_1209, %gather3A_1210] : memref<2x512x32xf32, #tpu.memory_space<vmem>> -> memref<1x512x32xf32, #tpu.memory_space<vmem>>
        %gather3A_1212 = tpu.memref_squeeze %gather3A_1211 : memref<1x512x32xf32, #tpu.memory_space<vmem>> -> memref<512x32xf32, #tpu.memory_space<vmem>>
        %gather3A_1213 = tpu.vector_load_idx %gather3A_1212[%add3A_349, %broadcast_in_dim3A_1208] : memref<512x32xf32, #tpu.memory_space<vmem>>[vector<16xi32>, vector<16xi32>], vector<16xf32>,
        %get3A_1214 = arith.constant 288 : index
        %get3A_1215 = tpu.vector_load %arg10[%get3A_1214] {strides = array<i32>} : memref<512xf32, #tpu.memory_space<vmem>>, vector<16xf32>,
        %get3A_1216 = arith.constant 288 : index
        %get3A_1217 = tpu.vector_load %arg11[%get3A_1216] {strides = array<i32>} : memref<512xf32, #tpu.memory_space<vmem>>, vector<16xf32>,
        %mul3A_1218 = arith.mulf %gather3A_1213, %mul3A_733 : vector<16xf32>
        %sub3A_1219 = arith.subf %mul3A_1218, %mul3A_734 : vector<16xf32>
        %mul3A_1220 = arith.mulf %sub3A_1219, %get3A_1215 : vector<16xf32>
        %add3A_1221 = arith.addf %mul3A_1220, %get3A_1217 : vector<16xf32>
        %mul3A_1222 = arith.constant 1024 : i32
        %mul3A_1223 = arith.muli %select_n3A_758, %mul3A_1222 : i32
        %add3A_1224 = arith.constant 256 : i32
        %add3A_1225 = arith.addi %mul3A_1223, %add3A_1224 : i32
        %add3A_1226 = arith.addi %add3A_1225, %mul3A_776 : i32
        %swap3A_1227 = arith.constant 2 : i32
        %swap3A_1228 = arith.index_cast %swap3A_1227 : i32 to index
        %swap3A_1229 = arith.index_cast %add3A_1226 : i32 to index
        %swap3A_1230 = tpu.vector_load %arg9[%swap3A_1228, %swap3A_1229] {strides = array<i32>} : memref<4x4096xf32, #tpu.memory_space<vmem>>, vector<16xf32>,
        tpu.vector_store %arg9[%swap3A_1228, %swap3A_1229], %add3A_1221 {strides = array<i32>} : memref<4x4096xf32, #tpu.memory_space<vmem>>, vector<16xf32>,
        %broadcast_in_dim3A_1231 = arith.constant 19 : i32
        %broadcast_in_dim3A_1232 = vector.broadcast %broadcast_in_dim3A_1231 : i32 to vector<16xi32>
        %gather3A_1233 = arith.constant 0 : i32
        %gather3A_1234 = arith.constant 0 : i32
        %gather3A_1235 = tpu.memref_slice %arg8[%scan3A_282, %gather3A_1233, %gather3A_1234] : memref<2x512x32xf32, #tpu.memory_space<vmem>> -> memref<1x512x32xf32, #tpu.memory_space<vmem>>
        %gather3A_1236 = tpu.memref_squeeze %gather3A_1235 : memref<1x512x32xf32, #tpu.memory_space<vmem>> -> memref<512x32xf32, #tpu.memory_space<vmem>>
        %gather3A_1237 = tpu.vector_load_idx %gather3A_1236[%add3A_349, %broadcast_in_dim3A_1232] : memref<512x32xf32, #tpu.memory_space<vmem>>[vector<16xi32>, vector<16xi32>], vector<16xf32>,
        %get3A_1238 = arith.constant 304 : index
        %get3A_1239 = tpu.vector_load %arg10[%get3A_1238] {strides = array<i32>} : memref<512xf32, #tpu.memory_space<vmem>>, vector<16xf32>,
        %get3A_1240 = arith.constant 304 : index
        %get3A_1241 = tpu.vector_load %arg11[%get3A_1240] {strides = array<i32>} : memref<512xf32, #tpu.memory_space<vmem>>, vector<16xf32>,
        %mul3A_1242 = arith.mulf %gather3A_1237, %mul3A_733 : vector<16xf32>
        %sub3A_1243 = arith.subf %mul3A_1242, %mul3A_734 : vector<16xf32>
        %mul3A_1244 = arith.mulf %sub3A_1243, %get3A_1239 : vector<16xf32>
        %add3A_1245 = arith.addf %mul3A_1244, %get3A_1241 : vector<16xf32>
        %mul3A_1246 = arith.constant 1024 : i32
        %mul3A_1247 = arith.muli %select_n3A_758, %mul3A_1246 : i32
        %add3A_1248 = arith.constant 384 : i32
        %add3A_1249 = arith.addi %mul3A_1247, %add3A_1248 : i32
        %add3A_1250 = arith.addi %add3A_1249, %mul3A_776 : i32
        %swap3A_1251 = arith.constant 2 : i32
        %swap3A_1252 = arith.index_cast %swap3A_1251 : i32 to index
        %swap3A_1253 = arith.index_cast %add3A_1250 : i32 to index
        %swap3A_1254 = tpu.vector_load %arg9[%swap3A_1252, %swap3A_1253] {strides = array<i32>} : memref<4x4096xf32, #tpu.memory_space<vmem>>, vector<16xf32>,
        tpu.vector_store %arg9[%swap3A_1252, %swap3A_1253], %add3A_1245 {strides = array<i32>} : memref<4x4096xf32, #tpu.memory_space<vmem>>, vector<16xf32>,
        %broadcast_in_dim3A_1255 = arith.constant 20 : i32
        %broadcast_in_dim3A_1256 = vector.broadcast %broadcast_in_dim3A_1255 : i32 to vector<16xi32>
        %gather3A_1257 = arith.constant 0 : i32
        %gather3A_1258 = arith.constant 0 : i32
        %gather3A_1259 = tpu.memref_slice %arg8[%scan3A_282, %gather3A_1257, %gather3A_1258] : memref<2x512x32xf32, #tpu.memory_space<vmem>> -> memref<1x512x32xf32, #tpu.memory_space<vmem>>
        %gather3A_1260 = tpu.memref_squeeze %gather3A_1259 : memref<1x512x32xf32, #tpu.memory_space<vmem>> -> memref<512x32xf32, #tpu.memory_space<vmem>>
        %gather3A_1261 = tpu.vector_load_idx %gather3A_1260[%add3A_349, %broadcast_in_dim3A_1256] : memref<512x32xf32, #tpu.memory_space<vmem>>[vector<16xi32>, vector<16xi32>], vector<16xf32>,
        %get3A_1262 = arith.constant 320 : index
        %get3A_1263 = tpu.vector_load %arg10[%get3A_1262] {strides = array<i32>} : memref<512xf32, #tpu.memory_space<vmem>>, vector<16xf32>,
        %get3A_1264 = arith.constant 320 : index
        %get3A_1265 = tpu.vector_load %arg11[%get3A_1264] {strides = array<i32>} : memref<512xf32, #tpu.memory_space<vmem>>, vector<16xf32>,
        %mul3A_1266 = arith.mulf %gather3A_1261, %mul3A_733 : vector<16xf32>
        %sub3A_1267 = arith.subf %mul3A_1266, %mul3A_734 : vector<16xf32>
        %mul3A_1268 = arith.mulf %sub3A_1267, %get3A_1263 : vector<16xf32>
        %add3A_1269 = arith.addf %mul3A_1268, %get3A_1265 : vector<16xf32>
        %mul3A_1270 = arith.constant 1024 : i32
        %mul3A_1271 = arith.muli %select_n3A_758, %mul3A_1270 : i32
        %add3A_1272 = arith.constant 512 : i32
        %add3A_1273 = arith.addi %mul3A_1271, %add3A_1272 : i32
        %add3A_1274 = arith.addi %add3A_1273, %mul3A_776 : i32
        %swap3A_1275 = arith.constant 2 : i32
        %swap3A_1276 = arith.index_cast %swap3A_1275 : i32 to index
        %swap3A_1277 = arith.index_cast %add3A_1274 : i32 to index
        %swap3A_1278 = tpu.vector_load %arg9[%swap3A_1276, %swap3A_1277] {strides = array<i32>} : memref<4x4096xf32, #tpu.memory_space<vmem>>, vector<16xf32>,
        tpu.vector_store %arg9[%swap3A_1276, %swap3A_1277], %add3A_1269 {strides = array<i32>} : memref<4x4096xf32, #tpu.memory_space<vmem>>, vector<16xf32>,
        %broadcast_in_dim3A_1279 = arith.constant 21 : i32
        %broadcast_in_dim3A_1280 = vector.broadcast %broadcast_in_dim3A_1279 : i32 to vector<16xi32>
        %gather3A_1281 = arith.constant 0 : i32
        %gather3A_1282 = arith.constant 0 : i32
        %gather3A_1283 = tpu.memref_slice %arg8[%scan3A_282, %gather3A_1281, %gather3A_1282] : memref<2x512x32xf32, #tpu.memory_space<vmem>> -> memref<1x512x32xf32, #tpu.memory_space<vmem>>
        %gather3A_1284 = tpu.memref_squeeze %gather3A_1283 : memref<1x512x32xf32, #tpu.memory_space<vmem>> -> memref<512x32xf32, #tpu.memory_space<vmem>>
        %gather3A_1285 = tpu.vector_load_idx %gather3A_1284[%add3A_349, %broadcast_in_dim3A_1280] : memref<512x32xf32, #tpu.memory_space<vmem>>[vector<16xi32>, vector<16xi32>], vector<16xf32>,
        %get3A_1286 = arith.constant 336 : index
        %get3A_1287 = tpu.vector_load %arg10[%get3A_1286] {strides = array<i32>} : memref<512xf32, #tpu.memory_space<vmem>>, vector<16xf32>,
        %get3A_1288 = arith.constant 336 : index
        %get3A_1289 = tpu.vector_load %arg11[%get3A_1288] {strides = array<i32>} : memref<512xf32, #tpu.memory_space<vmem>>, vector<16xf32>,
        %mul3A_1290 = arith.mulf %gather3A_1285, %mul3A_733 : vector<16xf32>
        %sub3A_1291 = arith.subf %mul3A_1290, %mul3A_734 : vector<16xf32>
        %mul3A_1292 = arith.mulf %sub3A_1291, %get3A_1287 : vector<16xf32>
        %add3A_1293 = arith.addf %mul3A_1292, %get3A_1289 : vector<16xf32>
        %mul3A_1294 = arith.constant 1024 : i32
        %mul3A_1295 = arith.muli %select_n3A_758, %mul3A_1294 : i32
        %add3A_1296 = arith.constant 640 : i32
        %add3A_1297 = arith.addi %mul3A_1295, %add3A_1296 : i32
        %add3A_1298 = arith.addi %add3A_1297, %mul3A_776 : i32
        %swap3A_1299 = arith.constant 2 : i32
        %swap3A_1300 = arith.index_cast %swap3A_1299 : i32 to index
        %swap3A_1301 = arith.index_cast %add3A_1298 : i32 to index
        %swap3A_1302 = tpu.vector_load %arg9[%swap3A_1300, %swap3A_1301] {strides = array<i32>} : memref<4x4096xf32, #tpu.memory_space<vmem>>, vector<16xf32>,
        tpu.vector_store %arg9[%swap3A_1300, %swap3A_1301], %add3A_1293 {strides = array<i32>} : memref<4x4096xf32, #tpu.memory_space<vmem>>, vector<16xf32>,
        %broadcast_in_dim3A_1303 = arith.constant 22 : i32
        %broadcast_in_dim3A_1304 = vector.broadcast %broadcast_in_dim3A_1303 : i32 to vector<16xi32>
        %gather3A_1305 = arith.constant 0 : i32
        %gather3A_1306 = arith.constant 0 : i32
        %gather3A_1307 = tpu.memref_slice %arg8[%scan3A_282, %gather3A_1305, %gather3A_1306] : memref<2x512x32xf32, #tpu.memory_space<vmem>> -> memref<1x512x32xf32, #tpu.memory_space<vmem>>
        %gather3A_1308 = tpu.memref_squeeze %gather3A_1307 : memref<1x512x32xf32, #tpu.memory_space<vmem>> -> memref<512x32xf32, #tpu.memory_space<vmem>>
        %gather3A_1309 = tpu.vector_load_idx %gather3A_1308[%add3A_349, %broadcast_in_dim3A_1304] : memref<512x32xf32, #tpu.memory_space<vmem>>[vector<16xi32>, vector<16xi32>], vector<16xf32>,
        %get3A_1310 = arith.constant 352 : index
        %get3A_1311 = tpu.vector_load %arg10[%get3A_1310] {strides = array<i32>} : memref<512xf32, #tpu.memory_space<vmem>>, vector<16xf32>,
        %get3A_1312 = arith.constant 352 : index
        %get3A_1313 = tpu.vector_load %arg11[%get3A_1312] {strides = array<i32>} : memref<512xf32, #tpu.memory_space<vmem>>, vector<16xf32>,
        %mul3A_1314 = arith.mulf %gather3A_1309, %mul3A_733 : vector<16xf32>
        %sub3A_1315 = arith.subf %mul3A_1314, %mul3A_734 : vector<16xf32>
        %mul3A_1316 = arith.mulf %sub3A_1315, %get3A_1311 : vector<16xf32>
        %add3A_1317 = arith.addf %mul3A_1316, %get3A_1313 : vector<16xf32>
        %mul3A_1318 = arith.constant 1024 : i32
        %mul3A_1319 = arith.muli %select_n3A_758, %mul3A_1318 : i32
        %add3A_1320 = arith.constant 768 : i32
        %add3A_1321 = arith.addi %mul3A_1319, %add3A_1320 : i32
        %add3A_1322 = arith.addi %add3A_1321, %mul3A_776 : i32
        %swap3A_1323 = arith.constant 2 : i32
        %swap3A_1324 = arith.index_cast %swap3A_1323 : i32 to index
        %swap3A_1325 = arith.index_cast %add3A_1322 : i32 to index
        %swap3A_1326 = tpu.vector_load %arg9[%swap3A_1324, %swap3A_1325] {strides = array<i32>} : memref<4x4096xf32, #tpu.memory_space<vmem>>, vector<16xf32>,
        tpu.vector_store %arg9[%swap3A_1324, %swap3A_1325], %add3A_1317 {strides = array<i32>} : memref<4x4096xf32, #tpu.memory_space<vmem>>, vector<16xf32>,
        %broadcast_in_dim3A_1327 = arith.constant 23 : i32
        %broadcast_in_dim3A_1328 = vector.broadcast %broadcast_in_dim3A_1327 : i32 to vector<16xi32>
        %gather3A_1329 = arith.constant 0 : i32
        %gather3A_1330 = arith.constant 0 : i32
        %gather3A_1331 = tpu.memref_slice %arg8[%scan3A_282, %gather3A_1329, %gather3A_1330] : memref<2x512x32xf32, #tpu.memory_space<vmem>> -> memref<1x512x32xf32, #tpu.memory_space<vmem>>
        %gather3A_1332 = tpu.memref_squeeze %gather3A_1331 : memref<1x512x32xf32, #tpu.memory_space<vmem>> -> memref<512x32xf32, #tpu.memory_space<vmem>>
        %gather3A_1333 = tpu.vector_load_idx %gather3A_1332[%add3A_349, %broadcast_in_dim3A_1328] : memref<512x32xf32, #tpu.memory_space<vmem>>[vector<16xi32>, vector<16xi32>], vector<16xf32>,
        %get3A_1334 = arith.constant 368 : index
        %get3A_1335 = tpu.vector_load %arg10[%get3A_1334] {strides = array<i32>} : memref<512xf32, #tpu.memory_space<vmem>>, vector<16xf32>,
        %get3A_1336 = arith.constant 368 : index
        %get3A_1337 = tpu.vector_load %arg11[%get3A_1336] {strides = array<i32>} : memref<512xf32, #tpu.memory_space<vmem>>, vector<16xf32>,
        %mul3A_1338 = arith.mulf %gather3A_1333, %mul3A_733 : vector<16xf32>
        %sub3A_1339 = arith.subf %mul3A_1338, %mul3A_734 : vector<16xf32>
        %mul3A_1340 = arith.mulf %sub3A_1339, %get3A_1335 : vector<16xf32>
        %add3A_1341 = arith.addf %mul3A_1340, %get3A_1337 : vector<16xf32>
        %mul3A_1342 = arith.constant 1024 : i32
        %mul3A_1343 = arith.muli %select_n3A_758, %mul3A_1342 : i32
        %add3A_1344 = arith.constant 896 : i32
        %add3A_1345 = arith.addi %mul3A_1343, %add3A_1344 : i32
        %add3A_1346 = arith.addi %add3A_1345, %mul3A_776 : i32
        %swap3A_1347 = arith.constant 2 : i32
        %swap3A_1348 = arith.index_cast %swap3A_1347 : i32 to index
        %swap3A_1349 = arith.index_cast %add3A_1346 : i32 to index
        %swap3A_1350 = tpu.vector_load %arg9[%swap3A_1348, %swap3A_1349] {strides = array<i32>} : memref<4x4096xf32, #tpu.memory_space<vmem>>, vector<16xf32>,
        tpu.vector_store %arg9[%swap3A_1348, %swap3A_1349], %add3A_1341 {strides = array<i32>} : memref<4x4096xf32, #tpu.memory_space<vmem>>, vector<16xf32>,
        %broadcast_in_dim3A_1351 = arith.constant 24 : i32
        %broadcast_in_dim3A_1352 = vector.broadcast %broadcast_in_dim3A_1351 : i32 to vector<16xi32>
        %gather3A_1353 = arith.constant 0 : i32
        %gather3A_1354 = arith.constant 0 : i32
        %gather3A_1355 = tpu.memref_slice %arg8[%scan3A_282, %gather3A_1353, %gather3A_1354] : memref<2x512x32xf32, #tpu.memory_space<vmem>> -> memref<1x512x32xf32, #tpu.memory_space<vmem>>
        %gather3A_1356 = tpu.memref_squeeze %gather3A_1355 : memref<1x512x32xf32, #tpu.memory_space<vmem>> -> memref<512x32xf32, #tpu.memory_space<vmem>>
        %gather3A_1357 = tpu.vector_load_idx %gather3A_1356[%add3A_349, %broadcast_in_dim3A_1352] : memref<512x32xf32, #tpu.memory_space<vmem>>[vector<16xi32>, vector<16xi32>], vector<16xf32>,
        %get3A_1358 = arith.constant 384 : index
        %get3A_1359 = tpu.vector_load %arg10[%get3A_1358] {strides = array<i32>} : memref<512xf32, #tpu.memory_space<vmem>>, vector<16xf32>,
        %get3A_1360 = arith.constant 384 : index
        %get3A_1361 = tpu.vector_load %arg11[%get3A_1360] {strides = array<i32>} : memref<512xf32, #tpu.memory_space<vmem>>, vector<16xf32>,
        %mul3A_1362 = arith.mulf %gather3A_1357, %mul3A_733 : vector<16xf32>
        %sub3A_1363 = arith.subf %mul3A_1362, %mul3A_734 : vector<16xf32>
        %mul3A_1364 = arith.mulf %sub3A_1363, %get3A_1359 : vector<16xf32>
        %add3A_1365 = arith.addf %mul3A_1364, %get3A_1361 : vector<16xf32>
        %mul3A_1366 = arith.constant 1024 : i32
        %mul3A_1367 = arith.muli %select_n3A_758, %mul3A_1366 : i32
        %add3A_1368 = arith.constant 0 : i32
        %add3A_1369 = arith.addi %mul3A_1367, %add3A_1368 : i32
        %add3A_1370 = arith.addi %add3A_1369, %mul3A_776 : i32
        %swap3A_1371 = arith.constant 3 : i32
        %swap3A_1372 = arith.index_cast %swap3A_1371 : i32 to index
        %swap3A_1373 = arith.index_cast %add3A_1370 : i32 to index
        %swap3A_1374 = tpu.vector_load %arg9[%swap3A_1372, %swap3A_1373] {strides = array<i32>} : memref<4x4096xf32, #tpu.memory_space<vmem>>, vector<16xf32>,
        tpu.vector_store %arg9[%swap3A_1372, %swap3A_1373], %add3A_1365 {strides = array<i32>} : memref<4x4096xf32, #tpu.memory_space<vmem>>, vector<16xf32>,
        %broadcast_in_dim3A_1375 = arith.constant 25 : i32
        %broadcast_in_dim3A_1376 = vector.broadcast %broadcast_in_dim3A_1375 : i32 to vector<16xi32>
        %gather3A_1377 = arith.constant 0 : i32
        %gather3A_1378 = arith.constant 0 : i32
        %gather3A_1379 = tpu.memref_slice %arg8[%scan3A_282, %gather3A_1377, %gather3A_1378] : memref<2x512x32xf32, #tpu.memory_space<vmem>> -> memref<1x512x32xf32, #tpu.memory_space<vmem>>
        %gather3A_1380 = tpu.memref_squeeze %gather3A_1379 : memref<1x512x32xf32, #tpu.memory_space<vmem>> -> memref<512x32xf32, #tpu.memory_space<vmem>>
        %gather3A_1381 = tpu.vector_load_idx %gather3A_1380[%add3A_349, %broadcast_in_dim3A_1376] : memref<512x32xf32, #tpu.memory_space<vmem>>[vector<16xi32>, vector<16xi32>], vector<16xf32>,
        %get3A_1382 = arith.constant 400 : index
        %get3A_1383 = tpu.vector_load %arg10[%get3A_1382] {strides = array<i32>} : memref<512xf32, #tpu.memory_space<vmem>>, vector<16xf32>,
        %get3A_1384 = arith.constant 400 : index
        %get3A_1385 = tpu.vector_load %arg11[%get3A_1384] {strides = array<i32>} : memref<512xf32, #tpu.memory_space<vmem>>, vector<16xf32>,
        %mul3A_1386 = arith.mulf %gather3A_1381, %mul3A_733 : vector<16xf32>
        %sub3A_1387 = arith.subf %mul3A_1386, %mul3A_734 : vector<16xf32>
        %mul3A_1388 = arith.mulf %sub3A_1387, %get3A_1383 : vector<16xf32>
        %add3A_1389 = arith.addf %mul3A_1388, %get3A_1385 : vector<16xf32>
        %mul3A_1390 = arith.constant 1024 : i32
        %mul3A_1391 = arith.muli %select_n3A_758, %mul3A_1390 : i32
        %add3A_1392 = arith.constant 128 : i32
        %add3A_1393 = arith.addi %mul3A_1391, %add3A_1392 : i32
        %add3A_1394 = arith.addi %add3A_1393, %mul3A_776 : i32
        %swap3A_1395 = arith.constant 3 : i32
        %swap3A_1396 = arith.index_cast %swap3A_1395 : i32 to index
        %swap3A_1397 = arith.index_cast %add3A_1394 : i32 to index
        %swap3A_1398 = tpu.vector_load %arg9[%swap3A_1396, %swap3A_1397] {strides = array<i32>} : memref<4x4096xf32, #tpu.memory_space<vmem>>, vector<16xf32>,
        tpu.vector_store %arg9[%swap3A_1396, %swap3A_1397], %add3A_1389 {strides = array<i32>} : memref<4x4096xf32, #tpu.memory_space<vmem>>, vector<16xf32>,
        %broadcast_in_dim3A_1399 = arith.constant 26 : i32
        %broadcast_in_dim3A_1400 = vector.broadcast %broadcast_in_dim3A_1399 : i32 to vector<16xi32>
        %gather3A_1401 = arith.constant 0 : i32
        %gather3A_1402 = arith.constant 0 : i32
        %gather3A_1403 = tpu.memref_slice %arg8[%scan3A_282, %gather3A_1401, %gather3A_1402] : memref<2x512x32xf32, #tpu.memory_space<vmem>> -> memref<1x512x32xf32, #tpu.memory_space<vmem>>
        %gather3A_1404 = tpu.memref_squeeze %gather3A_1403 : memref<1x512x32xf32, #tpu.memory_space<vmem>> -> memref<512x32xf32, #tpu.memory_space<vmem>>
        %gather3A_1405 = tpu.vector_load_idx %gather3A_1404[%add3A_349, %broadcast_in_dim3A_1400] : memref<512x32xf32, #tpu.memory_space<vmem>>[vector<16xi32>, vector<16xi32>], vector<16xf32>,
        %get3A_1406 = arith.constant 416 : index
        %get3A_1407 = tpu.vector_load %arg10[%get3A_1406] {strides = array<i32>} : memref<512xf32, #tpu.memory_space<vmem>>, vector<16xf32>,
        %get3A_1408 = arith.constant 416 : index
        %get3A_1409 = tpu.vector_load %arg11[%get3A_1408] {strides = array<i32>} : memref<512xf32, #tpu.memory_space<vmem>>, vector<16xf32>,
        %mul3A_1410 = arith.mulf %gather3A_1405, %mul3A_733 : vector<16xf32>
        %sub3A_1411 = arith.subf %mul3A_1410, %mul3A_734 : vector<16xf32>
        %mul3A_1412 = arith.mulf %sub3A_1411, %get3A_1407 : vector<16xf32>
        %add3A_1413 = arith.addf %mul3A_1412, %get3A_1409 : vector<16xf32>
        %mul3A_1414 = arith.constant 1024 : i32
        %mul3A_1415 = arith.muli %select_n3A_758, %mul3A_1414 : i32
        %add3A_1416 = arith.constant 256 : i32
        %add3A_1417 = arith.addi %mul3A_1415, %add3A_1416 : i32
        %add3A_1418 = arith.addi %add3A_1417, %mul3A_776 : i32
        %swap3A_1419 = arith.constant 3 : i32
        %swap3A_1420 = arith.index_cast %swap3A_1419 : i32 to index
        %swap3A_1421 = arith.index_cast %add3A_1418 : i32 to index
        %swap3A_1422 = tpu.vector_load %arg9[%swap3A_1420, %swap3A_1421] {strides = array<i32>} : memref<4x4096xf32, #tpu.memory_space<vmem>>, vector<16xf32>,
        tpu.vector_store %arg9[%swap3A_1420, %swap3A_1421], %add3A_1413 {strides = array<i32>} : memref<4x4096xf32, #tpu.memory_space<vmem>>, vector<16xf32>,
        %broadcast_in_dim3A_1423 = arith.constant 27 : i32
        %broadcast_in_dim3A_1424 = vector.broadcast %broadcast_in_dim3A_1423 : i32 to vector<16xi32>
        %gather3A_1425 = arith.constant 0 : i32
        %gather3A_1426 = arith.constant 0 : i32
        %gather3A_1427 = tpu.memref_slice %arg8[%scan3A_282, %gather3A_1425, %gather3A_1426] : memref<2x512x32xf32, #tpu.memory_space<vmem>> -> memref<1x512x32xf32, #tpu.memory_space<vmem>>
        %gather3A_1428 = tpu.memref_squeeze %gather3A_1427 : memref<1x512x32xf32, #tpu.memory_space<vmem>> -> memref<512x32xf32, #tpu.memory_space<vmem>>
        %gather3A_1429 = tpu.vector_load_idx %gather3A_1428[%add3A_349, %broadcast_in_dim3A_1424] : memref<512x32xf32, #tpu.memory_space<vmem>>[vector<16xi32>, vector<16xi32>], vector<16xf32>,
        %get3A_1430 = arith.constant 432 : index
        %get3A_1431 = tpu.vector_load %arg10[%get3A_1430] {strides = array<i32>} : memref<512xf32, #tpu.memory_space<vmem>>, vector<16xf32>,
        %get3A_1432 = arith.constant 432 : index
        %get3A_1433 = tpu.vector_load %arg11[%get3A_1432] {strides = array<i32>} : memref<512xf32, #tpu.memory_space<vmem>>, vector<16xf32>,
        %mul3A_1434 = arith.mulf %gather3A_1429, %mul3A_733 : vector<16xf32>
        %sub3A_1435 = arith.subf %mul3A_1434, %mul3A_734 : vector<16xf32>
        %mul3A_1436 = arith.mulf %sub3A_1435, %get3A_1431 : vector<16xf32>
        %add3A_1437 = arith.addf %mul3A_1436, %get3A_1433 : vector<16xf32>
        %mul3A_1438 = arith.constant 1024 : i32
        %mul3A_1439 = arith.muli %select_n3A_758, %mul3A_1438 : i32
        %add3A_1440 = arith.constant 384 : i32
        %add3A_1441 = arith.addi %mul3A_1439, %add3A_1440 : i32
        %add3A_1442 = arith.addi %add3A_1441, %mul3A_776 : i32
        %swap3A_1443 = arith.constant 3 : i32
        %swap3A_1444 = arith.index_cast %swap3A_1443 : i32 to index
        %swap3A_1445 = arith.index_cast %add3A_1442 : i32 to index
        %swap3A_1446 = tpu.vector_load %arg9[%swap3A_1444, %swap3A_1445] {strides = array<i32>} : memref<4x4096xf32, #tpu.memory_space<vmem>>, vector<16xf32>,
        tpu.vector_store %arg9[%swap3A_1444, %swap3A_1445], %add3A_1437 {strides = array<i32>} : memref<4x4096xf32, #tpu.memory_space<vmem>>, vector<16xf32>,
        %broadcast_in_dim3A_1447 = arith.constant 28 : i32
        %broadcast_in_dim3A_1448 = vector.broadcast %broadcast_in_dim3A_1447 : i32 to vector<16xi32>
        %gather3A_1449 = arith.constant 0 : i32
        %gather3A_1450 = arith.constant 0 : i32
        %gather3A_1451 = tpu.memref_slice %arg8[%scan3A_282, %gather3A_1449, %gather3A_1450] : memref<2x512x32xf32, #tpu.memory_space<vmem>> -> memref<1x512x32xf32, #tpu.memory_space<vmem>>
        %gather3A_1452 = tpu.memref_squeeze %gather3A_1451 : memref<1x512x32xf32, #tpu.memory_space<vmem>> -> memref<512x32xf32, #tpu.memory_space<vmem>>
        %gather3A_1453 = tpu.vector_load_idx %gather3A_1452[%add3A_349, %broadcast_in_dim3A_1448] : memref<512x32xf32, #tpu.memory_space<vmem>>[vector<16xi32>, vector<16xi32>], vector<16xf32>,
        %get3A_1454 = arith.constant 448 : index
        %get3A_1455 = tpu.vector_load %arg10[%get3A_1454] {strides = array<i32>} : memref<512xf32, #tpu.memory_space<vmem>>, vector<16xf32>,
        %get3A_1456 = arith.constant 448 : index
        %get3A_1457 = tpu.vector_load %arg11[%get3A_1456] {strides = array<i32>} : memref<512xf32, #tpu.memory_space<vmem>>, vector<16xf32>,
        %mul3A_1458 = arith.mulf %gather3A_1453, %mul3A_733 : vector<16xf32>
        %sub3A_1459 = arith.subf %mul3A_1458, %mul3A_734 : vector<16xf32>
        %mul3A_1460 = arith.mulf %sub3A_1459, %get3A_1455 : vector<16xf32>
        %add3A_1461 = arith.addf %mul3A_1460, %get3A_1457 : vector<16xf32>
        %mul3A_1462 = arith.constant 1024 : i32
        %mul3A_1463 = arith.muli %select_n3A_758, %mul3A_1462 : i32
        %add3A_1464 = arith.constant 512 : i32
        %add3A_1465 = arith.addi %mul3A_1463, %add3A_1464 : i32
        %add3A_1466 = arith.addi %add3A_1465, %mul3A_776 : i32
        %swap3A_1467 = arith.constant 3 : i32
        %swap3A_1468 = arith.index_cast %swap3A_1467 : i32 to index
        %swap3A_1469 = arith.index_cast %add3A_1466 : i32 to index
        %swap3A_1470 = tpu.vector_load %arg9[%swap3A_1468, %swap3A_1469] {strides = array<i32>} : memref<4x4096xf32, #tpu.memory_space<vmem>>, vector<16xf32>,
        tpu.vector_store %arg9[%swap3A_1468, %swap3A_1469], %add3A_1461 {strides = array<i32>} : memref<4x4096xf32, #tpu.memory_space<vmem>>, vector<16xf32>,
        %broadcast_in_dim3A_1471 = arith.constant 29 : i32
        %broadcast_in_dim3A_1472 = vector.broadcast %broadcast_in_dim3A_1471 : i32 to vector<16xi32>
        %gather3A_1473 = arith.constant 0 : i32
        %gather3A_1474 = arith.constant 0 : i32
        %gather3A_1475 = tpu.memref_slice %arg8[%scan3A_282, %gather3A_1473, %gather3A_1474] : memref<2x512x32xf32, #tpu.memory_space<vmem>> -> memref<1x512x32xf32, #tpu.memory_space<vmem>>
        %gather3A_1476 = tpu.memref_squeeze %gather3A_1475 : memref<1x512x32xf32, #tpu.memory_space<vmem>> -> memref<512x32xf32, #tpu.memory_space<vmem>>
        %gather3A_1477 = tpu.vector_load_idx %gather3A_1476[%add3A_349, %broadcast_in_dim3A_1472] : memref<512x32xf32, #tpu.memory_space<vmem>>[vector<16xi32>, vector<16xi32>], vector<16xf32>,
        %get3A_1478 = arith.constant 464 : index
        %get3A_1479 = tpu.vector_load %arg10[%get3A_1478] {strides = array<i32>} : memref<512xf32, #tpu.memory_space<vmem>>, vector<16xf32>,
        %get3A_1480 = arith.constant 464 : index
        %get3A_1481 = tpu.vector_load %arg11[%get3A_1480] {strides = array<i32>} : memref<512xf32, #tpu.memory_space<vmem>>, vector<16xf32>,
        %mul3A_1482 = arith.mulf %gather3A_1477, %mul3A_733 : vector<16xf32>
        %sub3A_1483 = arith.subf %mul3A_1482, %mul3A_734 : vector<16xf32>
        %mul3A_1484 = arith.mulf %sub3A_1483, %get3A_1479 : vector<16xf32>
        %add3A_1485 = arith.addf %mul3A_1484, %get3A_1481 : vector<16xf32>
        %mul3A_1486 = arith.constant 1024 : i32
        %mul3A_1487 = arith.muli %select_n3A_758, %mul3A_1486 : i32
        %add3A_1488 = arith.constant 640 : i32
        %add3A_1489 = arith.addi %mul3A_1487, %add3A_1488 : i32
        %add3A_1490 = arith.addi %add3A_1489, %mul3A_776 : i32
        %swap3A_1491 = arith.constant 3 : i32
        %swap3A_1492 = arith.index_cast %swap3A_1491 : i32 to index
        %swap3A_1493 = arith.index_cast %add3A_1490 : i32 to index
        %swap3A_1494 = tpu.vector_load %arg9[%swap3A_1492, %swap3A_1493] {strides = array<i32>} : memref<4x4096xf32, #tpu.memory_space<vmem>>, vector<16xf32>,
        tpu.vector_store %arg9[%swap3A_1492, %swap3A_1493], %add3A_1485 {strides = array<i32>} : memref<4x4096xf32, #tpu.memory_space<vmem>>, vector<16xf32>,
        %broadcast_in_dim3A_1495 = arith.constant 30 : i32
        %broadcast_in_dim3A_1496 = vector.broadcast %broadcast_in_dim3A_1495 : i32 to vector<16xi32>
        %gather3A_1497 = arith.constant 0 : i32
        %gather3A_1498 = arith.constant 0 : i32
        %gather3A_1499 = tpu.memref_slice %arg8[%scan3A_282, %gather3A_1497, %gather3A_1498] : memref<2x512x32xf32, #tpu.memory_space<vmem>> -> memref<1x512x32xf32, #tpu.memory_space<vmem>>
        %gather3A_1500 = tpu.memref_squeeze %gather3A_1499 : memref<1x512x32xf32, #tpu.memory_space<vmem>> -> memref<512x32xf32, #tpu.memory_space<vmem>>
        %gather3A_1501 = tpu.vector_load_idx %gather3A_1500[%add3A_349, %broadcast_in_dim3A_1496] : memref<512x32xf32, #tpu.memory_space<vmem>>[vector<16xi32>, vector<16xi32>], vector<16xf32>,
        %get3A_1502 = arith.constant 480 : index
        %get3A_1503 = tpu.vector_load %arg10[%get3A_1502] {strides = array<i32>} : memref<512xf32, #tpu.memory_space<vmem>>, vector<16xf32>,
        %get3A_1504 = arith.constant 480 : index
        %get3A_1505 = tpu.vector_load %arg11[%get3A_1504] {strides = array<i32>} : memref<512xf32, #tpu.memory_space<vmem>>, vector<16xf32>,
        %mul3A_1506 = arith.mulf %gather3A_1501, %mul3A_733 : vector<16xf32>
        %sub3A_1507 = arith.subf %mul3A_1506, %mul3A_734 : vector<16xf32>
        %mul3A_1508 = arith.mulf %sub3A_1507, %get3A_1503 : vector<16xf32>
        %add3A_1509 = arith.addf %mul3A_1508, %get3A_1505 : vector<16xf32>
        %mul3A_1510 = arith.constant 1024 : i32
        %mul3A_1511 = arith.muli %select_n3A_758, %mul3A_1510 : i32
        %add3A_1512 = arith.constant 768 : i32
        %add3A_1513 = arith.addi %mul3A_1511, %add3A_1512 : i32
        %add3A_1514 = arith.addi %add3A_1513, %mul3A_776 : i32
        %swap3A_1515 = arith.constant 3 : i32
        %swap3A_1516 = arith.index_cast %swap3A_1515 : i32 to index
        %swap3A_1517 = arith.index_cast %add3A_1514 : i32 to index
        %swap3A_1518 = tpu.vector_load %arg9[%swap3A_1516, %swap3A_1517] {strides = array<i32>} : memref<4x4096xf32, #tpu.memory_space<vmem>>, vector<16xf32>,
        tpu.vector_store %arg9[%swap3A_1516, %swap3A_1517], %add3A_1509 {strides = array<i32>} : memref<4x4096xf32, #tpu.memory_space<vmem>>, vector<16xf32>,
        %broadcast_in_dim3A_1519 = arith.constant 31 : i32
        %broadcast_in_dim3A_1520 = vector.broadcast %broadcast_in_dim3A_1519 : i32 to vector<16xi32>
        %gather3A_1521 = arith.constant 0 : i32
        %gather3A_1522 = arith.constant 0 : i32
        %gather3A_1523 = tpu.memref_slice %arg8[%scan3A_282, %gather3A_1521, %gather3A_1522] : memref<2x512x32xf32, #tpu.memory_space<vmem>> -> memref<1x512x32xf32, #tpu.memory_space<vmem>>
        %gather3A_1524 = tpu.memref_squeeze %gather3A_1523 : memref<1x512x32xf32, #tpu.memory_space<vmem>> -> memref<512x32xf32, #tpu.memory_space<vmem>>
        %gather3A_1525 = tpu.vector_load_idx %gather3A_1524[%add3A_349, %broadcast_in_dim3A_1520] : memref<512x32xf32, #tpu.memory_space<vmem>>[vector<16xi32>, vector<16xi32>], vector<16xf32>,
        %get3A_1526 = arith.constant 496 : index
        %get3A_1527 = tpu.vector_load %arg10[%get3A_1526] {strides = array<i32>} : memref<512xf32, #tpu.memory_space<vmem>>, vector<16xf32>,
        %get3A_1528 = arith.constant 496 : index
        %get3A_1529 = tpu.vector_load %arg11[%get3A_1528] {strides = array<i32>} : memref<512xf32, #tpu.memory_space<vmem>>, vector<16xf32>,
        %mul3A_1530 = arith.mulf %gather3A_1525, %mul3A_733 : vector<16xf32>
        %sub3A_1531 = arith.subf %mul3A_1530, %mul3A_734 : vector<16xf32>
        %mul3A_1532 = arith.mulf %sub3A_1531, %get3A_1527 : vector<16xf32>
        %add3A_1533 = arith.addf %mul3A_1532, %get3A_1529 : vector<16xf32>
        %mul3A_1534 = arith.constant 1024 : i32
        %mul3A_1535 = arith.muli %select_n3A_758, %mul3A_1534 : i32
        %add3A_1536 = arith.constant 896 : i32
        %add3A_1537 = arith.addi %mul3A_1535, %add3A_1536 : i32
        %add3A_1538 = arith.addi %add3A_1537, %mul3A_776 : i32
        %swap3A_1539 = arith.constant 3 : i32
        %swap3A_1540 = arith.index_cast %swap3A_1539 : i32 to index
        %swap3A_1541 = arith.index_cast %add3A_1538 : i32 to index
        %swap3A_1542 = tpu.vector_load %arg9[%swap3A_1540, %swap3A_1541] {strides = array<i32>} : memref<4x4096xf32, #tpu.memory_space<vmem>>, vector<16xf32>,
        tpu.vector_store %arg9[%swap3A_1540, %swap3A_1541], %add3A_1533 {strides = array<i32>} : memref<4x4096xf32, #tpu.memory_space<vmem>>, vector<16xf32>,
      }
      %scan3A_287 = arith.constant 32 : i32
      %add3A_288 = arith.addi %mul3A_2, %add3A_221 : i32
      %jit3A_289 = arith.constant 32 : i32
      %div3A_290 = arith.divsi %add3A_288, %jit3A_289 : i32
      %sign3A_291 = arith.constant 0 : i32
      %sign3A_292 = arith.cmpi sgt, %add3A_288, %sign3A_291 : i32
      %sign3A_293 = arith.extui %sign3A_292 : i1 to i32
      %sign3A_294 = arith.constant 0 : i32
      %sign3A_295 = arith.cmpi slt, %add3A_288, %sign3A_294 : i32
      %sign3A_296 = arith.extui %sign3A_295 : i1 to i32
      %sign3A_297 = arith.subi %sign3A_293, %sign3A_296 : i32
      %sign3A_298 = arith.constant 0 : i32
      %sign3A_299 = arith.cmpi sgt, %jit3A_289, %sign3A_298 : i32
      %sign3A_300 = arith.extui %sign3A_299 : i1 to i32
      %sign3A_301 = arith.constant 0 : i32
      %sign3A_302 = arith.cmpi slt, %jit3A_289, %sign3A_301 : i32
      %sign3A_303 = arith.extui %sign3A_302 : i1 to i32
      %sign3A_304 = arith.subi %sign3A_300, %sign3A_303 : i32
      %ne3A_305 = arith.cmpi ne, %sign3A_297, %sign3A_304 : i32
      %rem3A_306 = arith.remsi %add3A_288, %jit3A_289 : i32
      %ne3A_307 = arith.constant 0 : i32
      %ne3A_308 = arith.cmpi ne, %rem3A_306, %ne3A_307 : i32
      %and3A_309 = arith.andi %ne3A_305, %ne3A_308 : i1
      %sub3A_310 = arith.constant 1 : i32
      %sub3A_311 = arith.subi %div3A_290, %sub3A_310 : i32
      %select_n3A_312 = arith.select %and3A_309, %sub3A_311, %div3A_290 : i32
      %jit3A_313 = arith.constant 32 : i32
      %eq3A_314 = arith.constant 0 : i32
      %eq3A_315 = arith.cmpi eq, %jit3A_313, %eq3A_314 : i32
      %jit3A_316 = arith.constant 1 : i32
      %select_n3A_317 = arith.select %eq3A_315, %jit3A_316, %jit3A_313 : i32
      %rem3A_318 = arith.remsi %add3A_288, %select_n3A_317 : i32
      %ne3A_319 = arith.constant 0 : i32
      %ne3A_320 = arith.cmpi ne, %rem3A_318, %ne3A_319 : i32
      %lt3A_321 = arith.constant 0 : i32
      %lt3A_322 = arith.cmpi slt, %rem3A_318, %lt3A_321 : i32
      %lt3A_323 = arith.constant 0 : i32
      %lt3A_324 = arith.cmpi slt, %select_n3A_317, %lt3A_323 : i32
      %ne3A_325 = arith.xori %lt3A_322, %lt3A_324 : i1
      %and3A_326 = arith.andi %ne3A_325, %ne3A_320 : i1
      %add3A_327 = arith.addi %rem3A_318, %select_n3A_317 : i32
      %select_n3A_328 = arith.select %and3A_326, %add3A_327, %rem3A_318 : i32
      %mul3A_329 = arith.constant 4096 : i32
      %mul3A_330 = arith.muli %select_n3A_328, %mul3A_329 : i32
      %run_scoped3A_331 = arith.constant 0 : i32
      %run_scoped3A_332 = arith.constant 0 : i32
      "tpu.region"() ({
        %run_scoped3A_345 = tpu.sem_alloc : memref<!tpu.dma_semaphore, #tpu.memory_space<semaphore_mem>>
        %dma_start3A_346 = arith.constant 0 : i32
        %dma_start3A_347 = tpu.memref_slice %arg9[%run_scoped3A_331, %dma_start3A_346] : memref<4x4096xf32, #tpu.memory_space<vmem>> -> memref<1x4096xf32, #tpu.memory_space<vmem>>
        %dma_start3A_348 = tpu.memref_squeeze %dma_start3A_347 : memref<1x4096xf32, #tpu.memory_space<vmem>> -> memref<4096xf32, #tpu.memory_space<vmem>>
        %dma_start3A_349 = tpu.memref_slice %arg6[%select_n3A_312, %run_scoped3A_332, %mul3A_330] : memref<50x4x131072xf32, #tpu.memory_space<hbm>> -> memref<1x1x4096xf32, #tpu.memory_space<hbm>>
        %dma_start3A_350 = tpu.memref_squeeze %dma_start3A_349 : memref<1x1x4096xf32, #tpu.memory_space<hbm>> -> memref<4096xf32, #tpu.memory_space<hbm>>
        %dma_start3A_351 = tpu.memref_slice %arg6[%select_n3A_312, %run_scoped3A_332, %mul3A_330] : memref<50x4x131072xf32, #tpu.memory_space<hbm>> -> memref<1x1x4096xf32, #tpu.memory_space<hbm>>
        %dma_start3A_352 = tpu.memref_squeeze %dma_start3A_351 : memref<1x1x4096xf32, #tpu.memory_space<hbm>> -> memref<4096xf32, #tpu.memory_space<hbm>>
        %dma_start3A_353 = arith.constant 0 : i32
        %dma_start3A_354 = tpu.memref_slice %arg9[%run_scoped3A_331, %dma_start3A_353] : memref<4x4096xf32, #tpu.memory_space<vmem>> -> memref<1x4096xf32, #tpu.memory_space<vmem>>
        %dma_start3A_355 = tpu.memref_squeeze %dma_start3A_354 : memref<1x4096xf32, #tpu.memory_space<vmem>> -> memref<4096xf32, #tpu.memory_space<vmem>>
        tpu.enqueue_dma source(%dma_start3A_355 : memref<4096xf32, #tpu.memory_space<vmem>>) target(%dma_start3A_352 : memref<4096xf32, #tpu.memory_space<hbm>>) target_semaphore(%run_scoped3A_345 : memref<!tpu.dma_semaphore, #tpu.memory_space<semaphore_mem>>)
        %dma_wait3A_356 = arith.constant 0 : i32
        %dma_wait3A_357 = tpu.memref_slice %arg9[%run_scoped3A_331, %dma_wait3A_356] : memref<4x4096xf32, #tpu.memory_space<vmem>> -> memref<1x4096xf32, #tpu.memory_space<vmem>>
        %dma_wait3A_358 = tpu.memref_squeeze %dma_wait3A_357 : memref<1x4096xf32, #tpu.memory_space<vmem>> -> memref<4096xf32, #tpu.memory_space<vmem>>
        %dma_wait3A_359 = tpu.memref_slice %arg6[%select_n3A_312, %run_scoped3A_332, %mul3A_330] : memref<50x4x131072xf32, #tpu.memory_space<hbm>> -> memref<1x1x4096xf32, #tpu.memory_space<hbm>>
        %dma_wait3A_360 = tpu.memref_squeeze %dma_wait3A_359 : memref<1x1x4096xf32, #tpu.memory_space<hbm>> -> memref<4096xf32, #tpu.memory_space<hbm>>
        %dma_wait3A_361 = tpu.memref_slice %arg6[%select_n3A_312, %run_scoped3A_332, %mul3A_330] : memref<50x4x131072xf32, #tpu.memory_space<hbm>> -> memref<1x1x4096xf32, #tpu.memory_space<hbm>>
        %dma_wait3A_362 = tpu.memref_squeeze %dma_wait3A_361 : memref<1x1x4096xf32, #tpu.memory_space<hbm>> -> memref<4096xf32, #tpu.memory_space<hbm>>
        %dma_wait3A_363 = arith.constant 0 : i32
        %dma_wait3A_364 = tpu.memref_slice %arg9[%run_scoped3A_331, %dma_wait3A_363] : memref<4x4096xf32, #tpu.memory_space<vmem>> -> memref<1x4096xf32, #tpu.memory_space<vmem>>
        %dma_wait3A_365 = tpu.memref_squeeze %dma_wait3A_364 : memref<1x4096xf32, #tpu.memory_space<vmem>> -> memref<4096xf32, #tpu.memory_space<vmem>>
        tpu.wait_dma2 semaphore(%run_scoped3A_345 : memref<!tpu.dma_semaphore, #tpu.memory_space<semaphore_mem>>) src(%dma_wait3A_365 : memref<4096xf32, #tpu.memory_space<vmem>>) dst(%dma_wait3A_362 : memref<4096xf32, #tpu.memory_space<hbm>>)
        tpu.yield
      }) : () -> ()
      %mul3A_333 = arith.constant 4096 : i32
      %mul3A_334 = arith.muli %select_n3A_328, %mul3A_333 : i32
      %run_scoped3A_335 = arith.constant 1 : i32
      %run_scoped3A_336 = arith.constant 1 : i32
      "tpu.region"() ({
        %run_scoped3A_345 = tpu.sem_alloc : memref<!tpu.dma_semaphore, #tpu.memory_space<semaphore_mem>>
        %dma_start3A_346 = arith.constant 0 : i32
        %dma_start3A_347 = tpu.memref_slice %arg9[%run_scoped3A_335, %dma_start3A_346] : memref<4x4096xf32, #tpu.memory_space<vmem>> -> memref<1x4096xf32, #tpu.memory_space<vmem>>
        %dma_start3A_348 = tpu.memref_squeeze %dma_start3A_347 : memref<1x4096xf32, #tpu.memory_space<vmem>> -> memref<4096xf32, #tpu.memory_space<vmem>>
        %dma_start3A_349 = tpu.memref_slice %arg6[%select_n3A_312, %run_scoped3A_336, %mul3A_334] : memref<50x4x131072xf32, #tpu.memory_space<hbm>> -> memref<1x1x4096xf32, #tpu.memory_space<hbm>>
        %dma_start3A_350 = tpu.memref_squeeze %dma_start3A_349 : memref<1x1x4096xf32, #tpu.memory_space<hbm>> -> memref<4096xf32, #tpu.memory_space<hbm>>
        %dma_start3A_351 = tpu.memref_slice %arg6[%select_n3A_312, %run_scoped3A_336, %mul3A_334] : memref<50x4x131072xf32, #tpu.memory_space<hbm>> -> memref<1x1x4096xf32, #tpu.memory_space<hbm>>
        %dma_start3A_352 = tpu.memref_squeeze %dma_start3A_351 : memref<1x1x4096xf32, #tpu.memory_space<hbm>> -> memref<4096xf32, #tpu.memory_space<hbm>>
        %dma_start3A_353 = arith.constant 0 : i32
        %dma_start3A_354 = tpu.memref_slice %arg9[%run_scoped3A_335, %dma_start3A_353] : memref<4x4096xf32, #tpu.memory_space<vmem>> -> memref<1x4096xf32, #tpu.memory_space<vmem>>
        %dma_start3A_355 = tpu.memref_squeeze %dma_start3A_354 : memref<1x4096xf32, #tpu.memory_space<vmem>> -> memref<4096xf32, #tpu.memory_space<vmem>>
        tpu.enqueue_dma source(%dma_start3A_355 : memref<4096xf32, #tpu.memory_space<vmem>>) target(%dma_start3A_352 : memref<4096xf32, #tpu.memory_space<hbm>>) target_semaphore(%run_scoped3A_345 : memref<!tpu.dma_semaphore, #tpu.memory_space<semaphore_mem>>)
        %dma_wait3A_356 = arith.constant 0 : i32
        %dma_wait3A_357 = tpu.memref_slice %arg9[%run_scoped3A_335, %dma_wait3A_356] : memref<4x4096xf32, #tpu.memory_space<vmem>> -> memref<1x4096xf32, #tpu.memory_space<vmem>>
        %dma_wait3A_358 = tpu.memref_squeeze %dma_wait3A_357 : memref<1x4096xf32, #tpu.memory_space<vmem>> -> memref<4096xf32, #tpu.memory_space<vmem>>
        %dma_wait3A_359 = tpu.memref_slice %arg6[%select_n3A_312, %run_scoped3A_336, %mul3A_334] : memref<50x4x131072xf32, #tpu.memory_space<hbm>> -> memref<1x1x4096xf32, #tpu.memory_space<hbm>>
        %dma_wait3A_360 = tpu.memref_squeeze %dma_wait3A_359 : memref<1x1x4096xf32, #tpu.memory_space<hbm>> -> memref<4096xf32, #tpu.memory_space<hbm>>
        %dma_wait3A_361 = tpu.memref_slice %arg6[%select_n3A_312, %run_scoped3A_336, %mul3A_334] : memref<50x4x131072xf32, #tpu.memory_space<hbm>> -> memref<1x1x4096xf32, #tpu.memory_space<hbm>>
        %dma_wait3A_362 = tpu.memref_squeeze %dma_wait3A_361 : memref<1x1x4096xf32, #tpu.memory_space<hbm>> -> memref<4096xf32, #tpu.memory_space<hbm>>
        %dma_wait3A_363 = arith.constant 0 : i32
        %dma_wait3A_364 = tpu.memref_slice %arg9[%run_scoped3A_335, %dma_wait3A_363] : memref<4x4096xf32, #tpu.memory_space<vmem>> -> memref<1x4096xf32, #tpu.memory_space<vmem>>
        %dma_wait3A_365 = tpu.memref_squeeze %dma_wait3A_364 : memref<1x4096xf32, #tpu.memory_space<vmem>> -> memref<4096xf32, #tpu.memory_space<vmem>>
        tpu.wait_dma2 semaphore(%run_scoped3A_345 : memref<!tpu.dma_semaphore, #tpu.memory_space<semaphore_mem>>) src(%dma_wait3A_365 : memref<4096xf32, #tpu.memory_space<vmem>>) dst(%dma_wait3A_362 : memref<4096xf32, #tpu.memory_space<hbm>>)
        tpu.yield
      }) : () -> ()
      %mul3A_337 = arith.constant 4096 : i32
      %mul3A_338 = arith.muli %select_n3A_328, %mul3A_337 : i32
      %run_scoped3A_339 = arith.constant 2 : i32
      %run_scoped3A_340 = arith.constant 2 : i32
      "tpu.region"() ({
        %run_scoped3A_345 = tpu.sem_alloc : memref<!tpu.dma_semaphore, #tpu.memory_space<semaphore_mem>>
        %dma_start3A_346 = arith.constant 0 : i32
        %dma_start3A_347 = tpu.memref_slice %arg9[%run_scoped3A_339, %dma_start3A_346] : memref<4x4096xf32, #tpu.memory_space<vmem>> -> memref<1x4096xf32, #tpu.memory_space<vmem>>
        %dma_start3A_348 = tpu.memref_squeeze %dma_start3A_347 : memref<1x4096xf32, #tpu.memory_space<vmem>> -> memref<4096xf32, #tpu.memory_space<vmem>>
        %dma_start3A_349 = tpu.memref_slice %arg6[%select_n3A_312, %run_scoped3A_340, %mul3A_338] : memref<50x4x131072xf32, #tpu.memory_space<hbm>> -> memref<1x1x4096xf32, #tpu.memory_space<hbm>>
        %dma_start3A_350 = tpu.memref_squeeze %dma_start3A_349 : memref<1x1x4096xf32, #tpu.memory_space<hbm>> -> memref<4096xf32, #tpu.memory_space<hbm>>
        %dma_start3A_351 = tpu.memref_slice %arg6[%select_n3A_312, %run_scoped3A_340, %mul3A_338] : memref<50x4x131072xf32, #tpu.memory_space<hbm>> -> memref<1x1x4096xf32, #tpu.memory_space<hbm>>
        %dma_start3A_352 = tpu.memref_squeeze %dma_start3A_351 : memref<1x1x4096xf32, #tpu.memory_space<hbm>> -> memref<4096xf32, #tpu.memory_space<hbm>>
        %dma_start3A_353 = arith.constant 0 : i32
        %dma_start3A_354 = tpu.memref_slice %arg9[%run_scoped3A_339, %dma_start3A_353] : memref<4x4096xf32, #tpu.memory_space<vmem>> -> memref<1x4096xf32, #tpu.memory_space<vmem>>
        %dma_start3A_355 = tpu.memref_squeeze %dma_start3A_354 : memref<1x4096xf32, #tpu.memory_space<vmem>> -> memref<4096xf32, #tpu.memory_space<vmem>>
        tpu.enqueue_dma source(%dma_start3A_355 : memref<4096xf32, #tpu.memory_space<vmem>>) target(%dma_start3A_352 : memref<4096xf32, #tpu.memory_space<hbm>>) target_semaphore(%run_scoped3A_345 : memref<!tpu.dma_semaphore, #tpu.memory_space<semaphore_mem>>)
        %dma_wait3A_356 = arith.constant 0 : i32
        %dma_wait3A_357 = tpu.memref_slice %arg9[%run_scoped3A_339, %dma_wait3A_356] : memref<4x4096xf32, #tpu.memory_space<vmem>> -> memref<1x4096xf32, #tpu.memory_space<vmem>>
        %dma_wait3A_358 = tpu.memref_squeeze %dma_wait3A_357 : memref<1x4096xf32, #tpu.memory_space<vmem>> -> memref<4096xf32, #tpu.memory_space<vmem>>
        %dma_wait3A_359 = tpu.memref_slice %arg6[%select_n3A_312, %run_scoped3A_340, %mul3A_338] : memref<50x4x131072xf32, #tpu.memory_space<hbm>> -> memref<1x1x4096xf32, #tpu.memory_space<hbm>>
        %dma_wait3A_360 = tpu.memref_squeeze %dma_wait3A_359 : memref<1x1x4096xf32, #tpu.memory_space<hbm>> -> memref<4096xf32, #tpu.memory_space<hbm>>
        %dma_wait3A_361 = tpu.memref_slice %arg6[%select_n3A_312, %run_scoped3A_340, %mul3A_338] : memref<50x4x131072xf32, #tpu.memory_space<hbm>> -> memref<1x1x4096xf32, #tpu.memory_space<hbm>>
        %dma_wait3A_362 = tpu.memref_squeeze %dma_wait3A_361 : memref<1x1x4096xf32, #tpu.memory_space<hbm>> -> memref<4096xf32, #tpu.memory_space<hbm>>
        %dma_wait3A_363 = arith.constant 0 : i32
        %dma_wait3A_364 = tpu.memref_slice %arg9[%run_scoped3A_339, %dma_wait3A_363] : memref<4x4096xf32, #tpu.memory_space<vmem>> -> memref<1x4096xf32, #tpu.memory_space<vmem>>
        %dma_wait3A_365 = tpu.memref_squeeze %dma_wait3A_364 : memref<1x4096xf32, #tpu.memory_space<vmem>> -> memref<4096xf32, #tpu.memory_space<vmem>>
        tpu.wait_dma2 semaphore(%run_scoped3A_345 : memref<!tpu.dma_semaphore, #tpu.memory_space<semaphore_mem>>) src(%dma_wait3A_365 : memref<4096xf32, #tpu.memory_space<vmem>>) dst(%dma_wait3A_362 : memref<4096xf32, #tpu.memory_space<hbm>>)
        tpu.yield
      }) : () -> ()
      %mul3A_341 = arith.constant 4096 : i32
      %mul3A_342 = arith.muli %select_n3A_328, %mul3A_341 : i32
      %run_scoped3A_343 = arith.constant 3 : i32
      %run_scoped3A_344 = arith.constant 3 : i32
      "tpu.region"() ({
        %run_scoped3A_345 = tpu.sem_alloc : memref<!tpu.dma_semaphore, #tpu.memory_space<semaphore_mem>>
        %dma_start3A_346 = arith.constant 0 : i32
        %dma_start3A_347 = tpu.memref_slice %arg9[%run_scoped3A_343, %dma_start3A_346] : memref<4x4096xf32, #tpu.memory_space<vmem>> -> memref<1x4096xf32, #tpu.memory_space<vmem>>
        %dma_start3A_348 = tpu.memref_squeeze %dma_start3A_347 : memref<1x4096xf32, #tpu.memory_space<vmem>> -> memref<4096xf32, #tpu.memory_space<vmem>>
        %dma_start3A_349 = tpu.memref_slice %arg6[%select_n3A_312, %run_scoped3A_344, %mul3A_342] : memref<50x4x131072xf32, #tpu.memory_space<hbm>> -> memref<1x1x4096xf32, #tpu.memory_space<hbm>>
        %dma_start3A_350 = tpu.memref_squeeze %dma_start3A_349 : memref<1x1x4096xf32, #tpu.memory_space<hbm>> -> memref<4096xf32, #tpu.memory_space<hbm>>
        %dma_start3A_351 = tpu.memref_slice %arg6[%select_n3A_312, %run_scoped3A_344, %mul3A_342] : memref<50x4x131072xf32, #tpu.memory_space<hbm>> -> memref<1x1x4096xf32, #tpu.memory_space<hbm>>
        %dma_start3A_352 = tpu.memref_squeeze %dma_start3A_351 : memref<1x1x4096xf32, #tpu.memory_space<hbm>> -> memref<4096xf32, #tpu.memory_space<hbm>>
        %dma_start3A_353 = arith.constant 0 : i32
        %dma_start3A_354 = tpu.memref_slice %arg9[%run_scoped3A_343, %dma_start3A_353] : memref<4x4096xf32, #tpu.memory_space<vmem>> -> memref<1x4096xf32, #tpu.memory_space<vmem>>
        %dma_start3A_355 = tpu.memref_squeeze %dma_start3A_354 : memref<1x4096xf32, #tpu.memory_space<vmem>> -> memref<4096xf32, #tpu.memory_space<vmem>>
        tpu.enqueue_dma source(%dma_start3A_355 : memref<4096xf32, #tpu.memory_space<vmem>>) target(%dma_start3A_352 : memref<4096xf32, #tpu.memory_space<hbm>>) target_semaphore(%run_scoped3A_345 : memref<!tpu.dma_semaphore, #tpu.memory_space<semaphore_mem>>)
        %dma_wait3A_356 = arith.constant 0 : i32
        %dma_wait3A_357 = tpu.memref_slice %arg9[%run_scoped3A_343, %dma_wait3A_356] : memref<4x4096xf32, #tpu.memory_space<vmem>> -> memref<1x4096xf32, #tpu.memory_space<vmem>>
        %dma_wait3A_358 = tpu.memref_squeeze %dma_wait3A_357 : memref<1x4096xf32, #tpu.memory_space<vmem>> -> memref<4096xf32, #tpu.memory_space<vmem>>
        %dma_wait3A_359 = tpu.memref_slice %arg6[%select_n3A_312, %run_scoped3A_344, %mul3A_342] : memref<50x4x131072xf32, #tpu.memory_space<hbm>> -> memref<1x1x4096xf32, #tpu.memory_space<hbm>>
        %dma_wait3A_360 = tpu.memref_squeeze %dma_wait3A_359 : memref<1x1x4096xf32, #tpu.memory_space<hbm>> -> memref<4096xf32, #tpu.memory_space<hbm>>
        %dma_wait3A_361 = tpu.memref_slice %arg6[%select_n3A_312, %run_scoped3A_344, %mul3A_342] : memref<50x4x131072xf32, #tpu.memory_space<hbm>> -> memref<1x1x4096xf32, #tpu.memory_space<hbm>>
        %dma_wait3A_362 = tpu.memref_squeeze %dma_wait3A_361 : memref<1x1x4096xf32, #tpu.memory_space<hbm>> -> memref<4096xf32, #tpu.memory_space<hbm>>
        %dma_wait3A_363 = arith.constant 0 : i32
        %dma_wait3A_364 = tpu.memref_slice %arg9[%run_scoped3A_343, %dma_wait3A_363] : memref<4x4096xf32, #tpu.memory_space<vmem>> -> memref<1x4096xf32, #tpu.memory_space<vmem>>
        %dma_wait3A_365 = tpu.memref_squeeze %dma_wait3A_364 : memref<1x4096xf32, #tpu.memory_space<vmem>> -> memref<4096xf32, #tpu.memory_space<vmem>>
        tpu.wait_dma2 semaphore(%run_scoped3A_345 : memref<!tpu.dma_semaphore, #tpu.memory_space<semaphore_mem>>) src(%dma_wait3A_365 : memref<4096xf32, #tpu.memory_space<vmem>>) dst(%dma_wait3A_362 : memref<4096xf32, #tpu.memory_space<hbm>>)
        tpu.yield
      }) : () -> ()
    }
    %scan3A_92 = arith.constant 25 : i32
    return
  }
}

</mosaic_0001>

<sc_bundles>
// kernel: kernel.3.cloned.1.call-start
scs
__scs_entry_jumppad:
0x0: {  	(pc) =	sbr.rel $0x88, $3  }
0x1: {  	(tag) =	ssettag $0x0;
	lr =	simm.s32 $0x1  }
0x2: {  	[smem:$0x3F9D] =	sst lr;
	_ =	strace $0xD0000000  }
0x3: {  	_ = 	snop  }
0x4: {  	_ = 	snop  }
0x5: {  	_ = 	snop  }
0x6: {  	_ = 	snop  }
0x7: {  	_ = 	snop  }
__scs_overlays_trampoline_lowered:
0x8: {  	[smem:$0x3FAC] =	sst s0  }
0x9: {  	[smem:$0x3FAD] =	sst s1  }
0xa: {  	[smem:$0x3FAE] =	sst s2  }
0xb: {  	[smem:$0x3FAF] =	sst s3  }
0xc: {  	[smem:$0x3FB0] =	sst s4  }
0xd: {  	[smem:$0x3FB1] =	sst s5  }
0xe: {  	[smem:$0x3FB2] =	sst s6  }
0xf: {  	[smem:$0x3FB3] =	sst s7  }
0x10: {  	[smem:$0x3FB4] =	sst s8  }
0x11: {  	[smem:$0x3FB5] =	sst s9;
	s0 =	simm.s32 @!p0 $0x0  }
0x12: {  	s1 =	sld [smem:$0x3F9B];
	s0 =	simm.s32 @p0 $0x1  }
0x13: {  	[smem:$0x3FB6] =	sst s0;
	s0 =	simm.s32 @!p1 $0x0  }
0x14: {  	s2 =	sld [smem:$0x3F9A];
	s0 =	simm.s32 @p1 $0x1  }
0x15: {  	[smem:$0x3FB7] =	sst s0;
	s0 =	simm.s32 @!p2 $0x0  }
0x16: {  	s3 =	sld [smem:$0x3FDB];
	s0 =	simm.s32 @p2 $0x1  }
0x17: {  	s4 =	simm.s32 $0x1BF5;
	[smem:$0x3FB9] =	sst s0  }
0x18: {  	s0 =	sld [smem:$0x3F9C];
	_ =	swait.ge [sflag:s4], $0x0  }
0x19: {  	s7 =	sld [smem:$0x3F9D]  }
0x1a: {  	s8 =	sadd.s32 $0xFFFFE003, lr  }
0x1b: {  	s9 =	sadd.s32 $0xFFFFFEF7, lr;
	s5 =	simm.s32 $0xFFFFFFFF;
	p2 =	slt.u32 s8, $0xFFFFF086  }
0x1c: {  	p1 =	slt.u32 s9, $0xF7A;
	s5 =	simm.s32 @!p2 $0x0  }
0x1d: {  	s5 =	simm.s32 @p1 $0x1;
	p0 =	seq.s32 s7, s2  }
0x1e: {  	s7 =	smul.u32 @!p0 $0xF7A, s2;
	p2 =	seq.s32 @!p0 s5, $0x0  }
0x1f: {  	s9 =	smul.u32 $0xF7A, s1;
	s8 =	simm.s32 @!p0 $0x1BF5;
	p2 =	por !p2, p0  }
0x20: {  	[sflag:s8] =	ssyncset.s32 @!p0 $0xFFFFF086;
	s6 =	sadd.s32 @!p0 s3, s7;
	s7 =	simm.s32 @!p0 $0x108  }
0x21: {  	s3 =	sadd.s32 s3, s9;
	s6 =	sadd.s32 @!p0 $0x88, s6;
	s7 =	simm.s32 @p2 $0x1082  }
0x22: {  	[simem:s7], [sflag:s8] =	dma.local @!p0 [hbm:s6], $0xF7A  }
0x23: {  	s9 =	sor.u32 $0xD0000000, s2;
	s6 =	simm.s32 $0x108;
	_ =	swait.ge @!p0 [sflag:s8], $0x0  }
0x24: {  	s3 =	sadd.s32 $0x88, s3;
	s6 =	simm.s32 @!p1 $0x1082;
	[sflag:s4] =	ssyncset.s32 $0xFFFFF086  }
0x25: {  	[simem:s6], [sflag:s4] =	dma.local [hbm:s3], $0xF7A  }
0x26: {  	[smem:$0x3F9D] =	sst s1;
	(tag) =	ssettag s2;
	_ =	strace s9  }
0x27: {  	s1 =	sld [smem:$0x3FAD]  }
0x28: {  	s2 =	sld [smem:$0x3FAE]  }
0x29: {  	s4 =	sld [smem:$0x3FB0]  }
0x2a: {  	p0 =	seq.s32 s5, $0x0;
	s5 =	sld [smem:$0x3FB1]  }
0x2b: {  	s6 =	sld [smem:$0x3FB2]  }
0x2c: {  	s7 =	sld [smem:$0x3FB3]  }
0x2d: {  	s3 =	simm.s32 $0x108;
	s8 =	sld [smem:$0x3FB4]  }
0x2e: {  	s3 =	simm.s32 @!p0 $0x1082;
	s9 =	sld [smem:$0x3FB5]  }
0x2f: {  	lr =	sadd.s32 s0, s3;
	s0 =	sld [smem:$0x3FAC]  }
0x30: {  	s3 =	sld [smem:$0x3FAF]  }
0x31: {  	[smem:$0x3FB8] =	sst s10  }
0x32: {  	s10 =	sld [smem:$0x3FB6];
	_ =	sdelay $0x3  }
0x33: {  	p0 =	seq.s32 s10, $0x1;
	s10 =	sld [smem:$0x3FB8];
	_ =	sdelay $0x3  }
0x34: {  	[smem:$0x3FB8] =	sst s10  }
0x35: {  	s10 =	sld [smem:$0x3FB7];
	_ =	sdelay $0x3  }
0x36: {  	p1 =	seq.s32 s10, $0x1;
	s10 =	sld [smem:$0x3FB8];
	_ =	sdelay $0x3  }
0x37: {  	[smem:$0x3FB8] =	sst s10  }
0x38: {  	s10 =	sld [smem:$0x3FB9]  }
0x39: {  	_ = 	snop;
	(pc) =	sbr.ind lr, $3  }
0x3a: {  	_ = 	snop  }
0x3b: {  	_ = 	snop  }
0x3c: {  	p2 =	seq.s32 s10, $0x1;
	s10 =	sld [smem:$0x3FB8]  }
0x3d: {  	_ =	shalt  }
0x3e: {  	_ =	shalt  }
0x3f: {  	_ =	shalt  }
0x40: {  	_ =	shalt  }
0x41: {  	_ =	shalt  }
0x42: {  	_ =	shalt  }
0x43: {  	_ =	shalt  }
0x44: {  	_ =	shalt  }
0x45: {  	_ =	shalt  }
0x46: {  	_ =	shalt  }
0x47: {  	_ =	shalt  }
0x48: {  	_ =	shalt  }
0x49: {  	_ =	shalt  }
0x4a: {  	_ =	shalt  }
0x4b: {  	_ =	shalt  }
0x4c: {  	_ =	shalt  }
0x4d: {  	_ =	shalt  }
0x4e: {  	_ =	shalt  }
0x4f: {  	_ =	shalt  }
0x50: {  	_ =	shalt  }
0x51: {  	_ =	shalt  }
0x52: {  	_ =	shalt  }
0x53: {  	_ =	shalt  }
0x54: {  	_ =	shalt  }
0x55: {  	_ =	shalt  }
0x56: {  	_ =	shalt  }
0x57: {  	_ =	shalt  }
0x58: {  	_ =	shalt  }
0x59: {  	_ =	shalt  }
0x5a: {  	_ =	shalt  }
0x5b: {  	_ =	shalt  }
0x5c: {  	_ =	shalt  }
0x5d: {  	_ =	shalt  }
0x5e: {  	_ =	shalt  }
0x5f: {  	_ =	shalt  }
0x60: {  	_ =	shalt  }
0x61: {  	_ =	shalt  }
0x62: {  	_ =	shalt  }
0x63: {  	_ =	shalt  }
0x64: {  	_ =	shalt  }
0x65: {  	_ =	shalt  }
0x66: {  	_ =	shalt  }
0x67: {  	_ =	shalt  }
0x68: {  	_ =	shalt  }
0x69: {  	_ =	shalt  }
0x6a: {  	_ =	shalt  }
0x6b: {  	_ =	shalt  }
0x6c: {  	_ =	shalt  }
0x6d: {  	_ =	shalt  }
0x6e: {  	_ =	shalt  }
0x6f: {  	_ =	shalt  }
0x70: {  	_ =	shalt  }
0x71: {  	_ =	shalt  }
0x72: {  	_ =	shalt  }
0x73: {  	_ =	shalt  }
0x74: {  	_ =	shalt  }
0x75: {  	_ =	shalt  }
0x76: {  	_ =	shalt  }
0x77: {  	_ =	shalt  }
0x78: {  	_ =	shalt  }
0x79: {  	_ =	shalt  }
0x7a: {  	_ =	shalt  }
0x7b: {  	_ =	shalt  }
0x7c: {  	_ =	shalt  }
0x7d: {  	_ =	shalt  }
0x7e: {  	_ =	shalt  }
0x7f: {  	_ =	shalt  }
0x80: {  	_ =	shalt  }
0x81: {  	_ =	shalt  }
0x82: {  	_ =	shalt  }
0x83: {  	_ =	shalt  }
0x84: {  	_ =	shalt  }
0x85: {  	_ =	shalt  }
0x86: {  	_ =	shalt  }
0x87: {  	_ =	shalt  }
.Lfunc_end0:
.L_simem_size_0:
called_computation_lowered:
.L_overlay_start_0:
0x88: {  	s2 =	sld [smem:$0x3FD9]  }
0x89: {  	s3 =	sld [smem:$0x3FFE];
	_ =	sdelay $0x1  }
0x8a: {  	s1 =	srdreg.scid  }
0x8b: {  	s0 =	sand.u32 $0x1, s1  }
0x8c: {  	s17 =	sshll.u32 s0, $0xA;
	s2 =	sadd.s32 s3, s2  }
0x8d: {  	s2 =	sadd.s32 s2, s17  }
0x8e: {  	[smem:$0x3FC4] =	sst s2  }
0x8f: {  	_ = 	snop  }
0x90: {  	s2 =	sld [smem:$0x3FD0];
	(tm) =	ssettm $0x1  }
0x91: {  	s18 =	sld [smem:$0x3FFB];
	_ =	sdelay $0x3  }
0x92: {  	_ =	strace s18  }
0x93: {  	s3 =	sld [smem:$0x3FFC];
	_ =	sdelay $0x3  }
0x94: {  	_ =	strace s3  }
0x95: {  	s3 =	sld [smem:$0x3FFD];
	_ =	sdelay $0x3  }
0x96: {  	_ =	strace s3  }
0x97: {  	_ =	strace $0x8FFFFFFF  }
0x98: {  	s19 =	sld [smem:$0x3FDB];
	_ =	sdelay $0x1  }
0x99: {  	s4 =	simm.s32 $_scs_section_size  }
0x9a: {  	s5 =	simm.s32 $_size__tile_overlayer_lowered;
	s6 =	simm.s32 $_tile_overlayer_lowered  }
0x9b: {  	s22 =	simm.s32 $0x1BFF;
	s21 =	sshll.u32 s6, $0x1;
	s3 =	sadd.s32 s4, s19  }
0x9c: {  	s7 =	simm.s32 $0x0;
	s20 =	sshll.u32 s5, $0x1;
	s5 =	sadd.s32 s21, s3  }
0x9d: {  	[timem:s7], [sflag:s22] =	dma.local [hbm:s5], s20  }
0x9e: {  	_ =	swait.ge [sflag:s22], s20  }
0x9f: {  	s4 =	ssub.s32 $0x0, s20;
	[sflag:s22] =	ssyncset.done $0x0  }
0xa0: {  	[sflag:s22] =	ssyncadd.s32 s4;
	_ =	sdelay $0x1  }
0xa1: {  	s23 =	simm.s32 $0x1B8B  }
0xa2: {  	_ =	swait.ge [sflag:s23], $0x1  }
0xa3: {  	[sflag:s23] =	ssyncset.done $0x0  }
0xa4: {  	s25 =	simm.s32 $0x1B8E;
	s24 =	sld [smem:$0x3FFE];
	[sflag:s23] =	ssyncadd.s32 $0xFFFFFFFF  }
0xa5: {  	s26 =	simm.s32 $execute0_lowered;
	[smem:$0x3FD2] =	sst s25  }
0xa6: {  	s5 =	sshll.u32 s26, $0x1;
	_ =	strace $0x80000046;
	[dreg:$0x1] =	wrdreg $0xFFFFFFFF  }
0xa7: {  	s28 =	simm.s32 $_size_execute0_lowered;
	s3 =	sadd.s32 s3, s5;
	[dreg:$0x0] =	wrdreg $0x0  }
0xa8: {  	s5 =	sshll.u32 s28, $0x1;
	[dreg:$0x2] =	wrdreg s3  }
0xa9: {  	[dreg:$0x3] =	wrdreg s5  }
0xaa: {  	[dreg:$0x4] =	wrdreg $0xC0  }
0xab: {  	_ =	task [dreg:s7], $0x5FFFF  }
0xac: {  	[dreg:$0x1] =	wrdreg $0xFFFFFFFF  }
0xad: {  	[dreg:$0x0] =	wrdreg $0x60  }
0xae: {  	[dreg:$0x2] =	wrdreg s24  }
0xaf: {  	[dreg:$0x3] =	wrdreg s2  }
0xb0: {  	[dreg:$0x4] =	wrdreg $0x9  }
0xb1: {  	_ =	task.clear_ibuf [dreg:s7], $0x5FFFF;
	_ =	strace $0x90000046  }
0xb2: {  	s29 =	simm.s32 $0x9;
	_ =	strace $0x80000048  }
0xb3: {  	_ =	swait.ge [sflag:s29], $0x1  }
0xb4: {  	[sflag:s29] =	ssyncadd.s32 $0xFFFFFFFF  }
0xb5: {  	_ =	strace $0x90000048  }
0xb6: {  	_ =	sfence  }
0xb7: {  	s30 =	sld [smem:$0x0];
	_ =	sdelay $0x2  }
0xb8: {  	s31 =	sshll.u32 s1, $0xD;
	s1 =	sshrl.u32 s1, $0x2  }
0xb9: {  	s3 =	sand.u32 $0x4000, s31;
	s1 =	sadd.s32 s1, s30  }
0xba: {  	s0 =	sor.u32 s3, s0;
	s1 =	sshll.u32 s1, $0x11  }
0xbb: {  	s0 =	sor.u32 s1, s0  }
0xbc: {  	s0 =	sadd.s32 $0x8F2B, s0  }
0xbd: {  	[sflag:s0] =	ssyncadd.remote.s32 $0x1  }
0xbe: {  	_ =	sfence.sel $0xFFFF  }
0xbf: {  	[dreg:$0x0] =	wrdreg $0xFFFFFFFF;
	(pc) =	sbr.abs _section_cstart, $3  }
0xc0: {  	[dreg:$0x1] =	wrdreg $0xFFFFFFFF  }
0xc1: {  	_ =	task.clear_ibuf [dreg:s7], $0x2FFFF;
	_ =	strace $0x9FFFFFFF  }
0xc2: {  	(tm) =	ssettm $0x7FFFFFFF  }
0xc3: {  	_ =	shalt  }
tec
execute0_lowered:
.L_overlay_start_1:
0x0: {  	(tag) =	ssettag $0x1  }
0x1: {  	s0 =	srdreg.scid;
	s2 =	stileid.u32  }
0x2: {  	s1 =	rddreg [dreg:$0x0];
	s16 =	simm.s32 $0x3;
	s18 =	simm.s32 $0x80  }
0x3: {  	s19 =	simm.s32 $0x400;
	s25 =	simm.s32 $0x200;
	s26 =	simm.s32 $0x4400  }
0x4: {  	s30 =	simm.s32 $0x300;
	s31 =	simm.s32 $0x6400;
	s15 =	simm.s32 $0x1  }
0x5: {  	s17 =	simm.s32 $0x8400;
	s20 =	simm.s32 $0x9400;
	s21 =	simm.s32 $0xA400  }
0x6: {  	s22 =	simm.s32 $0xB400;
	s23 =	simm.s32 $0x2;
	s0 =	sand.u32 $0x1, s0  }
0x7: {  	s3 =	sshll.u32 s2, $0x1;
	s2 =	rddreg [dreg:$0x1];
	s4 =	sadd.s32 $0xA00, s1  }
0x8: {  	s5 =	sadd.s32 $0xF42E00, s1;
	s9 =	sadd.s32 $0x19C00, s1;
	s1 =	sadd.s32 $0x19A00, s1  }
0x9: {  	s6 =	sor.u32 s0, s3;
	s3 =	simm.s32 $0x0;
	s0 =	ssub.s32 $0x2, s0  }
0xa: {  	s10 =	sadd.s32 $0x4000, s2;
	s11 =	sadd.s32 $0x8000, s2;
	s7 =	smul.u32 $0x6400, s6  }
0xb: {  	s12 =	sadd.s32 $0xC000, s2;
	[smem:$0x7FF] =	sst s3;
	s8 =	smul.u32 $0x2400, s6  }
0xc: {  	s28 =	sshrl.u32 s0, $0x1;
	_ =	strace $0x80000047;
	[dreg:$0x3] =	wrdreg s9  }
0xd: {  	[dreg:$0x4] =	wrdreg s1;
	s7 =	sand.u32 $0xFC000, s7;
	s8 =	sand.u32 $0x3C00, s8  }
0xe: {  	s0 =	ssub.s32 s0, s28;
	s1 =	simm.s32 $0x380;
	s7 =	sor.u32 s8, s7  }
0xf: {  	s0 =	smax.u32 s0, $0x1;
	s8 =	smul.u32 $0x32, s6;
	s7 =	sshrl.u32 s7, $0x3  }
0x10: {  	v0 =	vlaneseq.u32;
	[dreg:$0x6] =	wrdreg s0;
	s0 =	simm.s32 $0x7400;
	s29 =	sadd.s32 s4, s7  }
0x11: {  	v0 =	vmul.u32 $0x20, v0;
	s13 =	sadd.s32 $0x2, s8;
	s7 =	simm.s32 $0x0;
	[dreg:$0x5] =	wrdreg s29  }
.LBB2_1:
0x12: {  	[dreg:$0x7] =	wrdreg s7  }
0x13: {  	s6 =	rddreg [dreg:$0x3];
	s24 =	simm.s32 $0xC400  }
0x14: {  	[tilespmem:s24], [sflag:$0x3] =	stream.linear.gather [hbm4b:s6+s3], $0x200, $0x38;
	[tilespmem:$0xC800] =	vst v63  }
0x15: {  	_ =	swait.ge [sflag:s16], $0x200  }
0x16: {  	[sflag:s16] =	ssyncset.done $0x0  }
0x17: {  	s29 =	simm.s32 $0xC600;
	s28 =	rddreg [dreg:$0x4];
	[sflag:s16] =	ssyncadd.s32 $0xFFFFFE00  }
0x18: {  	[tilespmem:s29], [sflag:$0x3] =	stream.linear.gather [hbm4b:s28+s3], $0x200, $0x38;
	[tilespmem:$0xC800] =	vst v63  }
0x19: {  	_ =	swait.ge [sflag:s16], $0x200  }
0x1a: {  	[sflag:s16] =	ssyncset.done $0x0  }
0x1b: {  	s7 =	rddreg [dreg:$0x5];
	[sflag:s16] =	ssyncadd.s32 $0xFFFFFE00  }
0x1c: {  	[tilespmem:s3], [sflag:$0x3] =	stream.linear.gather [hbm4b:s7+s3], $0x200, $0x38;
	[tilespmem:$0xC800] =	vst v63  }
0x1d: {  	_ =	swait.ge [sflag:s16], $0x200  }
0x1e: {  	[sflag:s16] =	ssyncset.done $0x0  }
0x1f: {  	[sflag:s16] =	ssyncadd.s32 $0xFFFFFE00  }
0x20: {  	[tilespmem:s19], [sflag:$0x1] =	stream.indirect.gather [hbm4b:s5+s18], $0x20, s3, s18, $0xb8;
	[tilespmem:$0xC800] =	vst v63  }
0x21: {  	s9 =	simm.s32 $0x1400  }
0x22: {  	[tilespmem:s9], [sflag:$0x1] =	stream.indirect.gather [hbm4b:s5+s18], $0x20, s18, s18, $0xb8;
	[tilespmem:$0xC800] =	vst v63  }
0x23: {  	s14 =	simm.s32 $0x100;
	s24 =	simm.s32 $0x2400  }
0x24: {  	[tilespmem:s24], [sflag:$0x1] =	stream.indirect.gather [hbm4b:s5+s18], $0x20, s14, s18, $0xb8;
	[tilespmem:$0xC800] =	vst v63  }
0x25: {  	s6 =	simm.s32 $0x0;
	s28 =	simm.s32 $0x180;
	s29 =	simm.s32 $0x3400  }
0x26: {  	[tilespmem:s29], [sflag:$0x1] =	stream.indirect.gather [hbm4b:s5+s18], $0x20, s28, s18, $0xb8;
	[tilespmem:$0xC800] =	vst v63  }
.LBB2_2:
0x27: {  	s9 =	sshll.u32 s6, $0x1  }
0x28: {  	s7 =	sadd.s32 s9, s8  }
0x29: {  	s7 =	sadd.s32 $0x1, s7  }
0x2a: {  	s14 =	sshll.u32 s7, $0x6  }
0x2b: {  	s14 =	sand.u32 $0xFFFFFC0, s14  }
0x2c: {  	s24 =	sadd.s32 s4, s14;
	s14 =	simm.s32 $0x0  }
0x2d: {  	[tilespmem:s25], [sflag:$0x3] =	stream.linear.gather [hbm4b:s24+s14], $0x200, $0x38;
	[tilespmem:$0xC800] =	vst v63  }
0x2e: {  	_ =	swait.ge [sflag:s16], $0x200  }
0x2f: {  	[sflag:s16] =	ssyncset.done $0x0  }
0x30: {  	[sflag:s16] =	ssyncadd.s32 $0xFFFFFE00  }
0x31: {  	[tilespmem:s26], [sflag:$0x2] =	stream.indirect.gather [hbm4b:s5+s18], $0x20, s25, s18, $0xb8;
	[tilespmem:$0xC800] =	vst v63  }
0x32: {  	s29 =	simm.s32 $0x280;
	s28 =	simm.s32 $0x5400  }
0x33: {  	[tilespmem:s28], [sflag:$0x2] =	stream.indirect.gather [hbm4b:s5+s18], $0x20, s29, s18, $0xb8;
	[tilespmem:$0xC800] =	vst v63  }
0x34: {  	_ = 	snop  }
0x35: {  	[tilespmem:s31], [sflag:$0x2] =	stream.indirect.gather [hbm4b:s5+s18], $0x20, s30, s18, $0xb8;
	[tilespmem:$0xC800] =	vst v63  }
0x36: {  	_ = 	snop  }
0x37: {  	[tilespmem:s0], [sflag:$0x2] =	stream.indirect.gather [hbm4b:s5+s18], $0x20, s1, s18, $0xb8;
	[tilespmem:$0xC800] =	vst v63  }
0x38: {  	_ =	swait.ge [sflag:s15], $0x1000  }
0x39: {  	[sflag:s15] =	ssyncset.done $0x0  }
0x3a: {  	[sflag:s15] =	ssyncadd.s32 $0xFFFFF000  }
0x3b: {  	_ =	swait.ge [sflag:s15], $0x1000  }
0x3c: {  	[sflag:s15] =	ssyncset.done $0x0  }
0x3d: {  	[sflag:s15] =	ssyncadd.s32 $0xFFFFF000  }
0x3e: {  	_ =	swait.ge [sflag:s15], $0x1000  }
0x3f: {  	[sflag:s15] =	ssyncset.done $0x0  }
0x40: {  	[sflag:s15] =	ssyncadd.s32 $0xFFFFF000  }
0x41: {  	_ =	swait.ge [sflag:s15], $0x1000  }
0x42: {  	[sflag:s15] =	ssyncset.done $0x0  }
0x43: {  	s24 =	simm.s32 $0x0;
	[sflag:s15] =	ssyncadd.s32 $0xFFFFF000  }
.LBB2_3:
0x44: {  	v1 =	vmov s14  }
0x45: {  	v1 =	vshll.u32 v1, $0x5  }
0x46: {  	v1 =	vor.u32 v0, v1  }
0x47: {  	v33 =	vor.u32 $0x1, v1  }
0x48: {  	v32 =	vor.u32 $0x2, v1  }
0x49: {  	v30 =	vor.u32 $0x4, v1  }
0x4a: {  	v31 =	vor.u32 $0x3, v1  }
0x4b: {  	v29 =	vor.u32 $0x5, v1;
	v34 =	vld.idx.msk [tilespmem:v1+s19+$0x0], $0xffff  }
0x4c: {  	v28 =	vor.u32 $0x6, v1;
	v2 =	vld.idx.msk [tilespmem:v33+s19+$0x0], $0xffff  }
0x4d: {  	v27 =	vor.u32 $0x7, v1;
	v3 =	vld.idx.msk [tilespmem:v32+s19+$0x0], $0xffff  }
0x4e: {  	v26 =	vor.u32 $0x8, v1;
	v4 =	vld.idx.msk [tilespmem:v30+s19+$0x0], $0xffff  }
0x4f: {  	v25 =	vor.u32 $0x9, v1;
	v5 =	vld.idx.msk [tilespmem:v31+s19+$0x0], $0xffff  }
0x50: {  	v23 =	vor.u32 $0xA, v1;
	v6 =	vld.idx.msk [tilespmem:v29+s19+$0x0], $0xffff  }
0x51: {  	v24 =	vor.u32 $0xB, v1;
	v9 =	vld.idx.msk [tilespmem:v28+s19+$0x0], $0xffff  }
0x52: {  	v22 =	vor.u32 $0xC, v1;
	v13 =	vld.idx.msk [tilespmem:v27+s19+$0x0], $0xffff  }
0x53: {  	v21 =	vor.u32 $0xD, v1;
	v41 =	vld.idx.msk [tilespmem:v26+s19+$0x0], $0xffff  }
0x54: {  	v18 =	vor.u32 $0xE, v1;
	v15 =	vld.idx.msk [tilespmem:v25+s19+$0x0], $0xffff  }
0x55: {  	v17 =	vor.u32 $0xF, v1;
	v44 =	vld.idx.msk [tilespmem:v23+s19+$0x0], $0xffff  }
0x56: {  	v19 =	vld.idx.msk [tilespmem:v24+s19+$0x0], $0xffff  }
0x57: {  	v16 =	vor.u32 $0x10, v1;
	v48 =	vld.idx.msk [tilespmem:v22+s19+$0x0], $0xffff;
	v8 =	vmul.f32 v34, v34;
	v10 =	vadd.f32 $0.0e+00, v2  }
0x58: {  	v50 =	vld.idx.msk [tilespmem:v21+s19+$0x0], $0xffff;
	v2 =	vmul.f32 v2, v2;
	v11 =	vadd.f32 $0.0e+00, v3;
	v3 =	vmul.f32 v3, v3  }
0x59: {  	v52 =	vld.idx.msk [tilespmem:v18+s19+$0x0], $0xffff;
	v12 =	vmul.f32 v4, v4;
	v42 =	vmul.f32 v6, v6  }
0x5a: {  	v20 =	vld.idx.msk [tilespmem:v17+s19+$0x0], $0xffff;
	v14 =	vadd.f32 $0.0e+00, v5;
	v43 =	vmul.f32 v9, v9;
	v5 =	vmul.f32 v5, v5  }
0x5b: {  	v45 =	vmul.f32 v13, v13;
	v47 =	vmul.f32 v41, v41  }
0x5c: {  	v36 =	vld.idx.msk [tilespmem:v16+s19+$0x0], $0xffff;
	v49 =	vmul.f32 v15, v15;
	v51 =	vmul.f32 v44, v44  }
0x5d: {  	v7 =	vadd.f32 $0.0e+00, v34;
	v53 =	vmul.f32 v19, v19;
	v35 =	vmul.f32 v48, v48  }
0x5e: {  	v54 =	vmul.f32 v50, v50;
	v55 =	vmul.f32 v52, v52;
	v6 =	vadd.f32 v6, v10  }
0x5f: {  	v56 =	vmul.f32 v20, v20;
	v4 =	vadd.f32 v4, v7;
	v8 =	vadd.f32 v12, v8  }
0x60: {  	v2 =	vadd.f32 v42, v2;
	v6 =	vadd.f32 v15, v6;
	v15 =	vor.u32 $0x11, v1  }
0x61: {  	v58 =	vmul.f32 v36, v36;
	v9 =	vadd.f32 v9, v11;
	v3 =	vadd.f32 v43, v3  }
0x62: {  	v46 =	vadd.f32 v13, v14;
	v5 =	vadd.f32 v45, v5;
	v14 =	vor.u32 $0x12, v1  }
0x63: {  	v12 =	vor.u32 $0x13, v1;
	v4 =	vadd.f32 v41, v4;
	v8 =	vadd.f32 v47, v8  }
0x64: {  	v13 =	vor.u32 $0x14, v1;
	v2 =	vadd.f32 v49, v2;
	v9 =	vadd.f32 v44, v9  }
0x65: {  	v11 =	vor.u32 $0x15, v1;
	v3 =	vadd.f32 v51, v3;
	v19 =	vadd.f32 v19, v46;
	v37 =	vld.idx.msk [tilespmem:v15+s19+$0x0], $0xffff  }
0x66: {  	v10 =	vor.u32 $0x16, v1;
	v5 =	vadd.f32 v53, v5;
	v4 =	vadd.f32 v48, v4  }
0x67: {  	v35 =	vadd.f32 v35, v8;
	v38 =	vadd.f32 v52, v9;
	v9 =	vor.u32 $0x17, v1;
	v39 =	vld.idx.msk [tilespmem:v14+s19+$0x0], $0xffff  }
0x68: {  	v6 =	vadd.f32 v50, v6;
	v2 =	vadd.f32 v54, v2;
	v8 =	vor.u32 $0x18, v1;
	v57 =	vld.idx.msk [tilespmem:v12+s19+$0x0], $0xffff  }
0x69: {  	v7 =	vor.u32 $0x19, v1;
	v3 =	vadd.f32 v55, v3;
	v19 =	vadd.f32 v20, v19;
	v41 =	vld.idx.msk [tilespmem:v13+s19+$0x0], $0xffff  }
0x6a: {  	v40 =	vadd.f32 v56, v5;
	v5 =	vor.u32 $0x1B, v1;
	v42 =	vld.idx.msk [tilespmem:v11+s19+$0x0], $0xffff;
	v59 =	vmul.f32 v37, v37  }
0x6b: {  	v36 =	vadd.f32 v36, v4;
	v44 =	vld.idx.msk [tilespmem:v10+s19+$0x0], $0xffff;
	v4 =	vor.u32 $0x1C, v1;
	v35 =	vadd.f32 v58, v35  }
0x6c: {  	v45 =	vld.idx.msk [tilespmem:v9+s19+$0x0], $0xffff;
	v38 =	vadd.f32 v39, v38;
	v43 =	vadd.f32 v59, v2;
	v2 =	vmul.f32 v39, v39  }
0x6d: {  	v61 =	vld.idx.msk [tilespmem:v8+s19+$0x0], $0xffff;
	v60 =	vmul.f32 v57, v57;
	v37 =	vadd.f32 v37, v6;
	v6 =	vor.u32 $0x1A, v1  }
0x6e: {  	v47 =	vld.idx.msk [tilespmem:v7+s19+$0x0], $0xffff;
	v62 =	vmul.f32 v41, v41;
	v46 =	vadd.f32 v2, v3;
	v3 =	vor.u32 $0x1D, v1  }
0x6f: {  	v19 =	vadd.f32 v57, v19;
	v36 =	vadd.f32 v41, v36;
	v2 =	vor.u32 $0x1E, v1  }
0x70: {  	v53 =	vld.idx.msk [tilespmem:v5+s19+$0x0], $0xffff;
	v35 =	vadd.f32 v62, v35;
	v38 =	vadd.f32 v44, v38;
	v1 =	vor.u32 $0x1F, v1  }
0x71: {  	v63 =	vmul.f32 v42, v42;
	v55 =	vld.idx.msk [tilespmem:v4+s19+$0x0], $0xffff;
	v39 =	vadd.f32 v60, v40;
	v37 =	vadd.f32 v42, v37  }
0x72: {  	v54 =	vmul.f32 v45, v45;
	v19 =	vadd.f32 v45, v19;
	v56 =	vmul.f32 v61, v61;
	v48 =	vld.idx.msk [tilespmem:v6+s19+$0x0], $0xffff  }
0x73: {  	v58 =	vmul.f32 v47, v47;
	v20 =	vadd.f32 v61, v36;
	v41 =	vadd.f32 v63, v43;
	v57 =	vld.idx.msk [tilespmem:v3+s19+$0x0], $0xffff  }
0x74: {  	v52 =	vmul.f32 v44, v44;
	v39 =	vadd.f32 v54, v39;
	v35 =	vadd.f32 v56, v35;
	v59 =	vld.idx.msk [tilespmem:v2+s19+$0x0], $0xffff  }
0x75: {  	v62 =	vmul.f32 v53, v53;
	v37 =	vadd.f32 v47, v37;
	v19 =	vadd.f32 v53, v19;
	v61 =	vld.idx.msk [tilespmem:v1+s19+$0x0], $0xffff  }
0x76: {  	v63 =	vmul.f32 v55, v55;
	v20 =	vadd.f32 v55, v20;
	v40 =	vadd.f32 v52, v46  }
0x77: {  	v36 =	vadd.f32 v58, v41;
	v39 =	vadd.f32 v62, v39;
	v60 =	vmul.f32 v48, v48  }
0x78: {  	v35 =	vadd.f32 v63, v35;
	v38 =	vadd.f32 v48, v38  }
0x79: {  	v40 =	vadd.f32 v60, v40;
	v37 =	vadd.f32 v57, v37;
	v45 =	vmul.f32 v57, v57  }
0x7a: {  	v38 =	vadd.f32 v59, v38;
	v19 =	vadd.f32 v61, v19  }
0x7b: {  	v46 =	vmul.f32 v59, v59;
	v48 =	vmul.f32 v61, v61;
	v36 =	vadd.f32 v45, v36  }
0x7c: {  	v20 =	vadd.f32 v37, v20;
	v19 =	vadd.f32 v19, v38  }
0x7d: {  	v49 =	vadd.f32 v46, v40;
	v50 =	vadd.f32 v48, v39  }
0x7e: {  	v19 =	vadd.f32 v19, v20  }
0x7f: {  	v51 =	vadd.f32 v36, v35;
	v52 =	vadd.f32 v50, v49;
	_ =	sdelay $0x1  }
0x80: {  	v20 =	vadd.f32 v52, v51;
	v53 =	vmul.f32 $3.125000000e-02, v19;
	_ =	sdelay $0x1  }
0x81: {  	v54 =	vmul.f32 $3.125000000e-02, v20;
	v55 =	vmul.f32 v53, v53;
	_ =	sdelay $0x1  }
0x82: {  	v19 =	vsub.f32 v54, v55;
	_ =	sdelay $0x1  }
0x83: {  	v19 =	vadd.f32 $9.999999740e-06, v19;
	_ =	sdelay $0x1  }
0x84: {  	v56 =	vshra.s32 v19, $0x1;
	v19 =	vmul.f32 $5.000000000e-01, v19  }
0x85: {  	v20 =	vsub.s32 $0x5F3759DF, v56  }
0x86: {  	v57 =	vmul.f32 v20, v19;
	_ =	sdelay $0x1  }
0x87: {  	v36 =	vmul.f32 v20, v57;
	_ =	sdelay $0x1  }
0x88: {  	v36 =	vsub.f32 $1.500000000e+00, v36;
	_ =	sdelay $0x1  }
0x89: {  	v20 =	vmul.f32 v20, v36;
	_ =	sdelay $0x1  }
0x8a: {  	v36 =	vmul.f32 v20, v19;
	_ =	sdelay $0x1  }
0x8b: {  	v36 =	vmul.f32 v36, v20;
	_ =	sdelay $0x1  }
0x8c: {  	v36 =	vsub.f32 $1.500000000e+00, v36;
	_ =	sdelay $0x1  }
0x8d: {  	v20 =	vmul.f32 v36, v20;
	_ =	sdelay $0x1  }
0x8e: {  	v19 =	vmul.f32 v20, v19;
	_ =	sdelay $0x1  }
0x8f: {  	v19 =	vmul.f32 v19, v20;
	_ =	sdelay $0x1  }
0x90: {  	v19 =	vsub.f32 $1.500000000e+00, v19;
	_ =	sdelay $0x1  }
0x91: {  	v19 =	vmul.f32 v19, v20  }
0x92: {  	v58 =	vld [tilespmem:$0xC400]  }
0x93: {  	v20 =	vmul.f32 v19, v53;
	v34 =	vmul.f32 v19, v34  }
0x94: {  	v59 =	vld [tilespmem:$0xC600]  }
0x95: {  	v34 =	vsub.f32 v34, v20;
	_ =	sdelay $0x1  }
0x96: {  	v34 =	vmul.f32 v34, v58;
	_ =	sdelay $0x1  }
0x97: {  	s28 =	sand.u32 $0x70, s14;
	s29 =	sand.u32 $0xC00, s24;
	v34 =	vadd.f32 v34, v59  }
0x98: {  	s28 =	sor.u32 s28, s29  }
0x99: {  	[tilespmem:s28+$0x8400] =	vst v34  }
0x9a: {  	v33 =	vld.idx.msk [tilespmem:v33+s19+$0x0], $0xffff;
	_ =	sdelay $0x3  }
0x9b: {  	v34 =	vld [tilespmem:$0xC410]  }
0x9c: {  	v33 =	vmul.f32 v19, v33  }
0x9d: {  	v60 =	vld [tilespmem:$0xC610]  }
0x9e: {  	v33 =	vsub.f32 v33, v20;
	_ =	sdelay $0x1  }
0x9f: {  	v33 =	vmul.f32 v33, v34;
	_ =	sdelay $0x1  }
0xa0: {  	v33 =	vadd.f32 v33, v60;
	_ =	sdelay $0x1  }
0xa1: {  	[tilespmem:s28+$0x8480] =	vst v33  }
0xa2: {  	v32 =	vld.idx.msk [tilespmem:v32+s19+$0x0], $0xffff;
	_ =	sdelay $0x3  }
0xa3: {  	v33 =	vld [tilespmem:$0xC420]  }
0xa4: {  	v32 =	vmul.f32 v19, v32  }
0xa5: {  	v61 =	vld [tilespmem:$0xC620]  }
0xa6: {  	v32 =	vsub.f32 v32, v20;
	_ =	sdelay $0x1  }
0xa7: {  	v32 =	vmul.f32 v32, v33;
	_ =	sdelay $0x1  }
0xa8: {  	v32 =	vadd.f32 v32, v61;
	_ =	sdelay $0x1  }
0xa9: {  	[tilespmem:s28+$0x8500] =	vst v32  }
0xaa: {  	v31 =	vld.idx.msk [tilespmem:v31+s19+$0x0], $0xffff;
	_ =	sdelay $0x3  }
0xab: {  	v32 =	vld [tilespmem:$0xC430]  }
0xac: {  	v31 =	vmul.f32 v19, v31  }
0xad: {  	v62 =	vld [tilespmem:$0xC630]  }
0xae: {  	v31 =	vsub.f32 v31, v20;
	_ =	sdelay $0x1  }
0xaf: {  	v31 =	vmul.f32 v31, v32;
	_ =	sdelay $0x1  }
0xb0: {  	v31 =	vadd.f32 v31, v62;
	_ =	sdelay $0x1  }
0xb1: {  	[tilespmem:s28+$0x8580] =	vst v31  }
0xb2: {  	v30 =	vld.idx.msk [tilespmem:v30+s19+$0x0], $0xffff;
	_ =	sdelay $0x3  }
0xb3: {  	v31 =	vld [tilespmem:$0xC440]  }
0xb4: {  	v30 =	vmul.f32 v19, v30  }
0xb5: {  	v63 =	vld [tilespmem:$0xC640]  }
0xb6: {  	v30 =	vsub.f32 v30, v20;
	_ =	sdelay $0x1  }
0xb7: {  	v30 =	vmul.f32 v30, v31;
	_ =	sdelay $0x1  }
0xb8: {  	v30 =	vadd.f32 v30, v63;
	_ =	sdelay $0x1  }
0xb9: {  	[tilespmem:s28+$0x8600] =	vst v30  }
0xba: {  	v29 =	vld.idx.msk [tilespmem:v29+s19+$0x0], $0xffff;
	_ =	sdelay $0x3  }
0xbb: {  	v30 =	vld [tilespmem:$0xC450]  }
0xbc: {  	v29 =	vmul.f32 v19, v29  }
0xbd: {  	v36 =	vld [tilespmem:$0xC650]  }
0xbe: {  	v29 =	vsub.f32 v29, v20;
	_ =	sdelay $0x1  }
0xbf: {  	v29 =	vmul.f32 v29, v30;
	_ =	sdelay $0x1  }
0xc0: {  	v29 =	vadd.f32 v29, v36;
	_ =	sdelay $0x1  }
0xc1: {  	[tilespmem:s28+$0x8680] =	vst v29  }
0xc2: {  	v28 =	vld.idx.msk [tilespmem:v28+s19+$0x0], $0xffff;
	_ =	sdelay $0x3  }
0xc3: {  	v29 =	vld [tilespmem:$0xC460]  }
0xc4: {  	v28 =	vmul.f32 v28, v19  }
0xc5: {  	v37 =	vld [tilespmem:$0xC660]  }
0xc6: {  	v28 =	vsub.f32 v28, v20;
	_ =	sdelay $0x1  }
0xc7: {  	v28 =	vmul.f32 v28, v29;
	_ =	sdelay $0x1  }
0xc8: {  	v28 =	vadd.f32 v28, v37;
	_ =	sdelay $0x1  }
0xc9: {  	[tilespmem:s28+$0x8700] =	vst v28  }
0xca: {  	v27 =	vld.idx.msk [tilespmem:v27+s19+$0x0], $0xffff;
	_ =	sdelay $0x3  }
0xcb: {  	v28 =	vld [tilespmem:$0xC470]  }
0xcc: {  	v27 =	vmul.f32 v27, v19  }
0xcd: {  	v38 =	vld [tilespmem:$0xC670]  }
0xce: {  	v27 =	vsub.f32 v27, v20;
	_ =	sdelay $0x1  }
0xcf: {  	v27 =	vmul.f32 v27, v28;
	_ =	sdelay $0x1  }
0xd0: {  	v27 =	vadd.f32 v27, v38;
	_ =	sdelay $0x1  }
0xd1: {  	[tilespmem:s28+$0x8780] =	vst v27  }
0xd2: {  	v26 =	vld.idx.msk [tilespmem:v26+s19+$0x0], $0xffff;
	_ =	sdelay $0x3  }
0xd3: {  	v27 =	vld [tilespmem:$0xC480]  }
0xd4: {  	v26 =	vmul.f32 v26, v19  }
0xd5: {  	v39 =	vld [tilespmem:$0xC680]  }
0xd6: {  	v26 =	vsub.f32 v26, v20;
	_ =	sdelay $0x1  }
0xd7: {  	v26 =	vmul.f32 v26, v27;
	_ =	sdelay $0x1  }
0xd8: {  	v26 =	vadd.f32 v26, v39;
	_ =	sdelay $0x1  }
0xd9: {  	[tilespmem:s28+$0x9400] =	vst v26  }
0xda: {  	v25 =	vld.idx.msk [tilespmem:v25+s19+$0x0], $0xffff;
	_ =	sdelay $0x3  }
0xdb: {  	v26 =	vld [tilespmem:$0xC490]  }
0xdc: {  	v25 =	vmul.f32 v25, v19  }
0xdd: {  	v40 =	vld [tilespmem:$0xC690]  }
0xde: {  	v25 =	vsub.f32 v25, v20;
	_ =	sdelay $0x1  }
0xdf: {  	v25 =	vmul.f32 v25, v26;
	_ =	sdelay $0x1  }
0xe0: {  	v25 =	vadd.f32 v25, v40;
	_ =	sdelay $0x1  }
0xe1: {  	[tilespmem:s28+$0x9480] =	vst v25  }
0xe2: {  	v23 =	vld.idx.msk [tilespmem:v23+s19+$0x0], $0xffff;
	_ =	sdelay $0x3  }
0xe3: {  	v25 =	vld [tilespmem:$0xC4A0]  }
0xe4: {  	v23 =	vmul.f32 v23, v19  }
0xe5: {  	v41 =	vld [tilespmem:$0xC6A0]  }
0xe6: {  	v23 =	vsub.f32 v23, v20;
	_ =	sdelay $0x1  }
0xe7: {  	v23 =	vmul.f32 v23, v25;
	_ =	sdelay $0x1  }
0xe8: {  	v23 =	vadd.f32 v23, v41;
	_ =	sdelay $0x1  }
0xe9: {  	[tilespmem:s28+$0x9500] =	vst v23  }
0xea: {  	v23 =	vld.idx.msk [tilespmem:v24+s19+$0x0], $0xffff;
	_ =	sdelay $0x3  }
0xeb: {  	v42 =	vld [tilespmem:$0xC4B0]  }
0xec: {  	v23 =	vmul.f32 v23, v19  }
0xed: {  	v43 =	vld [tilespmem:$0xC6B0]  }
0xee: {  	v23 =	vsub.f32 v23, v20;
	_ =	sdelay $0x1  }
0xef: {  	v23 =	vmul.f32 v23, v42;
	_ =	sdelay $0x1  }
0xf0: {  	v23 =	vadd.f32 v23, v43;
	_ =	sdelay $0x1  }
0xf1: {  	[tilespmem:s28+$0x9580] =	vst v23  }
0xf2: {  	v22 =	vld.idx.msk [tilespmem:v22+s19+$0x0], $0xffff;
	_ =	sdelay $0x3  }
0xf3: {  	v23 =	vld [tilespmem:$0xC4C0]  }
0xf4: {  	v22 =	vmul.f32 v22, v19  }
0xf5: {  	v44 =	vld [tilespmem:$0xC6C0]  }
0xf6: {  	v22 =	vsub.f32 v22, v20;
	_ =	sdelay $0x1  }
0xf7: {  	v22 =	vmul.f32 v22, v23;
	_ =	sdelay $0x1  }
0xf8: {  	v22 =	vadd.f32 v22, v44;
	_ =	sdelay $0x1  }
0xf9: {  	[tilespmem:s28+$0x9600] =	vst v22  }
0xfa: {  	v21 =	vld.idx.msk [tilespmem:v21+s19+$0x0], $0xffff;
	_ =	sdelay $0x3  }
0xfb: {  	v22 =	vld [tilespmem:$0xC4D0]  }
0xfc: {  	v21 =	vmul.f32 v21, v19  }
0xfd: {  	v45 =	vld [tilespmem:$0xC6D0]  }
0xfe: {  	v21 =	vsub.f32 v21, v20;
	_ =	sdelay $0x1  }
0xff: {  	v21 =	vmul.f32 v21, v22;
	_ =	sdelay $0x1  }
0x100: {  	v21 =	vadd.f32 v21, v45;
	_ =	sdelay $0x1  }
0x101: {  	[tilespmem:s28+$0x9680] =	vst v21  }
0x102: {  	v18 =	vld.idx.msk [tilespmem:v18+s19+$0x0], $0xffff;
	_ =	sdelay $0x3  }
0x103: {  	v21 =	vld [tilespmem:$0xC4E0]  }
0x104: {  	v18 =	vmul.f32 v18, v19  }
0x105: {  	v46 =	vld [tilespmem:$0xC6E0]  }
0x106: {  	v18 =	vsub.f32 v18, v20;
	_ =	sdelay $0x1  }
0x107: {  	v18 =	vmul.f32 v18, v21;
	_ =	sdelay $0x1  }
0x108: {  	v18 =	vadd.f32 v18, v46;
	_ =	sdelay $0x1  }
0x109: {  	[tilespmem:s28+$0x9700] =	vst v18  }
0x10a: {  	v17 =	vld.idx.msk [tilespmem:v17+s19+$0x0], $0xffff;
	_ =	sdelay $0x3  }
0x10b: {  	v18 =	vld [tilespmem:$0xC4F0]  }
0x10c: {  	v17 =	vmul.f32 v17, v19  }
0x10d: {  	v47 =	vld [tilespmem:$0xC6F0]  }
0x10e: {  	v17 =	vsub.f32 v17, v20;
	_ =	sdelay $0x1  }
0x10f: {  	v17 =	vmul.f32 v17, v18;
	_ =	sdelay $0x1  }
0x110: {  	v17 =	vadd.f32 v17, v47;
	_ =	sdelay $0x1  }
0x111: {  	[tilespmem:s28+$0x9780] =	vst v17  }
0x112: {  	v16 =	vld.idx.msk [tilespmem:v16+s19+$0x0], $0xffff;
	_ =	sdelay $0x3  }
0x113: {  	v17 =	vld [tilespmem:$0xC500]  }
0x114: {  	v16 =	vmul.f32 v16, v19  }
0x115: {  	v48 =	vld [tilespmem:$0xC700]  }
0x116: {  	v16 =	vsub.f32 v16, v20;
	_ =	sdelay $0x1  }
0x117: {  	v16 =	vmul.f32 v16, v17;
	_ =	sdelay $0x1  }
0x118: {  	v16 =	vadd.f32 v16, v48;
	_ =	sdelay $0x1  }
0x119: {  	[tilespmem:s28+$0xA400] =	vst v16  }
0x11a: {  	v15 =	vld.idx.msk [tilespmem:v15+s19+$0x0], $0xffff;
	_ =	sdelay $0x3  }
0x11b: {  	v16 =	vld [tilespmem:$0xC510]  }
0x11c: {  	v15 =	vmul.f32 v15, v19  }
0x11d: {  	v49 =	vld [tilespmem:$0xC710]  }
0x11e: {  	v15 =	vsub.f32 v15, v20;
	_ =	sdelay $0x1  }
0x11f: {  	v15 =	vmul.f32 v15, v16;
	_ =	sdelay $0x1  }
0x120: {  	v15 =	vadd.f32 v15, v49;
	_ =	sdelay $0x1  }
0x121: {  	[tilespmem:s28+$0xA480] =	vst v15  }
0x122: {  	v14 =	vld.idx.msk [tilespmem:v14+s19+$0x0], $0xffff;
	_ =	sdelay $0x3  }
0x123: {  	v15 =	vld [tilespmem:$0xC520]  }
0x124: {  	v14 =	vmul.f32 v14, v19  }
0x125: {  	v50 =	vld [tilespmem:$0xC720]  }
0x126: {  	v14 =	vsub.f32 v14, v20;
	_ =	sdelay $0x1  }
0x127: {  	v14 =	vmul.f32 v14, v15;
	_ =	sdelay $0x1  }
0x128: {  	v14 =	vadd.f32 v14, v50;
	_ =	sdelay $0x1  }
0x129: {  	[tilespmem:s28+$0xA500] =	vst v14  }
0x12a: {  	v12 =	vld.idx.msk [tilespmem:v12+s19+$0x0], $0xffff;
	_ =	sdelay $0x3  }
0x12b: {  	v14 =	vld [tilespmem:$0xC530]  }
0x12c: {  	v12 =	vmul.f32 v12, v19  }
0x12d: {  	v51 =	vld [tilespmem:$0xC730]  }
0x12e: {  	v12 =	vsub.f32 v12, v20;
	_ =	sdelay $0x1  }
0x12f: {  	v12 =	vmul.f32 v12, v14;
	_ =	sdelay $0x1  }
0x130: {  	v12 =	vadd.f32 v12, v51;
	_ =	sdelay $0x1  }
0x131: {  	[tilespmem:s28+$0xA580] =	vst v12  }
0x132: {  	v12 =	vld.idx.msk [tilespmem:v13+s19+$0x0], $0xffff;
	_ =	sdelay $0x3  }
0x133: {  	v52 =	vld [tilespmem:$0xC540]  }
0x134: {  	v12 =	vmul.f32 v12, v19  }
0x135: {  	v53 =	vld [tilespmem:$0xC740]  }
0x136: {  	v12 =	vsub.f32 v12, v20;
	_ =	sdelay $0x1  }
0x137: {  	v12 =	vmul.f32 v12, v52;
	_ =	sdelay $0x1  }
0x138: {  	v12 =	vadd.f32 v12, v53;
	_ =	sdelay $0x1  }
0x139: {  	[tilespmem:s28+$0xA600] =	vst v12  }
0x13a: {  	v11 =	vld.idx.msk [tilespmem:v11+s19+$0x0], $0xffff;
	_ =	sdelay $0x3  }
0x13b: {  	v12 =	vld [tilespmem:$0xC550]  }
0x13c: {  	v11 =	vmul.f32 v11, v19  }
0x13d: {  	v54 =	vld [tilespmem:$0xC750]  }
0x13e: {  	v11 =	vsub.f32 v11, v20;
	_ =	sdelay $0x1  }
0x13f: {  	v11 =	vmul.f32 v11, v12;
	_ =	sdelay $0x1  }
0x140: {  	v11 =	vadd.f32 v11, v54;
	_ =	sdelay $0x1  }
0x141: {  	[tilespmem:s28+$0xA680] =	vst v11  }
0x142: {  	v10 =	vld.idx.msk [tilespmem:v10+s19+$0x0], $0xffff;
	_ =	sdelay $0x3  }
0x143: {  	v11 =	vld [tilespmem:$0xC560]  }
0x144: {  	v10 =	vmul.f32 v10, v19  }
0x145: {  	v55 =	vld [tilespmem:$0xC760]  }
0x146: {  	v10 =	vsub.f32 v10, v20;
	_ =	sdelay $0x1  }
0x147: {  	v10 =	vmul.f32 v10, v11;
	_ =	sdelay $0x1  }
0x148: {  	v10 =	vadd.f32 v10, v55;
	_ =	sdelay $0x1  }
0x149: {  	[tilespmem:s28+$0xA700] =	vst v10  }
0x14a: {  	v9 =	vld.idx.msk [tilespmem:v9+s19+$0x0], $0xffff;
	_ =	sdelay $0x3  }
0x14b: {  	v10 =	vld [tilespmem:$0xC570]  }
0x14c: {  	v9 =	vmul.f32 v9, v19  }
0x14d: {  	v56 =	vld [tilespmem:$0xC770]  }
0x14e: {  	v9 =	vsub.f32 v9, v20;
	_ =	sdelay $0x1  }
0x14f: {  	v9 =	vmul.f32 v9, v10;
	_ =	sdelay $0x1  }
0x150: {  	v9 =	vadd.f32 v9, v56;
	_ =	sdelay $0x1  }
0x151: {  	[tilespmem:s28+$0xA780] =	vst v9  }
0x152: {  	v8 =	vld.idx.msk [tilespmem:v8+s19+$0x0], $0xffff;
	_ =	sdelay $0x3  }
0x153: {  	v9 =	vld [tilespmem:$0xC580]  }
0x154: {  	v8 =	vmul.f32 v8, v19  }
0x155: {  	v57 =	vld [tilespmem:$0xC780]  }
0x156: {  	v8 =	vsub.f32 v8, v20;
	_ =	sdelay $0x1  }
0x157: {  	v8 =	vmul.f32 v8, v9;
	_ =	sdelay $0x1  }
0x158: {  	v8 =	vadd.f32 v8, v57;
	_ =	sdelay $0x1  }
0x159: {  	[tilespmem:s28+$0xB400] =	vst v8  }
0x15a: {  	v7 =	vld.idx.msk [tilespmem:v7+s19+$0x0], $0xffff;
	_ =	sdelay $0x3  }
0x15b: {  	v8 =	vld [tilespmem:$0xC590]  }
0x15c: {  	v7 =	vmul.f32 v7, v19  }
0x15d: {  	v58 =	vld [tilespmem:$0xC790]  }
0x15e: {  	v7 =	vsub.f32 v7, v20;
	_ =	sdelay $0x1  }
0x15f: {  	v7 =	vmul.f32 v7, v8;
	_ =	sdelay $0x1  }
0x160: {  	v7 =	vadd.f32 v7, v58;
	_ =	sdelay $0x1  }
0x161: {  	[tilespmem:s28+$0xB480] =	vst v7  }
0x162: {  	v6 =	vld.idx.msk [tilespmem:v6+s19+$0x0], $0xffff;
	_ =	sdelay $0x3  }
0x163: {  	v7 =	vld [tilespmem:$0xC5A0]  }
0x164: {  	v6 =	vmul.f32 v6, v19  }
0x165: {  	v59 =	vld [tilespmem:$0xC7A0]  }
0x166: {  	v6 =	vsub.f32 v6, v20;
	_ =	sdelay $0x1  }
0x167: {  	v6 =	vmul.f32 v6, v7;
	_ =	sdelay $0x1  }
0x168: {  	v6 =	vadd.f32 v6, v59;
	_ =	sdelay $0x1  }
0x169: {  	[tilespmem:s28+$0xB500] =	vst v6  }
0x16a: {  	v5 =	vld.idx.msk [tilespmem:v5+s19+$0x0], $0xffff;
	_ =	sdelay $0x3  }
0x16b: {  	v6 =	vld [tilespmem:$0xC5B0]  }
0x16c: {  	v5 =	vmul.f32 v5, v19  }
0x16d: {  	v60 =	vld [tilespmem:$0xC7B0]  }
0x16e: {  	v5 =	vsub.f32 v5, v20;
	_ =	sdelay $0x1  }
0x16f: {  	v5 =	vmul.f32 v5, v6;
	_ =	sdelay $0x1  }
0x170: {  	v5 =	vadd.f32 v5, v60;
	_ =	sdelay $0x1  }
0x171: {  	[tilespmem:s28+$0xB580] =	vst v5  }
0x172: {  	v4 =	vld.idx.msk [tilespmem:v4+s19+$0x0], $0xffff;
	_ =	sdelay $0x3  }
0x173: {  	v5 =	vld [tilespmem:$0xC5C0]  }
0x174: {  	v4 =	vmul.f32 v4, v19  }
0x175: {  	v61 =	vld [tilespmem:$0xC7C0]  }
0x176: {  	v4 =	vsub.f32 v4, v20;
	_ =	sdelay $0x1  }
0x177: {  	v4 =	vmul.f32 v4, v5;
	_ =	sdelay $0x1  }
0x178: {  	v4 =	vadd.f32 v4, v61;
	_ =	sdelay $0x1  }
0x179: {  	[tilespmem:s28+$0xB600] =	vst v4  }
0x17a: {  	v3 =	vld.idx.msk [tilespmem:v3+s19+$0x0], $0xffff;
	_ =	sdelay $0x3  }
0x17b: {  	v4 =	vld [tilespmem:$0xC5D0]  }
0x17c: {  	v3 =	vmul.f32 v3, v19  }
0x17d: {  	v62 =	vld [tilespmem:$0xC7D0]  }
0x17e: {  	v3 =	vsub.f32 v3, v20;
	_ =	sdelay $0x1  }
0x17f: {  	v3 =	vmul.f32 v3, v4;
	_ =	sdelay $0x1  }
0x180: {  	v3 =	vadd.f32 v3, v62;
	_ =	sdelay $0x1  }
0x181: {  	[tilespmem:s28+$0xB680] =	vst v3  }
0x182: {  	v2 =	vld.idx.msk [tilespmem:v2+s19+$0x0], $0xffff;
	_ =	sdelay $0x3  }
0x183: {  	v3 =	vld [tilespmem:$0xC5E0]  }
0x184: {  	v2 =	vmul.f32 v2, v19  }
0x185: {  	v63 =	vld [tilespmem:$0xC7E0]  }
0x186: {  	v2 =	vsub.f32 v2, v20;
	_ =	sdelay $0x1  }
0x187: {  	v2 =	vmul.f32 v2, v3;
	_ =	sdelay $0x1  }
0x188: {  	v2 =	vadd.f32 v2, v63;
	_ =	sdelay $0x1  }
0x189: {  	[tilespmem:s28+$0xB700] =	vst v2  }
0x18a: {  	v1 =	vld.idx.msk [tilespmem:v1+s19+$0x0], $0xffff;
	_ =	sdelay $0x3  }
0x18b: {  	v2 =	vld [tilespmem:$0xC5F0]  }
0x18c: {  	v1 =	vmul.f32 v1, v19  }
0x18d: {  	v3 =	vld [tilespmem:$0xC7F0]  }
0x18e: {  	v1 =	vsub.f32 v1, v20  }
0x18f: {  	p0 =	sne.s32 s24, $0xF80  }
.Ltmp0:
0x190: {  	v1 =	vmul.f32 v1, v2;
	(pc) =	sbr.rel @p0 .LBB2_3-.Ltmp0, $3  }
0x191: {  	_ = 	snop  }
0x192: {  	v1 =	vadd.f32 v1, v3;
	_ =	sdelay $0x1  }
0x193: {  	s14 =	sadd.s32 $0x10, s14;
	s24 =	sadd.s32 $0x80, s24;
	[tilespmem:s28+$0xB780] =	vst v1  }
0x194: {  	s14 =	sadd.s32 s8, s9  }
0x195: {  	s24 =	sshll.u32 s14, $0x9;
	s14 =	sshll.u32 s14, $0xB  }
0x196: {  	s24 =	sand.u32 $0x3C00, s24;
	s14 =	sand.u32 $0xFFF0000, s14  }
0x197: {  	s14 =	sor.u32 s24, s14  }
0x198: {  	s24 =	sadd.s32 s2, s14  }
0x199: {  	[hbm4b:s24+s3] =	stream.linear.scatter [tilespmem:s17], [sflag:$0x3], $0x1000, $0x38;
	[tilespmem:$0xC800] =	vst v63  }
0x19a: {  	_ =	swait.ge [sflag:s16], $0x1000  }
0x19b: {  	[sflag:s16] =	ssyncset.done $0x0  }
0x19c: {  	s28 =	sadd.s32 s14, s10;
	[sflag:s16] =	ssyncadd.s32 $0xFFFFF000  }
0x19d: {  	[hbm4b:s28+s3] =	stream.linear.scatter [tilespmem:s20], [sflag:$0x3], $0x1000, $0x38;
	[tilespmem:$0xC800] =	vst v63  }
0x19e: {  	_ =	swait.ge [sflag:s16], $0x1000  }
0x19f: {  	[sflag:s16] =	ssyncset.done $0x0  }
0x1a0: {  	s29 =	sadd.s32 s14, s11;
	[sflag:s16] =	ssyncadd.s32 $0xFFFFF000  }
0x1a1: {  	[hbm4b:s29+s3] =	stream.linear.scatter [tilespmem:s21], [sflag:$0x3], $0x1000, $0x38;
	[tilespmem:$0xC800] =	vst v63  }
0x1a2: {  	_ =	swait.ge [sflag:s16], $0x1000  }
0x1a3: {  	p0 =	seq.s32 s6, $0x18;
	[sflag:s16] =	ssyncset.done $0x0  }
0x1a4: {  	s9 =	sadd.s32 @!p0 s9, s13;
	s14 =	sadd.s32 s14, s12;
	[sflag:s16] =	ssyncadd.s32 $0xFFFFF000  }
0x1a5: {  	[hbm4b:s14+s3] =	stream.linear.scatter [tilespmem:s22], [sflag:$0x3], $0x1000, $0x38;
	[tilespmem:$0xC800] =	vst v63  }
0x1a6: {  	s9 =	sshll.u32 @!p0 s9, $0x6;
	_ =	swait.ge [sflag:s16], $0x1000  }
0x1a7: {  	s9 =	sand.u32 @!p0 $0xFFFFF80, s9;
	[sflag:s16] =	ssyncset.done $0x0  }
0x1a8: {  	s9 =	sadd.s32 @!p0 s4, s9;
	s14 =	simm.s32 @!p0 $0x0;
	[sflag:s16] =	ssyncadd.s32 $0xFFFFF000  }
0x1a9: {  	[tilespmem:s14], [sflag:$0x3] =	stream.linear.gather @!p0 [hbm4b:s9+s14], $0x200, $0x38;
	[tilespmem:$0xC800] =	vst v63  }
0x1aa: {  	s9 =	simm.s32 @!p0 $0x3  }
0x1ab: {  	_ =	swait.ge @!p0 [sflag:s9], $0x200  }
0x1ac: {  	[sflag:s9] =	ssyncset.done @!p0 $0x0  }
0x1ad: {  	s24 =	simm.s32 @!p0 $0x400;
	[sflag:s9] =	ssyncadd.s32 @!p0 $0xFFFFFE00;
	s9 =	simm.s32 @!p0 $0x80  }
0x1ae: {  	[tilespmem:s24], [sflag:$0x1] =	stream.indirect.gather @!p0 [hbm4b:s5+s9], $0x20, s14, s9, $0xb8;
	[tilespmem:$0xC800] =	vst v63  }
0x1af: {  	s14 =	simm.s32 @!p0 $0x1400  }
0x1b0: {  	[tilespmem:s14], [sflag:$0x1] =	stream.indirect.gather @!p0 [hbm4b:s5+s9], $0x20, s9, s9, $0xb8;
	[tilespmem:$0xC800] =	vst v63  }
0x1b1: {  	s24 =	simm.s32 @!p0 $0x2400;
	s14 =	simm.s32 @!p0 $0x100  }
0x1b2: {  	[tilespmem:s24], [sflag:$0x1] =	stream.indirect.gather @!p0 [hbm4b:s5+s9], $0x20, s14, s9, $0xb8;
	[tilespmem:$0xC800] =	vst v63  }
0x1b3: {  	s14 =	simm.s32 @!p0 $0x180;
	s24 =	simm.s32 @!p0 $0x3400  }
0x1b4: {  	[tilespmem:s24], [sflag:$0x1] =	stream.indirect.gather @!p0 [hbm4b:s5+s9], $0x20, s14, s9, $0xb8;
	[tilespmem:$0xC800] =	vst v63  }
0x1b5: {  	_ =	swait.ge [sflag:s23], $0x1000  }
0x1b6: {  	[sflag:s23] =	ssyncset.done $0x0  }
0x1b7: {  	[sflag:s23] =	ssyncadd.s32 $0xFFFFF000  }
0x1b8: {  	_ =	swait.ge [sflag:s23], $0x1000  }
0x1b9: {  	[sflag:s23] =	ssyncset.done $0x0  }
0x1ba: {  	[sflag:s23] =	ssyncadd.s32 $0xFFFFF000  }
0x1bb: {  	_ =	swait.ge [sflag:s23], $0x1000  }
0x1bc: {  	[sflag:s23] =	ssyncset.done $0x0  }
0x1bd: {  	[sflag:s23] =	ssyncadd.s32 $0xFFFFF000  }
0x1be: {  	_ =	swait.ge [sflag:s23], $0x1000  }
0x1bf: {  	[sflag:s23] =	ssyncset.done $0x0  }
0x1c0: {  	s9 =	simm.s32 $0x0;
	s14 =	simm.s32 $0x0;
	[sflag:s23] =	ssyncadd.s32 $0xFFFFF000  }
.LBB2_5:
0x1c1: {  	v1 =	vmov s9  }
0x1c2: {  	v1 =	vshll.u32 v1, $0x5  }
0x1c3: {  	v1 =	vor.u32 v0, v1  }
0x1c4: {  	v33 =	vor.u32 $0x1, v1  }
0x1c5: {  	v32 =	vor.u32 $0x2, v1  }
0x1c6: {  	v30 =	vor.u32 $0x4, v1  }
0x1c7: {  	v31 =	vor.u32 $0x3, v1  }
0x1c8: {  	v29 =	vor.u32 $0x5, v1;
	v34 =	vld.idx.msk [tilespmem:v1+s26+$0x0], $0xffff  }
0x1c9: {  	v28 =	vor.u32 $0x6, v1;
	v2 =	vld.idx.msk [tilespmem:v33+s26+$0x0], $0xffff  }
0x1ca: {  	v27 =	vor.u32 $0x7, v1;
	v3 =	vld.idx.msk [tilespmem:v32+s26+$0x0], $0xffff  }
0x1cb: {  	v26 =	vor.u32 $0x8, v1;
	v4 =	vld.idx.msk [tilespmem:v30+s26+$0x0], $0xffff  }
0x1cc: {  	v25 =	vor.u32 $0x9, v1;
	v5 =	vld.idx.msk [tilespmem:v31+s26+$0x0], $0xffff  }
0x1cd: {  	v23 =	vor.u32 $0xA, v1;
	v6 =	vld.idx.msk [tilespmem:v29+s26+$0x0], $0xffff  }
0x1ce: {  	v24 =	vor.u32 $0xB, v1;
	v9 =	vld.idx.msk [tilespmem:v28+s26+$0x0], $0xffff  }
0x1cf: {  	v22 =	vor.u32 $0xC, v1;
	v13 =	vld.idx.msk [tilespmem:v27+s26+$0x0], $0xffff  }
0x1d0: {  	v21 =	vor.u32 $0xD, v1;
	v41 =	vld.idx.msk [tilespmem:v26+s26+$0x0], $0xffff  }
0x1d1: {  	v18 =	vor.u32 $0xE, v1;
	v15 =	vld.idx.msk [tilespmem:v25+s26+$0x0], $0xffff  }
0x1d2: {  	v17 =	vor.u32 $0xF, v1;
	v44 =	vld.idx.msk [tilespmem:v23+s26+$0x0], $0xffff  }
0x1d3: {  	v19 =	vld.idx.msk [tilespmem:v24+s26+$0x0], $0xffff  }
0x1d4: {  	v16 =	vor.u32 $0x10, v1;
	v48 =	vld.idx.msk [tilespmem:v22+s26+$0x0], $0xffff;
	v8 =	vmul.f32 v34, v34;
	v10 =	vadd.f32 $0.0e+00, v2  }
0x1d5: {  	v50 =	vld.idx.msk [tilespmem:v21+s26+$0x0], $0xffff;
	v2 =	vmul.f32 v2, v2;
	v11 =	vadd.f32 $0.0e+00, v3;
	v3 =	vmul.f32 v3, v3  }
0x1d6: {  	v52 =	vld.idx.msk [tilespmem:v18+s26+$0x0], $0xffff;
	v12 =	vmul.f32 v4, v4;
	v42 =	vmul.f32 v6, v6  }
0x1d7: {  	v20 =	vld.idx.msk [tilespmem:v17+s26+$0x0], $0xffff;
	v14 =	vadd.f32 $0.0e+00, v5;
	v43 =	vmul.f32 v9, v9;
	v5 =	vmul.f32 v5, v5  }
0x1d8: {  	v45 =	vmul.f32 v13, v13;
	v47 =	vmul.f32 v41, v41  }
0x1d9: {  	v36 =	vld.idx.msk [tilespmem:v16+s26+$0x0], $0xffff;
	v49 =	vmul.f32 v15, v15;
	v51 =	vmul.f32 v44, v44  }
0x1da: {  	v7 =	vadd.f32 $0.0e+00, v34;
	v53 =	vmul.f32 v19, v19;
	v35 =	vmul.f32 v48, v48  }
0x1db: {  	v54 =	vmul.f32 v50, v50;
	v55 =	vmul.f32 v52, v52;
	v6 =	vadd.f32 v6, v10  }
0x1dc: {  	v56 =	vmul.f32 v20, v20;
	v4 =	vadd.f32 v4, v7;
	v8 =	vadd.f32 v12, v8  }
0x1dd: {  	v2 =	vadd.f32 v42, v2;
	v6 =	vadd.f32 v15, v6;
	v15 =	vor.u32 $0x11, v1  }
0x1de: {  	v58 =	vmul.f32 v36, v36;
	v9 =	vadd.f32 v9, v11;
	v3 =	vadd.f32 v43, v3  }
0x1df: {  	v46 =	vadd.f32 v13, v14;
	v5 =	vadd.f32 v45, v5;
	v14 =	vor.u32 $0x12, v1  }
0x1e0: {  	v12 =	vor.u32 $0x13, v1;
	v4 =	vadd.f32 v41, v4;
	v8 =	vadd.f32 v47, v8  }
0x1e1: {  	v13 =	vor.u32 $0x14, v1;
	v2 =	vadd.f32 v49, v2;
	v9 =	vadd.f32 v44, v9  }
0x1e2: {  	v11 =	vor.u32 $0x15, v1;
	v3 =	vadd.f32 v51, v3;
	v19 =	vadd.f32 v19, v46;
	v37 =	vld.idx.msk [tilespmem:v15+s26+$0x0], $0xffff  }
0x1e3: {  	v10 =	vor.u32 $0x16, v1;
	v5 =	vadd.f32 v53, v5;
	v4 =	vadd.f32 v48, v4  }
0x1e4: {  	v35 =	vadd.f32 v35, v8;
	v38 =	vadd.f32 v52, v9;
	v9 =	vor.u32 $0x17, v1;
	v39 =	vld.idx.msk [tilespmem:v14+s26+$0x0], $0xffff  }
0x1e5: {  	v6 =	vadd.f32 v50, v6;
	v2 =	vadd.f32 v54, v2;
	v8 =	vor.u32 $0x18, v1;
	v57 =	vld.idx.msk [tilespmem:v12+s26+$0x0], $0xffff  }
0x1e6: {  	v7 =	vor.u32 $0x19, v1;
	v3 =	vadd.f32 v55, v3;
	v19 =	vadd.f32 v20, v19;
	v41 =	vld.idx.msk [tilespmem:v13+s26+$0x0], $0xffff  }
0x1e7: {  	v40 =	vadd.f32 v56, v5;
	v5 =	vor.u32 $0x1B, v1;
	v42 =	vld.idx.msk [tilespmem:v11+s26+$0x0], $0xffff;
	v59 =	vmul.f32 v37, v37  }
0x1e8: {  	v36 =	vadd.f32 v36, v4;
	v44 =	vld.idx.msk [tilespmem:v10+s26+$0x0], $0xffff;
	v4 =	vor.u32 $0x1C, v1;
	v35 =	vadd.f32 v58, v35  }
0x1e9: {  	v45 =	vld.idx.msk [tilespmem:v9+s26+$0x0], $0xffff;
	v38 =	vadd.f32 v39, v38;
	v43 =	vadd.f32 v59, v2;
	v2 =	vmul.f32 v39, v39  }
0x1ea: {  	v61 =	vld.idx.msk [tilespmem:v8+s26+$0x0], $0xffff;
	v60 =	vmul.f32 v57, v57;
	v37 =	vadd.f32 v37, v6;
	v6 =	vor.u32 $0x1A, v1  }
0x1eb: {  	v47 =	vld.idx.msk [tilespmem:v7+s26+$0x0], $0xffff;
	v62 =	vmul.f32 v41, v41;
	v46 =	vadd.f32 v2, v3;
	v3 =	vor.u32 $0x1D, v1  }
0x1ec: {  	v19 =	vadd.f32 v57, v19;
	v36 =	vadd.f32 v41, v36;
	v2 =	vor.u32 $0x1E, v1  }
0x1ed: {  	v53 =	vld.idx.msk [tilespmem:v5+s26+$0x0], $0xffff;
	v35 =	vadd.f32 v62, v35;
	v38 =	vadd.f32 v44, v38;
	v1 =	vor.u32 $0x1F, v1  }
0x1ee: {  	v63 =	vmul.f32 v42, v42;
	v55 =	vld.idx.msk [tilespmem:v4+s26+$0x0], $0xffff;
	v39 =	vadd.f32 v60, v40;
	v37 =	vadd.f32 v42, v37  }
0x1ef: {  	v54 =	vmul.f32 v45, v45;
	v19 =	vadd.f32 v45, v19;
	v56 =	vmul.f32 v61, v61;
	v48 =	vld.idx.msk [tilespmem:v6+s26+$0x0], $0xffff  }
0x1f0: {  	v58 =	vmul.f32 v47, v47;
	v20 =	vadd.f32 v61, v36;
	v41 =	vadd.f32 v63, v43;
	v57 =	vld.idx.msk [tilespmem:v3+s26+$0x0], $0xffff  }
0x1f1: {  	v52 =	vmul.f32 v44, v44;
	v39 =	vadd.f32 v54, v39;
	v35 =	vadd.f32 v56, v35;
	v59 =	vld.idx.msk [tilespmem:v2+s26+$0x0], $0xffff  }
0x1f2: {  	v62 =	vmul.f32 v53, v53;
	v37 =	vadd.f32 v47, v37;
	v19 =	vadd.f32 v53, v19;
	v61 =	vld.idx.msk [tilespmem:v1+s26+$0x0], $0xffff  }
0x1f3: {  	v63 =	vmul.f32 v55, v55;
	v20 =	vadd.f32 v55, v20;
	v40 =	vadd.f32 v52, v46  }
0x1f4: {  	v36 =	vadd.f32 v58, v41;
	v39 =	vadd.f32 v62, v39;
	v60 =	vmul.f32 v48, v48  }
0x1f5: {  	v35 =	vadd.f32 v63, v35;
	v38 =	vadd.f32 v48, v38  }
0x1f6: {  	v40 =	vadd.f32 v60, v40;
	v37 =	vadd.f32 v57, v37;
	v45 =	vmul.f32 v57, v57  }
0x1f7: {  	v38 =	vadd.f32 v59, v38;
	v19 =	vadd.f32 v61, v19  }
0x1f8: {  	v46 =	vmul.f32 v59, v59;
	v48 =	vmul.f32 v61, v61;
	v36 =	vadd.f32 v45, v36  }
0x1f9: {  	v20 =	vadd.f32 v37, v20;
	v19 =	vadd.f32 v19, v38  }
0x1fa: {  	v49 =	vadd.f32 v46, v40;
	v50 =	vadd.f32 v48, v39  }
0x1fb: {  	v19 =	vadd.f32 v19, v20  }
0x1fc: {  	v51 =	vadd.f32 v36, v35;
	v52 =	vadd.f32 v50, v49;
	_ =	sdelay $0x1  }
0x1fd: {  	v20 =	vadd.f32 v52, v51;
	v53 =	vmul.f32 $3.125000000e-02, v19;
	_ =	sdelay $0x1  }
0x1fe: {  	v54 =	vmul.f32 $3.125000000e-02, v20;
	v55 =	vmul.f32 v53, v53;
	_ =	sdelay $0x1  }
0x1ff: {  	v19 =	vsub.f32 v54, v55;
	_ =	sdelay $0x1  }
0x200: {  	v19 =	vadd.f32 $9.999999740e-06, v19;
	_ =	sdelay $0x1  }
0x201: {  	v56 =	vshra.s32 v19, $0x1;
	v19 =	vmul.f32 $5.000000000e-01, v19  }
0x202: {  	v20 =	vsub.s32 $0x5F3759DF, v56  }
0x203: {  	v57 =	vmul.f32 v20, v19;
	_ =	sdelay $0x1  }
0x204: {  	v36 =	vmul.f32 v20, v57;
	_ =	sdelay $0x1  }
0x205: {  	v36 =	vsub.f32 $1.500000000e+00, v36;
	_ =	sdelay $0x1  }
0x206: {  	v20 =	vmul.f32 v20, v36;
	_ =	sdelay $0x1  }
0x207: {  	v36 =	vmul.f32 v20, v19;
	_ =	sdelay $0x1  }
0x208: {  	v36 =	vmul.f32 v36, v20;
	_ =	sdelay $0x1  }
0x209: {  	v36 =	vsub.f32 $1.500000000e+00, v36;
	_ =	sdelay $0x1  }
0x20a: {  	v20 =	vmul.f32 v36, v20;
	_ =	sdelay $0x1  }
0x20b: {  	v19 =	vmul.f32 v20, v19;
	_ =	sdelay $0x1  }
0x20c: {  	v19 =	vmul.f32 v19, v20;
	_ =	sdelay $0x1  }
0x20d: {  	v19 =	vsub.f32 $1.500000000e+00, v19;
	_ =	sdelay $0x1  }
0x20e: {  	v19 =	vmul.f32 v19, v20  }
0x20f: {  	v58 =	vld [tilespmem:$0xC400]  }
0x210: {  	v20 =	vmul.f32 v19, v53;
	v34 =	vmul.f32 v19, v34  }
0x211: {  	v59 =	vld [tilespmem:$0xC600]  }
0x212: {  	v34 =	vsub.f32 v34, v20;
	_ =	sdelay $0x1  }
0x213: {  	v34 =	vmul.f32 v34, v58;
	_ =	sdelay $0x1  }
0x214: {  	s24 =	sand.u32 $0x70, s9;
	s28 =	sand.u32 $0xC00, s14;
	v34 =	vadd.f32 v34, v59  }
0x215: {  	s24 =	sor.u32 s24, s28  }
0x216: {  	[tilespmem:s24+$0x8400] =	vst v34  }
0x217: {  	v33 =	vld.idx.msk [tilespmem:v33+s26+$0x0], $0xffff;
	_ =	sdelay $0x3  }
0x218: {  	v34 =	vld [tilespmem:$0xC410]  }
0x219: {  	v33 =	vmul.f32 v19, v33  }
0x21a: {  	v60 =	vld [tilespmem:$0xC610]  }
0x21b: {  	v33 =	vsub.f32 v33, v20;
	_ =	sdelay $0x1  }
0x21c: {  	v33 =	vmul.f32 v33, v34;
	_ =	sdelay $0x1  }
0x21d: {  	v33 =	vadd.f32 v33, v60;
	_ =	sdelay $0x1  }
0x21e: {  	[tilespmem:s24+$0x8480] =	vst v33  }
0x21f: {  	v32 =	vld.idx.msk [tilespmem:v32+s26+$0x0], $0xffff;
	_ =	sdelay $0x3  }
0x220: {  	v33 =	vld [tilespmem:$0xC420]  }
0x221: {  	v32 =	vmul.f32 v19, v32  }
0x222: {  	v61 =	vld [tilespmem:$0xC620]  }
0x223: {  	v32 =	vsub.f32 v32, v20;
	_ =	sdelay $0x1  }
0x224: {  	v32 =	vmul.f32 v32, v33;
	_ =	sdelay $0x1  }
0x225: {  	v32 =	vadd.f32 v32, v61;
	_ =	sdelay $0x1  }
0x226: {  	[tilespmem:s24+$0x8500] =	vst v32  }
0x227: {  	v31 =	vld.idx.msk [tilespmem:v31+s26+$0x0], $0xffff;
	_ =	sdelay $0x3  }
0x228: {  	v32 =	vld [tilespmem:$0xC430]  }
0x229: {  	v31 =	vmul.f32 v19, v31  }
0x22a: {  	v62 =	vld [tilespmem:$0xC630]  }
0x22b: {  	v31 =	vsub.f32 v31, v20;
	_ =	sdelay $0x1  }
0x22c: {  	v31 =	vmul.f32 v31, v32;
	_ =	sdelay $0x1  }
0x22d: {  	v31 =	vadd.f32 v31, v62;
	_ =	sdelay $0x1  }
0x22e: {  	[tilespmem:s24+$0x8580] =	vst v31  }
0x22f: {  	v30 =	vld.idx.msk [tilespmem:v30+s26+$0x0], $0xffff;
	_ =	sdelay $0x3  }
0x230: {  	v31 =	vld [tilespmem:$0xC440]  }
0x231: {  	v30 =	vmul.f32 v19, v30  }
0x232: {  	v63 =	vld [tilespmem:$0xC640]  }
0x233: {  	v30 =	vsub.f32 v30, v20;
	_ =	sdelay $0x1  }
0x234: {  	v30 =	vmul.f32 v30, v31;
	_ =	sdelay $0x1  }
0x235: {  	v30 =	vadd.f32 v30, v63;
	_ =	sdelay $0x1  }
0x236: {  	[tilespmem:s24+$0x8600] =	vst v30  }
0x237: {  	v29 =	vld.idx.msk [tilespmem:v29+s26+$0x0], $0xffff;
	_ =	sdelay $0x3  }
0x238: {  	v30 =	vld [tilespmem:$0xC450]  }
0x239: {  	v29 =	vmul.f32 v19, v29  }
0x23a: {  	v36 =	vld [tilespmem:$0xC650]  }
0x23b: {  	v29 =	vsub.f32 v29, v20;
	_ =	sdelay $0x1  }
0x23c: {  	v29 =	vmul.f32 v29, v30;
	_ =	sdelay $0x1  }
0x23d: {  	v29 =	vadd.f32 v29, v36;
	_ =	sdelay $0x1  }
0x23e: {  	[tilespmem:s24+$0x8680] =	vst v29  }
0x23f: {  	v28 =	vld.idx.msk [tilespmem:v28+s26+$0x0], $0xffff;
	_ =	sdelay $0x3  }
0x240: {  	v29 =	vld [tilespmem:$0xC460]  }
0x241: {  	v28 =	vmul.f32 v28, v19  }
0x242: {  	v37 =	vld [tilespmem:$0xC660]  }
0x243: {  	v28 =	vsub.f32 v28, v20;
	_ =	sdelay $0x1  }
0x244: {  	v28 =	vmul.f32 v28, v29;
	_ =	sdelay $0x1  }
0x245: {  	v28 =	vadd.f32 v28, v37;
	_ =	sdelay $0x1  }
0x246: {  	[tilespmem:s24+$0x8700] =	vst v28  }
0x247: {  	v27 =	vld.idx.msk [tilespmem:v27+s26+$0x0], $0xffff;
	_ =	sdelay $0x3  }
0x248: {  	v28 =	vld [tilespmem:$0xC470]  }
0x249: {  	v27 =	vmul.f32 v27, v19  }
0x24a: {  	v38 =	vld [tilespmem:$0xC670]  }
0x24b: {  	v27 =	vsub.f32 v27, v20;
	_ =	sdelay $0x1  }
0x24c: {  	v27 =	vmul.f32 v27, v28;
	_ =	sdelay $0x1  }
0x24d: {  	v27 =	vadd.f32 v27, v38;
	_ =	sdelay $0x1  }
0x24e: {  	[tilespmem:s24+$0x8780] =	vst v27  }
0x24f: {  	v26 =	vld.idx.msk [tilespmem:v26+s26+$0x0], $0xffff;
	_ =	sdelay $0x3  }
0x250: {  	v27 =	vld [tilespmem:$0xC480]  }
0x251: {  	v26 =	vmul.f32 v26, v19  }
0x252: {  	v39 =	vld [tilespmem:$0xC680]  }
0x253: {  	v26 =	vsub.f32 v26, v20;
	_ =	sdelay $0x1  }
0x254: {  	v26 =	vmul.f32 v26, v27;
	_ =	sdelay $0x1  }
0x255: {  	v26 =	vadd.f32 v26, v39;
	_ =	sdelay $0x1  }
0x256: {  	[tilespmem:s24+$0x9400] =	vst v26  }
0x257: {  	v25 =	vld.idx.msk [tilespmem:v25+s26+$0x0], $0xffff;
	_ =	sdelay $0x3  }
0x258: {  	v26 =	vld [tilespmem:$0xC490]  }
0x259: {  	v25 =	vmul.f32 v25, v19  }
0x25a: {  	v40 =	vld [tilespmem:$0xC690]  }
0x25b: {  	v25 =	vsub.f32 v25, v20;
	_ =	sdelay $0x1  }
0x25c: {  	v25 =	vmul.f32 v25, v26;
	_ =	sdelay $0x1  }
0x25d: {  	v25 =	vadd.f32 v25, v40;
	_ =	sdelay $0x1  }
0x25e: {  	[tilespmem:s24+$0x9480] =	vst v25  }
0x25f: {  	v23 =	vld.idx.msk [tilespmem:v23+s26+$0x0], $0xffff;
	_ =	sdelay $0x3  }
0x260: {  	v25 =	vld [tilespmem:$0xC4A0]  }
0x261: {  	v23 =	vmul.f32 v23, v19  }
0x262: {  	v41 =	vld [tilespmem:$0xC6A0]  }
0x263: {  	v23 =	vsub.f32 v23, v20;
	_ =	sdelay $0x1  }
0x264: {  	v23 =	vmul.f32 v23, v25;
	_ =	sdelay $0x1  }
0x265: {  	v23 =	vadd.f32 v23, v41;
	_ =	sdelay $0x1  }
0x266: {  	[tilespmem:s24+$0x9500] =	vst v23  }
0x267: {  	v23 =	vld.idx.msk [tilespmem:v24+s26+$0x0], $0xffff;
	_ =	sdelay $0x3  }
0x268: {  	v42 =	vld [tilespmem:$0xC4B0]  }
0x269: {  	v23 =	vmul.f32 v23, v19  }
0x26a: {  	v43 =	vld [tilespmem:$0xC6B0]  }
0x26b: {  	v23 =	vsub.f32 v23, v20;
	_ =	sdelay $0x1  }
0x26c: {  	v23 =	vmul.f32 v23, v42;
	_ =	sdelay $0x1  }
0x26d: {  	v23 =	vadd.f32 v23, v43;
	_ =	sdelay $0x1  }
0x26e: {  	[tilespmem:s24+$0x9580] =	vst v23  }
0x26f: {  	v22 =	vld.idx.msk [tilespmem:v22+s26+$0x0], $0xffff;
	_ =	sdelay $0x3  }
0x270: {  	v23 =	vld [tilespmem:$0xC4C0]  }
0x271: {  	v22 =	vmul.f32 v22, v19  }
0x272: {  	v44 =	vld [tilespmem:$0xC6C0]  }
0x273: {  	v22 =	vsub.f32 v22, v20;
	_ =	sdelay $0x1  }
0x274: {  	v22 =	vmul.f32 v22, v23;
	_ =	sdelay $0x1  }
0x275: {  	v22 =	vadd.f32 v22, v44;
	_ =	sdelay $0x1  }
0x276: {  	[tilespmem:s24+$0x9600] =	vst v22  }
0x277: {  	v21 =	vld.idx.msk [tilespmem:v21+s26+$0x0], $0xffff;
	_ =	sdelay $0x3  }
0x278: {  	v22 =	vld [tilespmem:$0xC4D0]  }
0x279: {  	v21 =	vmul.f32 v21, v19  }
0x27a: {  	v45 =	vld [tilespmem:$0xC6D0]  }
0x27b: {  	v21 =	vsub.f32 v21, v20;
	_ =	sdelay $0x1  }
0x27c: {  	v21 =	vmul.f32 v21, v22;
	_ =	sdelay $0x1  }
0x27d: {  	v21 =	vadd.f32 v21, v45;
	_ =	sdelay $0x1  }
0x27e: {  	[tilespmem:s24+$0x9680] =	vst v21  }
0x27f: {  	v18 =	vld.idx.msk [tilespmem:v18+s26+$0x0], $0xffff;
	_ =	sdelay $0x3  }
0x280: {  	v21 =	vld [tilespmem:$0xC4E0]  }
0x281: {  	v18 =	vmul.f32 v18, v19  }
0x282: {  	v46 =	vld [tilespmem:$0xC6E0]  }
0x283: {  	v18 =	vsub.f32 v18, v20;
	_ =	sdelay $0x1  }
0x284: {  	v18 =	vmul.f32 v18, v21;
	_ =	sdelay $0x1  }
0x285: {  	v18 =	vadd.f32 v18, v46;
	_ =	sdelay $0x1  }
0x286: {  	[tilespmem:s24+$0x9700] =	vst v18  }
0x287: {  	v17 =	vld.idx.msk [tilespmem:v17+s26+$0x0], $0xffff;
	_ =	sdelay $0x3  }
0x288: {  	v18 =	vld [tilespmem:$0xC4F0]  }
0x289: {  	v17 =	vmul.f32 v17, v19  }
0x28a: {  	v47 =	vld [tilespmem:$0xC6F0]  }
0x28b: {  	v17 =	vsub.f32 v17, v20;
	_ =	sdelay $0x1  }
0x28c: {  	v17 =	vmul.f32 v17, v18;
	_ =	sdelay $0x1  }
0x28d: {  	v17 =	vadd.f32 v17, v47;
	_ =	sdelay $0x1  }
0x28e: {  	[tilespmem:s24+$0x9780] =	vst v17  }
0x28f: {  	v16 =	vld.idx.msk [tilespmem:v16+s26+$0x0], $0xffff;
	_ =	sdelay $0x3  }
0x290: {  	v17 =	vld [tilespmem:$0xC500]  }
0x291: {  	v16 =	vmul.f32 v16, v19  }
0x292: {  	v48 =	vld [tilespmem:$0xC700]  }
0x293: {  	v16 =	vsub.f32 v16, v20;
	_ =	sdelay $0x1  }
0x294: {  	v16 =	vmul.f32 v16, v17;
	_ =	sdelay $0x1  }
0x295: {  	v16 =	vadd.f32 v16, v48;
	_ =	sdelay $0x1  }
0x296: {  	[tilespmem:s24+$0xA400] =	vst v16  }
0x297: {  	v15 =	vld.idx.msk [tilespmem:v15+s26+$0x0], $0xffff;
	_ =	sdelay $0x3  }
0x298: {  	v16 =	vld [tilespmem:$0xC510]  }
0x299: {  	v15 =	vmul.f32 v15, v19  }
0x29a: {  	v49 =	vld [tilespmem:$0xC710]  }
0x29b: {  	v15 =	vsub.f32 v15, v20;
	_ =	sdelay $0x1  }
0x29c: {  	v15 =	vmul.f32 v15, v16;
	_ =	sdelay $0x1  }
0x29d: {  	v15 =	vadd.f32 v15, v49;
	_ =	sdelay $0x1  }
0x29e: {  	[tilespmem:s24+$0xA480] =	vst v15  }
0x29f: {  	v14 =	vld.idx.msk [tilespmem:v14+s26+$0x0], $0xffff;
	_ =	sdelay $0x3  }
0x2a0: {  	v15 =	vld [tilespmem:$0xC520]  }
0x2a1: {  	v14 =	vmul.f32 v14, v19  }
0x2a2: {  	v50 =	vld [tilespmem:$0xC720]  }
0x2a3: {  	v14 =	vsub.f32 v14, v20;
	_ =	sdelay $0x1  }
0x2a4: {  	v14 =	vmul.f32 v14, v15;
	_ =	sdelay $0x1  }
0x2a5: {  	v14 =	vadd.f32 v14, v50;
	_ =	sdelay $0x1  }
0x2a6: {  	[tilespmem:s24+$0xA500] =	vst v14  }
0x2a7: {  	v12 =	vld.idx.msk [tilespmem:v12+s26+$0x0], $0xffff;
	_ =	sdelay $0x3  }
0x2a8: {  	v14 =	vld [tilespmem:$0xC530]  }
0x2a9: {  	v12 =	vmul.f32 v12, v19  }
0x2aa: {  	v51 =	vld [tilespmem:$0xC730]  }
0x2ab: {  	v12 =	vsub.f32 v12, v20;
	_ =	sdelay $0x1  }
0x2ac: {  	v12 =	vmul.f32 v12, v14;
	_ =	sdelay $0x1  }
0x2ad: {  	v12 =	vadd.f32 v12, v51;
	_ =	sdelay $0x1  }
0x2ae: {  	[tilespmem:s24+$0xA580] =	vst v12  }
0x2af: {  	v12 =	vld.idx.msk [tilespmem:v13+s26+$0x0], $0xffff;
	_ =	sdelay $0x3  }
0x2b0: {  	v52 =	vld [tilespmem:$0xC540]  }
0x2b1: {  	v12 =	vmul.f32 v12, v19  }
0x2b2: {  	v53 =	vld [tilespmem:$0xC740]  }
0x2b3: {  	v12 =	vsub.f32 v12, v20;
	_ =	sdelay $0x1  }
0x2b4: {  	v12 =	vmul.f32 v12, v52;
	_ =	sdelay $0x1  }
0x2b5: {  	v12 =	vadd.f32 v12, v53;
	_ =	sdelay $0x1  }
0x2b6: {  	[tilespmem:s24+$0xA600] =	vst v12  }
0x2b7: {  	v11 =	vld.idx.msk [tilespmem:v11+s26+$0x0], $0xffff;
	_ =	sdelay $0x3  }
0x2b8: {  	v12 =	vld [tilespmem:$0xC550]  }
0x2b9: {  	v11 =	vmul.f32 v11, v19  }
0x2ba: {  	v54 =	vld [tilespmem:$0xC750]  }
0x2bb: {  	v11 =	vsub.f32 v11, v20;
	_ =	sdelay $0x1  }
0x2bc: {  	v11 =	vmul.f32 v11, v12;
	_ =	sdelay $0x1  }
0x2bd: {  	v11 =	vadd.f32 v11, v54;
	_ =	sdelay $0x1  }
0x2be: {  	[tilespmem:s24+$0xA680] =	vst v11  }
0x2bf: {  	v10 =	vld.idx.msk [tilespmem:v10+s26+$0x0], $0xffff;
	_ =	sdelay $0x3  }
0x2c0: {  	v11 =	vld [tilespmem:$0xC560]  }
0x2c1: {  	v10 =	vmul.f32 v10, v19  }
0x2c2: {  	v55 =	vld [tilespmem:$0xC760]  }
0x2c3: {  	v10 =	vsub.f32 v10, v20;
	_ =	sdelay $0x1  }
0x2c4: {  	v10 =	vmul.f32 v10, v11;
	_ =	sdelay $0x1  }
0x2c5: {  	v10 =	vadd.f32 v10, v55;
	_ =	sdelay $0x1  }
0x2c6: {  	[tilespmem:s24+$0xA700] =	vst v10  }
0x2c7: {  	v9 =	vld.idx.msk [tilespmem:v9+s26+$0x0], $0xffff;
	_ =	sdelay $0x3  }
0x2c8: {  	v10 =	vld [tilespmem:$0xC570]  }
0x2c9: {  	v9 =	vmul.f32 v9, v19  }
0x2ca: {  	v56 =	vld [tilespmem:$0xC770]  }
0x2cb: {  	v9 =	vsub.f32 v9, v20;
	_ =	sdelay $0x1  }
0x2cc: {  	v9 =	vmul.f32 v9, v10;
	_ =	sdelay $0x1  }
0x2cd: {  	v9 =	vadd.f32 v9, v56;
	_ =	sdelay $0x1  }
0x2ce: {  	[tilespmem:s24+$0xA780] =	vst v9  }
0x2cf: {  	v8 =	vld.idx.msk [tilespmem:v8+s26+$0x0], $0xffff;
	_ =	sdelay $0x3  }
0x2d0: {  	v9 =	vld [tilespmem:$0xC580]  }
0x2d1: {  	v8 =	vmul.f32 v8, v19  }
0x2d2: {  	v57 =	vld [tilespmem:$0xC780]  }
0x2d3: {  	v8 =	vsub.f32 v8, v20;
	_ =	sdelay $0x1  }
0x2d4: {  	v8 =	vmul.f32 v8, v9;
	_ =	sdelay $0x1  }
0x2d5: {  	v8 =	vadd.f32 v8, v57;
	_ =	sdelay $0x1  }
0x2d6: {  	[tilespmem:s24+$0xB400] =	vst v8  }
0x2d7: {  	v7 =	vld.idx.msk [tilespmem:v7+s26+$0x0], $0xffff;
	_ =	sdelay $0x3  }
0x2d8: {  	v8 =	vld [tilespmem:$0xC590]  }
0x2d9: {  	v7 =	vmul.f32 v7, v19  }
0x2da: {  	v58 =	vld [tilespmem:$0xC790]  }
0x2db: {  	v7 =	vsub.f32 v7, v20;
	_ =	sdelay $0x1  }
0x2dc: {  	v7 =	vmul.f32 v7, v8;
	_ =	sdelay $0x1  }
0x2dd: {  	v7 =	vadd.f32 v7, v58;
	_ =	sdelay $0x1  }
0x2de: {  	[tilespmem:s24+$0xB480] =	vst v7  }
0x2df: {  	v6 =	vld.idx.msk [tilespmem:v6+s26+$0x0], $0xffff;
	_ =	sdelay $0x3  }
0x2e0: {  	v7 =	vld [tilespmem:$0xC5A0]  }
0x2e1: {  	v6 =	vmul.f32 v6, v19  }
0x2e2: {  	v59 =	vld [tilespmem:$0xC7A0]  }
0x2e3: {  	v6 =	vsub.f32 v6, v20;
	_ =	sdelay $0x1  }
0x2e4: {  	v6 =	vmul.f32 v6, v7;
	_ =	sdelay $0x1  }
0x2e5: {  	v6 =	vadd.f32 v6, v59;
	_ =	sdelay $0x1  }
0x2e6: {  	[tilespmem:s24+$0xB500] =	vst v6  }
0x2e7: {  	v5 =	vld.idx.msk [tilespmem:v5+s26+$0x0], $0xffff;
	_ =	sdelay $0x3  }
0x2e8: {  	v6 =	vld [tilespmem:$0xC5B0]  }
0x2e9: {  	v5 =	vmul.f32 v5, v19  }
0x2ea: {  	v60 =	vld [tilespmem:$0xC7B0]  }
0x2eb: {  	v5 =	vsub.f32 v5, v20;
	_ =	sdelay $0x1  }
0x2ec: {  	v5 =	vmul.f32 v5, v6;
	_ =	sdelay $0x1  }
0x2ed: {  	v5 =	vadd.f32 v5, v60;
	_ =	sdelay $0x1  }
0x2ee: {  	[tilespmem:s24+$0xB580] =	vst v5  }
0x2ef: {  	v4 =	vld.idx.msk [tilespmem:v4+s26+$0x0], $0xffff;
	_ =	sdelay $0x3  }
0x2f0: {  	v5 =	vld [tilespmem:$0xC5C0]  }
0x2f1: {  	v4 =	vmul.f32 v4, v19  }
0x2f2: {  	v61 =	vld [tilespmem:$0xC7C0]  }
0x2f3: {  	v4 =	vsub.f32 v4, v20;
	_ =	sdelay $0x1  }
0x2f4: {  	v4 =	vmul.f32 v4, v5;
	_ =	sdelay $0x1  }
0x2f5: {  	v4 =	vadd.f32 v4, v61;
	_ =	sdelay $0x1  }
0x2f6: {  	[tilespmem:s24+$0xB600] =	vst v4  }
0x2f7: {  	v3 =	vld.idx.msk [tilespmem:v3+s26+$0x0], $0xffff;
	_ =	sdelay $0x3  }
0x2f8: {  	v4 =	vld [tilespmem:$0xC5D0]  }
0x2f9: {  	v3 =	vmul.f32 v3, v19  }
0x2fa: {  	v62 =	vld [tilespmem:$0xC7D0]  }
0x2fb: {  	v3 =	vsub.f32 v3, v20;
	_ =	sdelay $0x1  }
0x2fc: {  	v3 =	vmul.f32 v3, v4;
	_ =	sdelay $0x1  }
0x2fd: {  	v3 =	vadd.f32 v3, v62;
	_ =	sdelay $0x1  }
0x2fe: {  	[tilespmem:s24+$0xB680] =	vst v3  }
0x2ff: {  	v2 =	vld.idx.msk [tilespmem:v2+s26+$0x0], $0xffff;
	_ =	sdelay $0x3  }
0x300: {  	v3 =	vld [tilespmem:$0xC5E0]  }
0x301: {  	v2 =	vmul.f32 v2, v19  }
0x302: {  	v63 =	vld [tilespmem:$0xC7E0]  }
0x303: {  	v2 =	vsub.f32 v2, v20;
	_ =	sdelay $0x1  }
0x304: {  	v2 =	vmul.f32 v2, v3;
	_ =	sdelay $0x1  }
0x305: {  	v2 =	vadd.f32 v2, v63;
	_ =	sdelay $0x1  }
0x306: {  	[tilespmem:s24+$0xB700] =	vst v2  }
0x307: {  	v1 =	vld.idx.msk [tilespmem:v1+s26+$0x0], $0xffff;
	_ =	sdelay $0x3  }
0x308: {  	v2 =	vld [tilespmem:$0xC5F0]  }
0x309: {  	v1 =	vmul.f32 v1, v19  }
0x30a: {  	v3 =	vld [tilespmem:$0xC7F0]  }
0x30b: {  	v1 =	vsub.f32 v1, v20  }
0x30c: {  	p0 =	sne.s32 s14, $0xF80  }
.Ltmp1:
0x30d: {  	v1 =	vmul.f32 v1, v2;
	(pc) =	sbr.rel @p0 .LBB2_5-.Ltmp1, $3  }
0x30e: {  	_ = 	snop  }
0x30f: {  	v1 =	vadd.f32 v1, v3;
	_ =	sdelay $0x1  }
0x310: {  	s9 =	sadd.s32 $0x10, s9;
	s14 =	sadd.s32 $0x80, s14;
	[tilespmem:s24+$0xB780] =	vst v1  }
0x311: {  	s9 =	sshll.u32 s7, $0x9;
	s24 =	sshll.u32 s7, $0xB  }
0x312: {  	s9 =	sand.u32 $0x3E00, s9;
	s7 =	sand.u32 $0xFFF0000, s24  }
0x313: {  	s7 =	sor.u32 s9, s7  }
0x314: {  	s9 =	sadd.s32 s2, s7  }
0x315: {  	[hbm4b:s9+s3] =	stream.linear.scatter [tilespmem:s17], [sflag:$0x3], $0x1000, $0x38;
	[tilespmem:$0xC800] =	vst v63  }
0x316: {  	_ =	swait.ge [sflag:s16], $0x1000  }
0x317: {  	[sflag:s16] =	ssyncset.done $0x0  }
0x318: {  	s28 =	sadd.s32 s7, s10;
	[sflag:s16] =	ssyncadd.s32 $0xFFFFF000  }
0x319: {  	[hbm4b:s28+s3] =	stream.linear.scatter [tilespmem:s20], [sflag:$0x3], $0x1000, $0x38;
	[tilespmem:$0xC800] =	vst v63  }
0x31a: {  	_ =	swait.ge [sflag:s16], $0x1000  }
0x31b: {  	[sflag:s16] =	ssyncset.done $0x0  }
0x31c: {  	s29 =	sadd.s32 s7, s11;
	[sflag:s16] =	ssyncadd.s32 $0xFFFFF000  }
0x31d: {  	[hbm4b:s29+s3] =	stream.linear.scatter [tilespmem:s21], [sflag:$0x3], $0x1000, $0x38;
	[tilespmem:$0xC800] =	vst v63  }
0x31e: {  	s6 =	sadd.s32 $0x1, s6;
	_ =	swait.ge [sflag:s16], $0x1000  }
0x31f: {  	p0 =	sne.s32 s6, $0x19;
	[sflag:s16] =	ssyncset.done $0x0  }
.Ltmp2:
0x320: {  	s7 =	sadd.s32 s7, s12;
	[sflag:s16] =	ssyncadd.s32 $0xFFFFF000;
	(pc) =	sbr.rel @p0 .LBB2_2-.Ltmp2, $4  }
0x321: {  	[hbm4b:s7+s3] =	stream.linear.scatter [tilespmem:s22], [sflag:$0x3], $0x1000, $0x38;
	[tilespmem:$0xC800] =	vst v63  }
0x322: {  	_ =	swait.ge [sflag:s16], $0x1000  }
0x323: {  	[sflag:s16] =	ssyncset.done $0x0  }
0x324: {  	[sflag:s16] =	ssyncadd.s32 $0xFFFFF000  }
0x325: {  	s7 =	rddreg [dreg:$0x7]  }
0x326: {  	s6 =	rddreg [dreg:$0x6];
	s7 =	sadd.s32 $0x1, s7  }
0x327: {  	p0 =	sne.s32 s7, s6  }
.Ltmp3:
0x328: {  	_ = 	snop;
	(pc) =	sbr.rel @p0 .LBB2_1-.Ltmp3, $1  }
0x329: {  	_ =	sdelay $0x3  }
0x32a: {  	_ =	sfence.sel $0x180000  }
0x32b: {  	[bflag:$0x0] =	sbarrier.arrive $0xFFFF  }
0x32c: {  	_ =	strace $0x90000047  }
0x32d: {  	s0 =	stileid.u32;
	[bflag:$0x2] =	sbarrier.arrive $0xFFFF  }
0x32e: {  	p0 =	sne.s32 s0, $0x0;
	s0 =	rddreg [dreg:$0x2]  }
0x32f: {  	s0 =	sadd.s32 @!p0 $0x100000, s0  }
0x330: {  	[sflag:s0] =	ssyncadd.tile.s32 @!p0 $0x1;
	_ =	shalt  }
.Lfunc_end2:
_tile_overlayer_lowered:
.L_overlay_start_2:
0x331: {  	(tag) =	ssettag $0x2  }
0x332: {  	s0 =	rddreg [dreg:$0x0];
	s2 =	stileid.u32  }
0x333: {  	s1 =	rddreg [dreg:$0x1];
	p0 =	sne.s32 s2, $0x0  }
0x334: {  	s3 =	rddreg [dreg:$0x2];
	[bflag:$0x3] =	sbarrier.arrive $0xFFFF;
	s2 =	simm.s32 @!p0 $0x1C03  }
0x335: {  	[timem:s3], [sflag:s2] =	dma.local @!p0 [hbm:s0], s1  }
0x336: {  	s0 =	simm.s32 @!p0 $0x3  }
0x337: {  	_ =	swait.ge @!p0 [sflag:s0], s1  }
0x338: {  	s1 =	ssub.s32 @!p0 $0x0, s1;
	[sflag:s0] =	ssyncset.done @!p0 $0x0  }
0x339: {  	[sflag:s0] =	ssyncadd.s32 @!p0 s1  }
0x33a: {  	[bflag:$0x3] =	sbarrier.arrive $0xFFFF  }
0x33b: {  	_ =	shalt  }

</sc_bundles>
